<compile_context>
chip_gen: v7x
topology: tpu7x:2x2x1
jax: 0.10.2.dev20260603
libtpu: 0.0.44.dev20260713+nightly
codegen_flags: <defaults>
</compile_context>

<pallas_src>
import functools

import jax
import jax.numpy as jnp
from jax import lax
from jax.experimental import pallas as pl
from jax.experimental.pallas import tpu as pltpu
from jax.experimental.pallas import tpu_sc as plsc

N = 10000
E = 320000
D = 128
H = 8
HD = 16
ROW = 144
NPT = 10240
NPA = 10016
NTILES = 16
CH = 112
BLK = 4
NBLK = 46
CHUNKS = NBLK * BLK
CHP = CHUNKS + BLK
EPT = CH * CHUNKS
EP = EPT * NTILES
RPS = NPA // NTILES
BR = 512


def _dense_body(x_ref, w_ref, asrc_ref, adst_ref, hp_ref, ast_ref):
    x = x_ref[...]
    h = jnp.dot(x, w_ref[0], preferred_element_type=jnp.float32)
    al_s = jnp.dot(h, asrc_ref[0], preferred_element_type=jnp.float32)
    al_d = jnp.dot(h, adst_ref[0], preferred_element_type=jnp.float32)
    hp_ref[...] = jnp.concatenate([h, al_s], axis=1)
    ast_ref[...] = al_d


def _dense(xp, Ws, ASRC, ADST):
    nb = NPT // BR
    return pl.pallas_call(
        _dense_body,
        grid=(2, nb),
        in_specs=[
            pl.BlockSpec((BR, D), lambda t, b: (b, 0)),
            pl.BlockSpec((1, D, D), lambda t, b: (t, 0, 0)),
            pl.BlockSpec((1, D, 16), lambda t, b: (t, 0, 0)),
            pl.BlockSpec((1, D, 16), lambda t, b: (t, 0, 0)),
        ],
        out_specs=[
            pl.BlockSpec((BR, ROW), lambda t, b: (t * nb + b, 0)),
            pl.BlockSpec((BR, 16), lambda t, b: (t * nb + b, 0)),
        ],
        out_shape=[
            jax.ShapeDtypeStruct((2 * NPT, ROW), jnp.float32),
            jax.ShapeDtypeStruct((2 * NPT, 16), jnp.float32),
        ],
    )(xp, Ws, ASRC, ADST)


def _edge_body(hp_hbm, astk_hbm, gidx_hbm, out_hbm,
               ibuf0, ibuf1, hbuf0, hbuf1, abuf0, abuf1, acc,
               isem0, isem1, gh0, gh1, ga0, ga1, ss0, ss1):
    c = lax.axis_index("c")
    s = lax.axis_index("s")
    ibufs = (ibuf0, ibuf1)
    hbufs = (hbuf0, hbuf1)
    abufs = (abuf0, abuf1)
    isems = (isem0, isem1)
    ghs = (gh0, gh1)
    gas = (ga0, ga1)
    sss = (ss0, ss1)

    zeros = jnp.zeros((16,), jnp.float32)

    def zbody(e, _):
        for k in range(ROW // 16):
            hbuf0[e, pl.ds(k * 16, 16)] = zeros
        return 0

    lax.fori_loop(0, CH, zbody, 0)
    base = s * RPS
    nfull = RPS // CH
    for j in range(nfull):
        pltpu.sync_copy(hbuf0, acc.at[pl.ds(base + j * CH, CH)])
    rem = RPS - nfull * CH
    if rem:
        pltpu.sync_copy(hbuf0.at[pl.ds(0, rem)],
                        acc.at[pl.ds(base + nfull * CH, rem)])

    def idx_issue(blk_start, q):
        pltpu.async_copy(gidx_hbm.at[c, s, pl.ds(blk_start, BLK)],
                         ibufs[q], isems[q])

    def idx_wait(q):
        pltpu.make_async_copy(gidx_hbm.at[c, s, pl.ds(0, BLK)],
                              ibufs[q], isems[q]).wait()

    def g_issue(nref, row, bb):
        pltpu.async_copy(hp_hbm.at[nref.at[row, 0]], hbufs[bb], ghs[bb])
        pltpu.async_copy(astk_hbm.at[nref.at[row, 1]], abufs[bb], gas[bb])

    def g_wait(bb):
        pltpu.make_async_copy(hp_hbm.at[ibuf0.at[0, 0]],
                              hbufs[bb], ghs[bb]).wait()
        pltpu.make_async_copy(astk_hbm.at[ibuf0.at[0, 1]],
                              abufs[bb], gas[bb]).wait()

    def s_issue(q, j, bb):
        pltpu.async_copy(hbufs[bb], acc.at[ibufs[q].at[j, 2]], sss[bb],
                         add=True)

    def s_wait(q, j, bb):
        pltpu.make_async_copy(hbufs[bb], acc.at[ibufs[q].at[j, 2]],
                              sss[bb]).wait()

    def compute(bb):
        hbuf = hbufs[bb]
        abuf = abufs[bb]

        def edge_fn(e, _):
            t = hbuf[e, pl.ds(D, 16)] + abuf[e, :]
            t = jnp.maximum(t, 0.2 * t)
            ee = jnp.exp(t)
            hbuf[e, pl.ds(D, 16)] = ee
            for hh in range(H):
                sc = ee[hh]
                hbuf[e, pl.ds(hh * 16, 16)] = hbuf[e, pl.ds(hh * 16, 16)] * sc
            return 0

        lax.fori_loop(0, CH, edge_fn, 0)

    def do_block(bstart, q, first):
        for j in range(BLK):
            bb = j & 1
            g_wait(bb)
            if not (first and j == 0):
                s_wait(q, j, 1 - bb)
            if j == 0:
                idx_issue(bstart + BLK, 1 - q)
            if j == BLK - 1:
                idx_wait(1 - q)
                g_issue(ibufs[1 - q], 0, 1 - bb)
            else:
                g_issue(ibufs[q], j + 1, 1 - bb)
            compute(bb)
            s_issue(q, j, bb)

    idx_issue(0, 0)
    plsc.subcore_barrier()
    idx_wait(0)
    g_issue(ibuf0, 0, 0)

    do_block(jnp.int32(0), 0, True)
    do_block(jnp.int32(BLK), 1, False)

    def pair_body(m, _):
        do_block(2 * BLK * m, 0, False)
        do_block(2 * BLK * m + BLK, 1, False)
        return 0

    lax.fori_loop(1, NBLK // 2, pair_body, 0)

    s_wait(1, BLK - 1, (BLK - 1) & 1)
    g_wait(0)
    plsc.subcore_barrier()

    nfull = RPS // CH
    for j in range(nfull):
        sl = pl.ds(base + j * CH, CH)
        pltpu.sync_copy(acc.at[sl], out_hbm.at[c, sl])
    if RPS - nfull * CH:
        sl = pl.ds(base + nfull * CH, RPS - nfull * CH)
        pltpu.sync_copy(acc.at[sl], out_hbm.at[c, sl])


@functools.partial(
    pl.kernel,
    out_type=jax.ShapeDtypeStruct((2, NPT, ROW), jnp.float32),
    mesh=plsc.VectorSubcoreMesh(core_axis_name="c", subcore_axis_name="s"),
    compiler_params=pltpu.CompilerParams(use_tc_tiling_on_sc=False),
    scratch_types=[
        pltpu.VMEM((BLK, 3, CH), jnp.int32),
        pltpu.VMEM((BLK, 3, CH), jnp.int32),
        pltpu.VMEM((CH, ROW), jnp.float32),
        pltpu.VMEM((CH, ROW), jnp.float32),
        pltpu.VMEM((CH, 16), jnp.float32),
        pltpu.VMEM((CH, 16), jnp.float32),
        pltpu.VMEM_SHARED((NPA, ROW), jnp.float32),
        pltpu.SemaphoreType.DMA,
        pltpu.SemaphoreType.DMA,
        pltpu.SemaphoreType.DMA,
        pltpu.SemaphoreType.DMA,
        pltpu.SemaphoreType.DMA,
        pltpu.SemaphoreType.DMA,
        pltpu.SemaphoreType.DMA,
        pltpu.SemaphoreType.DMA,
    ],
)
def _edge(hp_hbm, astk_hbm, gidx_hbm, out_hbm,
          ibuf0, ibuf1, hbuf0, hbuf1, abuf0, abuf1, acc,
          isem0, isem1, gh0, gh1, ga0, ga1, ss0, ss1):
    _edge_body(hp_hbm, astk_hbm, gidx_hbm, out_hbm,
               ibuf0, ibuf1, hbuf0, hbuf1, abuf0, abuf1, acc,
               isem0, isem1, gh0, gh1, ga0, ga1, ss0, ss1)


def _comb_body(a0_ref, a1_ref, r_ref, b_ref, aw_ref, ab_ref, out_ref):
    r = r_ref[...]
    aw = aw_ref[...]
    ab = ab_ref[0, 0]
    outs = []
    atts = []
    for t, a_ref in ((0, a0_ref), (1, a1_ref)):
        a = a_ref[0]
        num = a[:, :D]
        den = jnp.dot(a[:, D:D + H], r, preferred_element_type=jnp.float32)
        o = num / (den + 1e-16) + b_ref[t][None, :]
        att = jnp.sum(o * aw, axis=1, keepdims=True) + ab
        outs.append(o)
        atts.append(att)
    out_ref[...] = atts[0] * outs[0] + atts[1] * outs[1]


def _combine(acc_out, R, bstack, aw_row, att_b):
    nb = NPT // BR
    return pl.pallas_call(
        _comb_body,
        grid=(nb,),
        in_specs=[
            pl.BlockSpec((1, BR, ROW), lambda b: (0, b, 0)),
            pl.BlockSpec((1, BR, ROW), lambda b: (1, b, 0)),
            pl.BlockSpec((H, D), lambda b: (0, 0)),
            pl.BlockSpec((2, D), lambda b: (0, 0)),
            pl.BlockSpec((1, D), lambda b: (0, 0)),
            pl.BlockSpec((1, 1), lambda b: (0, 0)),
        ],
        out_specs=pl.BlockSpec((BR, D), lambda b: (b, 0)),
        out_shape=jax.ShapeDtypeStruct((NPT, D), jnp.float32),
    )(acc_out, acc_out, R, bstack, aw_row, att_b)


def kernel(x, edge_index_0, edge_index_1, W0, a_src0, a_dst0, b0,
           W1, a_src1, a_dst1, b1, att_w, att_b):
    f32 = jnp.float32
    i32 = jnp.int32
    xp = jnp.zeros((NPT, D), f32).at[:N].set(x)
    Ws = jnp.stack([W0, W1])

    eyeblk = jnp.repeat(jnp.eye(H, dtype=f32), HD, axis=0)
    z8 = jnp.zeros((D, 8), f32)

    def ext(a):
        return jnp.concatenate([eyeblk * a.reshape(-1, 1), z8], axis=1)

    ASRC = jnp.stack([ext(a_src0), ext(a_src1)])
    ADST = jnp.stack([ext(a_dst0), ext(a_dst1)])

    hplus_all, astk_all = _dense(xp, Ws, ASRC, ADST)

    def prep(ei, off):
        src = jnp.concatenate([ei[0], jnp.zeros((EP - E,), i32)])
        dst = jnp.concatenate([ei[1], jnp.full((EP - E,), N, i32)])
        src = src.reshape(NTILES, CHUNKS, CH)
        dst = dst.reshape(NTILES, CHUNKS, CH)
        padc = jnp.zeros((NTILES, BLK, CH), i32)
        src = jnp.concatenate([src, padc], axis=1)
        dst = jnp.concatenate([dst, padc], axis=1)
        return jnp.stack([src + off, dst + off, dst], axis=2)

    gidx = jnp.stack([prep(edge_index_0, 0), prep(edge_index_1, NPT)])

    acc_out = _edge(hplus_all, astk_all, gidx)

    R = jnp.repeat(jnp.eye(H, dtype=f32), HD, axis=1)
    bstack = jnp.stack([b0, b1])
    out_full = _combine(acc_out, R, bstack, att_w.reshape(1, D),
                        att_b.reshape(1, 1))
    return out_full[:N]

# --- scband reference (transcript-rebuilt; emitter-appended) ---
"""Pipeline reference for scband-hanlayer-3478923509928 (READ-ONLY COPY).

The authoritative reference and input builder live on the scoring server;
editing this copy changes nothing except your own understanding.
"""

import jax, jax.numpy as jnp
import numpy as np

N = 10000
E = 320000
W_IN = 128
W_OUT = 128
H = 8
HD = W_OUT // H
NUM_EDGE = 2


def setup_inputs(seed: int = 0) -> dict:
    key = jax.random.key(seed)
    ks = jax.random.split(key, 16)
    inp = {}
    inp["x"] = jax.random.normal(ks[0], (N, W_IN), dtype=jnp.float32)
    inp["edge_index_0"] = jax.random.randint(ks[1], (2, E), 0, N, dtype=jnp.int32)
    inp["edge_index_1"] = jax.random.randint(ks[2], (2, E), 0, N, dtype=jnp.int32)
    s_in = 1.0 / np.sqrt(W_IN)
    s_hd = 1.0 / np.sqrt(HD)
    for i in range(NUM_EDGE):
        inp["W%d" % i] = jax.random.normal(ks[3 + 4 * i], (W_IN, H * HD), dtype=jnp.float32) * s_in
        inp["a_src%d" % i] = jax.random.normal(ks[4 + 4 * i], (H, HD), dtype=jnp.float32) * s_hd
        inp["a_dst%d" % i] = jax.random.normal(ks[5 + 4 * i], (H, HD), dtype=jnp.float32) * s_hd
        inp["b%d" % i] = jnp.zeros((H * HD,), dtype=jnp.float32)
    inp["att_w"] = jax.random.normal(ks[11], (W_OUT, 1), dtype=jnp.float32) * (1.0 / np.sqrt(W_OUT))
    inp["att_b"] = jnp.zeros((1,), dtype=jnp.float32)
    return inp


def _gat(x, edge_index, W, a_src, a_dst, b):
    # multi-head GAT layer: out_channels per head = HD, heads = H, concat -> W_OUT
    h = (x @ W).reshape(N, H, HD)
    src = edge_index[0]
    dst = edge_index[1]
    alpha_src = jnp.sum(h * a_src[None, :, :], axis=-1)  # [N, H]
    alpha_dst = jnp.sum(h * a_dst[None, :, :], axis=-1)  # [N, H]
    e = jax.nn.leaky_relu(alpha_src[src] + alpha_dst[dst], 0.2)  # [E, H]
    emax = jax.ops.segment_max(e, dst, num_segments=N)
    emax = jnp.where(jnp.isfinite(emax), emax, 0.0)
    emax = jax.lax.stop_gradient(emax)
    ee = jnp.exp(e - emax[dst])
    denom = jax.ops.segment_sum(ee, dst, num_segments=N)
    alpha = ee / (denom[dst] + 1e-16)  # edge softmax over incoming edges
    msg = h[src] * alpha[:, :, None]  # [E, H, HD]
    out = jax.ops.segment_sum(msg, dst, num_segments=N)  # [N, H, HD]
    return out.reshape(N, H * HD) + b[None, :]


def reference(x, edge_index_0, edge_index_1, W0, a_src0, a_dst0, b0, W1, a_src1, a_dst1, b1, att_w, att_b):
    # HANLayer.forward: per-meta-path GAT, stack, then semantic attention
    o0 = _gat(x, edge_index_0, W0, a_src0, a_dst0, b0)
    o1 = _gat(x, edge_index_1, W1, a_src1, a_dst1, b1)
    out = jnp.stack([o0, o1], axis=1)  # [N, NUM_EDGE, W_OUT]
    # AttentionLayer: att = linear(out).view(-1, 1, out.shape[1]); matmul(att, out).squeeze(1)
    att = out @ att_w + att_b  # [N, NUM_EDGE, 1]
    att = att.reshape(-1, 1, out.shape[1])  # [N, 1, NUM_EDGE]
    return jnp.matmul(att, out).squeeze(1)  # [N, W_OUT]

if __name__ == "__main__":
    import jax
    _d = setup_inputs()
    print(jax.jit(kernel)(*tuple(_d.values())))

</pallas_src>

<mosaic_0001>
#map = affine_map<(d0, d1) -> (0, 0)>
#map1 = affine_map<(d0, d1) -> (0, 0, 0, 0, 0)>
#map2 = affine_map<(d0, d1) -> (0, 0, 0)>
module attributes {stable_mosaic.version = 14 : i64} {
  func.func @_edge(%arg0: i32, %arg1: i32, %arg2: memref<20480x144xf32, #tpu.memory_space<hbm>>, %arg3: memref<20480x16xf32, #tpu.memory_space<hbm>>, %arg4: memref<2x16x188x3x112xi32, #tpu.memory_space<hbm>>, %arg5: memref<2x10240x144xf32, #tpu.memory_space<hbm>>, %arg6: memref<4x3x112xi32, #tpu.memory_space<vmem>>, %arg7: memref<4x3x112xi32, #tpu.memory_space<vmem>>, %arg8: memref<112x144xf32, #tpu.memory_space<vmem>>, %arg9: memref<112x144xf32, #tpu.memory_space<vmem>>, %arg10: memref<112x16xf32, #tpu.memory_space<vmem>>, %arg11: memref<112x16xf32, #tpu.memory_space<vmem>>, %arg12: memref<10016x144xf32, #tpu.memory_space<vmem_shared>>, %arg13: memref<!tpu.dma_semaphore, #tpu.memory_space<semaphore_mem>>, %arg14: memref<!tpu.dma_semaphore, #tpu.memory_space<semaphore_mem>>, %arg15: memref<!tpu.dma_semaphore, #tpu.memory_space<semaphore_mem>>, %arg16: memref<!tpu.dma_semaphore, #tpu.memory_space<semaphore_mem>>, %arg17: memref<!tpu.dma_semaphore, #tpu.memory_space<semaphore_mem>>, %arg18: memref<!tpu.dma_semaphore, #tpu.memory_space<semaphore_mem>>, %arg19: memref<!tpu.dma_semaphore, #tpu.memory_space<semaphore_mem>>, %arg20: memref<!tpu.dma_semaphore, #tpu.memory_space<semaphore_mem>>) attributes {dimension_semantics = [#tpu.dimension_semantics<core_parallel>, #tpu.dimension_semantics<subcore_parallel>], iteration_bounds = array<i64: 2, 16>, scalar_prefetch = 0 : i64, scratch_operands = 15 : i64, tpu.core_type = #tpu.core_type<sc_vector_subcore>, window_params = [{transform_indices = #map}, {transform_indices = #map}, {transform_indices = #map1}, {transform_indices = #map2}]} {
    %broadcast_in_dim3A = arith.constant 0.000000e+00 : f32
    %broadcast_in_dim3A_0 = vector.broadcast %broadcast_in_dim3A : f32 to vector<16xf32>
    %scan3A = arith.constant 0 : i32
    %scan3A_1 = arith.constant 0 : i32
    %scan3A_2 = arith.constant 112 : i32
    %scan3A_3 = arith.addi %scan3A_1, %scan3A_2 : i32
    %scan3A_4 = arith.constant 1 : i32
    %scan3A_5 = scf.for %scan3A_571 = %scan3A_1 to %scan3A_3 step %scan3A_4 iter_args(%scan3A_572 = %scan3A) -> (i32)  : i32 {
      %swap3A = arith.index_cast %scan3A_571 : i32 to index
      %swap3A_573 = arith.constant 0 : index
      %swap3A_574 = tpu.vector_load %arg8[%swap3A, %swap3A_573] {strides = array<i32>} : memref<112x144xf32, #tpu.memory_space<vmem>>, vector<1x16xf32>,
      %swap3A_575 = vector.shape_cast %swap3A_574 : vector<1x16xf32> to vector<16xf32>
      %swap3A_576 = vector.shape_cast %broadcast_in_dim3A_0 : vector<16xf32> to vector<1x16xf32>
      tpu.vector_store %arg8[%swap3A, %swap3A_573], %swap3A_576 {strides = array<i32>} : memref<112x144xf32, #tpu.memory_space<vmem>>, vector<1x16xf32>,
      %swap3A_577 = arith.index_cast %scan3A_571 : i32 to index
      %swap3A_578 = arith.constant 16 : index
      %swap3A_579 = tpu.vector_load %arg8[%swap3A_577, %swap3A_578] {strides = array<i32>} : memref<112x144xf32, #tpu.memory_space<vmem>>, vector<1x16xf32>,
      %swap3A_580 = vector.shape_cast %swap3A_579 : vector<1x16xf32> to vector<16xf32>
      %swap3A_581 = vector.shape_cast %broadcast_in_dim3A_0 : vector<16xf32> to vector<1x16xf32>
      tpu.vector_store %arg8[%swap3A_577, %swap3A_578], %swap3A_581 {strides = array<i32>} : memref<112x144xf32, #tpu.memory_space<vmem>>, vector<1x16xf32>,
      %swap3A_582 = arith.index_cast %scan3A_571 : i32 to index
      %swap3A_583 = arith.constant 32 : index
      %swap3A_584 = tpu.vector_load %arg8[%swap3A_582, %swap3A_583] {strides = array<i32>} : memref<112x144xf32, #tpu.memory_space<vmem>>, vector<1x16xf32>,
      %swap3A_585 = vector.shape_cast %swap3A_584 : vector<1x16xf32> to vector<16xf32>
      %swap3A_586 = vector.shape_cast %broadcast_in_dim3A_0 : vector<16xf32> to vector<1x16xf32>
      tpu.vector_store %arg8[%swap3A_582, %swap3A_583], %swap3A_586 {strides = array<i32>} : memref<112x144xf32, #tpu.memory_space<vmem>>, vector<1x16xf32>,
      %swap3A_587 = arith.index_cast %scan3A_571 : i32 to index
      %swap3A_588 = arith.constant 48 : index
      %swap3A_589 = tpu.vector_load %arg8[%swap3A_587, %swap3A_588] {strides = array<i32>} : memref<112x144xf32, #tpu.memory_space<vmem>>, vector<1x16xf32>,
      %swap3A_590 = vector.shape_cast %swap3A_589 : vector<1x16xf32> to vector<16xf32>
      %swap3A_591 = vector.shape_cast %broadcast_in_dim3A_0 : vector<16xf32> to vector<1x16xf32>
      tpu.vector_store %arg8[%swap3A_587, %swap3A_588], %swap3A_591 {strides = array<i32>} : memref<112x144xf32, #tpu.memory_space<vmem>>, vector<1x16xf32>,
      %swap3A_592 = arith.index_cast %scan3A_571 : i32 to index
      %swap3A_593 = arith.constant 64 : index
      %swap3A_594 = tpu.vector_load %arg8[%swap3A_592, %swap3A_593] {strides = array<i32>} : memref<112x144xf32, #tpu.memory_space<vmem>>, vector<1x16xf32>,
      %swap3A_595 = vector.shape_cast %swap3A_594 : vector<1x16xf32> to vector<16xf32>
      %swap3A_596 = vector.shape_cast %broadcast_in_dim3A_0 : vector<16xf32> to vector<1x16xf32>
      tpu.vector_store %arg8[%swap3A_592, %swap3A_593], %swap3A_596 {strides = array<i32>} : memref<112x144xf32, #tpu.memory_space<vmem>>, vector<1x16xf32>,
      %swap3A_597 = arith.index_cast %scan3A_571 : i32 to index
      %swap3A_598 = arith.constant 80 : index
      %swap3A_599 = tpu.vector_load %arg8[%swap3A_597, %swap3A_598] {strides = array<i32>} : memref<112x144xf32, #tpu.memory_space<vmem>>, vector<1x16xf32>,
      %swap3A_600 = vector.shape_cast %swap3A_599 : vector<1x16xf32> to vector<16xf32>
      %swap3A_601 = vector.shape_cast %broadcast_in_dim3A_0 : vector<16xf32> to vector<1x16xf32>
      tpu.vector_store %arg8[%swap3A_597, %swap3A_598], %swap3A_601 {strides = array<i32>} : memref<112x144xf32, #tpu.memory_space<vmem>>, vector<1x16xf32>,
      %swap3A_602 = arith.index_cast %scan3A_571 : i32 to index
      %swap3A_603 = arith.constant 96 : index
      %swap3A_604 = tpu.vector_load %arg8[%swap3A_602, %swap3A_603] {strides = array<i32>} : memref<112x144xf32, #tpu.memory_space<vmem>>, vector<1x16xf32>,
      %swap3A_605 = vector.shape_cast %swap3A_604 : vector<1x16xf32> to vector<16xf32>
      %swap3A_606 = vector.shape_cast %broadcast_in_dim3A_0 : vector<16xf32> to vector<1x16xf32>
      tpu.vector_store %arg8[%swap3A_602, %swap3A_603], %swap3A_606 {strides = array<i32>} : memref<112x144xf32, #tpu.memory_space<vmem>>, vector<1x16xf32>,
      %swap3A_607 = arith.index_cast %scan3A_571 : i32 to index
      %swap3A_608 = arith.constant 112 : index
      %swap3A_609 = tpu.vector_load %arg8[%swap3A_607, %swap3A_608] {strides = array<i32>} : memref<112x144xf32, #tpu.memory_space<vmem>>, vector<1x16xf32>,
      %swap3A_610 = vector.shape_cast %swap3A_609 : vector<1x16xf32> to vector<16xf32>
      %swap3A_611 = vector.shape_cast %broadcast_in_dim3A_0 : vector<16xf32> to vector<1x16xf32>
      tpu.vector_store %arg8[%swap3A_607, %swap3A_608], %swap3A_611 {strides = array<i32>} : memref<112x144xf32, #tpu.memory_space<vmem>>, vector<1x16xf32>,
      %swap3A_612 = arith.index_cast %scan3A_571 : i32 to index
      %swap3A_613 = arith.constant 128 : index
      %swap3A_614 = tpu.vector_load %arg8[%swap3A_612, %swap3A_613] {strides = array<i32>} : memref<112x144xf32, #tpu.memory_space<vmem>>, vector<1x16xf32>,
      %swap3A_615 = vector.shape_cast %swap3A_614 : vector<1x16xf32> to vector<16xf32>
      %swap3A_616 = vector.shape_cast %broadcast_in_dim3A_0 : vector<16xf32> to vector<1x16xf32>
      tpu.vector_store %arg8[%swap3A_612, %swap3A_613], %swap3A_616 {strides = array<i32>} : memref<112x144xf32, #tpu.memory_space<vmem>>, vector<1x16xf32>,
      %scan3A_617 = arith.constant 0 : i32
      scf.yield %scan3A_617 : i32
    }
    %scan3A_6 = arith.constant 112 : i32
    %mul3A = arith.constant 626 : i32
    %mul3A_7 = arith.muli %arg1, %mul3A : i32
    %add3A = arith.constant 0 : i32
    %add3A_8 = arith.addi %mul3A_7, %add3A : i32
    "tpu.region"() ({
      %run_scoped3A = tpu.sem_alloc : memref<!tpu.dma_semaphore, #tpu.memory_space<semaphore_mem>>
      %dma_start3A_571 = arith.constant 0 : i32
      %dma_start3A_572 = tpu.memref_slice %arg12[%add3A_8, %dma_start3A_571] : memref<10016x144xf32, #tpu.memory_space<vmem_shared>> -> memref<112x144xf32, #tpu.memory_space<vmem_shared>>
      %dma_start3A_573 = arith.constant 0 : i32
      %dma_start3A_574 = tpu.memref_slice %arg12[%add3A_8, %dma_start3A_573] : memref<10016x144xf32, #tpu.memory_space<vmem_shared>> -> memref<112x144xf32, #tpu.memory_space<vmem_shared>>
      tpu.enqueue_dma source(%arg8 : memref<112x144xf32, #tpu.memory_space<vmem>>) target(%dma_start3A_574 : memref<112x144xf32, #tpu.memory_space<vmem_shared>>) target_semaphore(%run_scoped3A : memref<!tpu.dma_semaphore, #tpu.memory_space<semaphore_mem>>)
      %dma_wait3A_575 = arith.constant 0 : i32
      %dma_wait3A_576 = tpu.memref_slice %arg12[%add3A_8, %dma_wait3A_575] : memref<10016x144xf32, #tpu.memory_space<vmem_shared>> -> memref<112x144xf32, #tpu.memory_space<vmem_shared>>
      %dma_wait3A_577 = arith.constant 0 : i32
      %dma_wait3A_578 = tpu.memref_slice %arg12[%add3A_8, %dma_wait3A_577] : memref<10016x144xf32, #tpu.memory_space<vmem_shared>> -> memref<112x144xf32, #tpu.memory_space<vmem_shared>>
      tpu.wait_dma2 semaphore(%run_scoped3A : memref<!tpu.dma_semaphore, #tpu.memory_space<semaphore_mem>>) src(%arg8 : memref<112x144xf32, #tpu.memory_space<vmem>>) dst(%dma_wait3A_578 : memref<112x144xf32, #tpu.memory_space<vmem_shared>>)
      tpu.yield
    }) : () -> ()
    %add3A_9 = arith.constant 112 : i32
    %add3A_10 = arith.addi %mul3A_7, %add3A_9 : i32
    "tpu.region"() ({
      %run_scoped3A = tpu.sem_alloc : memref<!tpu.dma_semaphore, #tpu.memory_space<semaphore_mem>>
      %dma_start3A_571 = arith.constant 0 : i32
      %dma_start3A_572 = tpu.memref_slice %arg12[%add3A_10, %dma_start3A_571] : memref<10016x144xf32, #tpu.memory_space<vmem_shared>> -> memref<112x144xf32, #tpu.memory_space<vmem_shared>>
      %dma_start3A_573 = arith.constant 0 : i32
      %dma_start3A_574 = tpu.memref_slice %arg12[%add3A_10, %dma_start3A_573] : memref<10016x144xf32, #tpu.memory_space<vmem_shared>> -> memref<112x144xf32, #tpu.memory_space<vmem_shared>>
      tpu.enqueue_dma source(%arg8 : memref<112x144xf32, #tpu.memory_space<vmem>>) target(%dma_start3A_574 : memref<112x144xf32, #tpu.memory_space<vmem_shared>>) target_semaphore(%run_scoped3A : memref<!tpu.dma_semaphore, #tpu.memory_space<semaphore_mem>>)
      %dma_wait3A_575 = arith.constant 0 : i32
      %dma_wait3A_576 = tpu.memref_slice %arg12[%add3A_10, %dma_wait3A_575] : memref<10016x144xf32, #tpu.memory_space<vmem_shared>> -> memref<112x144xf32, #tpu.memory_space<vmem_shared>>
      %dma_wait3A_577 = arith.constant 0 : i32
      %dma_wait3A_578 = tpu.memref_slice %arg12[%add3A_10, %dma_wait3A_577] : memref<10016x144xf32, #tpu.memory_space<vmem_shared>> -> memref<112x144xf32, #tpu.memory_space<vmem_shared>>
      tpu.wait_dma2 semaphore(%run_scoped3A : memref<!tpu.dma_semaphore, #tpu.memory_space<semaphore_mem>>) src(%arg8 : memref<112x144xf32, #tpu.memory_space<vmem>>) dst(%dma_wait3A_578 : memref<112x144xf32, #tpu.memory_space<vmem_shared>>)
      tpu.yield
    }) : () -> ()
    %add3A_11 = arith.constant 224 : i32
    %add3A_12 = arith.addi %mul3A_7, %add3A_11 : i32
    "tpu.region"() ({
      %run_scoped3A = tpu.sem_alloc : memref<!tpu.dma_semaphore, #tpu.memory_space<semaphore_mem>>
      %dma_start3A_571 = arith.constant 0 : i32
      %dma_start3A_572 = tpu.memref_slice %arg12[%add3A_12, %dma_start3A_571] : memref<10016x144xf32, #tpu.memory_space<vmem_shared>> -> memref<112x144xf32, #tpu.memory_space<vmem_shared>>
      %dma_start3A_573 = arith.constant 0 : i32
      %dma_start3A_574 = tpu.memref_slice %arg12[%add3A_12, %dma_start3A_573] : memref<10016x144xf32, #tpu.memory_space<vmem_shared>> -> memref<112x144xf32, #tpu.memory_space<vmem_shared>>
      tpu.enqueue_dma source(%arg8 : memref<112x144xf32, #tpu.memory_space<vmem>>) target(%dma_start3A_574 : memref<112x144xf32, #tpu.memory_space<vmem_shared>>) target_semaphore(%run_scoped3A : memref<!tpu.dma_semaphore, #tpu.memory_space<semaphore_mem>>)
      %dma_wait3A_575 = arith.constant 0 : i32
      %dma_wait3A_576 = tpu.memref_slice %arg12[%add3A_12, %dma_wait3A_575] : memref<10016x144xf32, #tpu.memory_space<vmem_shared>> -> memref<112x144xf32, #tpu.memory_space<vmem_shared>>
      %dma_wait3A_577 = arith.constant 0 : i32
      %dma_wait3A_578 = tpu.memref_slice %arg12[%add3A_12, %dma_wait3A_577] : memref<10016x144xf32, #tpu.memory_space<vmem_shared>> -> memref<112x144xf32, #tpu.memory_space<vmem_shared>>
      tpu.wait_dma2 semaphore(%run_scoped3A : memref<!tpu.dma_semaphore, #tpu.memory_space<semaphore_mem>>) src(%arg8 : memref<112x144xf32, #tpu.memory_space<vmem>>) dst(%dma_wait3A_578 : memref<112x144xf32, #tpu.memory_space<vmem_shared>>)
      tpu.yield
    }) : () -> ()
    %add3A_13 = arith.constant 336 : i32
    %add3A_14 = arith.addi %mul3A_7, %add3A_13 : i32
    "tpu.region"() ({
      %run_scoped3A = tpu.sem_alloc : memref<!tpu.dma_semaphore, #tpu.memory_space<semaphore_mem>>
      %dma_start3A_571 = arith.constant 0 : i32
      %dma_start3A_572 = tpu.memref_slice %arg12[%add3A_14, %dma_start3A_571] : memref<10016x144xf32, #tpu.memory_space<vmem_shared>> -> memref<112x144xf32, #tpu.memory_space<vmem_shared>>
      %dma_start3A_573 = arith.constant 0 : i32
      %dma_start3A_574 = tpu.memref_slice %arg12[%add3A_14, %dma_start3A_573] : memref<10016x144xf32, #tpu.memory_space<vmem_shared>> -> memref<112x144xf32, #tpu.memory_space<vmem_shared>>
      tpu.enqueue_dma source(%arg8 : memref<112x144xf32, #tpu.memory_space<vmem>>) target(%dma_start3A_574 : memref<112x144xf32, #tpu.memory_space<vmem_shared>>) target_semaphore(%run_scoped3A : memref<!tpu.dma_semaphore, #tpu.memory_space<semaphore_mem>>)
      %dma_wait3A_575 = arith.constant 0 : i32
      %dma_wait3A_576 = tpu.memref_slice %arg12[%add3A_14, %dma_wait3A_575] : memref<10016x144xf32, #tpu.memory_space<vmem_shared>> -> memref<112x144xf32, #tpu.memory_space<vmem_shared>>
      %dma_wait3A_577 = arith.constant 0 : i32
      %dma_wait3A_578 = tpu.memref_slice %arg12[%add3A_14, %dma_wait3A_577] : memref<10016x144xf32, #tpu.memory_space<vmem_shared>> -> memref<112x144xf32, #tpu.memory_space<vmem_shared>>
      tpu.wait_dma2 semaphore(%run_scoped3A : memref<!tpu.dma_semaphore, #tpu.memory_space<semaphore_mem>>) src(%arg8 : memref<112x144xf32, #tpu.memory_space<vmem>>) dst(%dma_wait3A_578 : memref<112x144xf32, #tpu.memory_space<vmem_shared>>)
      tpu.yield
    }) : () -> ()
    %add3A_15 = arith.constant 448 : i32
    %add3A_16 = arith.addi %mul3A_7, %add3A_15 : i32
    "tpu.region"() ({
      %run_scoped3A = tpu.sem_alloc : memref<!tpu.dma_semaphore, #tpu.memory_space<semaphore_mem>>
      %dma_start3A_571 = arith.constant 0 : i32
      %dma_start3A_572 = tpu.memref_slice %arg12[%add3A_16, %dma_start3A_571] : memref<10016x144xf32, #tpu.memory_space<vmem_shared>> -> memref<112x144xf32, #tpu.memory_space<vmem_shared>>
      %dma_start3A_573 = arith.constant 0 : i32
      %dma_start3A_574 = tpu.memref_slice %arg12[%add3A_16, %dma_start3A_573] : memref<10016x144xf32, #tpu.memory_space<vmem_shared>> -> memref<112x144xf32, #tpu.memory_space<vmem_shared>>
      tpu.enqueue_dma source(%arg8 : memref<112x144xf32, #tpu.memory_space<vmem>>) target(%dma_start3A_574 : memref<112x144xf32, #tpu.memory_space<vmem_shared>>) target_semaphore(%run_scoped3A : memref<!tpu.dma_semaphore, #tpu.memory_space<semaphore_mem>>)
      %dma_wait3A_575 = arith.constant 0 : i32
      %dma_wait3A_576 = tpu.memref_slice %arg12[%add3A_16, %dma_wait3A_575] : memref<10016x144xf32, #tpu.memory_space<vmem_shared>> -> memref<112x144xf32, #tpu.memory_space<vmem_shared>>
      %dma_wait3A_577 = arith.constant 0 : i32
      %dma_wait3A_578 = tpu.memref_slice %arg12[%add3A_16, %dma_wait3A_577] : memref<10016x144xf32, #tpu.memory_space<vmem_shared>> -> memref<112x144xf32, #tpu.memory_space<vmem_shared>>
      tpu.wait_dma2 semaphore(%run_scoped3A : memref<!tpu.dma_semaphore, #tpu.memory_space<semaphore_mem>>) src(%arg8 : memref<112x144xf32, #tpu.memory_space<vmem>>) dst(%dma_wait3A_578 : memref<112x144xf32, #tpu.memory_space<vmem_shared>>)
      tpu.yield
    }) : () -> ()
    %add3A_17 = arith.constant 560 : i32
    %add3A_18 = arith.addi %mul3A_7, %add3A_17 : i32
    "tpu.region"() ({
      %run_scoped3A = tpu.sem_alloc : memref<!tpu.dma_semaphore, #tpu.memory_space<semaphore_mem>>
      %dma_start3A_571 = arith.constant 0 : i32
      %dma_start3A_572 = arith.constant 0 : i32
      %dma_start3A_573 = tpu.memref_slice %arg8[%dma_start3A_571, %dma_start3A_572] : memref<112x144xf32, #tpu.memory_space<vmem>> -> memref<66x144xf32, #tpu.memory_space<vmem>>
      %dma_start3A_574 = arith.constant 0 : i32
      %dma_start3A_575 = tpu.memref_slice %arg12[%add3A_18, %dma_start3A_574] : memref<10016x144xf32, #tpu.memory_space<vmem_shared>> -> memref<66x144xf32, #tpu.memory_space<vmem_shared>>
      %dma_start3A_576 = arith.constant 0 : i32
      %dma_start3A_577 = tpu.memref_slice %arg12[%add3A_18, %dma_start3A_576] : memref<10016x144xf32, #tpu.memory_space<vmem_shared>> -> memref<66x144xf32, #tpu.memory_space<vmem_shared>>
      %dma_start3A_578 = arith.constant 0 : i32
      %dma_start3A_579 = arith.constant 0 : i32
      %dma_start3A_580 = tpu.memref_slice %arg8[%dma_start3A_578, %dma_start3A_579] : memref<112x144xf32, #tpu.memory_space<vmem>> -> memref<66x144xf32, #tpu.memory_space<vmem>>
      tpu.enqueue_dma source(%dma_start3A_580 : memref<66x144xf32, #tpu.memory_space<vmem>>) target(%dma_start3A_577 : memref<66x144xf32, #tpu.memory_space<vmem_shared>>) target_semaphore(%run_scoped3A : memref<!tpu.dma_semaphore, #tpu.memory_space<semaphore_mem>>)
      %dma_wait3A_581 = arith.constant 0 : i32
      %dma_wait3A_582 = arith.constant 0 : i32
      %dma_wait3A_583 = tpu.memref_slice %arg8[%dma_wait3A_581, %dma_wait3A_582] : memref<112x144xf32, #tpu.memory_space<vmem>> -> memref<66x144xf32, #tpu.memory_space<vmem>>
      %dma_wait3A_584 = arith.constant 0 : i32
      %dma_wait3A_585 = tpu.memref_slice %arg12[%add3A_18, %dma_wait3A_584] : memref<10016x144xf32, #tpu.memory_space<vmem_shared>> -> memref<66x144xf32, #tpu.memory_space<vmem_shared>>
      %dma_wait3A_586 = arith.constant 0 : i32
      %dma_wait3A_587 = tpu.memref_slice %arg12[%add3A_18, %dma_wait3A_586] : memref<10016x144xf32, #tpu.memory_space<vmem_shared>> -> memref<66x144xf32, #tpu.memory_space<vmem_shared>>
      %dma_wait3A_588 = arith.constant 0 : i32
      %dma_wait3A_589 = arith.constant 0 : i32
      %dma_wait3A_590 = tpu.memref_slice %arg8[%dma_wait3A_588, %dma_wait3A_589] : memref<112x144xf32, #tpu.memory_space<vmem>> -> memref<66x144xf32, #tpu.memory_space<vmem>>
      tpu.wait_dma2 semaphore(%run_scoped3A : memref<!tpu.dma_semaphore, #tpu.memory_space<semaphore_mem>>) src(%dma_wait3A_590 : memref<66x144xf32, #tpu.memory_space<vmem>>) dst(%dma_wait3A_587 : memref<66x144xf32, #tpu.memory_space<vmem_shared>>)
      tpu.yield
    }) : () -> ()
    %dma_start3A = arith.constant 0 : i32
    %dma_start3A_19 = arith.constant 0 : i32
    %dma_start3A_20 = arith.constant 0 : i32
    %dma_start3A_21 = tpu.memref_slice %arg4[%arg0, %arg1, %dma_start3A, %dma_start3A_19, %dma_start3A_20] : memref<2x16x188x3x112xi32, #tpu.memory_space<hbm>> -> memref<1x1x4x3x112xi32, #tpu.memory_space<hbm>>
    %dma_start3A_22 = tpu.memref_squeeze %dma_start3A_21 : memref<1x1x4x3x112xi32, #tpu.memory_space<hbm>> -> memref<4x3x112xi32, #tpu.memory_space<hbm>>
    %dma_start3A_23 = arith.constant 0 : i32
    %dma_start3A_24 = arith.constant 0 : i32
    %dma_start3A_25 = arith.constant 0 : i32
    %dma_start3A_26 = tpu.memref_slice %arg4[%arg0, %arg1, %dma_start3A_23, %dma_start3A_24, %dma_start3A_25] : memref<2x16x188x3x112xi32, #tpu.memory_space<hbm>> -> memref<1x1x4x3x112xi32, #tpu.memory_space<hbm>>
    %dma_start3A_27 = tpu.memref_squeeze %dma_start3A_26 : memref<1x1x4x3x112xi32, #tpu.memory_space<hbm>> -> memref<4x3x112xi32, #tpu.memory_space<hbm>>
    tpu.enqueue_dma source(%dma_start3A_27 : memref<4x3x112xi32, #tpu.memory_space<hbm>>) target(%arg6 : memref<4x3x112xi32, #tpu.memory_space<vmem>>) target_semaphore(%arg13 : memref<!tpu.dma_semaphore, #tpu.memory_space<semaphore_mem>>)
    %barrier3A = arith.constant 0 : index
    tpu.barrier barrier_id(%barrier3A)
    %dma_wait3A = arith.constant 0 : i32
    %dma_wait3A_28 = arith.constant 0 : i32
    %dma_wait3A_29 = arith.constant 0 : i32
    %dma_wait3A_30 = tpu.memref_slice %arg4[%arg0, %arg1, %dma_wait3A, %dma_wait3A_28, %dma_wait3A_29] : memref<2x16x188x3x112xi32, #tpu.memory_space<hbm>> -> memref<1x1x4x3x112xi32, #tpu.memory_space<hbm>>
    %dma_wait3A_31 = tpu.memref_squeeze %dma_wait3A_30 : memref<1x1x4x3x112xi32, #tpu.memory_space<hbm>> -> memref<4x3x112xi32, #tpu.memory_space<hbm>>
    %dma_wait3A_32 = arith.constant 0 : i32
    %dma_wait3A_33 = arith.constant 0 : i32
    %dma_wait3A_34 = arith.constant 0 : i32
    %dma_wait3A_35 = tpu.memref_slice %arg4[%arg0, %arg1, %dma_wait3A_32, %dma_wait3A_33, %dma_wait3A_34] : memref<2x16x188x3x112xi32, #tpu.memory_space<hbm>> -> memref<1x1x4x3x112xi32, #tpu.memory_space<hbm>>
    %dma_wait3A_36 = tpu.memref_squeeze %dma_wait3A_35 : memref<1x1x4x3x112xi32, #tpu.memory_space<hbm>> -> memref<4x3x112xi32, #tpu.memory_space<hbm>>
    tpu.wait_dma2 semaphore(%arg13 : memref<!tpu.dma_semaphore, #tpu.memory_space<semaphore_mem>>) src(%dma_wait3A_36 : memref<4x3x112xi32, #tpu.memory_space<hbm>>) dst(%arg6 : memref<4x3x112xi32, #tpu.memory_space<vmem>>)
    %dma_start3A_37 = arith.constant 0 : i32
    %dma_start3A_38 = arith.constant 0 : i32
    %dma_start3A_39 = arith.constant 0 : i32
    %dma_start3A_40 = tpu.memref_slice %arg6[%dma_start3A_37, %dma_start3A_38, %dma_start3A_39] : memref<4x3x112xi32, #tpu.memory_space<vmem>> -> memref<1x1x112xi32, #tpu.memory_space<vmem>>
    %dma_start3A_41 = tpu.memref_squeeze %dma_start3A_40 : memref<1x1x112xi32, #tpu.memory_space<vmem>> -> memref<112xi32, #tpu.memory_space<vmem>>
    %dma_start3A_42 = arith.constant 0 : i32
    %dma_start3A_43 = arith.constant 0 : i32
    %dma_start3A_44 = tpu.memref_slice %arg2[%dma_start3A_42, %dma_start3A_43] : memref<20480x144xf32, #tpu.memory_space<hbm>> -> memref<20480x144xf32, #tpu.memory_space<hbm>>
    tpu.enqueue_indirect_dma source(%dma_start3A_44 : memref<20480x144xf32, #tpu.memory_space<hbm>>) target(%arg8 : memref<112x144xf32, #tpu.memory_space<vmem>>) offsets(%dma_start3A_41 : memref<112xi32, #tpu.memory_space<vmem>>) semaphore(%arg15 : memref<!tpu.dma_semaphore, #tpu.memory_space<semaphore_mem>>)
    %dma_start3A_45 = arith.constant 0 : i32
    %dma_start3A_46 = arith.constant 1 : i32
    %dma_start3A_47 = arith.constant 0 : i32
    %dma_start3A_48 = tpu.memref_slice %arg6[%dma_start3A_45, %dma_start3A_46, %dma_start3A_47] : memref<4x3x112xi32, #tpu.memory_space<vmem>> -> memref<1x1x112xi32, #tpu.memory_space<vmem>>
    %dma_start3A_49 = tpu.memref_squeeze %dma_start3A_48 : memref<1x1x112xi32, #tpu.memory_space<vmem>> -> memref<112xi32, #tpu.memory_space<vmem>>
    %dma_start3A_50 = arith.constant 0 : i32
    %dma_start3A_51 = arith.constant 0 : i32
    %dma_start3A_52 = tpu.memref_slice %arg3[%dma_start3A_50, %dma_start3A_51] : memref<20480x16xf32, #tpu.memory_space<hbm>> -> memref<20480x16xf32, #tpu.memory_space<hbm>>
    tpu.enqueue_indirect_dma source(%dma_start3A_52 : memref<20480x16xf32, #tpu.memory_space<hbm>>) target(%arg10 : memref<112x16xf32, #tpu.memory_space<vmem>>) offsets(%dma_start3A_49 : memref<112xi32, #tpu.memory_space<vmem>>) semaphore(%arg17 : memref<!tpu.dma_semaphore, #tpu.memory_space<semaphore_mem>>)
    %dma_wait3A_53 = arith.constant 0 : i32
    %dma_wait3A_54 = arith.constant 0 : i32
    %dma_wait3A_55 = arith.constant 0 : i32
    %dma_wait3A_56 = tpu.memref_slice %arg6[%dma_wait3A_53, %dma_wait3A_54, %dma_wait3A_55] : memref<4x3x112xi32, #tpu.memory_space<vmem>> -> memref<1x1x112xi32, #tpu.memory_space<vmem>>
    %dma_wait3A_57 = tpu.memref_squeeze %dma_wait3A_56 : memref<1x1x112xi32, #tpu.memory_space<vmem>> -> memref<112xi32, #tpu.memory_space<vmem>>
    %dma_wait3A_58 = arith.constant 0 : i32
    %dma_wait3A_59 = arith.constant 0 : i32
    %dma_wait3A_60 = tpu.memref_slice %arg2[%dma_wait3A_58, %dma_wait3A_59] : memref<20480x144xf32, #tpu.memory_space<hbm>> -> memref<20480x144xf32, #tpu.memory_space<hbm>>
    tpu.wait_indirect_dma semaphore(%arg15 : memref<!tpu.dma_semaphore, #tpu.memory_space<semaphore_mem>>) src(%dma_wait3A_60 : memref<20480x144xf32, #tpu.memory_space<hbm>>) dst(%arg8 : memref<112x144xf32, #tpu.memory_space<vmem>>)
    %dma_wait3A_61 = arith.constant 0 : i32
    %dma_wait3A_62 = arith.constant 1 : i32
    %dma_wait3A_63 = arith.constant 0 : i32
    %dma_wait3A_64 = tpu.memref_slice %arg6[%dma_wait3A_61, %dma_wait3A_62, %dma_wait3A_63] : memref<4x3x112xi32, #tpu.memory_space<vmem>> -> memref<1x1x112xi32, #tpu.memory_space<vmem>>
    %dma_wait3A_65 = tpu.memref_squeeze %dma_wait3A_64 : memref<1x1x112xi32, #tpu.memory_space<vmem>> -> memref<112xi32, #tpu.memory_space<vmem>>
    %dma_wait3A_66 = arith.constant 0 : i32
    %dma_wait3A_67 = arith.constant 0 : i32
    %dma_wait3A_68 = tpu.memref_slice %arg3[%dma_wait3A_66, %dma_wait3A_67] : memref<20480x16xf32, #tpu.memory_space<hbm>> -> memref<20480x16xf32, #tpu.memory_space<hbm>>
    tpu.wait_indirect_dma semaphore(%arg17 : memref<!tpu.dma_semaphore, #tpu.memory_space<semaphore_mem>>) src(%dma_wait3A_68 : memref<20480x16xf32, #tpu.memory_space<hbm>>) dst(%arg10 : memref<112x16xf32, #tpu.memory_space<vmem>>)
    %add3A_69 = arith.constant 0 : i32
    %add3A_70 = arith.constant 4 : i32
    %add3A_71 = arith.addi %add3A_69, %add3A_70 : i32
    %dma_start3A_72 = arith.constant 0 : i32
    %dma_start3A_73 = arith.constant 0 : i32
    %dma_start3A_74 = tpu.memref_slice %arg4[%arg0, %arg1, %add3A_71, %dma_start3A_72, %dma_start3A_73] : memref<2x16x188x3x112xi32, #tpu.memory_space<hbm>> -> memref<1x1x4x3x112xi32, #tpu.memory_space<hbm>>
    %dma_start3A_75 = tpu.memref_squeeze %dma_start3A_74 : memref<1x1x4x3x112xi32, #tpu.memory_space<hbm>> -> memref<4x3x112xi32, #tpu.memory_space<hbm>>
    %dma_start3A_76 = arith.constant 0 : i32
    %dma_start3A_77 = arith.constant 0 : i32
    %dma_start3A_78 = tpu.memref_slice %arg4[%arg0, %arg1, %add3A_71, %dma_start3A_76, %dma_start3A_77] : memref<2x16x188x3x112xi32, #tpu.memory_space<hbm>> -> memref<1x1x4x3x112xi32, #tpu.memory_space<hbm>>
    %dma_start3A_79 = tpu.memref_squeeze %dma_start3A_78 : memref<1x1x4x3x112xi32, #tpu.memory_space<hbm>> -> memref<4x3x112xi32, #tpu.memory_space<hbm>>
    tpu.enqueue_dma source(%dma_start3A_79 : memref<4x3x112xi32, #tpu.memory_space<hbm>>) target(%arg7 : memref<4x3x112xi32, #tpu.memory_space<vmem>>) target_semaphore(%arg14 : memref<!tpu.dma_semaphore, #tpu.memory_space<semaphore_mem>>)
    %dma_start3A_80 = arith.constant 1 : i32
    %dma_start3A_81 = arith.constant 0 : i32
    %dma_start3A_82 = arith.constant 0 : i32
    %dma_start3A_83 = tpu.memref_slice %arg6[%dma_start3A_80, %dma_start3A_81, %dma_start3A_82] : memref<4x3x112xi32, #tpu.memory_space<vmem>> -> memref<1x1x112xi32, #tpu.memory_space<vmem>>
    %dma_start3A_84 = tpu.memref_squeeze %dma_start3A_83 : memref<1x1x112xi32, #tpu.memory_space<vmem>> -> memref<112xi32, #tpu.memory_space<vmem>>
    %dma_start3A_85 = arith.constant 0 : i32
    %dma_start3A_86 = arith.constant 0 : i32
    %dma_start3A_87 = tpu.memref_slice %arg2[%dma_start3A_85, %dma_start3A_86] : memref<20480x144xf32, #tpu.memory_space<hbm>> -> memref<20480x144xf32, #tpu.memory_space<hbm>>
    tpu.enqueue_indirect_dma source(%dma_start3A_87 : memref<20480x144xf32, #tpu.memory_space<hbm>>) target(%arg9 : memref<112x144xf32, #tpu.memory_space<vmem>>) offsets(%dma_start3A_84 : memref<112xi32, #tpu.memory_space<vmem>>) semaphore(%arg16 : memref<!tpu.dma_semaphore, #tpu.memory_space<semaphore_mem>>)
    %dma_start3A_88 = arith.constant 1 : i32
    %dma_start3A_89 = arith.constant 1 : i32
    %dma_start3A_90 = arith.constant 0 : i32
    %dma_start3A_91 = tpu.memref_slice %arg6[%dma_start3A_88, %dma_start3A_89, %dma_start3A_90] : memref<4x3x112xi32, #tpu.memory_space<vmem>> -> memref<1x1x112xi32, #tpu.memory_space<vmem>>
    %dma_start3A_92 = tpu.memref_squeeze %dma_start3A_91 : memref<1x1x112xi32, #tpu.memory_space<vmem>> -> memref<112xi32, #tpu.memory_space<vmem>>
    %dma_start3A_93 = arith.constant 0 : i32
    %dma_start3A_94 = arith.constant 0 : i32
    %dma_start3A_95 = tpu.memref_slice %arg3[%dma_start3A_93, %dma_start3A_94] : memref<20480x16xf32, #tpu.memory_space<hbm>> -> memref<20480x16xf32, #tpu.memory_space<hbm>>
    tpu.enqueue_indirect_dma source(%dma_start3A_95 : memref<20480x16xf32, #tpu.memory_space<hbm>>) target(%arg11 : memref<112x16xf32, #tpu.memory_space<vmem>>) offsets(%dma_start3A_92 : memref<112xi32, #tpu.memory_space<vmem>>) semaphore(%arg18 : memref<!tpu.dma_semaphore, #tpu.memory_space<semaphore_mem>>)
    %scan3A_96 = arith.constant 0 : i32
    %scan3A_97 = arith.constant 0 : i32
    %scan3A_98 = arith.constant 112 : i32
    %scan3A_99 = arith.addi %scan3A_97, %scan3A_98 : i32
    %scan3A_100 = arith.constant 1 : i32
    %scan3A_101 = scf.for %scan3A_571 = %scan3A_97 to %scan3A_99 step %scan3A_100 iter_args(%scan3A_572 = %scan3A_96) -> (i32)  : i32 {
      %get3A = arith.index_cast %scan3A_571 : i32 to index
      %get3A_573 = arith.constant 128 : index
      %get3A_574 = tpu.vector_load %arg8[%get3A, %get3A_573] {strides = array<i32>} : memref<112x144xf32, #tpu.memory_space<vmem>>, vector<1x16xf32>,
      %get3A_575 = vector.shape_cast %get3A_574 : vector<1x16xf32> to vector<16xf32>
      %get3A_576 = arith.index_cast %scan3A_571 : i32 to index
      %get3A_577 = arith.constant 0 : index
      %get3A_578 = tpu.vector_load %arg10[%get3A_576, %get3A_577] {strides = array<i32>} : memref<112x16xf32, #tpu.memory_space<vmem>>, vector<1x16xf32>,
      %get3A_579 = vector.shape_cast %get3A_578 : vector<1x16xf32> to vector<16xf32>
      %add3A_580 = arith.addf %get3A_575, %get3A_579 : vector<16xf32>
      %mul3A_581 = arith.constant 2.000000e-01 : f32
      %mul3A_582 = vector.broadcast %mul3A_581 : f32 to vector<16xf32>
      %mul3A_583 = arith.mulf %mul3A_582, %add3A_580 : vector<16xf32>
      %max3A = arith.maximumf %add3A_580, %mul3A_583 : vector<16xf32>
      %exp3A = math.exp %max3A : vector<16xf32>
      %swap3A = arith.index_cast %scan3A_571 : i32 to index
      %swap3A_584 = arith.constant 128 : index
      %swap3A_585 = tpu.vector_load %arg8[%swap3A, %swap3A_584] {strides = array<i32>} : memref<112x144xf32, #tpu.memory_space<vmem>>, vector<1x16xf32>,
      %swap3A_586 = vector.shape_cast %swap3A_585 : vector<1x16xf32> to vector<16xf32>
      %swap3A_587 = vector.shape_cast %exp3A : vector<16xf32> to vector<1x16xf32>
      tpu.vector_store %arg8[%swap3A, %swap3A_584], %swap3A_587 {strides = array<i32>} : memref<112x144xf32, #tpu.memory_space<vmem>>, vector<1x16xf32>,
      %slice3A = vector.extract_strided_slice %exp3A {offsets = [0], sizes = [1], strides = [1]} : vector<16xf32> to vector<1xf32>
      %squeeze3A = vector.extract %slice3A[0] : f32 from vector<1xf32>
      %get3A_588 = arith.index_cast %scan3A_571 : i32 to index
      %get3A_589 = arith.constant 0 : index
      %get3A_590 = tpu.vector_load %arg8[%get3A_588, %get3A_589] {strides = array<i32>} : memref<112x144xf32, #tpu.memory_space<vmem>>, vector<1x16xf32>,
      %get3A_591 = vector.shape_cast %get3A_590 : vector<1x16xf32> to vector<16xf32>
      %mul3A_592 = vector.broadcast %squeeze3A : f32 to vector<16xf32>
      %mul3A_593 = arith.mulf %get3A_591, %mul3A_592 : vector<16xf32>
      %swap3A_594 = arith.index_cast %scan3A_571 : i32 to index
      %swap3A_595 = arith.constant 0 : index
      %swap3A_596 = tpu.vector_load %arg8[%swap3A_594, %swap3A_595] {strides = array<i32>} : memref<112x144xf32, #tpu.memory_space<vmem>>, vector<1x16xf32>,
      %swap3A_597 = vector.shape_cast %swap3A_596 : vector<1x16xf32> to vector<16xf32>
      %swap3A_598 = vector.shape_cast %mul3A_593 : vector<16xf32> to vector<1x16xf32>
      tpu.vector_store %arg8[%swap3A_594, %swap3A_595], %swap3A_598 {strides = array<i32>} : memref<112x144xf32, #tpu.memory_space<vmem>>, vector<1x16xf32>,
      %slice3A_599 = vector.extract_strided_slice %exp3A {offsets = [1], sizes = [1], strides = [1]} : vector<16xf32> to vector<1xf32>
      %squeeze3A_600 = vector.extract %slice3A_599[0] : f32 from vector<1xf32>
      %get3A_601 = arith.index_cast %scan3A_571 : i32 to index
      %get3A_602 = arith.constant 16 : index
      %get3A_603 = tpu.vector_load %arg8[%get3A_601, %get3A_602] {strides = array<i32>} : memref<112x144xf32, #tpu.memory_space<vmem>>, vector<1x16xf32>,
      %get3A_604 = vector.shape_cast %get3A_603 : vector<1x16xf32> to vector<16xf32>
      %mul3A_605 = vector.broadcast %squeeze3A_600 : f32 to vector<16xf32>
      %mul3A_606 = arith.mulf %get3A_604, %mul3A_605 : vector<16xf32>
      %swap3A_607 = arith.index_cast %scan3A_571 : i32 to index
      %swap3A_608 = arith.constant 16 : index
      %swap3A_609 = tpu.vector_load %arg8[%swap3A_607, %swap3A_608] {strides = array<i32>} : memref<112x144xf32, #tpu.memory_space<vmem>>, vector<1x16xf32>,
      %swap3A_610 = vector.shape_cast %swap3A_609 : vector<1x16xf32> to vector<16xf32>
      %swap3A_611 = vector.shape_cast %mul3A_606 : vector<16xf32> to vector<1x16xf32>
      tpu.vector_store %arg8[%swap3A_607, %swap3A_608], %swap3A_611 {strides = array<i32>} : memref<112x144xf32, #tpu.memory_space<vmem>>, vector<1x16xf32>,
      %slice3A_612 = vector.extract_strided_slice %exp3A {offsets = [2], sizes = [1], strides = [1]} : vector<16xf32> to vector<1xf32>
      %squeeze3A_613 = vector.extract %slice3A_612[0] : f32 from vector<1xf32>
      %get3A_614 = arith.index_cast %scan3A_571 : i32 to index
      %get3A_615 = arith.constant 32 : index
      %get3A_616 = tpu.vector_load %arg8[%get3A_614, %get3A_615] {strides = array<i32>} : memref<112x144xf32, #tpu.memory_space<vmem>>, vector<1x16xf32>,
      %get3A_617 = vector.shape_cast %get3A_616 : vector<1x16xf32> to vector<16xf32>
      %mul3A_618 = vector.broadcast %squeeze3A_613 : f32 to vector<16xf32>
      %mul3A_619 = arith.mulf %get3A_617, %mul3A_618 : vector<16xf32>
      %swap3A_620 = arith.index_cast %scan3A_571 : i32 to index
      %swap3A_621 = arith.constant 32 : index
      %swap3A_622 = tpu.vector_load %arg8[%swap3A_620, %swap3A_621] {strides = array<i32>} : memref<112x144xf32, #tpu.memory_space<vmem>>, vector<1x16xf32>,
      %swap3A_623 = vector.shape_cast %swap3A_622 : vector<1x16xf32> to vector<16xf32>
      %swap3A_624 = vector.shape_cast %mul3A_619 : vector<16xf32> to vector<1x16xf32>
      tpu.vector_store %arg8[%swap3A_620, %swap3A_621], %swap3A_624 {strides = array<i32>} : memref<112x144xf32, #tpu.memory_space<vmem>>, vector<1x16xf32>,
      %slice3A_625 = vector.extract_strided_slice %exp3A {offsets = [3], sizes = [1], strides = [1]} : vector<16xf32> to vector<1xf32>
      %squeeze3A_626 = vector.extract %slice3A_625[0] : f32 from vector<1xf32>
      %get3A_627 = arith.index_cast %scan3A_571 : i32 to index
      %get3A_628 = arith.constant 48 : index
      %get3A_629 = tpu.vector_load %arg8[%get3A_627, %get3A_628] {strides = array<i32>} : memref<112x144xf32, #tpu.memory_space<vmem>>, vector<1x16xf32>,
      %get3A_630 = vector.shape_cast %get3A_629 : vector<1x16xf32> to vector<16xf32>
      %mul3A_631 = vector.broadcast %squeeze3A_626 : f32 to vector<16xf32>
      %mul3A_632 = arith.mulf %get3A_630, %mul3A_631 : vector<16xf32>
      %swap3A_633 = arith.index_cast %scan3A_571 : i32 to index
      %swap3A_634 = arith.constant 48 : index
      %swap3A_635 = tpu.vector_load %arg8[%swap3A_633, %swap3A_634] {strides = array<i32>} : memref<112x144xf32, #tpu.memory_space<vmem>>, vector<1x16xf32>,
      %swap3A_636 = vector.shape_cast %swap3A_635 : vector<1x16xf32> to vector<16xf32>
      %swap3A_637 = vector.shape_cast %mul3A_632 : vector<16xf32> to vector<1x16xf32>
      tpu.vector_store %arg8[%swap3A_633, %swap3A_634], %swap3A_637 {strides = array<i32>} : memref<112x144xf32, #tpu.memory_space<vmem>>, vector<1x16xf32>,
      %slice3A_638 = vector.extract_strided_slice %exp3A {offsets = [4], sizes = [1], strides = [1]} : vector<16xf32> to vector<1xf32>
      %squeeze3A_639 = vector.extract %slice3A_638[0] : f32 from vector<1xf32>
      %get3A_640 = arith.index_cast %scan3A_571 : i32 to index
      %get3A_641 = arith.constant 64 : index
      %get3A_642 = tpu.vector_load %arg8[%get3A_640, %get3A_641] {strides = array<i32>} : memref<112x144xf32, #tpu.memory_space<vmem>>, vector<1x16xf32>,
      %get3A_643 = vector.shape_cast %get3A_642 : vector<1x16xf32> to vector<16xf32>
      %mul3A_644 = vector.broadcast %squeeze3A_639 : f32 to vector<16xf32>
      %mul3A_645 = arith.mulf %get3A_643, %mul3A_644 : vector<16xf32>
      %swap3A_646 = arith.index_cast %scan3A_571 : i32 to index
      %swap3A_647 = arith.constant 64 : index
      %swap3A_648 = tpu.vector_load %arg8[%swap3A_646, %swap3A_647] {strides = array<i32>} : memref<112x144xf32, #tpu.memory_space<vmem>>, vector<1x16xf32>,
      %swap3A_649 = vector.shape_cast %swap3A_648 : vector<1x16xf32> to vector<16xf32>
      %swap3A_650 = vector.shape_cast %mul3A_645 : vector<16xf32> to vector<1x16xf32>
      tpu.vector_store %arg8[%swap3A_646, %swap3A_647], %swap3A_650 {strides = array<i32>} : memref<112x144xf32, #tpu.memory_space<vmem>>, vector<1x16xf32>,
      %slice3A_651 = vector.extract_strided_slice %exp3A {offsets = [5], sizes = [1], strides = [1]} : vector<16xf32> to vector<1xf32>
      %squeeze3A_652 = vector.extract %slice3A_651[0] : f32 from vector<1xf32>
      %get3A_653 = arith.index_cast %scan3A_571 : i32 to index
      %get3A_654 = arith.constant 80 : index
      %get3A_655 = tpu.vector_load %arg8[%get3A_653, %get3A_654] {strides = array<i32>} : memref<112x144xf32, #tpu.memory_space<vmem>>, vector<1x16xf32>,
      %get3A_656 = vector.shape_cast %get3A_655 : vector<1x16xf32> to vector<16xf32>
      %mul3A_657 = vector.broadcast %squeeze3A_652 : f32 to vector<16xf32>
      %mul3A_658 = arith.mulf %get3A_656, %mul3A_657 : vector<16xf32>
      %swap3A_659 = arith.index_cast %scan3A_571 : i32 to index
      %swap3A_660 = arith.constant 80 : index
      %swap3A_661 = tpu.vector_load %arg8[%swap3A_659, %swap3A_660] {strides = array<i32>} : memref<112x144xf32, #tpu.memory_space<vmem>>, vector<1x16xf32>,
      %swap3A_662 = vector.shape_cast %swap3A_661 : vector<1x16xf32> to vector<16xf32>
      %swap3A_663 = vector.shape_cast %mul3A_658 : vector<16xf32> to vector<1x16xf32>
      tpu.vector_store %arg8[%swap3A_659, %swap3A_660], %swap3A_663 {strides = array<i32>} : memref<112x144xf32, #tpu.memory_space<vmem>>, vector<1x16xf32>,
      %slice3A_664 = vector.extract_strided_slice %exp3A {offsets = [6], sizes = [1], strides = [1]} : vector<16xf32> to vector<1xf32>
      %squeeze3A_665 = vector.extract %slice3A_664[0] : f32 from vector<1xf32>
      %get3A_666 = arith.index_cast %scan3A_571 : i32 to index
      %get3A_667 = arith.constant 96 : index
      %get3A_668 = tpu.vector_load %arg8[%get3A_666, %get3A_667] {strides = array<i32>} : memref<112x144xf32, #tpu.memory_space<vmem>>, vector<1x16xf32>,
      %get3A_669 = vector.shape_cast %get3A_668 : vector<1x16xf32> to vector<16xf32>
      %mul3A_670 = vector.broadcast %squeeze3A_665 : f32 to vector<16xf32>
      %mul3A_671 = arith.mulf %get3A_669, %mul3A_670 : vector<16xf32>
      %swap3A_672 = arith.index_cast %scan3A_571 : i32 to index
      %swap3A_673 = arith.constant 96 : index
      %swap3A_674 = tpu.vector_load %arg8[%swap3A_672, %swap3A_673] {strides = array<i32>} : memref<112x144xf32, #tpu.memory_space<vmem>>, vector<1x16xf32>,
      %swap3A_675 = vector.shape_cast %swap3A_674 : vector<1x16xf32> to vector<16xf32>
      %swap3A_676 = vector.shape_cast %mul3A_671 : vector<16xf32> to vector<1x16xf32>
      tpu.vector_store %arg8[%swap3A_672, %swap3A_673], %swap3A_676 {strides = array<i32>} : memref<112x144xf32, #tpu.memory_space<vmem>>, vector<1x16xf32>,
      %slice3A_677 = vector.extract_strided_slice %exp3A {offsets = [7], sizes = [1], strides = [1]} : vector<16xf32> to vector<1xf32>
      %squeeze3A_678 = vector.extract %slice3A_677[0] : f32 from vector<1xf32>
      %get3A_679 = arith.index_cast %scan3A_571 : i32 to index
      %get3A_680 = arith.constant 112 : index
      %get3A_681 = tpu.vector_load %arg8[%get3A_679, %get3A_680] {strides = array<i32>} : memref<112x144xf32, #tpu.memory_space<vmem>>, vector<1x16xf32>,
      %get3A_682 = vector.shape_cast %get3A_681 : vector<1x16xf32> to vector<16xf32>
      %mul3A_683 = vector.broadcast %squeeze3A_678 : f32 to vector<16xf32>
      %mul3A_684 = arith.mulf %get3A_682, %mul3A_683 : vector<16xf32>
      %swap3A_685 = arith.index_cast %scan3A_571 : i32 to index
      %swap3A_686 = arith.constant 112 : index
      %swap3A_687 = tpu.vector_load %arg8[%swap3A_685, %swap3A_686] {strides = array<i32>} : memref<112x144xf32, #tpu.memory_space<vmem>>, vector<1x16xf32>,
      %swap3A_688 = vector.shape_cast %swap3A_687 : vector<1x16xf32> to vector<16xf32>
      %swap3A_689 = vector.shape_cast %mul3A_684 : vector<16xf32> to vector<1x16xf32>
      tpu.vector_store %arg8[%swap3A_685, %swap3A_686], %swap3A_689 {strides = array<i32>} : memref<112x144xf32, #tpu.memory_space<vmem>>, vector<1x16xf32>,
      %scan3A_690 = arith.constant 0 : i32
      scf.yield %scan3A_690 : i32
    }
    %scan3A_102 = arith.constant 112 : i32
    %dma_start3A_103 = arith.constant 0 : i32
    %dma_start3A_104 = arith.constant 2 : i32
    %dma_start3A_105 = arith.constant 0 : i32
    %dma_start3A_106 = tpu.memref_slice %arg6[%dma_start3A_103, %dma_start3A_104, %dma_start3A_105] : memref<4x3x112xi32, #tpu.memory_space<vmem>> -> memref<1x1x112xi32, #tpu.memory_space<vmem>>
    %dma_start3A_107 = tpu.memref_squeeze %dma_start3A_106 : memref<1x1x112xi32, #tpu.memory_space<vmem>> -> memref<112xi32, #tpu.memory_space<vmem>>
    %dma_start3A_108 = arith.constant 0 : i32
    %dma_start3A_109 = arith.constant 0 : i32
    %dma_start3A_110 = tpu.memref_slice %arg12[%dma_start3A_108, %dma_start3A_109] : memref<10016x144xf32, #tpu.memory_space<vmem_shared>> -> memref<10016x144xf32, #tpu.memory_space<vmem_shared>>
    tpu.enqueue_indirect_dma source(%arg8 : memref<112x144xf32, #tpu.memory_space<vmem>>) target(%dma_start3A_110 : memref<10016x144xf32, #tpu.memory_space<vmem_shared>>) offsets(%dma_start3A_107 : memref<112xi32, #tpu.memory_space<vmem>>) semaphore(%arg19 : memref<!tpu.dma_semaphore, #tpu.memory_space<semaphore_mem>>) {add = true}
    %dma_wait3A_111 = arith.constant 0 : i32
    %dma_wait3A_112 = arith.constant 0 : i32
    %dma_wait3A_113 = arith.constant 0 : i32
    %dma_wait3A_114 = tpu.memref_slice %arg6[%dma_wait3A_111, %dma_wait3A_112, %dma_wait3A_113] : memref<4x3x112xi32, #tpu.memory_space<vmem>> -> memref<1x1x112xi32, #tpu.memory_space<vmem>>
    %dma_wait3A_115 = tpu.memref_squeeze %dma_wait3A_114 : memref<1x1x112xi32, #tpu.memory_space<vmem>> -> memref<112xi32, #tpu.memory_space<vmem>>
    %dma_wait3A_116 = arith.constant 0 : i32
    %dma_wait3A_117 = arith.constant 0 : i32
    %dma_wait3A_118 = tpu.memref_slice %arg2[%dma_wait3A_116, %dma_wait3A_117] : memref<20480x144xf32, #tpu.memory_space<hbm>> -> memref<20480x144xf32, #tpu.memory_space<hbm>>
    tpu.wait_indirect_dma semaphore(%arg16 : memref<!tpu.dma_semaphore, #tpu.memory_space<semaphore_mem>>) src(%dma_wait3A_118 : memref<20480x144xf32, #tpu.memory_space<hbm>>) dst(%arg9 : memref<112x144xf32, #tpu.memory_space<vmem>>)
    %dma_wait3A_119 = arith.constant 0 : i32
    %dma_wait3A_120 = arith.constant 1 : i32
    %dma_wait3A_121 = arith.constant 0 : i32
    %dma_wait3A_122 = tpu.memref_slice %arg6[%dma_wait3A_119, %dma_wait3A_120, %dma_wait3A_121] : memref<4x3x112xi32, #tpu.memory_space<vmem>> -> memref<1x1x112xi32, #tpu.memory_space<vmem>>
    %dma_wait3A_123 = tpu.memref_squeeze %dma_wait3A_122 : memref<1x1x112xi32, #tpu.memory_space<vmem>> -> memref<112xi32, #tpu.memory_space<vmem>>
    %dma_wait3A_124 = arith.constant 0 : i32
    %dma_wait3A_125 = arith.constant 0 : i32
    %dma_wait3A_126 = tpu.memref_slice %arg3[%dma_wait3A_124, %dma_wait3A_125] : memref<20480x16xf32, #tpu.memory_space<hbm>> -> memref<20480x16xf32, #tpu.memory_space<hbm>>
    tpu.wait_indirect_dma semaphore(%arg18 : memref<!tpu.dma_semaphore, #tpu.memory_space<semaphore_mem>>) src(%dma_wait3A_126 : memref<20480x16xf32, #tpu.memory_space<hbm>>) dst(%arg11 : memref<112x16xf32, #tpu.memory_space<vmem>>)
    %dma_wait3A_127 = arith.constant 1 : i32
    %dma_wait3A_128 = arith.constant 2 : i32
    %dma_wait3A_129 = arith.constant 0 : i32
    %dma_wait3A_130 = tpu.memref_slice %arg6[%dma_wait3A_127, %dma_wait3A_128, %dma_wait3A_129] : memref<4x3x112xi32, #tpu.memory_space<vmem>> -> memref<1x1x112xi32, #tpu.memory_space<vmem>>
    %dma_wait3A_131 = tpu.memref_squeeze %dma_wait3A_130 : memref<1x1x112xi32, #tpu.memory_space<vmem>> -> memref<112xi32, #tpu.memory_space<vmem>>
    %dma_wait3A_132 = arith.constant 0 : i32
    %dma_wait3A_133 = arith.constant 0 : i32
    %dma_wait3A_134 = tpu.memref_slice %arg12[%dma_wait3A_132, %dma_wait3A_133] : memref<10016x144xf32, #tpu.memory_space<vmem_shared>> -> memref<10016x144xf32, #tpu.memory_space<vmem_shared>>
    tpu.wait_indirect_dma semaphore(%arg19 : memref<!tpu.dma_semaphore, #tpu.memory_space<semaphore_mem>>) src(%arg8 : memref<112x144xf32, #tpu.memory_space<vmem>>) dst(%dma_wait3A_134 : memref<10016x144xf32, #tpu.memory_space<vmem_shared>>)
    %dma_start3A_135 = arith.constant 2 : i32
    %dma_start3A_136 = arith.constant 0 : i32
    %dma_start3A_137 = arith.constant 0 : i32
    %dma_start3A_138 = tpu.memref_slice %arg6[%dma_start3A_135, %dma_start3A_136, %dma_start3A_137] : memref<4x3x112xi32, #tpu.memory_space<vmem>> -> memref<1x1x112xi32, #tpu.memory_space<vmem>>
    %dma_start3A_139 = tpu.memref_squeeze %dma_start3A_138 : memref<1x1x112xi32, #tpu.memory_space<vmem>> -> memref<112xi32, #tpu.memory_space<vmem>>
    %dma_start3A_140 = arith.constant 0 : i32
    %dma_start3A_141 = arith.constant 0 : i32
    %dma_start3A_142 = tpu.memref_slice %arg2[%dma_start3A_140, %dma_start3A_141] : memref<20480x144xf32, #tpu.memory_space<hbm>> -> memref<20480x144xf32, #tpu.memory_space<hbm>>
    tpu.enqueue_indirect_dma source(%dma_start3A_142 : memref<20480x144xf32, #tpu.memory_space<hbm>>) target(%arg8 : memref<112x144xf32, #tpu.memory_space<vmem>>) offsets(%dma_start3A_139 : memref<112xi32, #tpu.memory_space<vmem>>) semaphore(%arg15 : memref<!tpu.dma_semaphore, #tpu.memory_space<semaphore_mem>>)
    %dma_start3A_143 = arith.constant 2 : i32
    %dma_start3A_144 = arith.constant 1 : i32
    %dma_start3A_145 = arith.constant 0 : i32
    %dma_start3A_146 = tpu.memref_slice %arg6[%dma_start3A_143, %dma_start3A_144, %dma_start3A_145] : memref<4x3x112xi32, #tpu.memory_space<vmem>> -> memref<1x1x112xi32, #tpu.memory_space<vmem>>
    %dma_start3A_147 = tpu.memref_squeeze %dma_start3A_146 : memref<1x1x112xi32, #tpu.memory_space<vmem>> -> memref<112xi32, #tpu.memory_space<vmem>>
    %dma_start3A_148 = arith.constant 0 : i32
    %dma_start3A_149 = arith.constant 0 : i32
    %dma_start3A_150 = tpu.memref_slice %arg3[%dma_start3A_148, %dma_start3A_149] : memref<20480x16xf32, #tpu.memory_space<hbm>> -> memref<20480x16xf32, #tpu.memory_space<hbm>>
    tpu.enqueue_indirect_dma source(%dma_start3A_150 : memref<20480x16xf32, #tpu.memory_space<hbm>>) target(%arg10 : memref<112x16xf32, #tpu.memory_space<vmem>>) offsets(%dma_start3A_147 : memref<112xi32, #tpu.memory_space<vmem>>) semaphore(%arg17 : memref<!tpu.dma_semaphore, #tpu.memory_space<semaphore_mem>>)
    %scan3A_151 = arith.constant 0 : i32
    %scan3A_152 = arith.constant 0 : i32
    %scan3A_153 = arith.constant 112 : i32
    %scan3A_154 = arith.addi %scan3A_152, %scan3A_153 : i32
    %scan3A_155 = arith.constant 1 : i32
    %scan3A_156 = scf.for %scan3A_571 = %scan3A_152 to %scan3A_154 step %scan3A_155 iter_args(%scan3A_572 = %scan3A_151) -> (i32)  : i32 {
      %get3A = arith.index_cast %scan3A_571 : i32 to index
      %get3A_573 = arith.constant 128 : index
      %get3A_574 = tpu.vector_load %arg9[%get3A, %get3A_573] {strides = array<i32>} : memref<112x144xf32, #tpu.memory_space<vmem>>, vector<1x16xf32>,
      %get3A_575 = vector.shape_cast %get3A_574 : vector<1x16xf32> to vector<16xf32>
      %get3A_576 = arith.index_cast %scan3A_571 : i32 to index
      %get3A_577 = arith.constant 0 : index
      %get3A_578 = tpu.vector_load %arg11[%get3A_576, %get3A_577] {strides = array<i32>} : memref<112x16xf32, #tpu.memory_space<vmem>>, vector<1x16xf32>,
      %get3A_579 = vector.shape_cast %get3A_578 : vector<1x16xf32> to vector<16xf32>
      %add3A_580 = arith.addf %get3A_575, %get3A_579 : vector<16xf32>
      %mul3A_581 = arith.constant 2.000000e-01 : f32
      %mul3A_582 = vector.broadcast %mul3A_581 : f32 to vector<16xf32>
      %mul3A_583 = arith.mulf %mul3A_582, %add3A_580 : vector<16xf32>
      %max3A = arith.maximumf %add3A_580, %mul3A_583 : vector<16xf32>
      %exp3A = math.exp %max3A : vector<16xf32>
      %swap3A = arith.index_cast %scan3A_571 : i32 to index
      %swap3A_584 = arith.constant 128 : index
      %swap3A_585 = tpu.vector_load %arg9[%swap3A, %swap3A_584] {strides = array<i32>} : memref<112x144xf32, #tpu.memory_space<vmem>>, vector<1x16xf32>,
      %swap3A_586 = vector.shape_cast %swap3A_585 : vector<1x16xf32> to vector<16xf32>
      %swap3A_587 = vector.shape_cast %exp3A : vector<16xf32> to vector<1x16xf32>
      tpu.vector_store %arg9[%swap3A, %swap3A_584], %swap3A_587 {strides = array<i32>} : memref<112x144xf32, #tpu.memory_space<vmem>>, vector<1x16xf32>,
      %slice3A = vector.extract_strided_slice %exp3A {offsets = [0], sizes = [1], strides = [1]} : vector<16xf32> to vector<1xf32>
      %squeeze3A = vector.extract %slice3A[0] : f32 from vector<1xf32>
      %get3A_588 = arith.index_cast %scan3A_571 : i32 to index
      %get3A_589 = arith.constant 0 : index
      %get3A_590 = tpu.vector_load %arg9[%get3A_588, %get3A_589] {strides = array<i32>} : memref<112x144xf32, #tpu.memory_space<vmem>>, vector<1x16xf32>,
      %get3A_591 = vector.shape_cast %get3A_590 : vector<1x16xf32> to vector<16xf32>
      %mul3A_592 = vector.broadcast %squeeze3A : f32 to vector<16xf32>
      %mul3A_593 = arith.mulf %get3A_591, %mul3A_592 : vector<16xf32>
      %swap3A_594 = arith.index_cast %scan3A_571 : i32 to index
      %swap3A_595 = arith.constant 0 : index
      %swap3A_596 = tpu.vector_load %arg9[%swap3A_594, %swap3A_595] {strides = array<i32>} : memref<112x144xf32, #tpu.memory_space<vmem>>, vector<1x16xf32>,
      %swap3A_597 = vector.shape_cast %swap3A_596 : vector<1x16xf32> to vector<16xf32>
      %swap3A_598 = vector.shape_cast %mul3A_593 : vector<16xf32> to vector<1x16xf32>
      tpu.vector_store %arg9[%swap3A_594, %swap3A_595], %swap3A_598 {strides = array<i32>} : memref<112x144xf32, #tpu.memory_space<vmem>>, vector<1x16xf32>,
      %slice3A_599 = vector.extract_strided_slice %exp3A {offsets = [1], sizes = [1], strides = [1]} : vector<16xf32> to vector<1xf32>
      %squeeze3A_600 = vector.extract %slice3A_599[0] : f32 from vector<1xf32>
      %get3A_601 = arith.index_cast %scan3A_571 : i32 to index
      %get3A_602 = arith.constant 16 : index
      %get3A_603 = tpu.vector_load %arg9[%get3A_601, %get3A_602] {strides = array<i32>} : memref<112x144xf32, #tpu.memory_space<vmem>>, vector<1x16xf32>,
      %get3A_604 = vector.shape_cast %get3A_603 : vector<1x16xf32> to vector<16xf32>
      %mul3A_605 = vector.broadcast %squeeze3A_600 : f32 to vector<16xf32>
      %mul3A_606 = arith.mulf %get3A_604, %mul3A_605 : vector<16xf32>
      %swap3A_607 = arith.index_cast %scan3A_571 : i32 to index
      %swap3A_608 = arith.constant 16 : index
      %swap3A_609 = tpu.vector_load %arg9[%swap3A_607, %swap3A_608] {strides = array<i32>} : memref<112x144xf32, #tpu.memory_space<vmem>>, vector<1x16xf32>,
      %swap3A_610 = vector.shape_cast %swap3A_609 : vector<1x16xf32> to vector<16xf32>
      %swap3A_611 = vector.shape_cast %mul3A_606 : vector<16xf32> to vector<1x16xf32>
      tpu.vector_store %arg9[%swap3A_607, %swap3A_608], %swap3A_611 {strides = array<i32>} : memref<112x144xf32, #tpu.memory_space<vmem>>, vector<1x16xf32>,
      %slice3A_612 = vector.extract_strided_slice %exp3A {offsets = [2], sizes = [1], strides = [1]} : vector<16xf32> to vector<1xf32>
      %squeeze3A_613 = vector.extract %slice3A_612[0] : f32 from vector<1xf32>
      %get3A_614 = arith.index_cast %scan3A_571 : i32 to index
      %get3A_615 = arith.constant 32 : index
      %get3A_616 = tpu.vector_load %arg9[%get3A_614, %get3A_615] {strides = array<i32>} : memref<112x144xf32, #tpu.memory_space<vmem>>, vector<1x16xf32>,
      %get3A_617 = vector.shape_cast %get3A_616 : vector<1x16xf32> to vector<16xf32>
      %mul3A_618 = vector.broadcast %squeeze3A_613 : f32 to vector<16xf32>
      %mul3A_619 = arith.mulf %get3A_617, %mul3A_618 : vector<16xf32>
      %swap3A_620 = arith.index_cast %scan3A_571 : i32 to index
      %swap3A_621 = arith.constant 32 : index
      %swap3A_622 = tpu.vector_load %arg9[%swap3A_620, %swap3A_621] {strides = array<i32>} : memref<112x144xf32, #tpu.memory_space<vmem>>, vector<1x16xf32>,
      %swap3A_623 = vector.shape_cast %swap3A_622 : vector<1x16xf32> to vector<16xf32>
      %swap3A_624 = vector.shape_cast %mul3A_619 : vector<16xf32> to vector<1x16xf32>
      tpu.vector_store %arg9[%swap3A_620, %swap3A_621], %swap3A_624 {strides = array<i32>} : memref<112x144xf32, #tpu.memory_space<vmem>>, vector<1x16xf32>,
      %slice3A_625 = vector.extract_strided_slice %exp3A {offsets = [3], sizes = [1], strides = [1]} : vector<16xf32> to vector<1xf32>
      %squeeze3A_626 = vector.extract %slice3A_625[0] : f32 from vector<1xf32>
      %get3A_627 = arith.index_cast %scan3A_571 : i32 to index
      %get3A_628 = arith.constant 48 : index
      %get3A_629 = tpu.vector_load %arg9[%get3A_627, %get3A_628] {strides = array<i32>} : memref<112x144xf32, #tpu.memory_space<vmem>>, vector<1x16xf32>,
      %get3A_630 = vector.shape_cast %get3A_629 : vector<1x16xf32> to vector<16xf32>
      %mul3A_631 = vector.broadcast %squeeze3A_626 : f32 to vector<16xf32>
      %mul3A_632 = arith.mulf %get3A_630, %mul3A_631 : vector<16xf32>
      %swap3A_633 = arith.index_cast %scan3A_571 : i32 to index
      %swap3A_634 = arith.constant 48 : index
      %swap3A_635 = tpu.vector_load %arg9[%swap3A_633, %swap3A_634] {strides = array<i32>} : memref<112x144xf32, #tpu.memory_space<vmem>>, vector<1x16xf32>,
      %swap3A_636 = vector.shape_cast %swap3A_635 : vector<1x16xf32> to vector<16xf32>
      %swap3A_637 = vector.shape_cast %mul3A_632 : vector<16xf32> to vector<1x16xf32>
      tpu.vector_store %arg9[%swap3A_633, %swap3A_634], %swap3A_637 {strides = array<i32>} : memref<112x144xf32, #tpu.memory_space<vmem>>, vector<1x16xf32>,
      %slice3A_638 = vector.extract_strided_slice %exp3A {offsets = [4], sizes = [1], strides = [1]} : vector<16xf32> to vector<1xf32>
      %squeeze3A_639 = vector.extract %slice3A_638[0] : f32 from vector<1xf32>
      %get3A_640 = arith.index_cast %scan3A_571 : i32 to index
      %get3A_641 = arith.constant 64 : index
      %get3A_642 = tpu.vector_load %arg9[%get3A_640, %get3A_641] {strides = array<i32>} : memref<112x144xf32, #tpu.memory_space<vmem>>, vector<1x16xf32>,
      %get3A_643 = vector.shape_cast %get3A_642 : vector<1x16xf32> to vector<16xf32>
      %mul3A_644 = vector.broadcast %squeeze3A_639 : f32 to vector<16xf32>
      %mul3A_645 = arith.mulf %get3A_643, %mul3A_644 : vector<16xf32>
      %swap3A_646 = arith.index_cast %scan3A_571 : i32 to index
      %swap3A_647 = arith.constant 64 : index
      %swap3A_648 = tpu.vector_load %arg9[%swap3A_646, %swap3A_647] {strides = array<i32>} : memref<112x144xf32, #tpu.memory_space<vmem>>, vector<1x16xf32>,
      %swap3A_649 = vector.shape_cast %swap3A_648 : vector<1x16xf32> to vector<16xf32>
      %swap3A_650 = vector.shape_cast %mul3A_645 : vector<16xf32> to vector<1x16xf32>
      tpu.vector_store %arg9[%swap3A_646, %swap3A_647], %swap3A_650 {strides = array<i32>} : memref<112x144xf32, #tpu.memory_space<vmem>>, vector<1x16xf32>,
      %slice3A_651 = vector.extract_strided_slice %exp3A {offsets = [5], sizes = [1], strides = [1]} : vector<16xf32> to vector<1xf32>
      %squeeze3A_652 = vector.extract %slice3A_651[0] : f32 from vector<1xf32>
      %get3A_653 = arith.index_cast %scan3A_571 : i32 to index
      %get3A_654 = arith.constant 80 : index
      %get3A_655 = tpu.vector_load %arg9[%get3A_653, %get3A_654] {strides = array<i32>} : memref<112x144xf32, #tpu.memory_space<vmem>>, vector<1x16xf32>,
      %get3A_656 = vector.shape_cast %get3A_655 : vector<1x16xf32> to vector<16xf32>
      %mul3A_657 = vector.broadcast %squeeze3A_652 : f32 to vector<16xf32>
      %mul3A_658 = arith.mulf %get3A_656, %mul3A_657 : vector<16xf32>
      %swap3A_659 = arith.index_cast %scan3A_571 : i32 to index
      %swap3A_660 = arith.constant 80 : index
      %swap3A_661 = tpu.vector_load %arg9[%swap3A_659, %swap3A_660] {strides = array<i32>} : memref<112x144xf32, #tpu.memory_space<vmem>>, vector<1x16xf32>,
      %swap3A_662 = vector.shape_cast %swap3A_661 : vector<1x16xf32> to vector<16xf32>
      %swap3A_663 = vector.shape_cast %mul3A_658 : vector<16xf32> to vector<1x16xf32>
      tpu.vector_store %arg9[%swap3A_659, %swap3A_660], %swap3A_663 {strides = array<i32>} : memref<112x144xf32, #tpu.memory_space<vmem>>, vector<1x16xf32>,
      %slice3A_664 = vector.extract_strided_slice %exp3A {offsets = [6], sizes = [1], strides = [1]} : vector<16xf32> to vector<1xf32>
      %squeeze3A_665 = vector.extract %slice3A_664[0] : f32 from vector<1xf32>
      %get3A_666 = arith.index_cast %scan3A_571 : i32 to index
      %get3A_667 = arith.constant 96 : index
      %get3A_668 = tpu.vector_load %arg9[%get3A_666, %get3A_667] {strides = array<i32>} : memref<112x144xf32, #tpu.memory_space<vmem>>, vector<1x16xf32>,
      %get3A_669 = vector.shape_cast %get3A_668 : vector<1x16xf32> to vector<16xf32>
      %mul3A_670 = vector.broadcast %squeeze3A_665 : f32 to vector<16xf32>
      %mul3A_671 = arith.mulf %get3A_669, %mul3A_670 : vector<16xf32>
      %swap3A_672 = arith.index_cast %scan3A_571 : i32 to index
      %swap3A_673 = arith.constant 96 : index
      %swap3A_674 = tpu.vector_load %arg9[%swap3A_672, %swap3A_673] {strides = array<i32>} : memref<112x144xf32, #tpu.memory_space<vmem>>, vector<1x16xf32>,
      %swap3A_675 = vector.shape_cast %swap3A_674 : vector<1x16xf32> to vector<16xf32>
      %swap3A_676 = vector.shape_cast %mul3A_671 : vector<16xf32> to vector<1x16xf32>
      tpu.vector_store %arg9[%swap3A_672, %swap3A_673], %swap3A_676 {strides = array<i32>} : memref<112x144xf32, #tpu.memory_space<vmem>>, vector<1x16xf32>,
      %slice3A_677 = vector.extract_strided_slice %exp3A {offsets = [7], sizes = [1], strides = [1]} : vector<16xf32> to vector<1xf32>
      %squeeze3A_678 = vector.extract %slice3A_677[0] : f32 from vector<1xf32>
      %get3A_679 = arith.index_cast %scan3A_571 : i32 to index
      %get3A_680 = arith.constant 112 : index
      %get3A_681 = tpu.vector_load %arg9[%get3A_679, %get3A_680] {strides = array<i32>} : memref<112x144xf32, #tpu.memory_space<vmem>>, vector<1x16xf32>,
      %get3A_682 = vector.shape_cast %get3A_681 : vector<1x16xf32> to vector<16xf32>
      %mul3A_683 = vector.broadcast %squeeze3A_678 : f32 to vector<16xf32>
      %mul3A_684 = arith.mulf %get3A_682, %mul3A_683 : vector<16xf32>
      %swap3A_685 = arith.index_cast %scan3A_571 : i32 to index
      %swap3A_686 = arith.constant 112 : index
      %swap3A_687 = tpu.vector_load %arg9[%swap3A_685, %swap3A_686] {strides = array<i32>} : memref<112x144xf32, #tpu.memory_space<vmem>>, vector<1x16xf32>,
      %swap3A_688 = vector.shape_cast %swap3A_687 : vector<1x16xf32> to vector<16xf32>
      %swap3A_689 = vector.shape_cast %mul3A_684 : vector<16xf32> to vector<1x16xf32>
      tpu.vector_store %arg9[%swap3A_685, %swap3A_686], %swap3A_689 {strides = array<i32>} : memref<112x144xf32, #tpu.memory_space<vmem>>, vector<1x16xf32>,
      %scan3A_690 = arith.constant 0 : i32
      scf.yield %scan3A_690 : i32
    }
    %scan3A_157 = arith.constant 112 : i32
    %dma_start3A_158 = arith.constant 1 : i32
    %dma_start3A_159 = arith.constant 2 : i32
    %dma_start3A_160 = arith.constant 0 : i32
    %dma_start3A_161 = tpu.memref_slice %arg6[%dma_start3A_158, %dma_start3A_159, %dma_start3A_160] : memref<4x3x112xi32, #tpu.memory_space<vmem>> -> memref<1x1x112xi32, #tpu.memory_space<vmem>>
    %dma_start3A_162 = tpu.memref_squeeze %dma_start3A_161 : memref<1x1x112xi32, #tpu.memory_space<vmem>> -> memref<112xi32, #tpu.memory_space<vmem>>
    %dma_start3A_163 = arith.constant 0 : i32
    %dma_start3A_164 = arith.constant 0 : i32
    %dma_start3A_165 = tpu.memref_slice %arg12[%dma_start3A_163, %dma_start3A_164] : memref<10016x144xf32, #tpu.memory_space<vmem_shared>> -> memref<10016x144xf32, #tpu.memory_space<vmem_shared>>
    tpu.enqueue_indirect_dma source(%arg9 : memref<112x144xf32, #tpu.memory_space<vmem>>) target(%dma_start3A_165 : memref<10016x144xf32, #tpu.memory_space<vmem_shared>>) offsets(%dma_start3A_162 : memref<112xi32, #tpu.memory_space<vmem>>) semaphore(%arg20 : memref<!tpu.dma_semaphore, #tpu.memory_space<semaphore_mem>>) {add = true}
    %dma_wait3A_166 = arith.constant 0 : i32
    %dma_wait3A_167 = arith.constant 0 : i32
    %dma_wait3A_168 = arith.constant 0 : i32
    %dma_wait3A_169 = tpu.memref_slice %arg6[%dma_wait3A_166, %dma_wait3A_167, %dma_wait3A_168] : memref<4x3x112xi32, #tpu.memory_space<vmem>> -> memref<1x1x112xi32, #tpu.memory_space<vmem>>
    %dma_wait3A_170 = tpu.memref_squeeze %dma_wait3A_169 : memref<1x1x112xi32, #tpu.memory_space<vmem>> -> memref<112xi32, #tpu.memory_space<vmem>>
    %dma_wait3A_171 = arith.constant 0 : i32
    %dma_wait3A_172 = arith.constant 0 : i32
    %dma_wait3A_173 = tpu.memref_slice %arg2[%dma_wait3A_171, %dma_wait3A_172] : memref<20480x144xf32, #tpu.memory_space<hbm>> -> memref<20480x144xf32, #tpu.memory_space<hbm>>
    tpu.wait_indirect_dma semaphore(%arg15 : memref<!tpu.dma_semaphore, #tpu.memory_space<semaphore_mem>>) src(%dma_wait3A_173 : memref<20480x144xf32, #tpu.memory_space<hbm>>) dst(%arg8 : memref<112x144xf32, #tpu.memory_space<vmem>>)
    %dma_wait3A_174 = arith.constant 0 : i32
    %dma_wait3A_175 = arith.constant 1 : i32
    %dma_wait3A_176 = arith.constant 0 : i32
    %dma_wait3A_177 = tpu.memref_slice %arg6[%dma_wait3A_174, %dma_wait3A_175, %dma_wait3A_176] : memref<4x3x112xi32, #tpu.memory_space<vmem>> -> memref<1x1x112xi32, #tpu.memory_space<vmem>>
    %dma_wait3A_178 = tpu.memref_squeeze %dma_wait3A_177 : memref<1x1x112xi32, #tpu.memory_space<vmem>> -> memref<112xi32, #tpu.memory_space<vmem>>
    %dma_wait3A_179 = arith.constant 0 : i32
    %dma_wait3A_180 = arith.constant 0 : i32
    %dma_wait3A_181 = tpu.memref_slice %arg3[%dma_wait3A_179, %dma_wait3A_180] : memref<20480x16xf32, #tpu.memory_space<hbm>> -> memref<20480x16xf32, #tpu.memory_space<hbm>>
    tpu.wait_indirect_dma semaphore(%arg17 : memref<!tpu.dma_semaphore, #tpu.memory_space<semaphore_mem>>) src(%dma_wait3A_181 : memref<20480x16xf32, #tpu.memory_space<hbm>>) dst(%arg10 : memref<112x16xf32, #tpu.memory_space<vmem>>)
    %dma_wait3A_182 = arith.constant 2 : i32
    %dma_wait3A_183 = arith.constant 2 : i32
    %dma_wait3A_184 = arith.constant 0 : i32
    %dma_wait3A_185 = tpu.memref_slice %arg6[%dma_wait3A_182, %dma_wait3A_183, %dma_wait3A_184] : memref<4x3x112xi32, #tpu.memory_space<vmem>> -> memref<1x1x112xi32, #tpu.memory_space<vmem>>
    %dma_wait3A_186 = tpu.memref_squeeze %dma_wait3A_185 : memref<1x1x112xi32, #tpu.memory_space<vmem>> -> memref<112xi32, #tpu.memory_space<vmem>>
    %dma_wait3A_187 = arith.constant 0 : i32
    %dma_wait3A_188 = arith.constant 0 : i32
    %dma_wait3A_189 = tpu.memref_slice %arg12[%dma_wait3A_187, %dma_wait3A_188] : memref<10016x144xf32, #tpu.memory_space<vmem_shared>> -> memref<10016x144xf32, #tpu.memory_space<vmem_shared>>
    tpu.wait_indirect_dma semaphore(%arg20 : memref<!tpu.dma_semaphore, #tpu.memory_space<semaphore_mem>>) src(%arg9 : memref<112x144xf32, #tpu.memory_space<vmem>>) dst(%dma_wait3A_189 : memref<10016x144xf32, #tpu.memory_space<vmem_shared>>)
    %dma_start3A_190 = arith.constant 3 : i32
    %dma_start3A_191 = arith.constant 0 : i32
    %dma_start3A_192 = arith.constant 0 : i32
    %dma_start3A_193 = tpu.memref_slice %arg6[%dma_start3A_190, %dma_start3A_191, %dma_start3A_192] : memref<4x3x112xi32, #tpu.memory_space<vmem>> -> memref<1x1x112xi32, #tpu.memory_space<vmem>>
    %dma_start3A_194 = tpu.memref_squeeze %dma_start3A_193 : memref<1x1x112xi32, #tpu.memory_space<vmem>> -> memref<112xi32, #tpu.memory_space<vmem>>
    %dma_start3A_195 = arith.constant 0 : i32
    %dma_start3A_196 = arith.constant 0 : i32
    %dma_start3A_197 = tpu.memref_slice %arg2[%dma_start3A_195, %dma_start3A_196] : memref<20480x144xf32, #tpu.memory_space<hbm>> -> memref<20480x144xf32, #tpu.memory_space<hbm>>
    tpu.enqueue_indirect_dma source(%dma_start3A_197 : memref<20480x144xf32, #tpu.memory_space<hbm>>) target(%arg9 : memref<112x144xf32, #tpu.memory_space<vmem>>) offsets(%dma_start3A_194 : memref<112xi32, #tpu.memory_space<vmem>>) semaphore(%arg16 : memref<!tpu.dma_semaphore, #tpu.memory_space<semaphore_mem>>)
    %dma_start3A_198 = arith.constant 3 : i32
    %dma_start3A_199 = arith.constant 1 : i32
    %dma_start3A_200 = arith.constant 0 : i32
    %dma_start3A_201 = tpu.memref_slice %arg6[%dma_start3A_198, %dma_start3A_199, %dma_start3A_200] : memref<4x3x112xi32, #tpu.memory_space<vmem>> -> memref<1x1x112xi32, #tpu.memory_space<vmem>>
    %dma_start3A_202 = tpu.memref_squeeze %dma_start3A_201 : memref<1x1x112xi32, #tpu.memory_space<vmem>> -> memref<112xi32, #tpu.memory_space<vmem>>
    %dma_start3A_203 = arith.constant 0 : i32
    %dma_start3A_204 = arith.constant 0 : i32
    %dma_start3A_205 = tpu.memref_slice %arg3[%dma_start3A_203, %dma_start3A_204] : memref<20480x16xf32, #tpu.memory_space<hbm>> -> memref<20480x16xf32, #tpu.memory_space<hbm>>
    tpu.enqueue_indirect_dma source(%dma_start3A_205 : memref<20480x16xf32, #tpu.memory_space<hbm>>) target(%arg11 : memref<112x16xf32, #tpu.memory_space<vmem>>) offsets(%dma_start3A_202 : memref<112xi32, #tpu.memory_space<vmem>>) semaphore(%arg18 : memref<!tpu.dma_semaphore, #tpu.memory_space<semaphore_mem>>)
    %scan3A_206 = arith.constant 0 : i32
    %scan3A_207 = arith.constant 0 : i32
    %scan3A_208 = arith.constant 112 : i32
    %scan3A_209 = arith.addi %scan3A_207, %scan3A_208 : i32
    %scan3A_210 = arith.constant 1 : i32
    %scan3A_211 = scf.for %scan3A_571 = %scan3A_207 to %scan3A_209 step %scan3A_210 iter_args(%scan3A_572 = %scan3A_206) -> (i32)  : i32 {
      %get3A = arith.index_cast %scan3A_571 : i32 to index
      %get3A_573 = arith.constant 128 : index
      %get3A_574 = tpu.vector_load %arg8[%get3A, %get3A_573] {strides = array<i32>} : memref<112x144xf32, #tpu.memory_space<vmem>>, vector<1x16xf32>,
      %get3A_575 = vector.shape_cast %get3A_574 : vector<1x16xf32> to vector<16xf32>
      %get3A_576 = arith.index_cast %scan3A_571 : i32 to index
      %get3A_577 = arith.constant 0 : index
      %get3A_578 = tpu.vector_load %arg10[%get3A_576, %get3A_577] {strides = array<i32>} : memref<112x16xf32, #tpu.memory_space<vmem>>, vector<1x16xf32>,
      %get3A_579 = vector.shape_cast %get3A_578 : vector<1x16xf32> to vector<16xf32>
      %add3A_580 = arith.addf %get3A_575, %get3A_579 : vector<16xf32>
      %mul3A_581 = arith.constant 2.000000e-01 : f32
      %mul3A_582 = vector.broadcast %mul3A_581 : f32 to vector<16xf32>
      %mul3A_583 = arith.mulf %mul3A_582, %add3A_580 : vector<16xf32>
      %max3A = arith.maximumf %add3A_580, %mul3A_583 : vector<16xf32>
      %exp3A = math.exp %max3A : vector<16xf32>
      %swap3A = arith.index_cast %scan3A_571 : i32 to index
      %swap3A_584 = arith.constant 128 : index
      %swap3A_585 = tpu.vector_load %arg8[%swap3A, %swap3A_584] {strides = array<i32>} : memref<112x144xf32, #tpu.memory_space<vmem>>, vector<1x16xf32>,
      %swap3A_586 = vector.shape_cast %swap3A_585 : vector<1x16xf32> to vector<16xf32>
      %swap3A_587 = vector.shape_cast %exp3A : vector<16xf32> to vector<1x16xf32>
      tpu.vector_store %arg8[%swap3A, %swap3A_584], %swap3A_587 {strides = array<i32>} : memref<112x144xf32, #tpu.memory_space<vmem>>, vector<1x16xf32>,
      %slice3A = vector.extract_strided_slice %exp3A {offsets = [0], sizes = [1], strides = [1]} : vector<16xf32> to vector<1xf32>
      %squeeze3A = vector.extract %slice3A[0] : f32 from vector<1xf32>
      %get3A_588 = arith.index_cast %scan3A_571 : i32 to index
      %get3A_589 = arith.constant 0 : index
      %get3A_590 = tpu.vector_load %arg8[%get3A_588, %get3A_589] {strides = array<i32>} : memref<112x144xf32, #tpu.memory_space<vmem>>, vector<1x16xf32>,
      %get3A_591 = vector.shape_cast %get3A_590 : vector<1x16xf32> to vector<16xf32>
      %mul3A_592 = vector.broadcast %squeeze3A : f32 to vector<16xf32>
      %mul3A_593 = arith.mulf %get3A_591, %mul3A_592 : vector<16xf32>
      %swap3A_594 = arith.index_cast %scan3A_571 : i32 to index
      %swap3A_595 = arith.constant 0 : index
      %swap3A_596 = tpu.vector_load %arg8[%swap3A_594, %swap3A_595] {strides = array<i32>} : memref<112x144xf32, #tpu.memory_space<vmem>>, vector<1x16xf32>,
      %swap3A_597 = vector.shape_cast %swap3A_596 : vector<1x16xf32> to vector<16xf32>
      %swap3A_598 = vector.shape_cast %mul3A_593 : vector<16xf32> to vector<1x16xf32>
      tpu.vector_store %arg8[%swap3A_594, %swap3A_595], %swap3A_598 {strides = array<i32>} : memref<112x144xf32, #tpu.memory_space<vmem>>, vector<1x16xf32>,
      %slice3A_599 = vector.extract_strided_slice %exp3A {offsets = [1], sizes = [1], strides = [1]} : vector<16xf32> to vector<1xf32>
      %squeeze3A_600 = vector.extract %slice3A_599[0] : f32 from vector<1xf32>
      %get3A_601 = arith.index_cast %scan3A_571 : i32 to index
      %get3A_602 = arith.constant 16 : index
      %get3A_603 = tpu.vector_load %arg8[%get3A_601, %get3A_602] {strides = array<i32>} : memref<112x144xf32, #tpu.memory_space<vmem>>, vector<1x16xf32>,
      %get3A_604 = vector.shape_cast %get3A_603 : vector<1x16xf32> to vector<16xf32>
      %mul3A_605 = vector.broadcast %squeeze3A_600 : f32 to vector<16xf32>
      %mul3A_606 = arith.mulf %get3A_604, %mul3A_605 : vector<16xf32>
      %swap3A_607 = arith.index_cast %scan3A_571 : i32 to index
      %swap3A_608 = arith.constant 16 : index
      %swap3A_609 = tpu.vector_load %arg8[%swap3A_607, %swap3A_608] {strides = array<i32>} : memref<112x144xf32, #tpu.memory_space<vmem>>, vector<1x16xf32>,
      %swap3A_610 = vector.shape_cast %swap3A_609 : vector<1x16xf32> to vector<16xf32>
      %swap3A_611 = vector.shape_cast %mul3A_606 : vector<16xf32> to vector<1x16xf32>
      tpu.vector_store %arg8[%swap3A_607, %swap3A_608], %swap3A_611 {strides = array<i32>} : memref<112x144xf32, #tpu.memory_space<vmem>>, vector<1x16xf32>,
      %slice3A_612 = vector.extract_strided_slice %exp3A {offsets = [2], sizes = [1], strides = [1]} : vector<16xf32> to vector<1xf32>
      %squeeze3A_613 = vector.extract %slice3A_612[0] : f32 from vector<1xf32>
      %get3A_614 = arith.index_cast %scan3A_571 : i32 to index
      %get3A_615 = arith.constant 32 : index
      %get3A_616 = tpu.vector_load %arg8[%get3A_614, %get3A_615] {strides = array<i32>} : memref<112x144xf32, #tpu.memory_space<vmem>>, vector<1x16xf32>,
      %get3A_617 = vector.shape_cast %get3A_616 : vector<1x16xf32> to vector<16xf32>
      %mul3A_618 = vector.broadcast %squeeze3A_613 : f32 to vector<16xf32>
      %mul3A_619 = arith.mulf %get3A_617, %mul3A_618 : vector<16xf32>
      %swap3A_620 = arith.index_cast %scan3A_571 : i32 to index
      %swap3A_621 = arith.constant 32 : index
      %swap3A_622 = tpu.vector_load %arg8[%swap3A_620, %swap3A_621] {strides = array<i32>} : memref<112x144xf32, #tpu.memory_space<vmem>>, vector<1x16xf32>,
      %swap3A_623 = vector.shape_cast %swap3A_622 : vector<1x16xf32> to vector<16xf32>
      %swap3A_624 = vector.shape_cast %mul3A_619 : vector<16xf32> to vector<1x16xf32>
      tpu.vector_store %arg8[%swap3A_620, %swap3A_621], %swap3A_624 {strides = array<i32>} : memref<112x144xf32, #tpu.memory_space<vmem>>, vector<1x16xf32>,
      %slice3A_625 = vector.extract_strided_slice %exp3A {offsets = [3], sizes = [1], strides = [1]} : vector<16xf32> to vector<1xf32>
      %squeeze3A_626 = vector.extract %slice3A_625[0] : f32 from vector<1xf32>
      %get3A_627 = arith.index_cast %scan3A_571 : i32 to index
      %get3A_628 = arith.constant 48 : index
      %get3A_629 = tpu.vector_load %arg8[%get3A_627, %get3A_628] {strides = array<i32>} : memref<112x144xf32, #tpu.memory_space<vmem>>, vector<1x16xf32>,
      %get3A_630 = vector.shape_cast %get3A_629 : vector<1x16xf32> to vector<16xf32>
      %mul3A_631 = vector.broadcast %squeeze3A_626 : f32 to vector<16xf32>
      %mul3A_632 = arith.mulf %get3A_630, %mul3A_631 : vector<16xf32>
      %swap3A_633 = arith.index_cast %scan3A_571 : i32 to index
      %swap3A_634 = arith.constant 48 : index
      %swap3A_635 = tpu.vector_load %arg8[%swap3A_633, %swap3A_634] {strides = array<i32>} : memref<112x144xf32, #tpu.memory_space<vmem>>, vector<1x16xf32>,
      %swap3A_636 = vector.shape_cast %swap3A_635 : vector<1x16xf32> to vector<16xf32>
      %swap3A_637 = vector.shape_cast %mul3A_632 : vector<16xf32> to vector<1x16xf32>
      tpu.vector_store %arg8[%swap3A_633, %swap3A_634], %swap3A_637 {strides = array<i32>} : memref<112x144xf32, #tpu.memory_space<vmem>>, vector<1x16xf32>,
      %slice3A_638 = vector.extract_strided_slice %exp3A {offsets = [4], sizes = [1], strides = [1]} : vector<16xf32> to vector<1xf32>
      %squeeze3A_639 = vector.extract %slice3A_638[0] : f32 from vector<1xf32>
      %get3A_640 = arith.index_cast %scan3A_571 : i32 to index
      %get3A_641 = arith.constant 64 : index
      %get3A_642 = tpu.vector_load %arg8[%get3A_640, %get3A_641] {strides = array<i32>} : memref<112x144xf32, #tpu.memory_space<vmem>>, vector<1x16xf32>,
      %get3A_643 = vector.shape_cast %get3A_642 : vector<1x16xf32> to vector<16xf32>
      %mul3A_644 = vector.broadcast %squeeze3A_639 : f32 to vector<16xf32>
      %mul3A_645 = arith.mulf %get3A_643, %mul3A_644 : vector<16xf32>
      %swap3A_646 = arith.index_cast %scan3A_571 : i32 to index
      %swap3A_647 = arith.constant 64 : index
      %swap3A_648 = tpu.vector_load %arg8[%swap3A_646, %swap3A_647] {strides = array<i32>} : memref<112x144xf32, #tpu.memory_space<vmem>>, vector<1x16xf32>,
      %swap3A_649 = vector.shape_cast %swap3A_648 : vector<1x16xf32> to vector<16xf32>
      %swap3A_650 = vector.shape_cast %mul3A_645 : vector<16xf32> to vector<1x16xf32>
      tpu.vector_store %arg8[%swap3A_646, %swap3A_647], %swap3A_650 {strides = array<i32>} : memref<112x144xf32, #tpu.memory_space<vmem>>, vector<1x16xf32>,
      %slice3A_651 = vector.extract_strided_slice %exp3A {offsets = [5], sizes = [1], strides = [1]} : vector<16xf32> to vector<1xf32>
      %squeeze3A_652 = vector.extract %slice3A_651[0] : f32 from vector<1xf32>
      %get3A_653 = arith.index_cast %scan3A_571 : i32 to index
      %get3A_654 = arith.constant 80 : index
      %get3A_655 = tpu.vector_load %arg8[%get3A_653, %get3A_654] {strides = array<i32>} : memref<112x144xf32, #tpu.memory_space<vmem>>, vector<1x16xf32>,
      %get3A_656 = vector.shape_cast %get3A_655 : vector<1x16xf32> to vector<16xf32>
      %mul3A_657 = vector.broadcast %squeeze3A_652 : f32 to vector<16xf32>
      %mul3A_658 = arith.mulf %get3A_656, %mul3A_657 : vector<16xf32>
      %swap3A_659 = arith.index_cast %scan3A_571 : i32 to index
      %swap3A_660 = arith.constant 80 : index
      %swap3A_661 = tpu.vector_load %arg8[%swap3A_659, %swap3A_660] {strides = array<i32>} : memref<112x144xf32, #tpu.memory_space<vmem>>, vector<1x16xf32>,
      %swap3A_662 = vector.shape_cast %swap3A_661 : vector<1x16xf32> to vector<16xf32>
      %swap3A_663 = vector.shape_cast %mul3A_658 : vector<16xf32> to vector<1x16xf32>
      tpu.vector_store %arg8[%swap3A_659, %swap3A_660], %swap3A_663 {strides = array<i32>} : memref<112x144xf32, #tpu.memory_space<vmem>>, vector<1x16xf32>,
      %slice3A_664 = vector.extract_strided_slice %exp3A {offsets = [6], sizes = [1], strides = [1]} : vector<16xf32> to vector<1xf32>
      %squeeze3A_665 = vector.extract %slice3A_664[0] : f32 from vector<1xf32>
      %get3A_666 = arith.index_cast %scan3A_571 : i32 to index
      %get3A_667 = arith.constant 96 : index
      %get3A_668 = tpu.vector_load %arg8[%get3A_666, %get3A_667] {strides = array<i32>} : memref<112x144xf32, #tpu.memory_space<vmem>>, vector<1x16xf32>,
      %get3A_669 = vector.shape_cast %get3A_668 : vector<1x16xf32> to vector<16xf32>
      %mul3A_670 = vector.broadcast %squeeze3A_665 : f32 to vector<16xf32>
      %mul3A_671 = arith.mulf %get3A_669, %mul3A_670 : vector<16xf32>
      %swap3A_672 = arith.index_cast %scan3A_571 : i32 to index
      %swap3A_673 = arith.constant 96 : index
      %swap3A_674 = tpu.vector_load %arg8[%swap3A_672, %swap3A_673] {strides = array<i32>} : memref<112x144xf32, #tpu.memory_space<vmem>>, vector<1x16xf32>,
      %swap3A_675 = vector.shape_cast %swap3A_674 : vector<1x16xf32> to vector<16xf32>
      %swap3A_676 = vector.shape_cast %mul3A_671 : vector<16xf32> to vector<1x16xf32>
      tpu.vector_store %arg8[%swap3A_672, %swap3A_673], %swap3A_676 {strides = array<i32>} : memref<112x144xf32, #tpu.memory_space<vmem>>, vector<1x16xf32>,
      %slice3A_677 = vector.extract_strided_slice %exp3A {offsets = [7], sizes = [1], strides = [1]} : vector<16xf32> to vector<1xf32>
      %squeeze3A_678 = vector.extract %slice3A_677[0] : f32 from vector<1xf32>
      %get3A_679 = arith.index_cast %scan3A_571 : i32 to index
      %get3A_680 = arith.constant 112 : index
      %get3A_681 = tpu.vector_load %arg8[%get3A_679, %get3A_680] {strides = array<i32>} : memref<112x144xf32, #tpu.memory_space<vmem>>, vector<1x16xf32>,
      %get3A_682 = vector.shape_cast %get3A_681 : vector<1x16xf32> to vector<16xf32>
      %mul3A_683 = vector.broadcast %squeeze3A_678 : f32 to vector<16xf32>
      %mul3A_684 = arith.mulf %get3A_682, %mul3A_683 : vector<16xf32>
      %swap3A_685 = arith.index_cast %scan3A_571 : i32 to index
      %swap3A_686 = arith.constant 112 : index
      %swap3A_687 = tpu.vector_load %arg8[%swap3A_685, %swap3A_686] {strides = array<i32>} : memref<112x144xf32, #tpu.memory_space<vmem>>, vector<1x16xf32>,
      %swap3A_688 = vector.shape_cast %swap3A_687 : vector<1x16xf32> to vector<16xf32>
      %swap3A_689 = vector.shape_cast %mul3A_684 : vector<16xf32> to vector<1x16xf32>
      tpu.vector_store %arg8[%swap3A_685, %swap3A_686], %swap3A_689 {strides = array<i32>} : memref<112x144xf32, #tpu.memory_space<vmem>>, vector<1x16xf32>,
      %scan3A_690 = arith.constant 0 : i32
      scf.yield %scan3A_690 : i32
    }
    %scan3A_212 = arith.constant 112 : i32
    %dma_start3A_213 = arith.constant 2 : i32
    %dma_start3A_214 = arith.constant 2 : i32
    %dma_start3A_215 = arith.constant 0 : i32
    %dma_start3A_216 = tpu.memref_slice %arg6[%dma_start3A_213, %dma_start3A_214, %dma_start3A_215] : memref<4x3x112xi32, #tpu.memory_space<vmem>> -> memref<1x1x112xi32, #tpu.memory_space<vmem>>
    %dma_start3A_217 = tpu.memref_squeeze %dma_start3A_216 : memref<1x1x112xi32, #tpu.memory_space<vmem>> -> memref<112xi32, #tpu.memory_space<vmem>>
    %dma_start3A_218 = arith.constant 0 : i32
    %dma_start3A_219 = arith.constant 0 : i32
    %dma_start3A_220 = tpu.memref_slice %arg12[%dma_start3A_218, %dma_start3A_219] : memref<10016x144xf32, #tpu.memory_space<vmem_shared>> -> memref<10016x144xf32, #tpu.memory_space<vmem_shared>>
    tpu.enqueue_indirect_dma source(%arg8 : memref<112x144xf32, #tpu.memory_space<vmem>>) target(%dma_start3A_220 : memref<10016x144xf32, #tpu.memory_space<vmem_shared>>) offsets(%dma_start3A_217 : memref<112xi32, #tpu.memory_space<vmem>>) semaphore(%arg19 : memref<!tpu.dma_semaphore, #tpu.memory_space<semaphore_mem>>) {add = true}
    %dma_wait3A_221 = arith.constant 0 : i32
    %dma_wait3A_222 = arith.constant 0 : i32
    %dma_wait3A_223 = arith.constant 0 : i32
    %dma_wait3A_224 = tpu.memref_slice %arg6[%dma_wait3A_221, %dma_wait3A_222, %dma_wait3A_223] : memref<4x3x112xi32, #tpu.memory_space<vmem>> -> memref<1x1x112xi32, #tpu.memory_space<vmem>>
    %dma_wait3A_225 = tpu.memref_squeeze %dma_wait3A_224 : memref<1x1x112xi32, #tpu.memory_space<vmem>> -> memref<112xi32, #tpu.memory_space<vmem>>
    %dma_wait3A_226 = arith.constant 0 : i32
    %dma_wait3A_227 = arith.constant 0 : i32
    %dma_wait3A_228 = tpu.memref_slice %arg2[%dma_wait3A_226, %dma_wait3A_227] : memref<20480x144xf32, #tpu.memory_space<hbm>> -> memref<20480x144xf32, #tpu.memory_space<hbm>>
    tpu.wait_indirect_dma semaphore(%arg16 : memref<!tpu.dma_semaphore, #tpu.memory_space<semaphore_mem>>) src(%dma_wait3A_228 : memref<20480x144xf32, #tpu.memory_space<hbm>>) dst(%arg9 : memref<112x144xf32, #tpu.memory_space<vmem>>)
    %dma_wait3A_229 = arith.constant 0 : i32
    %dma_wait3A_230 = arith.constant 1 : i32
    %dma_wait3A_231 = arith.constant 0 : i32
    %dma_wait3A_232 = tpu.memref_slice %arg6[%dma_wait3A_229, %dma_wait3A_230, %dma_wait3A_231] : memref<4x3x112xi32, #tpu.memory_space<vmem>> -> memref<1x1x112xi32, #tpu.memory_space<vmem>>
    %dma_wait3A_233 = tpu.memref_squeeze %dma_wait3A_232 : memref<1x1x112xi32, #tpu.memory_space<vmem>> -> memref<112xi32, #tpu.memory_space<vmem>>
    %dma_wait3A_234 = arith.constant 0 : i32
    %dma_wait3A_235 = arith.constant 0 : i32
    %dma_wait3A_236 = tpu.memref_slice %arg3[%dma_wait3A_234, %dma_wait3A_235] : memref<20480x16xf32, #tpu.memory_space<hbm>> -> memref<20480x16xf32, #tpu.memory_space<hbm>>
    tpu.wait_indirect_dma semaphore(%arg18 : memref<!tpu.dma_semaphore, #tpu.memory_space<semaphore_mem>>) src(%dma_wait3A_236 : memref<20480x16xf32, #tpu.memory_space<hbm>>) dst(%arg11 : memref<112x16xf32, #tpu.memory_space<vmem>>)
    %dma_wait3A_237 = arith.constant 3 : i32
    %dma_wait3A_238 = arith.constant 2 : i32
    %dma_wait3A_239 = arith.constant 0 : i32
    %dma_wait3A_240 = tpu.memref_slice %arg6[%dma_wait3A_237, %dma_wait3A_238, %dma_wait3A_239] : memref<4x3x112xi32, #tpu.memory_space<vmem>> -> memref<1x1x112xi32, #tpu.memory_space<vmem>>
    %dma_wait3A_241 = tpu.memref_squeeze %dma_wait3A_240 : memref<1x1x112xi32, #tpu.memory_space<vmem>> -> memref<112xi32, #tpu.memory_space<vmem>>
    %dma_wait3A_242 = arith.constant 0 : i32
    %dma_wait3A_243 = arith.constant 0 : i32
    %dma_wait3A_244 = tpu.memref_slice %arg12[%dma_wait3A_242, %dma_wait3A_243] : memref<10016x144xf32, #tpu.memory_space<vmem_shared>> -> memref<10016x144xf32, #tpu.memory_space<vmem_shared>>
    tpu.wait_indirect_dma semaphore(%arg19 : memref<!tpu.dma_semaphore, #tpu.memory_space<semaphore_mem>>) src(%arg8 : memref<112x144xf32, #tpu.memory_space<vmem>>) dst(%dma_wait3A_244 : memref<10016x144xf32, #tpu.memory_space<vmem_shared>>)
    %dma_wait3A_245 = arith.constant 0 : i32
    %dma_wait3A_246 = arith.constant 0 : i32
    %dma_wait3A_247 = arith.constant 0 : i32
    %dma_wait3A_248 = tpu.memref_slice %arg4[%arg0, %arg1, %dma_wait3A_245, %dma_wait3A_246, %dma_wait3A_247] : memref<2x16x188x3x112xi32, #tpu.memory_space<hbm>> -> memref<1x1x4x3x112xi32, #tpu.memory_space<hbm>>
    %dma_wait3A_249 = tpu.memref_squeeze %dma_wait3A_248 : memref<1x1x4x3x112xi32, #tpu.memory_space<hbm>> -> memref<4x3x112xi32, #tpu.memory_space<hbm>>
    %dma_wait3A_250 = arith.constant 0 : i32
    %dma_wait3A_251 = arith.constant 0 : i32
    %dma_wait3A_252 = arith.constant 0 : i32
    %dma_wait3A_253 = tpu.memref_slice %arg4[%arg0, %arg1, %dma_wait3A_250, %dma_wait3A_251, %dma_wait3A_252] : memref<2x16x188x3x112xi32, #tpu.memory_space<hbm>> -> memref<1x1x4x3x112xi32, #tpu.memory_space<hbm>>
    %dma_wait3A_254 = tpu.memref_squeeze %dma_wait3A_253 : memref<1x1x4x3x112xi32, #tpu.memory_space<hbm>> -> memref<4x3x112xi32, #tpu.memory_space<hbm>>
    tpu.wait_dma2 semaphore(%arg14 : memref<!tpu.dma_semaphore, #tpu.memory_space<semaphore_mem>>) src(%dma_wait3A_254 : memref<4x3x112xi32, #tpu.memory_space<hbm>>) dst(%arg7 : memref<4x3x112xi32, #tpu.memory_space<vmem>>)
    %dma_start3A_255 = arith.constant 0 : i32
    %dma_start3A_256 = arith.constant 0 : i32
    %dma_start3A_257 = arith.constant 0 : i32
    %dma_start3A_258 = tpu.memref_slice %arg7[%dma_start3A_255, %dma_start3A_256, %dma_start3A_257] : memref<4x3x112xi32, #tpu.memory_space<vmem>> -> memref<1x1x112xi32, #tpu.memory_space<vmem>>
    %dma_start3A_259 = tpu.memref_squeeze %dma_start3A_258 : memref<1x1x112xi32, #tpu.memory_space<vmem>> -> memref<112xi32, #tpu.memory_space<vmem>>
    %dma_start3A_260 = arith.constant 0 : i32
    %dma_start3A_261 = arith.constant 0 : i32
    %dma_start3A_262 = tpu.memref_slice %arg2[%dma_start3A_260, %dma_start3A_261] : memref<20480x144xf32, #tpu.memory_space<hbm>> -> memref<20480x144xf32, #tpu.memory_space<hbm>>
    tpu.enqueue_indirect_dma source(%dma_start3A_262 : memref<20480x144xf32, #tpu.memory_space<hbm>>) target(%arg8 : memref<112x144xf32, #tpu.memory_space<vmem>>) offsets(%dma_start3A_259 : memref<112xi32, #tpu.memory_space<vmem>>) semaphore(%arg15 : memref<!tpu.dma_semaphore, #tpu.memory_space<semaphore_mem>>)
    %dma_start3A_263 = arith.constant 0 : i32
    %dma_start3A_264 = arith.constant 1 : i32
    %dma_start3A_265 = arith.constant 0 : i32
    %dma_start3A_266 = tpu.memref_slice %arg7[%dma_start3A_263, %dma_start3A_264, %dma_start3A_265] : memref<4x3x112xi32, #tpu.memory_space<vmem>> -> memref<1x1x112xi32, #tpu.memory_space<vmem>>
    %dma_start3A_267 = tpu.memref_squeeze %dma_start3A_266 : memref<1x1x112xi32, #tpu.memory_space<vmem>> -> memref<112xi32, #tpu.memory_space<vmem>>
    %dma_start3A_268 = arith.constant 0 : i32
    %dma_start3A_269 = arith.constant 0 : i32
    %dma_start3A_270 = tpu.memref_slice %arg3[%dma_start3A_268, %dma_start3A_269] : memref<20480x16xf32, #tpu.memory_space<hbm>> -> memref<20480x16xf32, #tpu.memory_space<hbm>>
    tpu.enqueue_indirect_dma source(%dma_start3A_270 : memref<20480x16xf32, #tpu.memory_space<hbm>>) target(%arg10 : memref<112x16xf32, #tpu.memory_space<vmem>>) offsets(%dma_start3A_267 : memref<112xi32, #tpu.memory_space<vmem>>) semaphore(%arg17 : memref<!tpu.dma_semaphore, #tpu.memory_space<semaphore_mem>>)
    %scan3A_271 = arith.constant 0 : i32
    %scan3A_272 = arith.constant 0 : i32
    %scan3A_273 = arith.constant 112 : i32
    %scan3A_274 = arith.addi %scan3A_272, %scan3A_273 : i32
    %scan3A_275 = arith.constant 1 : i32
    %scan3A_276 = scf.for %scan3A_571 = %scan3A_272 to %scan3A_274 step %scan3A_275 iter_args(%scan3A_572 = %scan3A_271) -> (i32)  : i32 {
      %get3A = arith.index_cast %scan3A_571 : i32 to index
      %get3A_573 = arith.constant 128 : index
      %get3A_574 = tpu.vector_load %arg9[%get3A, %get3A_573] {strides = array<i32>} : memref<112x144xf32, #tpu.memory_space<vmem>>, vector<1x16xf32>,
      %get3A_575 = vector.shape_cast %get3A_574 : vector<1x16xf32> to vector<16xf32>
      %get3A_576 = arith.index_cast %scan3A_571 : i32 to index
      %get3A_577 = arith.constant 0 : index
      %get3A_578 = tpu.vector_load %arg11[%get3A_576, %get3A_577] {strides = array<i32>} : memref<112x16xf32, #tpu.memory_space<vmem>>, vector<1x16xf32>,
      %get3A_579 = vector.shape_cast %get3A_578 : vector<1x16xf32> to vector<16xf32>
      %add3A_580 = arith.addf %get3A_575, %get3A_579 : vector<16xf32>
      %mul3A_581 = arith.constant 2.000000e-01 : f32
      %mul3A_582 = vector.broadcast %mul3A_581 : f32 to vector<16xf32>
      %mul3A_583 = arith.mulf %mul3A_582, %add3A_580 : vector<16xf32>
      %max3A = arith.maximumf %add3A_580, %mul3A_583 : vector<16xf32>
      %exp3A = math.exp %max3A : vector<16xf32>
      %swap3A = arith.index_cast %scan3A_571 : i32 to index
      %swap3A_584 = arith.constant 128 : index
      %swap3A_585 = tpu.vector_load %arg9[%swap3A, %swap3A_584] {strides = array<i32>} : memref<112x144xf32, #tpu.memory_space<vmem>>, vector<1x16xf32>,
      %swap3A_586 = vector.shape_cast %swap3A_585 : vector<1x16xf32> to vector<16xf32>
      %swap3A_587 = vector.shape_cast %exp3A : vector<16xf32> to vector<1x16xf32>
      tpu.vector_store %arg9[%swap3A, %swap3A_584], %swap3A_587 {strides = array<i32>} : memref<112x144xf32, #tpu.memory_space<vmem>>, vector<1x16xf32>,
      %slice3A = vector.extract_strided_slice %exp3A {offsets = [0], sizes = [1], strides = [1]} : vector<16xf32> to vector<1xf32>
      %squeeze3A = vector.extract %slice3A[0] : f32 from vector<1xf32>
      %get3A_588 = arith.index_cast %scan3A_571 : i32 to index
      %get3A_589 = arith.constant 0 : index
      %get3A_590 = tpu.vector_load %arg9[%get3A_588, %get3A_589] {strides = array<i32>} : memref<112x144xf32, #tpu.memory_space<vmem>>, vector<1x16xf32>,
      %get3A_591 = vector.shape_cast %get3A_590 : vector<1x16xf32> to vector<16xf32>
      %mul3A_592 = vector.broadcast %squeeze3A : f32 to vector<16xf32>
      %mul3A_593 = arith.mulf %get3A_591, %mul3A_592 : vector<16xf32>
      %swap3A_594 = arith.index_cast %scan3A_571 : i32 to index
      %swap3A_595 = arith.constant 0 : index
      %swap3A_596 = tpu.vector_load %arg9[%swap3A_594, %swap3A_595] {strides = array<i32>} : memref<112x144xf32, #tpu.memory_space<vmem>>, vector<1x16xf32>,
      %swap3A_597 = vector.shape_cast %swap3A_596 : vector<1x16xf32> to vector<16xf32>
      %swap3A_598 = vector.shape_cast %mul3A_593 : vector<16xf32> to vector<1x16xf32>
      tpu.vector_store %arg9[%swap3A_594, %swap3A_595], %swap3A_598 {strides = array<i32>} : memref<112x144xf32, #tpu.memory_space<vmem>>, vector<1x16xf32>,
      %slice3A_599 = vector.extract_strided_slice %exp3A {offsets = [1], sizes = [1], strides = [1]} : vector<16xf32> to vector<1xf32>
      %squeeze3A_600 = vector.extract %slice3A_599[0] : f32 from vector<1xf32>
      %get3A_601 = arith.index_cast %scan3A_571 : i32 to index
      %get3A_602 = arith.constant 16 : index
      %get3A_603 = tpu.vector_load %arg9[%get3A_601, %get3A_602] {strides = array<i32>} : memref<112x144xf32, #tpu.memory_space<vmem>>, vector<1x16xf32>,
      %get3A_604 = vector.shape_cast %get3A_603 : vector<1x16xf32> to vector<16xf32>
      %mul3A_605 = vector.broadcast %squeeze3A_600 : f32 to vector<16xf32>
      %mul3A_606 = arith.mulf %get3A_604, %mul3A_605 : vector<16xf32>
      %swap3A_607 = arith.index_cast %scan3A_571 : i32 to index
      %swap3A_608 = arith.constant 16 : index
      %swap3A_609 = tpu.vector_load %arg9[%swap3A_607, %swap3A_608] {strides = array<i32>} : memref<112x144xf32, #tpu.memory_space<vmem>>, vector<1x16xf32>,
      %swap3A_610 = vector.shape_cast %swap3A_609 : vector<1x16xf32> to vector<16xf32>
      %swap3A_611 = vector.shape_cast %mul3A_606 : vector<16xf32> to vector<1x16xf32>
      tpu.vector_store %arg9[%swap3A_607, %swap3A_608], %swap3A_611 {strides = array<i32>} : memref<112x144xf32, #tpu.memory_space<vmem>>, vector<1x16xf32>,
      %slice3A_612 = vector.extract_strided_slice %exp3A {offsets = [2], sizes = [1], strides = [1]} : vector<16xf32> to vector<1xf32>
      %squeeze3A_613 = vector.extract %slice3A_612[0] : f32 from vector<1xf32>
      %get3A_614 = arith.index_cast %scan3A_571 : i32 to index
      %get3A_615 = arith.constant 32 : index
      %get3A_616 = tpu.vector_load %arg9[%get3A_614, %get3A_615] {strides = array<i32>} : memref<112x144xf32, #tpu.memory_space<vmem>>, vector<1x16xf32>,
      %get3A_617 = vector.shape_cast %get3A_616 : vector<1x16xf32> to vector<16xf32>
      %mul3A_618 = vector.broadcast %squeeze3A_613 : f32 to vector<16xf32>
      %mul3A_619 = arith.mulf %get3A_617, %mul3A_618 : vector<16xf32>
      %swap3A_620 = arith.index_cast %scan3A_571 : i32 to index
      %swap3A_621 = arith.constant 32 : index
      %swap3A_622 = tpu.vector_load %arg9[%swap3A_620, %swap3A_621] {strides = array<i32>} : memref<112x144xf32, #tpu.memory_space<vmem>>, vector<1x16xf32>,
      %swap3A_623 = vector.shape_cast %swap3A_622 : vector<1x16xf32> to vector<16xf32>
      %swap3A_624 = vector.shape_cast %mul3A_619 : vector<16xf32> to vector<1x16xf32>
      tpu.vector_store %arg9[%swap3A_620, %swap3A_621], %swap3A_624 {strides = array<i32>} : memref<112x144xf32, #tpu.memory_space<vmem>>, vector<1x16xf32>,
      %slice3A_625 = vector.extract_strided_slice %exp3A {offsets = [3], sizes = [1], strides = [1]} : vector<16xf32> to vector<1xf32>
      %squeeze3A_626 = vector.extract %slice3A_625[0] : f32 from vector<1xf32>
      %get3A_627 = arith.index_cast %scan3A_571 : i32 to index
      %get3A_628 = arith.constant 48 : index
      %get3A_629 = tpu.vector_load %arg9[%get3A_627, %get3A_628] {strides = array<i32>} : memref<112x144xf32, #tpu.memory_space<vmem>>, vector<1x16xf32>,
      %get3A_630 = vector.shape_cast %get3A_629 : vector<1x16xf32> to vector<16xf32>
      %mul3A_631 = vector.broadcast %squeeze3A_626 : f32 to vector<16xf32>
      %mul3A_632 = arith.mulf %get3A_630, %mul3A_631 : vector<16xf32>
      %swap3A_633 = arith.index_cast %scan3A_571 : i32 to index
      %swap3A_634 = arith.constant 48 : index
      %swap3A_635 = tpu.vector_load %arg9[%swap3A_633, %swap3A_634] {strides = array<i32>} : memref<112x144xf32, #tpu.memory_space<vmem>>, vector<1x16xf32>,
      %swap3A_636 = vector.shape_cast %swap3A_635 : vector<1x16xf32> to vector<16xf32>
      %swap3A_637 = vector.shape_cast %mul3A_632 : vector<16xf32> to vector<1x16xf32>
      tpu.vector_store %arg9[%swap3A_633, %swap3A_634], %swap3A_637 {strides = array<i32>} : memref<112x144xf32, #tpu.memory_space<vmem>>, vector<1x16xf32>,
      %slice3A_638 = vector.extract_strided_slice %exp3A {offsets = [4], sizes = [1], strides = [1]} : vector<16xf32> to vector<1xf32>
      %squeeze3A_639 = vector.extract %slice3A_638[0] : f32 from vector<1xf32>
      %get3A_640 = arith.index_cast %scan3A_571 : i32 to index
      %get3A_641 = arith.constant 64 : index
      %get3A_642 = tpu.vector_load %arg9[%get3A_640, %get3A_641] {strides = array<i32>} : memref<112x144xf32, #tpu.memory_space<vmem>>, vector<1x16xf32>,
      %get3A_643 = vector.shape_cast %get3A_642 : vector<1x16xf32> to vector<16xf32>
      %mul3A_644 = vector.broadcast %squeeze3A_639 : f32 to vector<16xf32>
      %mul3A_645 = arith.mulf %get3A_643, %mul3A_644 : vector<16xf32>
      %swap3A_646 = arith.index_cast %scan3A_571 : i32 to index
      %swap3A_647 = arith.constant 64 : index
      %swap3A_648 = tpu.vector_load %arg9[%swap3A_646, %swap3A_647] {strides = array<i32>} : memref<112x144xf32, #tpu.memory_space<vmem>>, vector<1x16xf32>,
      %swap3A_649 = vector.shape_cast %swap3A_648 : vector<1x16xf32> to vector<16xf32>
      %swap3A_650 = vector.shape_cast %mul3A_645 : vector<16xf32> to vector<1x16xf32>
      tpu.vector_store %arg9[%swap3A_646, %swap3A_647], %swap3A_650 {strides = array<i32>} : memref<112x144xf32, #tpu.memory_space<vmem>>, vector<1x16xf32>,
      %slice3A_651 = vector.extract_strided_slice %exp3A {offsets = [5], sizes = [1], strides = [1]} : vector<16xf32> to vector<1xf32>
      %squeeze3A_652 = vector.extract %slice3A_651[0] : f32 from vector<1xf32>
      %get3A_653 = arith.index_cast %scan3A_571 : i32 to index
      %get3A_654 = arith.constant 80 : index
      %get3A_655 = tpu.vector_load %arg9[%get3A_653, %get3A_654] {strides = array<i32>} : memref<112x144xf32, #tpu.memory_space<vmem>>, vector<1x16xf32>,
      %get3A_656 = vector.shape_cast %get3A_655 : vector<1x16xf32> to vector<16xf32>
      %mul3A_657 = vector.broadcast %squeeze3A_652 : f32 to vector<16xf32>
      %mul3A_658 = arith.mulf %get3A_656, %mul3A_657 : vector<16xf32>
      %swap3A_659 = arith.index_cast %scan3A_571 : i32 to index
      %swap3A_660 = arith.constant 80 : index
      %swap3A_661 = tpu.vector_load %arg9[%swap3A_659, %swap3A_660] {strides = array<i32>} : memref<112x144xf32, #tpu.memory_space<vmem>>, vector<1x16xf32>,
      %swap3A_662 = vector.shape_cast %swap3A_661 : vector<1x16xf32> to vector<16xf32>
      %swap3A_663 = vector.shape_cast %mul3A_658 : vector<16xf32> to vector<1x16xf32>
      tpu.vector_store %arg9[%swap3A_659, %swap3A_660], %swap3A_663 {strides = array<i32>} : memref<112x144xf32, #tpu.memory_space<vmem>>, vector<1x16xf32>,
      %slice3A_664 = vector.extract_strided_slice %exp3A {offsets = [6], sizes = [1], strides = [1]} : vector<16xf32> to vector<1xf32>
      %squeeze3A_665 = vector.extract %slice3A_664[0] : f32 from vector<1xf32>
      %get3A_666 = arith.index_cast %scan3A_571 : i32 to index
      %get3A_667 = arith.constant 96 : index
      %get3A_668 = tpu.vector_load %arg9[%get3A_666, %get3A_667] {strides = array<i32>} : memref<112x144xf32, #tpu.memory_space<vmem>>, vector<1x16xf32>,
      %get3A_669 = vector.shape_cast %get3A_668 : vector<1x16xf32> to vector<16xf32>
      %mul3A_670 = vector.broadcast %squeeze3A_665 : f32 to vector<16xf32>
      %mul3A_671 = arith.mulf %get3A_669, %mul3A_670 : vector<16xf32>
      %swap3A_672 = arith.index_cast %scan3A_571 : i32 to index
      %swap3A_673 = arith.constant 96 : index
      %swap3A_674 = tpu.vector_load %arg9[%swap3A_672, %swap3A_673] {strides = array<i32>} : memref<112x144xf32, #tpu.memory_space<vmem>>, vector<1x16xf32>,
      %swap3A_675 = vector.shape_cast %swap3A_674 : vector<1x16xf32> to vector<16xf32>
      %swap3A_676 = vector.shape_cast %mul3A_671 : vector<16xf32> to vector<1x16xf32>
      tpu.vector_store %arg9[%swap3A_672, %swap3A_673], %swap3A_676 {strides = array<i32>} : memref<112x144xf32, #tpu.memory_space<vmem>>, vector<1x16xf32>,
      %slice3A_677 = vector.extract_strided_slice %exp3A {offsets = [7], sizes = [1], strides = [1]} : vector<16xf32> to vector<1xf32>
      %squeeze3A_678 = vector.extract %slice3A_677[0] : f32 from vector<1xf32>
      %get3A_679 = arith.index_cast %scan3A_571 : i32 to index
      %get3A_680 = arith.constant 112 : index
      %get3A_681 = tpu.vector_load %arg9[%get3A_679, %get3A_680] {strides = array<i32>} : memref<112x144xf32, #tpu.memory_space<vmem>>, vector<1x16xf32>,
      %get3A_682 = vector.shape_cast %get3A_681 : vector<1x16xf32> to vector<16xf32>
      %mul3A_683 = vector.broadcast %squeeze3A_678 : f32 to vector<16xf32>
      %mul3A_684 = arith.mulf %get3A_682, %mul3A_683 : vector<16xf32>
      %swap3A_685 = arith.index_cast %scan3A_571 : i32 to index
      %swap3A_686 = arith.constant 112 : index
      %swap3A_687 = tpu.vector_load %arg9[%swap3A_685, %swap3A_686] {strides = array<i32>} : memref<112x144xf32, #tpu.memory_space<vmem>>, vector<1x16xf32>,
      %swap3A_688 = vector.shape_cast %swap3A_687 : vector<1x16xf32> to vector<16xf32>
      %swap3A_689 = vector.shape_cast %mul3A_684 : vector<16xf32> to vector<1x16xf32>
      tpu.vector_store %arg9[%swap3A_685, %swap3A_686], %swap3A_689 {strides = array<i32>} : memref<112x144xf32, #tpu.memory_space<vmem>>, vector<1x16xf32>,
      %scan3A_690 = arith.constant 0 : i32
      scf.yield %scan3A_690 : i32
    }
    %scan3A_277 = arith.constant 112 : i32
    %dma_start3A_278 = arith.constant 3 : i32
    %dma_start3A_279 = arith.constant 2 : i32
    %dma_start3A_280 = arith.constant 0 : i32
    %dma_start3A_281 = tpu.memref_slice %arg6[%dma_start3A_278, %dma_start3A_279, %dma_start3A_280] : memref<4x3x112xi32, #tpu.memory_space<vmem>> -> memref<1x1x112xi32, #tpu.memory_space<vmem>>
    %dma_start3A_282 = tpu.memref_squeeze %dma_start3A_281 : memref<1x1x112xi32, #tpu.memory_space<vmem>> -> memref<112xi32, #tpu.memory_space<vmem>>
    %dma_start3A_283 = arith.constant 0 : i32
    %dma_start3A_284 = arith.constant 0 : i32
    %dma_start3A_285 = tpu.memref_slice %arg12[%dma_start3A_283, %dma_start3A_284] : memref<10016x144xf32, #tpu.memory_space<vmem_shared>> -> memref<10016x144xf32, #tpu.memory_space<vmem_shared>>
    tpu.enqueue_indirect_dma source(%arg9 : memref<112x144xf32, #tpu.memory_space<vmem>>) target(%dma_start3A_285 : memref<10016x144xf32, #tpu.memory_space<vmem_shared>>) offsets(%dma_start3A_282 : memref<112xi32, #tpu.memory_space<vmem>>) semaphore(%arg20 : memref<!tpu.dma_semaphore, #tpu.memory_space<semaphore_mem>>) {add = true}
    %dma_wait3A_286 = arith.constant 0 : i32
    %dma_wait3A_287 = arith.constant 0 : i32
    %dma_wait3A_288 = arith.constant 0 : i32
    %dma_wait3A_289 = tpu.memref_slice %arg6[%dma_wait3A_286, %dma_wait3A_287, %dma_wait3A_288] : memref<4x3x112xi32, #tpu.memory_space<vmem>> -> memref<1x1x112xi32, #tpu.memory_space<vmem>>
    %dma_wait3A_290 = tpu.memref_squeeze %dma_wait3A_289 : memref<1x1x112xi32, #tpu.memory_space<vmem>> -> memref<112xi32, #tpu.memory_space<vmem>>
    %dma_wait3A_291 = arith.constant 0 : i32
    %dma_wait3A_292 = arith.constant 0 : i32
    %dma_wait3A_293 = tpu.memref_slice %arg2[%dma_wait3A_291, %dma_wait3A_292] : memref<20480x144xf32, #tpu.memory_space<hbm>> -> memref<20480x144xf32, #tpu.memory_space<hbm>>
    tpu.wait_indirect_dma semaphore(%arg15 : memref<!tpu.dma_semaphore, #tpu.memory_space<semaphore_mem>>) src(%dma_wait3A_293 : memref<20480x144xf32, #tpu.memory_space<hbm>>) dst(%arg8 : memref<112x144xf32, #tpu.memory_space<vmem>>)
    %dma_wait3A_294 = arith.constant 0 : i32
    %dma_wait3A_295 = arith.constant 1 : i32
    %dma_wait3A_296 = arith.constant 0 : i32
    %dma_wait3A_297 = tpu.memref_slice %arg6[%dma_wait3A_294, %dma_wait3A_295, %dma_wait3A_296] : memref<4x3x112xi32, #tpu.memory_space<vmem>> -> memref<1x1x112xi32, #tpu.memory_space<vmem>>
    %dma_wait3A_298 = tpu.memref_squeeze %dma_wait3A_297 : memref<1x1x112xi32, #tpu.memory_space<vmem>> -> memref<112xi32, #tpu.memory_space<vmem>>
    %dma_wait3A_299 = arith.constant 0 : i32
    %dma_wait3A_300 = arith.constant 0 : i32
    %dma_wait3A_301 = tpu.memref_slice %arg3[%dma_wait3A_299, %dma_wait3A_300] : memref<20480x16xf32, #tpu.memory_space<hbm>> -> memref<20480x16xf32, #tpu.memory_space<hbm>>
    tpu.wait_indirect_dma semaphore(%arg17 : memref<!tpu.dma_semaphore, #tpu.memory_space<semaphore_mem>>) src(%dma_wait3A_301 : memref<20480x16xf32, #tpu.memory_space<hbm>>) dst(%arg10 : memref<112x16xf32, #tpu.memory_space<vmem>>)
    %dma_wait3A_302 = arith.constant 0 : i32
    %dma_wait3A_303 = arith.constant 2 : i32
    %dma_wait3A_304 = arith.constant 0 : i32
    %dma_wait3A_305 = tpu.memref_slice %arg7[%dma_wait3A_302, %dma_wait3A_303, %dma_wait3A_304] : memref<4x3x112xi32, #tpu.memory_space<vmem>> -> memref<1x1x112xi32, #tpu.memory_space<vmem>>
    %dma_wait3A_306 = tpu.memref_squeeze %dma_wait3A_305 : memref<1x1x112xi32, #tpu.memory_space<vmem>> -> memref<112xi32, #tpu.memory_space<vmem>>
    %dma_wait3A_307 = arith.constant 0 : i32
    %dma_wait3A_308 = arith.constant 0 : i32
    %dma_wait3A_309 = tpu.memref_slice %arg12[%dma_wait3A_307, %dma_wait3A_308] : memref<10016x144xf32, #tpu.memory_space<vmem_shared>> -> memref<10016x144xf32, #tpu.memory_space<vmem_shared>>
    tpu.wait_indirect_dma semaphore(%arg20 : memref<!tpu.dma_semaphore, #tpu.memory_space<semaphore_mem>>) src(%arg9 : memref<112x144xf32, #tpu.memory_space<vmem>>) dst(%dma_wait3A_309 : memref<10016x144xf32, #tpu.memory_space<vmem_shared>>)
    %add3A_310 = arith.constant 4 : i32
    %add3A_311 = arith.constant 4 : i32
    %add3A_312 = arith.addi %add3A_310, %add3A_311 : i32
    %dma_start3A_313 = arith.constant 0 : i32
    %dma_start3A_314 = arith.constant 0 : i32
    %dma_start3A_315 = tpu.memref_slice %arg4[%arg0, %arg1, %add3A_312, %dma_start3A_313, %dma_start3A_314] : memref<2x16x188x3x112xi32, #tpu.memory_space<hbm>> -> memref<1x1x4x3x112xi32, #tpu.memory_space<hbm>>
    %dma_start3A_316 = tpu.memref_squeeze %dma_start3A_315 : memref<1x1x4x3x112xi32, #tpu.memory_space<hbm>> -> memref<4x3x112xi32, #tpu.memory_space<hbm>>
    %dma_start3A_317 = arith.constant 0 : i32
    %dma_start3A_318 = arith.constant 0 : i32
    %dma_start3A_319 = tpu.memref_slice %arg4[%arg0, %arg1, %add3A_312, %dma_start3A_317, %dma_start3A_318] : memref<2x16x188x3x112xi32, #tpu.memory_space<hbm>> -> memref<1x1x4x3x112xi32, #tpu.memory_space<hbm>>
    %dma_start3A_320 = tpu.memref_squeeze %dma_start3A_319 : memref<1x1x4x3x112xi32, #tpu.memory_space<hbm>> -> memref<4x3x112xi32, #tpu.memory_space<hbm>>
    tpu.enqueue_dma source(%dma_start3A_320 : memref<4x3x112xi32, #tpu.memory_space<hbm>>) target(%arg6 : memref<4x3x112xi32, #tpu.memory_space<vmem>>) target_semaphore(%arg13 : memref<!tpu.dma_semaphore, #tpu.memory_space<semaphore_mem>>)
    %dma_start3A_321 = arith.constant 1 : i32
    %dma_start3A_322 = arith.constant 0 : i32
    %dma_start3A_323 = arith.constant 0 : i32
    %dma_start3A_324 = tpu.memref_slice %arg7[%dma_start3A_321, %dma_start3A_322, %dma_start3A_323] : memref<4x3x112xi32, #tpu.memory_space<vmem>> -> memref<1x1x112xi32, #tpu.memory_space<vmem>>
    %dma_start3A_325 = tpu.memref_squeeze %dma_start3A_324 : memref<1x1x112xi32, #tpu.memory_space<vmem>> -> memref<112xi32, #tpu.memory_space<vmem>>
    %dma_start3A_326 = arith.constant 0 : i32
    %dma_start3A_327 = arith.constant 0 : i32
    %dma_start3A_328 = tpu.memref_slice %arg2[%dma_start3A_326, %dma_start3A_327] : memref<20480x144xf32, #tpu.memory_space<hbm>> -> memref<20480x144xf32, #tpu.memory_space<hbm>>
    tpu.enqueue_indirect_dma source(%dma_start3A_328 : memref<20480x144xf32, #tpu.memory_space<hbm>>) target(%arg9 : memref<112x144xf32, #tpu.memory_space<vmem>>) offsets(%dma_start3A_325 : memref<112xi32, #tpu.memory_space<vmem>>) semaphore(%arg16 : memref<!tpu.dma_semaphore, #tpu.memory_space<semaphore_mem>>)
    %dma_start3A_329 = arith.constant 1 : i32
    %dma_start3A_330 = arith.constant 1 : i32
    %dma_start3A_331 = arith.constant 0 : i32
    %dma_start3A_332 = tpu.memref_slice %arg7[%dma_start3A_329, %dma_start3A_330, %dma_start3A_331] : memref<4x3x112xi32, #tpu.memory_space<vmem>> -> memref<1x1x112xi32, #tpu.memory_space<vmem>>
    %dma_start3A_333 = tpu.memref_squeeze %dma_start3A_332 : memref<1x1x112xi32, #tpu.memory_space<vmem>> -> memref<112xi32, #tpu.memory_space<vmem>>
    %dma_start3A_334 = arith.constant 0 : i32
    %dma_start3A_335 = arith.constant 0 : i32
    %dma_start3A_336 = tpu.memref_slice %arg3[%dma_start3A_334, %dma_start3A_335] : memref<20480x16xf32, #tpu.memory_space<hbm>> -> memref<20480x16xf32, #tpu.memory_space<hbm>>
    tpu.enqueue_indirect_dma source(%dma_start3A_336 : memref<20480x16xf32, #tpu.memory_space<hbm>>) target(%arg11 : memref<112x16xf32, #tpu.memory_space<vmem>>) offsets(%dma_start3A_333 : memref<112xi32, #tpu.memory_space<vmem>>) semaphore(%arg18 : memref<!tpu.dma_semaphore, #tpu.memory_space<semaphore_mem>>)
    %scan3A_337 = arith.constant 0 : i32
    %scan3A_338 = arith.constant 0 : i32
    %scan3A_339 = arith.constant 112 : i32
    %scan3A_340 = arith.addi %scan3A_338, %scan3A_339 : i32
    %scan3A_341 = arith.constant 1 : i32
    %scan3A_342 = scf.for %scan3A_571 = %scan3A_338 to %scan3A_340 step %scan3A_341 iter_args(%scan3A_572 = %scan3A_337) -> (i32)  : i32 {
      %get3A = arith.index_cast %scan3A_571 : i32 to index
      %get3A_573 = arith.constant 128 : index
      %get3A_574 = tpu.vector_load %arg8[%get3A, %get3A_573] {strides = array<i32>} : memref<112x144xf32, #tpu.memory_space<vmem>>, vector<1x16xf32>,
      %get3A_575 = vector.shape_cast %get3A_574 : vector<1x16xf32> to vector<16xf32>
      %get3A_576 = arith.index_cast %scan3A_571 : i32 to index
      %get3A_577 = arith.constant 0 : index
      %get3A_578 = tpu.vector_load %arg10[%get3A_576, %get3A_577] {strides = array<i32>} : memref<112x16xf32, #tpu.memory_space<vmem>>, vector<1x16xf32>,
      %get3A_579 = vector.shape_cast %get3A_578 : vector<1x16xf32> to vector<16xf32>
      %add3A_580 = arith.addf %get3A_575, %get3A_579 : vector<16xf32>
      %mul3A_581 = arith.constant 2.000000e-01 : f32
      %mul3A_582 = vector.broadcast %mul3A_581 : f32 to vector<16xf32>
      %mul3A_583 = arith.mulf %mul3A_582, %add3A_580 : vector<16xf32>
      %max3A = arith.maximumf %add3A_580, %mul3A_583 : vector<16xf32>
      %exp3A = math.exp %max3A : vector<16xf32>
      %swap3A = arith.index_cast %scan3A_571 : i32 to index
      %swap3A_584 = arith.constant 128 : index
      %swap3A_585 = tpu.vector_load %arg8[%swap3A, %swap3A_584] {strides = array<i32>} : memref<112x144xf32, #tpu.memory_space<vmem>>, vector<1x16xf32>,
      %swap3A_586 = vector.shape_cast %swap3A_585 : vector<1x16xf32> to vector<16xf32>
      %swap3A_587 = vector.shape_cast %exp3A : vector<16xf32> to vector<1x16xf32>
      tpu.vector_store %arg8[%swap3A, %swap3A_584], %swap3A_587 {strides = array<i32>} : memref<112x144xf32, #tpu.memory_space<vmem>>, vector<1x16xf32>,
      %slice3A = vector.extract_strided_slice %exp3A {offsets = [0], sizes = [1], strides = [1]} : vector<16xf32> to vector<1xf32>
      %squeeze3A = vector.extract %slice3A[0] : f32 from vector<1xf32>
      %get3A_588 = arith.index_cast %scan3A_571 : i32 to index
      %get3A_589 = arith.constant 0 : index
      %get3A_590 = tpu.vector_load %arg8[%get3A_588, %get3A_589] {strides = array<i32>} : memref<112x144xf32, #tpu.memory_space<vmem>>, vector<1x16xf32>,
      %get3A_591 = vector.shape_cast %get3A_590 : vector<1x16xf32> to vector<16xf32>
      %mul3A_592 = vector.broadcast %squeeze3A : f32 to vector<16xf32>
      %mul3A_593 = arith.mulf %get3A_591, %mul3A_592 : vector<16xf32>
      %swap3A_594 = arith.index_cast %scan3A_571 : i32 to index
      %swap3A_595 = arith.constant 0 : index
      %swap3A_596 = tpu.vector_load %arg8[%swap3A_594, %swap3A_595] {strides = array<i32>} : memref<112x144xf32, #tpu.memory_space<vmem>>, vector<1x16xf32>,
      %swap3A_597 = vector.shape_cast %swap3A_596 : vector<1x16xf32> to vector<16xf32>
      %swap3A_598 = vector.shape_cast %mul3A_593 : vector<16xf32> to vector<1x16xf32>
      tpu.vector_store %arg8[%swap3A_594, %swap3A_595], %swap3A_598 {strides = array<i32>} : memref<112x144xf32, #tpu.memory_space<vmem>>, vector<1x16xf32>,
      %slice3A_599 = vector.extract_strided_slice %exp3A {offsets = [1], sizes = [1], strides = [1]} : vector<16xf32> to vector<1xf32>
      %squeeze3A_600 = vector.extract %slice3A_599[0] : f32 from vector<1xf32>
      %get3A_601 = arith.index_cast %scan3A_571 : i32 to index
      %get3A_602 = arith.constant 16 : index
      %get3A_603 = tpu.vector_load %arg8[%get3A_601, %get3A_602] {strides = array<i32>} : memref<112x144xf32, #tpu.memory_space<vmem>>, vector<1x16xf32>,
      %get3A_604 = vector.shape_cast %get3A_603 : vector<1x16xf32> to vector<16xf32>
      %mul3A_605 = vector.broadcast %squeeze3A_600 : f32 to vector<16xf32>
      %mul3A_606 = arith.mulf %get3A_604, %mul3A_605 : vector<16xf32>
      %swap3A_607 = arith.index_cast %scan3A_571 : i32 to index
      %swap3A_608 = arith.constant 16 : index
      %swap3A_609 = tpu.vector_load %arg8[%swap3A_607, %swap3A_608] {strides = array<i32>} : memref<112x144xf32, #tpu.memory_space<vmem>>, vector<1x16xf32>,
      %swap3A_610 = vector.shape_cast %swap3A_609 : vector<1x16xf32> to vector<16xf32>
      %swap3A_611 = vector.shape_cast %mul3A_606 : vector<16xf32> to vector<1x16xf32>
      tpu.vector_store %arg8[%swap3A_607, %swap3A_608], %swap3A_611 {strides = array<i32>} : memref<112x144xf32, #tpu.memory_space<vmem>>, vector<1x16xf32>,
      %slice3A_612 = vector.extract_strided_slice %exp3A {offsets = [2], sizes = [1], strides = [1]} : vector<16xf32> to vector<1xf32>
      %squeeze3A_613 = vector.extract %slice3A_612[0] : f32 from vector<1xf32>
      %get3A_614 = arith.index_cast %scan3A_571 : i32 to index
      %get3A_615 = arith.constant 32 : index
      %get3A_616 = tpu.vector_load %arg8[%get3A_614, %get3A_615] {strides = array<i32>} : memref<112x144xf32, #tpu.memory_space<vmem>>, vector<1x16xf32>,
      %get3A_617 = vector.shape_cast %get3A_616 : vector<1x16xf32> to vector<16xf32>
      %mul3A_618 = vector.broadcast %squeeze3A_613 : f32 to vector<16xf32>
      %mul3A_619 = arith.mulf %get3A_617, %mul3A_618 : vector<16xf32>
      %swap3A_620 = arith.index_cast %scan3A_571 : i32 to index
      %swap3A_621 = arith.constant 32 : index
      %swap3A_622 = tpu.vector_load %arg8[%swap3A_620, %swap3A_621] {strides = array<i32>} : memref<112x144xf32, #tpu.memory_space<vmem>>, vector<1x16xf32>,
      %swap3A_623 = vector.shape_cast %swap3A_622 : vector<1x16xf32> to vector<16xf32>
      %swap3A_624 = vector.shape_cast %mul3A_619 : vector<16xf32> to vector<1x16xf32>
      tpu.vector_store %arg8[%swap3A_620, %swap3A_621], %swap3A_624 {strides = array<i32>} : memref<112x144xf32, #tpu.memory_space<vmem>>, vector<1x16xf32>,
      %slice3A_625 = vector.extract_strided_slice %exp3A {offsets = [3], sizes = [1], strides = [1]} : vector<16xf32> to vector<1xf32>
      %squeeze3A_626 = vector.extract %slice3A_625[0] : f32 from vector<1xf32>
      %get3A_627 = arith.index_cast %scan3A_571 : i32 to index
      %get3A_628 = arith.constant 48 : index
      %get3A_629 = tpu.vector_load %arg8[%get3A_627, %get3A_628] {strides = array<i32>} : memref<112x144xf32, #tpu.memory_space<vmem>>, vector<1x16xf32>,
      %get3A_630 = vector.shape_cast %get3A_629 : vector<1x16xf32> to vector<16xf32>
      %mul3A_631 = vector.broadcast %squeeze3A_626 : f32 to vector<16xf32>
      %mul3A_632 = arith.mulf %get3A_630, %mul3A_631 : vector<16xf32>
      %swap3A_633 = arith.index_cast %scan3A_571 : i32 to index
      %swap3A_634 = arith.constant 48 : index
      %swap3A_635 = tpu.vector_load %arg8[%swap3A_633, %swap3A_634] {strides = array<i32>} : memref<112x144xf32, #tpu.memory_space<vmem>>, vector<1x16xf32>,
      %swap3A_636 = vector.shape_cast %swap3A_635 : vector<1x16xf32> to vector<16xf32>
      %swap3A_637 = vector.shape_cast %mul3A_632 : vector<16xf32> to vector<1x16xf32>
      tpu.vector_store %arg8[%swap3A_633, %swap3A_634], %swap3A_637 {strides = array<i32>} : memref<112x144xf32, #tpu.memory_space<vmem>>, vector<1x16xf32>,
      %slice3A_638 = vector.extract_strided_slice %exp3A {offsets = [4], sizes = [1], strides = [1]} : vector<16xf32> to vector<1xf32>
      %squeeze3A_639 = vector.extract %slice3A_638[0] : f32 from vector<1xf32>
      %get3A_640 = arith.index_cast %scan3A_571 : i32 to index
      %get3A_641 = arith.constant 64 : index
      %get3A_642 = tpu.vector_load %arg8[%get3A_640, %get3A_641] {strides = array<i32>} : memref<112x144xf32, #tpu.memory_space<vmem>>, vector<1x16xf32>,
      %get3A_643 = vector.shape_cast %get3A_642 : vector<1x16xf32> to vector<16xf32>
      %mul3A_644 = vector.broadcast %squeeze3A_639 : f32 to vector<16xf32>
      %mul3A_645 = arith.mulf %get3A_643, %mul3A_644 : vector<16xf32>
      %swap3A_646 = arith.index_cast %scan3A_571 : i32 to index
      %swap3A_647 = arith.constant 64 : index
      %swap3A_648 = tpu.vector_load %arg8[%swap3A_646, %swap3A_647] {strides = array<i32>} : memref<112x144xf32, #tpu.memory_space<vmem>>, vector<1x16xf32>,
      %swap3A_649 = vector.shape_cast %swap3A_648 : vector<1x16xf32> to vector<16xf32>
      %swap3A_650 = vector.shape_cast %mul3A_645 : vector<16xf32> to vector<1x16xf32>
      tpu.vector_store %arg8[%swap3A_646, %swap3A_647], %swap3A_650 {strides = array<i32>} : memref<112x144xf32, #tpu.memory_space<vmem>>, vector<1x16xf32>,
      %slice3A_651 = vector.extract_strided_slice %exp3A {offsets = [5], sizes = [1], strides = [1]} : vector<16xf32> to vector<1xf32>
      %squeeze3A_652 = vector.extract %slice3A_651[0] : f32 from vector<1xf32>
      %get3A_653 = arith.index_cast %scan3A_571 : i32 to index
      %get3A_654 = arith.constant 80 : index
      %get3A_655 = tpu.vector_load %arg8[%get3A_653, %get3A_654] {strides = array<i32>} : memref<112x144xf32, #tpu.memory_space<vmem>>, vector<1x16xf32>,
      %get3A_656 = vector.shape_cast %get3A_655 : vector<1x16xf32> to vector<16xf32>
      %mul3A_657 = vector.broadcast %squeeze3A_652 : f32 to vector<16xf32>
      %mul3A_658 = arith.mulf %get3A_656, %mul3A_657 : vector<16xf32>
      %swap3A_659 = arith.index_cast %scan3A_571 : i32 to index
      %swap3A_660 = arith.constant 80 : index
      %swap3A_661 = tpu.vector_load %arg8[%swap3A_659, %swap3A_660] {strides = array<i32>} : memref<112x144xf32, #tpu.memory_space<vmem>>, vector<1x16xf32>,
      %swap3A_662 = vector.shape_cast %swap3A_661 : vector<1x16xf32> to vector<16xf32>
      %swap3A_663 = vector.shape_cast %mul3A_658 : vector<16xf32> to vector<1x16xf32>
      tpu.vector_store %arg8[%swap3A_659, %swap3A_660], %swap3A_663 {strides = array<i32>} : memref<112x144xf32, #tpu.memory_space<vmem>>, vector<1x16xf32>,
      %slice3A_664 = vector.extract_strided_slice %exp3A {offsets = [6], sizes = [1], strides = [1]} : vector<16xf32> to vector<1xf32>
      %squeeze3A_665 = vector.extract %slice3A_664[0] : f32 from vector<1xf32>
      %get3A_666 = arith.index_cast %scan3A_571 : i32 to index
      %get3A_667 = arith.constant 96 : index
      %get3A_668 = tpu.vector_load %arg8[%get3A_666, %get3A_667] {strides = array<i32>} : memref<112x144xf32, #tpu.memory_space<vmem>>, vector<1x16xf32>,
      %get3A_669 = vector.shape_cast %get3A_668 : vector<1x16xf32> to vector<16xf32>
      %mul3A_670 = vector.broadcast %squeeze3A_665 : f32 to vector<16xf32>
      %mul3A_671 = arith.mulf %get3A_669, %mul3A_670 : vector<16xf32>
      %swap3A_672 = arith.index_cast %scan3A_571 : i32 to index
      %swap3A_673 = arith.constant 96 : index
      %swap3A_674 = tpu.vector_load %arg8[%swap3A_672, %swap3A_673] {strides = array<i32>} : memref<112x144xf32, #tpu.memory_space<vmem>>, vector<1x16xf32>,
      %swap3A_675 = vector.shape_cast %swap3A_674 : vector<1x16xf32> to vector<16xf32>
      %swap3A_676 = vector.shape_cast %mul3A_671 : vector<16xf32> to vector<1x16xf32>
      tpu.vector_store %arg8[%swap3A_672, %swap3A_673], %swap3A_676 {strides = array<i32>} : memref<112x144xf32, #tpu.memory_space<vmem>>, vector<1x16xf32>,
      %slice3A_677 = vector.extract_strided_slice %exp3A {offsets = [7], sizes = [1], strides = [1]} : vector<16xf32> to vector<1xf32>
      %squeeze3A_678 = vector.extract %slice3A_677[0] : f32 from vector<1xf32>
      %get3A_679 = arith.index_cast %scan3A_571 : i32 to index
      %get3A_680 = arith.constant 112 : index
      %get3A_681 = tpu.vector_load %arg8[%get3A_679, %get3A_680] {strides = array<i32>} : memref<112x144xf32, #tpu.memory_space<vmem>>, vector<1x16xf32>,
      %get3A_682 = vector.shape_cast %get3A_681 : vector<1x16xf32> to vector<16xf32>
      %mul3A_683 = vector.broadcast %squeeze3A_678 : f32 to vector<16xf32>
      %mul3A_684 = arith.mulf %get3A_682, %mul3A_683 : vector<16xf32>
      %swap3A_685 = arith.index_cast %scan3A_571 : i32 to index
      %swap3A_686 = arith.constant 112 : index
      %swap3A_687 = tpu.vector_load %arg8[%swap3A_685, %swap3A_686] {strides = array<i32>} : memref<112x144xf32, #tpu.memory_space<vmem>>, vector<1x16xf32>,
      %swap3A_688 = vector.shape_cast %swap3A_687 : vector<1x16xf32> to vector<16xf32>
      %swap3A_689 = vector.shape_cast %mul3A_684 : vector<16xf32> to vector<1x16xf32>
      tpu.vector_store %arg8[%swap3A_685, %swap3A_686], %swap3A_689 {strides = array<i32>} : memref<112x144xf32, #tpu.memory_space<vmem>>, vector<1x16xf32>,
      %scan3A_690 = arith.constant 0 : i32
      scf.yield %scan3A_690 : i32
    }
    %scan3A_343 = arith.constant 112 : i32
    %dma_start3A_344 = arith.constant 0 : i32
    %dma_start3A_345 = arith.constant 2 : i32
    %dma_start3A_346 = arith.constant 0 : i32
    %dma_start3A_347 = tpu.memref_slice %arg7[%dma_start3A_344, %dma_start3A_345, %dma_start3A_346] : memref<4x3x112xi32, #tpu.memory_space<vmem>> -> memref<1x1x112xi32, #tpu.memory_space<vmem>>
    %dma_start3A_348 = tpu.memref_squeeze %dma_start3A_347 : memref<1x1x112xi32, #tpu.memory_space<vmem>> -> memref<112xi32, #tpu.memory_space<vmem>>
    %dma_start3A_349 = arith.constant 0 : i32
    %dma_start3A_350 = arith.constant 0 : i32
    %dma_start3A_351 = tpu.memref_slice %arg12[%dma_start3A_349, %dma_start3A_350] : memref<10016x144xf32, #tpu.memory_space<vmem_shared>> -> memref<10016x144xf32, #tpu.memory_space<vmem_shared>>
    tpu.enqueue_indirect_dma source(%arg8 : memref<112x144xf32, #tpu.memory_space<vmem>>) target(%dma_start3A_351 : memref<10016x144xf32, #tpu.memory_space<vmem_shared>>) offsets(%dma_start3A_348 : memref<112xi32, #tpu.memory_space<vmem>>) semaphore(%arg19 : memref<!tpu.dma_semaphore, #tpu.memory_space<semaphore_mem>>) {add = true}
    %dma_wait3A_352 = arith.constant 0 : i32
    %dma_wait3A_353 = arith.constant 0 : i32
    %dma_wait3A_354 = arith.constant 0 : i32
    %dma_wait3A_355 = tpu.memref_slice %arg6[%dma_wait3A_352, %dma_wait3A_353, %dma_wait3A_354] : memref<4x3x112xi32, #tpu.memory_space<vmem>> -> memref<1x1x112xi32, #tpu.memory_space<vmem>>
    %dma_wait3A_356 = tpu.memref_squeeze %dma_wait3A_355 : memref<1x1x112xi32, #tpu.memory_space<vmem>> -> memref<112xi32, #tpu.memory_space<vmem>>
    %dma_wait3A_357 = arith.constant 0 : i32
    %dma_wait3A_358 = arith.constant 0 : i32
    %dma_wait3A_359 = tpu.memref_slice %arg2[%dma_wait3A_357, %dma_wait3A_358] : memref<20480x144xf32, #tpu.memory_space<hbm>> -> memref<20480x144xf32, #tpu.memory_space<hbm>>
    tpu.wait_indirect_dma semaphore(%arg16 : memref<!tpu.dma_semaphore, #tpu.memory_space<semaphore_mem>>) src(%dma_wait3A_359 : memref<20480x144xf32, #tpu.memory_space<hbm>>) dst(%arg9 : memref<112x144xf32, #tpu.memory_space<vmem>>)
    %dma_wait3A_360 = arith.constant 0 : i32
    %dma_wait3A_361 = arith.constant 1 : i32
    %dma_wait3A_362 = arith.constant 0 : i32
    %dma_wait3A_363 = tpu.memref_slice %arg6[%dma_wait3A_360, %dma_wait3A_361, %dma_wait3A_362] : memref<4x3x112xi32, #tpu.memory_space<vmem>> -> memref<1x1x112xi32, #tpu.memory_space<vmem>>
    %dma_wait3A_364 = tpu.memref_squeeze %dma_wait3A_363 : memref<1x1x112xi32, #tpu.memory_space<vmem>> -> memref<112xi32, #tpu.memory_space<vmem>>
    %dma_wait3A_365 = arith.constant 0 : i32
    %dma_wait3A_366 = arith.constant 0 : i32
    %dma_wait3A_367 = tpu.memref_slice %arg3[%dma_wait3A_365, %dma_wait3A_366] : memref<20480x16xf32, #tpu.memory_space<hbm>> -> memref<20480x16xf32, #tpu.memory_space<hbm>>
    tpu.wait_indirect_dma semaphore(%arg18 : memref<!tpu.dma_semaphore, #tpu.memory_space<semaphore_mem>>) src(%dma_wait3A_367 : memref<20480x16xf32, #tpu.memory_space<hbm>>) dst(%arg11 : memref<112x16xf32, #tpu.memory_space<vmem>>)
    %dma_wait3A_368 = arith.constant 1 : i32
    %dma_wait3A_369 = arith.constant 2 : i32
    %dma_wait3A_370 = arith.constant 0 : i32
    %dma_wait3A_371 = tpu.memref_slice %arg7[%dma_wait3A_368, %dma_wait3A_369, %dma_wait3A_370] : memref<4x3x112xi32, #tpu.memory_space<vmem>> -> memref<1x1x112xi32, #tpu.memory_space<vmem>>
    %dma_wait3A_372 = tpu.memref_squeeze %dma_wait3A_371 : memref<1x1x112xi32, #tpu.memory_space<vmem>> -> memref<112xi32, #tpu.memory_space<vmem>>
    %dma_wait3A_373 = arith.constant 0 : i32
    %dma_wait3A_374 = arith.constant 0 : i32
    %dma_wait3A_375 = tpu.memref_slice %arg12[%dma_wait3A_373, %dma_wait3A_374] : memref<10016x144xf32, #tpu.memory_space<vmem_shared>> -> memref<10016x144xf32, #tpu.memory_space<vmem_shared>>
    tpu.wait_indirect_dma semaphore(%arg19 : memref<!tpu.dma_semaphore, #tpu.memory_space<semaphore_mem>>) src(%arg8 : memref<112x144xf32, #tpu.memory_space<vmem>>) dst(%dma_wait3A_375 : memref<10016x144xf32, #tpu.memory_space<vmem_shared>>)
    %dma_start3A_376 = arith.constant 2 : i32
    %dma_start3A_377 = arith.constant 0 : i32
    %dma_start3A_378 = arith.constant 0 : i32
    %dma_start3A_379 = tpu.memref_slice %arg7[%dma_start3A_376, %dma_start3A_377, %dma_start3A_378] : memref<4x3x112xi32, #tpu.memory_space<vmem>> -> memref<1x1x112xi32, #tpu.memory_space<vmem>>
    %dma_start3A_380 = tpu.memref_squeeze %dma_start3A_379 : memref<1x1x112xi32, #tpu.memory_space<vmem>> -> memref<112xi32, #tpu.memory_space<vmem>>
    %dma_start3A_381 = arith.constant 0 : i32
    %dma_start3A_382 = arith.constant 0 : i32
    %dma_start3A_383 = tpu.memref_slice %arg2[%dma_start3A_381, %dma_start3A_382] : memref<20480x144xf32, #tpu.memory_space<hbm>> -> memref<20480x144xf32, #tpu.memory_space<hbm>>
    tpu.enqueue_indirect_dma source(%dma_start3A_383 : memref<20480x144xf32, #tpu.memory_space<hbm>>) target(%arg8 : memref<112x144xf32, #tpu.memory_space<vmem>>) offsets(%dma_start3A_380 : memref<112xi32, #tpu.memory_space<vmem>>) semaphore(%arg15 : memref<!tpu.dma_semaphore, #tpu.memory_space<semaphore_mem>>)
    %dma_start3A_384 = arith.constant 2 : i32
    %dma_start3A_385 = arith.constant 1 : i32
    %dma_start3A_386 = arith.constant 0 : i32
    %dma_start3A_387 = tpu.memref_slice %arg7[%dma_start3A_384, %dma_start3A_385, %dma_start3A_386] : memref<4x3x112xi32, #tpu.memory_space<vmem>> -> memref<1x1x112xi32, #tpu.memory_space<vmem>>
    %dma_start3A_388 = tpu.memref_squeeze %dma_start3A_387 : memref<1x1x112xi32, #tpu.memory_space<vmem>> -> memref<112xi32, #tpu.memory_space<vmem>>
    %dma_start3A_389 = arith.constant 0 : i32
    %dma_start3A_390 = arith.constant 0 : i32
    %dma_start3A_391 = tpu.memref_slice %arg3[%dma_start3A_389, %dma_start3A_390] : memref<20480x16xf32, #tpu.memory_space<hbm>> -> memref<20480x16xf32, #tpu.memory_space<hbm>>
    tpu.enqueue_indirect_dma source(%dma_start3A_391 : memref<20480x16xf32, #tpu.memory_space<hbm>>) target(%arg10 : memref<112x16xf32, #tpu.memory_space<vmem>>) offsets(%dma_start3A_388 : memref<112xi32, #tpu.memory_space<vmem>>) semaphore(%arg17 : memref<!tpu.dma_semaphore, #tpu.memory_space<semaphore_mem>>)
    %scan3A_392 = arith.constant 0 : i32
    %scan3A_393 = arith.constant 0 : i32
    %scan3A_394 = arith.constant 112 : i32
    %scan3A_395 = arith.addi %scan3A_393, %scan3A_394 : i32
    %scan3A_396 = arith.constant 1 : i32
    %scan3A_397 = scf.for %scan3A_571 = %scan3A_393 to %scan3A_395 step %scan3A_396 iter_args(%scan3A_572 = %scan3A_392) -> (i32)  : i32 {
      %get3A = arith.index_cast %scan3A_571 : i32 to index
      %get3A_573 = arith.constant 128 : index
      %get3A_574 = tpu.vector_load %arg9[%get3A, %get3A_573] {strides = array<i32>} : memref<112x144xf32, #tpu.memory_space<vmem>>, vector<1x16xf32>,
      %get3A_575 = vector.shape_cast %get3A_574 : vector<1x16xf32> to vector<16xf32>
      %get3A_576 = arith.index_cast %scan3A_571 : i32 to index
      %get3A_577 = arith.constant 0 : index
      %get3A_578 = tpu.vector_load %arg11[%get3A_576, %get3A_577] {strides = array<i32>} : memref<112x16xf32, #tpu.memory_space<vmem>>, vector<1x16xf32>,
      %get3A_579 = vector.shape_cast %get3A_578 : vector<1x16xf32> to vector<16xf32>
      %add3A_580 = arith.addf %get3A_575, %get3A_579 : vector<16xf32>
      %mul3A_581 = arith.constant 2.000000e-01 : f32
      %mul3A_582 = vector.broadcast %mul3A_581 : f32 to vector<16xf32>
      %mul3A_583 = arith.mulf %mul3A_582, %add3A_580 : vector<16xf32>
      %max3A = arith.maximumf %add3A_580, %mul3A_583 : vector<16xf32>
      %exp3A = math.exp %max3A : vector<16xf32>
      %swap3A = arith.index_cast %scan3A_571 : i32 to index
      %swap3A_584 = arith.constant 128 : index
      %swap3A_585 = tpu.vector_load %arg9[%swap3A, %swap3A_584] {strides = array<i32>} : memref<112x144xf32, #tpu.memory_space<vmem>>, vector<1x16xf32>,
      %swap3A_586 = vector.shape_cast %swap3A_585 : vector<1x16xf32> to vector<16xf32>
      %swap3A_587 = vector.shape_cast %exp3A : vector<16xf32> to vector<1x16xf32>
      tpu.vector_store %arg9[%swap3A, %swap3A_584], %swap3A_587 {strides = array<i32>} : memref<112x144xf32, #tpu.memory_space<vmem>>, vector<1x16xf32>,
      %slice3A = vector.extract_strided_slice %exp3A {offsets = [0], sizes = [1], strides = [1]} : vector<16xf32> to vector<1xf32>
      %squeeze3A = vector.extract %slice3A[0] : f32 from vector<1xf32>
      %get3A_588 = arith.index_cast %scan3A_571 : i32 to index
      %get3A_589 = arith.constant 0 : index
      %get3A_590 = tpu.vector_load %arg9[%get3A_588, %get3A_589] {strides = array<i32>} : memref<112x144xf32, #tpu.memory_space<vmem>>, vector<1x16xf32>,
      %get3A_591 = vector.shape_cast %get3A_590 : vector<1x16xf32> to vector<16xf32>
      %mul3A_592 = vector.broadcast %squeeze3A : f32 to vector<16xf32>
      %mul3A_593 = arith.mulf %get3A_591, %mul3A_592 : vector<16xf32>
      %swap3A_594 = arith.index_cast %scan3A_571 : i32 to index
      %swap3A_595 = arith.constant 0 : index
      %swap3A_596 = tpu.vector_load %arg9[%swap3A_594, %swap3A_595] {strides = array<i32>} : memref<112x144xf32, #tpu.memory_space<vmem>>, vector<1x16xf32>,
      %swap3A_597 = vector.shape_cast %swap3A_596 : vector<1x16xf32> to vector<16xf32>
      %swap3A_598 = vector.shape_cast %mul3A_593 : vector<16xf32> to vector<1x16xf32>
      tpu.vector_store %arg9[%swap3A_594, %swap3A_595], %swap3A_598 {strides = array<i32>} : memref<112x144xf32, #tpu.memory_space<vmem>>, vector<1x16xf32>,
      %slice3A_599 = vector.extract_strided_slice %exp3A {offsets = [1], sizes = [1], strides = [1]} : vector<16xf32> to vector<1xf32>
      %squeeze3A_600 = vector.extract %slice3A_599[0] : f32 from vector<1xf32>
      %get3A_601 = arith.index_cast %scan3A_571 : i32 to index
      %get3A_602 = arith.constant 16 : index
      %get3A_603 = tpu.vector_load %arg9[%get3A_601, %get3A_602] {strides = array<i32>} : memref<112x144xf32, #tpu.memory_space<vmem>>, vector<1x16xf32>,
      %get3A_604 = vector.shape_cast %get3A_603 : vector<1x16xf32> to vector<16xf32>
      %mul3A_605 = vector.broadcast %squeeze3A_600 : f32 to vector<16xf32>
      %mul3A_606 = arith.mulf %get3A_604, %mul3A_605 : vector<16xf32>
      %swap3A_607 = arith.index_cast %scan3A_571 : i32 to index
      %swap3A_608 = arith.constant 16 : index
      %swap3A_609 = tpu.vector_load %arg9[%swap3A_607, %swap3A_608] {strides = array<i32>} : memref<112x144xf32, #tpu.memory_space<vmem>>, vector<1x16xf32>,
      %swap3A_610 = vector.shape_cast %swap3A_609 : vector<1x16xf32> to vector<16xf32>
      %swap3A_611 = vector.shape_cast %mul3A_606 : vector<16xf32> to vector<1x16xf32>
      tpu.vector_store %arg9[%swap3A_607, %swap3A_608], %swap3A_611 {strides = array<i32>} : memref<112x144xf32, #tpu.memory_space<vmem>>, vector<1x16xf32>,
      %slice3A_612 = vector.extract_strided_slice %exp3A {offsets = [2], sizes = [1], strides = [1]} : vector<16xf32> to vector<1xf32>
      %squeeze3A_613 = vector.extract %slice3A_612[0] : f32 from vector<1xf32>
      %get3A_614 = arith.index_cast %scan3A_571 : i32 to index
      %get3A_615 = arith.constant 32 : index
      %get3A_616 = tpu.vector_load %arg9[%get3A_614, %get3A_615] {strides = array<i32>} : memref<112x144xf32, #tpu.memory_space<vmem>>, vector<1x16xf32>,
      %get3A_617 = vector.shape_cast %get3A_616 : vector<1x16xf32> to vector<16xf32>
      %mul3A_618 = vector.broadcast %squeeze3A_613 : f32 to vector<16xf32>
      %mul3A_619 = arith.mulf %get3A_617, %mul3A_618 : vector<16xf32>
      %swap3A_620 = arith.index_cast %scan3A_571 : i32 to index
      %swap3A_621 = arith.constant 32 : index
      %swap3A_622 = tpu.vector_load %arg9[%swap3A_620, %swap3A_621] {strides = array<i32>} : memref<112x144xf32, #tpu.memory_space<vmem>>, vector<1x16xf32>,
      %swap3A_623 = vector.shape_cast %swap3A_622 : vector<1x16xf32> to vector<16xf32>
      %swap3A_624 = vector.shape_cast %mul3A_619 : vector<16xf32> to vector<1x16xf32>
      tpu.vector_store %arg9[%swap3A_620, %swap3A_621], %swap3A_624 {strides = array<i32>} : memref<112x144xf32, #tpu.memory_space<vmem>>, vector<1x16xf32>,
      %slice3A_625 = vector.extract_strided_slice %exp3A {offsets = [3], sizes = [1], strides = [1]} : vector<16xf32> to vector<1xf32>
      %squeeze3A_626 = vector.extract %slice3A_625[0] : f32 from vector<1xf32>
      %get3A_627 = arith.index_cast %scan3A_571 : i32 to index
      %get3A_628 = arith.constant 48 : index
      %get3A_629 = tpu.vector_load %arg9[%get3A_627, %get3A_628] {strides = array<i32>} : memref<112x144xf32, #tpu.memory_space<vmem>>, vector<1x16xf32>,
      %get3A_630 = vector.shape_cast %get3A_629 : vector<1x16xf32> to vector<16xf32>
      %mul3A_631 = vector.broadcast %squeeze3A_626 : f32 to vector<16xf32>
      %mul3A_632 = arith.mulf %get3A_630, %mul3A_631 : vector<16xf32>
      %swap3A_633 = arith.index_cast %scan3A_571 : i32 to index
      %swap3A_634 = arith.constant 48 : index
      %swap3A_635 = tpu.vector_load %arg9[%swap3A_633, %swap3A_634] {strides = array<i32>} : memref<112x144xf32, #tpu.memory_space<vmem>>, vector<1x16xf32>,
      %swap3A_636 = vector.shape_cast %swap3A_635 : vector<1x16xf32> to vector<16xf32>
      %swap3A_637 = vector.shape_cast %mul3A_632 : vector<16xf32> to vector<1x16xf32>
      tpu.vector_store %arg9[%swap3A_633, %swap3A_634], %swap3A_637 {strides = array<i32>} : memref<112x144xf32, #tpu.memory_space<vmem>>, vector<1x16xf32>,
      %slice3A_638 = vector.extract_strided_slice %exp3A {offsets = [4], sizes = [1], strides = [1]} : vector<16xf32> to vector<1xf32>
      %squeeze3A_639 = vector.extract %slice3A_638[0] : f32 from vector<1xf32>
      %get3A_640 = arith.index_cast %scan3A_571 : i32 to index
      %get3A_641 = arith.constant 64 : index
      %get3A_642 = tpu.vector_load %arg9[%get3A_640, %get3A_641] {strides = array<i32>} : memref<112x144xf32, #tpu.memory_space<vmem>>, vector<1x16xf32>,
      %get3A_643 = vector.shape_cast %get3A_642 : vector<1x16xf32> to vector<16xf32>
      %mul3A_644 = vector.broadcast %squeeze3A_639 : f32 to vector<16xf32>
      %mul3A_645 = arith.mulf %get3A_643, %mul3A_644 : vector<16xf32>
      %swap3A_646 = arith.index_cast %scan3A_571 : i32 to index
      %swap3A_647 = arith.constant 64 : index
      %swap3A_648 = tpu.vector_load %arg9[%swap3A_646, %swap3A_647] {strides = array<i32>} : memref<112x144xf32, #tpu.memory_space<vmem>>, vector<1x16xf32>,
      %swap3A_649 = vector.shape_cast %swap3A_648 : vector<1x16xf32> to vector<16xf32>
      %swap3A_650 = vector.shape_cast %mul3A_645 : vector<16xf32> to vector<1x16xf32>
      tpu.vector_store %arg9[%swap3A_646, %swap3A_647], %swap3A_650 {strides = array<i32>} : memref<112x144xf32, #tpu.memory_space<vmem>>, vector<1x16xf32>,
      %slice3A_651 = vector.extract_strided_slice %exp3A {offsets = [5], sizes = [1], strides = [1]} : vector<16xf32> to vector<1xf32>
      %squeeze3A_652 = vector.extract %slice3A_651[0] : f32 from vector<1xf32>
      %get3A_653 = arith.index_cast %scan3A_571 : i32 to index
      %get3A_654 = arith.constant 80 : index
      %get3A_655 = tpu.vector_load %arg9[%get3A_653, %get3A_654] {strides = array<i32>} : memref<112x144xf32, #tpu.memory_space<vmem>>, vector<1x16xf32>,
      %get3A_656 = vector.shape_cast %get3A_655 : vector<1x16xf32> to vector<16xf32>
      %mul3A_657 = vector.broadcast %squeeze3A_652 : f32 to vector<16xf32>
      %mul3A_658 = arith.mulf %get3A_656, %mul3A_657 : vector<16xf32>
      %swap3A_659 = arith.index_cast %scan3A_571 : i32 to index
      %swap3A_660 = arith.constant 80 : index
      %swap3A_661 = tpu.vector_load %arg9[%swap3A_659, %swap3A_660] {strides = array<i32>} : memref<112x144xf32, #tpu.memory_space<vmem>>, vector<1x16xf32>,
      %swap3A_662 = vector.shape_cast %swap3A_661 : vector<1x16xf32> to vector<16xf32>
      %swap3A_663 = vector.shape_cast %mul3A_658 : vector<16xf32> to vector<1x16xf32>
      tpu.vector_store %arg9[%swap3A_659, %swap3A_660], %swap3A_663 {strides = array<i32>} : memref<112x144xf32, #tpu.memory_space<vmem>>, vector<1x16xf32>,
      %slice3A_664 = vector.extract_strided_slice %exp3A {offsets = [6], sizes = [1], strides = [1]} : vector<16xf32> to vector<1xf32>
      %squeeze3A_665 = vector.extract %slice3A_664[0] : f32 from vector<1xf32>
      %get3A_666 = arith.index_cast %scan3A_571 : i32 to index
      %get3A_667 = arith.constant 96 : index
      %get3A_668 = tpu.vector_load %arg9[%get3A_666, %get3A_667] {strides = array<i32>} : memref<112x144xf32, #tpu.memory_space<vmem>>, vector<1x16xf32>,
      %get3A_669 = vector.shape_cast %get3A_668 : vector<1x16xf32> to vector<16xf32>
      %mul3A_670 = vector.broadcast %squeeze3A_665 : f32 to vector<16xf32>
      %mul3A_671 = arith.mulf %get3A_669, %mul3A_670 : vector<16xf32>
      %swap3A_672 = arith.index_cast %scan3A_571 : i32 to index
      %swap3A_673 = arith.constant 96 : index
      %swap3A_674 = tpu.vector_load %arg9[%swap3A_672, %swap3A_673] {strides = array<i32>} : memref<112x144xf32, #tpu.memory_space<vmem>>, vector<1x16xf32>,
      %swap3A_675 = vector.shape_cast %swap3A_674 : vector<1x16xf32> to vector<16xf32>
      %swap3A_676 = vector.shape_cast %mul3A_671 : vector<16xf32> to vector<1x16xf32>
      tpu.vector_store %arg9[%swap3A_672, %swap3A_673], %swap3A_676 {strides = array<i32>} : memref<112x144xf32, #tpu.memory_space<vmem>>, vector<1x16xf32>,
      %slice3A_677 = vector.extract_strided_slice %exp3A {offsets = [7], sizes = [1], strides = [1]} : vector<16xf32> to vector<1xf32>
      %squeeze3A_678 = vector.extract %slice3A_677[0] : f32 from vector<1xf32>
      %get3A_679 = arith.index_cast %scan3A_571 : i32 to index
      %get3A_680 = arith.constant 112 : index
      %get3A_681 = tpu.vector_load %arg9[%get3A_679, %get3A_680] {strides = array<i32>} : memref<112x144xf32, #tpu.memory_space<vmem>>, vector<1x16xf32>,
      %get3A_682 = vector.shape_cast %get3A_681 : vector<1x16xf32> to vector<16xf32>
      %mul3A_683 = vector.broadcast %squeeze3A_678 : f32 to vector<16xf32>
      %mul3A_684 = arith.mulf %get3A_682, %mul3A_683 : vector<16xf32>
      %swap3A_685 = arith.index_cast %scan3A_571 : i32 to index
      %swap3A_686 = arith.constant 112 : index
      %swap3A_687 = tpu.vector_load %arg9[%swap3A_685, %swap3A_686] {strides = array<i32>} : memref<112x144xf32, #tpu.memory_space<vmem>>, vector<1x16xf32>,
      %swap3A_688 = vector.shape_cast %swap3A_687 : vector<1x16xf32> to vector<16xf32>
      %swap3A_689 = vector.shape_cast %mul3A_684 : vector<16xf32> to vector<1x16xf32>
      tpu.vector_store %arg9[%swap3A_685, %swap3A_686], %swap3A_689 {strides = array<i32>} : memref<112x144xf32, #tpu.memory_space<vmem>>, vector<1x16xf32>,
      %scan3A_690 = arith.constant 0 : i32
      scf.yield %scan3A_690 : i32
    }
    %scan3A_398 = arith.constant 112 : i32
    %dma_start3A_399 = arith.constant 1 : i32
    %dma_start3A_400 = arith.constant 2 : i32
    %dma_start3A_401 = arith.constant 0 : i32
    %dma_start3A_402 = tpu.memref_slice %arg7[%dma_start3A_399, %dma_start3A_400, %dma_start3A_401] : memref<4x3x112xi32, #tpu.memory_space<vmem>> -> memref<1x1x112xi32, #tpu.memory_space<vmem>>
    %dma_start3A_403 = tpu.memref_squeeze %dma_start3A_402 : memref<1x1x112xi32, #tpu.memory_space<vmem>> -> memref<112xi32, #tpu.memory_space<vmem>>
    %dma_start3A_404 = arith.constant 0 : i32
    %dma_start3A_405 = arith.constant 0 : i32
    %dma_start3A_406 = tpu.memref_slice %arg12[%dma_start3A_404, %dma_start3A_405] : memref<10016x144xf32, #tpu.memory_space<vmem_shared>> -> memref<10016x144xf32, #tpu.memory_space<vmem_shared>>
    tpu.enqueue_indirect_dma source(%arg9 : memref<112x144xf32, #tpu.memory_space<vmem>>) target(%dma_start3A_406 : memref<10016x144xf32, #tpu.memory_space<vmem_shared>>) offsets(%dma_start3A_403 : memref<112xi32, #tpu.memory_space<vmem>>) semaphore(%arg20 : memref<!tpu.dma_semaphore, #tpu.memory_space<semaphore_mem>>) {add = true}
    %dma_wait3A_407 = arith.constant 0 : i32
    %dma_wait3A_408 = arith.constant 0 : i32
    %dma_wait3A_409 = arith.constant 0 : i32
    %dma_wait3A_410 = tpu.memref_slice %arg6[%dma_wait3A_407, %dma_wait3A_408, %dma_wait3A_409] : memref<4x3x112xi32, #tpu.memory_space<vmem>> -> memref<1x1x112xi32, #tpu.memory_space<vmem>>
    %dma_wait3A_411 = tpu.memref_squeeze %dma_wait3A_410 : memref<1x1x112xi32, #tpu.memory_space<vmem>> -> memref<112xi32, #tpu.memory_space<vmem>>
    %dma_wait3A_412 = arith.constant 0 : i32
    %dma_wait3A_413 = arith.constant 0 : i32
    %dma_wait3A_414 = tpu.memref_slice %arg2[%dma_wait3A_412, %dma_wait3A_413] : memref<20480x144xf32, #tpu.memory_space<hbm>> -> memref<20480x144xf32, #tpu.memory_space<hbm>>
    tpu.wait_indirect_dma semaphore(%arg15 : memref<!tpu.dma_semaphore, #tpu.memory_space<semaphore_mem>>) src(%dma_wait3A_414 : memref<20480x144xf32, #tpu.memory_space<hbm>>) dst(%arg8 : memref<112x144xf32, #tpu.memory_space<vmem>>)
    %dma_wait3A_415 = arith.constant 0 : i32
    %dma_wait3A_416 = arith.constant 1 : i32
    %dma_wait3A_417 = arith.constant 0 : i32
    %dma_wait3A_418 = tpu.memref_slice %arg6[%dma_wait3A_415, %dma_wait3A_416, %dma_wait3A_417] : memref<4x3x112xi32, #tpu.memory_space<vmem>> -> memref<1x1x112xi32, #tpu.memory_space<vmem>>
    %dma_wait3A_419 = tpu.memref_squeeze %dma_wait3A_418 : memref<1x1x112xi32, #tpu.memory_space<vmem>> -> memref<112xi32, #tpu.memory_space<vmem>>
    %dma_wait3A_420 = arith.constant 0 : i32
    %dma_wait3A_421 = arith.constant 0 : i32
    %dma_wait3A_422 = tpu.memref_slice %arg3[%dma_wait3A_420, %dma_wait3A_421] : memref<20480x16xf32, #tpu.memory_space<hbm>> -> memref<20480x16xf32, #tpu.memory_space<hbm>>
    tpu.wait_indirect_dma semaphore(%arg17 : memref<!tpu.dma_semaphore, #tpu.memory_space<semaphore_mem>>) src(%dma_wait3A_422 : memref<20480x16xf32, #tpu.memory_space<hbm>>) dst(%arg10 : memref<112x16xf32, #tpu.memory_space<vmem>>)
    %dma_wait3A_423 = arith.constant 2 : i32
    %dma_wait3A_424 = arith.constant 2 : i32
    %dma_wait3A_425 = arith.constant 0 : i32
    %dma_wait3A_426 = tpu.memref_slice %arg7[%dma_wait3A_423, %dma_wait3A_424, %dma_wait3A_425] : memref<4x3x112xi32, #tpu.memory_space<vmem>> -> memref<1x1x112xi32, #tpu.memory_space<vmem>>
    %dma_wait3A_427 = tpu.memref_squeeze %dma_wait3A_426 : memref<1x1x112xi32, #tpu.memory_space<vmem>> -> memref<112xi32, #tpu.memory_space<vmem>>
    %dma_wait3A_428 = arith.constant 0 : i32
    %dma_wait3A_429 = arith.constant 0 : i32
    %dma_wait3A_430 = tpu.memref_slice %arg12[%dma_wait3A_428, %dma_wait3A_429] : memref<10016x144xf32, #tpu.memory_space<vmem_shared>> -> memref<10016x144xf32, #tpu.memory_space<vmem_shared>>
    tpu.wait_indirect_dma semaphore(%arg20 : memref<!tpu.dma_semaphore, #tpu.memory_space<semaphore_mem>>) src(%arg9 : memref<112x144xf32, #tpu.memory_space<vmem>>) dst(%dma_wait3A_430 : memref<10016x144xf32, #tpu.memory_space<vmem_shared>>)
    %dma_start3A_431 = arith.constant 3 : i32
    %dma_start3A_432 = arith.constant 0 : i32
    %dma_start3A_433 = arith.constant 0 : i32
    %dma_start3A_434 = tpu.memref_slice %arg7[%dma_start3A_431, %dma_start3A_432, %dma_start3A_433] : memref<4x3x112xi32, #tpu.memory_space<vmem>> -> memref<1x1x112xi32, #tpu.memory_space<vmem>>
    %dma_start3A_435 = tpu.memref_squeeze %dma_start3A_434 : memref<1x1x112xi32, #tpu.memory_space<vmem>> -> memref<112xi32, #tpu.memory_space<vmem>>
    %dma_start3A_436 = arith.constant 0 : i32
    %dma_start3A_437 = arith.constant 0 : i32
    %dma_start3A_438 = tpu.memref_slice %arg2[%dma_start3A_436, %dma_start3A_437] : memref<20480x144xf32, #tpu.memory_space<hbm>> -> memref<20480x144xf32, #tpu.memory_space<hbm>>
    tpu.enqueue_indirect_dma source(%dma_start3A_438 : memref<20480x144xf32, #tpu.memory_space<hbm>>) target(%arg9 : memref<112x144xf32, #tpu.memory_space<vmem>>) offsets(%dma_start3A_435 : memref<112xi32, #tpu.memory_space<vmem>>) semaphore(%arg16 : memref<!tpu.dma_semaphore, #tpu.memory_space<semaphore_mem>>)
    %dma_start3A_439 = arith.constant 3 : i32
    %dma_start3A_440 = arith.constant 1 : i32
    %dma_start3A_441 = arith.constant 0 : i32
    %dma_start3A_442 = tpu.memref_slice %arg7[%dma_start3A_439, %dma_start3A_440, %dma_start3A_441] : memref<4x3x112xi32, #tpu.memory_space<vmem>> -> memref<1x1x112xi32, #tpu.memory_space<vmem>>
    %dma_start3A_443 = tpu.memref_squeeze %dma_start3A_442 : memref<1x1x112xi32, #tpu.memory_space<vmem>> -> memref<112xi32, #tpu.memory_space<vmem>>
    %dma_start3A_444 = arith.constant 0 : i32
    %dma_start3A_445 = arith.constant 0 : i32
    %dma_start3A_446 = tpu.memref_slice %arg3[%dma_start3A_444, %dma_start3A_445] : memref<20480x16xf32, #tpu.memory_space<hbm>> -> memref<20480x16xf32, #tpu.memory_space<hbm>>
    tpu.enqueue_indirect_dma source(%dma_start3A_446 : memref<20480x16xf32, #tpu.memory_space<hbm>>) target(%arg11 : memref<112x16xf32, #tpu.memory_space<vmem>>) offsets(%dma_start3A_443 : memref<112xi32, #tpu.memory_space<vmem>>) semaphore(%arg18 : memref<!tpu.dma_semaphore, #tpu.memory_space<semaphore_mem>>)
    %scan3A_447 = arith.constant 0 : i32
    %scan3A_448 = arith.constant 0 : i32
    %scan3A_449 = arith.constant 112 : i32
    %scan3A_450 = arith.addi %scan3A_448, %scan3A_449 : i32
    %scan3A_451 = arith.constant 1 : i32
    %scan3A_452 = scf.for %scan3A_571 = %scan3A_448 to %scan3A_450 step %scan3A_451 iter_args(%scan3A_572 = %scan3A_447) -> (i32)  : i32 {
      %get3A = arith.index_cast %scan3A_571 : i32 to index
      %get3A_573 = arith.constant 128 : index
      %get3A_574 = tpu.vector_load %arg8[%get3A, %get3A_573] {strides = array<i32>} : memref<112x144xf32, #tpu.memory_space<vmem>>, vector<1x16xf32>,
      %get3A_575 = vector.shape_cast %get3A_574 : vector<1x16xf32> to vector<16xf32>
      %get3A_576 = arith.index_cast %scan3A_571 : i32 to index
      %get3A_577 = arith.constant 0 : index
      %get3A_578 = tpu.vector_load %arg10[%get3A_576, %get3A_577] {strides = array<i32>} : memref<112x16xf32, #tpu.memory_space<vmem>>, vector<1x16xf32>,
      %get3A_579 = vector.shape_cast %get3A_578 : vector<1x16xf32> to vector<16xf32>
      %add3A_580 = arith.addf %get3A_575, %get3A_579 : vector<16xf32>
      %mul3A_581 = arith.constant 2.000000e-01 : f32
      %mul3A_582 = vector.broadcast %mul3A_581 : f32 to vector<16xf32>
      %mul3A_583 = arith.mulf %mul3A_582, %add3A_580 : vector<16xf32>
      %max3A = arith.maximumf %add3A_580, %mul3A_583 : vector<16xf32>
      %exp3A = math.exp %max3A : vector<16xf32>
      %swap3A = arith.index_cast %scan3A_571 : i32 to index
      %swap3A_584 = arith.constant 128 : index
      %swap3A_585 = tpu.vector_load %arg8[%swap3A, %swap3A_584] {strides = array<i32>} : memref<112x144xf32, #tpu.memory_space<vmem>>, vector<1x16xf32>,
      %swap3A_586 = vector.shape_cast %swap3A_585 : vector<1x16xf32> to vector<16xf32>
      %swap3A_587 = vector.shape_cast %exp3A : vector<16xf32> to vector<1x16xf32>
      tpu.vector_store %arg8[%swap3A, %swap3A_584], %swap3A_587 {strides = array<i32>} : memref<112x144xf32, #tpu.memory_space<vmem>>, vector<1x16xf32>,
      %slice3A = vector.extract_strided_slice %exp3A {offsets = [0], sizes = [1], strides = [1]} : vector<16xf32> to vector<1xf32>
      %squeeze3A = vector.extract %slice3A[0] : f32 from vector<1xf32>
      %get3A_588 = arith.index_cast %scan3A_571 : i32 to index
      %get3A_589 = arith.constant 0 : index
      %get3A_590 = tpu.vector_load %arg8[%get3A_588, %get3A_589] {strides = array<i32>} : memref<112x144xf32, #tpu.memory_space<vmem>>, vector<1x16xf32>,
      %get3A_591 = vector.shape_cast %get3A_590 : vector<1x16xf32> to vector<16xf32>
      %mul3A_592 = vector.broadcast %squeeze3A : f32 to vector<16xf32>
      %mul3A_593 = arith.mulf %get3A_591, %mul3A_592 : vector<16xf32>
      %swap3A_594 = arith.index_cast %scan3A_571 : i32 to index
      %swap3A_595 = arith.constant 0 : index
      %swap3A_596 = tpu.vector_load %arg8[%swap3A_594, %swap3A_595] {strides = array<i32>} : memref<112x144xf32, #tpu.memory_space<vmem>>, vector<1x16xf32>,
      %swap3A_597 = vector.shape_cast %swap3A_596 : vector<1x16xf32> to vector<16xf32>
      %swap3A_598 = vector.shape_cast %mul3A_593 : vector<16xf32> to vector<1x16xf32>
      tpu.vector_store %arg8[%swap3A_594, %swap3A_595], %swap3A_598 {strides = array<i32>} : memref<112x144xf32, #tpu.memory_space<vmem>>, vector<1x16xf32>,
      %slice3A_599 = vector.extract_strided_slice %exp3A {offsets = [1], sizes = [1], strides = [1]} : vector<16xf32> to vector<1xf32>
      %squeeze3A_600 = vector.extract %slice3A_599[0] : f32 from vector<1xf32>
      %get3A_601 = arith.index_cast %scan3A_571 : i32 to index
      %get3A_602 = arith.constant 16 : index
      %get3A_603 = tpu.vector_load %arg8[%get3A_601, %get3A_602] {strides = array<i32>} : memref<112x144xf32, #tpu.memory_space<vmem>>, vector<1x16xf32>,
      %get3A_604 = vector.shape_cast %get3A_603 : vector<1x16xf32> to vector<16xf32>
      %mul3A_605 = vector.broadcast %squeeze3A_600 : f32 to vector<16xf32>
      %mul3A_606 = arith.mulf %get3A_604, %mul3A_605 : vector<16xf32>
      %swap3A_607 = arith.index_cast %scan3A_571 : i32 to index
      %swap3A_608 = arith.constant 16 : index
      %swap3A_609 = tpu.vector_load %arg8[%swap3A_607, %swap3A_608] {strides = array<i32>} : memref<112x144xf32, #tpu.memory_space<vmem>>, vector<1x16xf32>,
      %swap3A_610 = vector.shape_cast %swap3A_609 : vector<1x16xf32> to vector<16xf32>
      %swap3A_611 = vector.shape_cast %mul3A_606 : vector<16xf32> to vector<1x16xf32>
      tpu.vector_store %arg8[%swap3A_607, %swap3A_608], %swap3A_611 {strides = array<i32>} : memref<112x144xf32, #tpu.memory_space<vmem>>, vector<1x16xf32>,
      %slice3A_612 = vector.extract_strided_slice %exp3A {offsets = [2], sizes = [1], strides = [1]} : vector<16xf32> to vector<1xf32>
      %squeeze3A_613 = vector.extract %slice3A_612[0] : f32 from vector<1xf32>
      %get3A_614 = arith.index_cast %scan3A_571 : i32 to index
      %get3A_615 = arith.constant 32 : index
      %get3A_616 = tpu.vector_load %arg8[%get3A_614, %get3A_615] {strides = array<i32>} : memref<112x144xf32, #tpu.memory_space<vmem>>, vector<1x16xf32>,
      %get3A_617 = vector.shape_cast %get3A_616 : vector<1x16xf32> to vector<16xf32>
      %mul3A_618 = vector.broadcast %squeeze3A_613 : f32 to vector<16xf32>
      %mul3A_619 = arith.mulf %get3A_617, %mul3A_618 : vector<16xf32>
      %swap3A_620 = arith.index_cast %scan3A_571 : i32 to index
      %swap3A_621 = arith.constant 32 : index
      %swap3A_622 = tpu.vector_load %arg8[%swap3A_620, %swap3A_621] {strides = array<i32>} : memref<112x144xf32, #tpu.memory_space<vmem>>, vector<1x16xf32>,
      %swap3A_623 = vector.shape_cast %swap3A_622 : vector<1x16xf32> to vector<16xf32>
      %swap3A_624 = vector.shape_cast %mul3A_619 : vector<16xf32> to vector<1x16xf32>
      tpu.vector_store %arg8[%swap3A_620, %swap3A_621], %swap3A_624 {strides = array<i32>} : memref<112x144xf32, #tpu.memory_space<vmem>>, vector<1x16xf32>,
      %slice3A_625 = vector.extract_strided_slice %exp3A {offsets = [3], sizes = [1], strides = [1]} : vector<16xf32> to vector<1xf32>
      %squeeze3A_626 = vector.extract %slice3A_625[0] : f32 from vector<1xf32>
      %get3A_627 = arith.index_cast %scan3A_571 : i32 to index
      %get3A_628 = arith.constant 48 : index
      %get3A_629 = tpu.vector_load %arg8[%get3A_627, %get3A_628] {strides = array<i32>} : memref<112x144xf32, #tpu.memory_space<vmem>>, vector<1x16xf32>,
      %get3A_630 = vector.shape_cast %get3A_629 : vector<1x16xf32> to vector<16xf32>
      %mul3A_631 = vector.broadcast %squeeze3A_626 : f32 to vector<16xf32>
      %mul3A_632 = arith.mulf %get3A_630, %mul3A_631 : vector<16xf32>
      %swap3A_633 = arith.index_cast %scan3A_571 : i32 to index
      %swap3A_634 = arith.constant 48 : index
      %swap3A_635 = tpu.vector_load %arg8[%swap3A_633, %swap3A_634] {strides = array<i32>} : memref<112x144xf32, #tpu.memory_space<vmem>>, vector<1x16xf32>,
      %swap3A_636 = vector.shape_cast %swap3A_635 : vector<1x16xf32> to vector<16xf32>
      %swap3A_637 = vector.shape_cast %mul3A_632 : vector<16xf32> to vector<1x16xf32>
      tpu.vector_store %arg8[%swap3A_633, %swap3A_634], %swap3A_637 {strides = array<i32>} : memref<112x144xf32, #tpu.memory_space<vmem>>, vector<1x16xf32>,
      %slice3A_638 = vector.extract_strided_slice %exp3A {offsets = [4], sizes = [1], strides = [1]} : vector<16xf32> to vector<1xf32>
      %squeeze3A_639 = vector.extract %slice3A_638[0] : f32 from vector<1xf32>
      %get3A_640 = arith.index_cast %scan3A_571 : i32 to index
      %get3A_641 = arith.constant 64 : index
      %get3A_642 = tpu.vector_load %arg8[%get3A_640, %get3A_641] {strides = array<i32>} : memref<112x144xf32, #tpu.memory_space<vmem>>, vector<1x16xf32>,
      %get3A_643 = vector.shape_cast %get3A_642 : vector<1x16xf32> to vector<16xf32>
      %mul3A_644 = vector.broadcast %squeeze3A_639 : f32 to vector<16xf32>
      %mul3A_645 = arith.mulf %get3A_643, %mul3A_644 : vector<16xf32>
      %swap3A_646 = arith.index_cast %scan3A_571 : i32 to index
      %swap3A_647 = arith.constant 64 : index
      %swap3A_648 = tpu.vector_load %arg8[%swap3A_646, %swap3A_647] {strides = array<i32>} : memref<112x144xf32, #tpu.memory_space<vmem>>, vector<1x16xf32>,
      %swap3A_649 = vector.shape_cast %swap3A_648 : vector<1x16xf32> to vector<16xf32>
      %swap3A_650 = vector.shape_cast %mul3A_645 : vector<16xf32> to vector<1x16xf32>
      tpu.vector_store %arg8[%swap3A_646, %swap3A_647], %swap3A_650 {strides = array<i32>} : memref<112x144xf32, #tpu.memory_space<vmem>>, vector<1x16xf32>,
      %slice3A_651 = vector.extract_strided_slice %exp3A {offsets = [5], sizes = [1], strides = [1]} : vector<16xf32> to vector<1xf32>
      %squeeze3A_652 = vector.extract %slice3A_651[0] : f32 from vector<1xf32>
      %get3A_653 = arith.index_cast %scan3A_571 : i32 to index
      %get3A_654 = arith.constant 80 : index
      %get3A_655 = tpu.vector_load %arg8[%get3A_653, %get3A_654] {strides = array<i32>} : memref<112x144xf32, #tpu.memory_space<vmem>>, vector<1x16xf32>,
      %get3A_656 = vector.shape_cast %get3A_655 : vector<1x16xf32> to vector<16xf32>
      %mul3A_657 = vector.broadcast %squeeze3A_652 : f32 to vector<16xf32>
      %mul3A_658 = arith.mulf %get3A_656, %mul3A_657 : vector<16xf32>
      %swap3A_659 = arith.index_cast %scan3A_571 : i32 to index
      %swap3A_660 = arith.constant 80 : index
      %swap3A_661 = tpu.vector_load %arg8[%swap3A_659, %swap3A_660] {strides = array<i32>} : memref<112x144xf32, #tpu.memory_space<vmem>>, vector<1x16xf32>,
      %swap3A_662 = vector.shape_cast %swap3A_661 : vector<1x16xf32> to vector<16xf32>
      %swap3A_663 = vector.shape_cast %mul3A_658 : vector<16xf32> to vector<1x16xf32>
      tpu.vector_store %arg8[%swap3A_659, %swap3A_660], %swap3A_663 {strides = array<i32>} : memref<112x144xf32, #tpu.memory_space<vmem>>, vector<1x16xf32>,
      %slice3A_664 = vector.extract_strided_slice %exp3A {offsets = [6], sizes = [1], strides = [1]} : vector<16xf32> to vector<1xf32>
      %squeeze3A_665 = vector.extract %slice3A_664[0] : f32 from vector<1xf32>
      %get3A_666 = arith.index_cast %scan3A_571 : i32 to index
      %get3A_667 = arith.constant 96 : index
      %get3A_668 = tpu.vector_load %arg8[%get3A_666, %get3A_667] {strides = array<i32>} : memref<112x144xf32, #tpu.memory_space<vmem>>, vector<1x16xf32>,
      %get3A_669 = vector.shape_cast %get3A_668 : vector<1x16xf32> to vector<16xf32>
      %mul3A_670 = vector.broadcast %squeeze3A_665 : f32 to vector<16xf32>
      %mul3A_671 = arith.mulf %get3A_669, %mul3A_670 : vector<16xf32>
      %swap3A_672 = arith.index_cast %scan3A_571 : i32 to index
      %swap3A_673 = arith.constant 96 : index
      %swap3A_674 = tpu.vector_load %arg8[%swap3A_672, %swap3A_673] {strides = array<i32>} : memref<112x144xf32, #tpu.memory_space<vmem>>, vector<1x16xf32>,
      %swap3A_675 = vector.shape_cast %swap3A_674 : vector<1x16xf32> to vector<16xf32>
      %swap3A_676 = vector.shape_cast %mul3A_671 : vector<16xf32> to vector<1x16xf32>
      tpu.vector_store %arg8[%swap3A_672, %swap3A_673], %swap3A_676 {strides = array<i32>} : memref<112x144xf32, #tpu.memory_space<vmem>>, vector<1x16xf32>,
      %slice3A_677 = vector.extract_strided_slice %exp3A {offsets = [7], sizes = [1], strides = [1]} : vector<16xf32> to vector<1xf32>
      %squeeze3A_678 = vector.extract %slice3A_677[0] : f32 from vector<1xf32>
      %get3A_679 = arith.index_cast %scan3A_571 : i32 to index
      %get3A_680 = arith.constant 112 : index
      %get3A_681 = tpu.vector_load %arg8[%get3A_679, %get3A_680] {strides = array<i32>} : memref<112x144xf32, #tpu.memory_space<vmem>>, vector<1x16xf32>,
      %get3A_682 = vector.shape_cast %get3A_681 : vector<1x16xf32> to vector<16xf32>
      %mul3A_683 = vector.broadcast %squeeze3A_678 : f32 to vector<16xf32>
      %mul3A_684 = arith.mulf %get3A_682, %mul3A_683 : vector<16xf32>
      %swap3A_685 = arith.index_cast %scan3A_571 : i32 to index
      %swap3A_686 = arith.constant 112 : index
      %swap3A_687 = tpu.vector_load %arg8[%swap3A_685, %swap3A_686] {strides = array<i32>} : memref<112x144xf32, #tpu.memory_space<vmem>>, vector<1x16xf32>,
      %swap3A_688 = vector.shape_cast %swap3A_687 : vector<1x16xf32> to vector<16xf32>
      %swap3A_689 = vector.shape_cast %mul3A_684 : vector<16xf32> to vector<1x16xf32>
      tpu.vector_store %arg8[%swap3A_685, %swap3A_686], %swap3A_689 {strides = array<i32>} : memref<112x144xf32, #tpu.memory_space<vmem>>, vector<1x16xf32>,
      %scan3A_690 = arith.constant 0 : i32
      scf.yield %scan3A_690 : i32
    }
    %scan3A_453 = arith.constant 112 : i32
    %dma_start3A_454 = arith.constant 2 : i32
    %dma_start3A_455 = arith.constant 2 : i32
    %dma_start3A_456 = arith.constant 0 : i32
    %dma_start3A_457 = tpu.memref_slice %arg7[%dma_start3A_454, %dma_start3A_455, %dma_start3A_456] : memref<4x3x112xi32, #tpu.memory_space<vmem>> -> memref<1x1x112xi32, #tpu.memory_space<vmem>>
    %dma_start3A_458 = tpu.memref_squeeze %dma_start3A_457 : memref<1x1x112xi32, #tpu.memory_space<vmem>> -> memref<112xi32, #tpu.memory_space<vmem>>
    %dma_start3A_459 = arith.constant 0 : i32
    %dma_start3A_460 = arith.constant 0 : i32
    %dma_start3A_461 = tpu.memref_slice %arg12[%dma_start3A_459, %dma_start3A_460] : memref<10016x144xf32, #tpu.memory_space<vmem_shared>> -> memref<10016x144xf32, #tpu.memory_space<vmem_shared>>
    tpu.enqueue_indirect_dma source(%arg8 : memref<112x144xf32, #tpu.memory_space<vmem>>) target(%dma_start3A_461 : memref<10016x144xf32, #tpu.memory_space<vmem_shared>>) offsets(%dma_start3A_458 : memref<112xi32, #tpu.memory_space<vmem>>) semaphore(%arg19 : memref<!tpu.dma_semaphore, #tpu.memory_space<semaphore_mem>>) {add = true}
    %dma_wait3A_462 = arith.constant 0 : i32
    %dma_wait3A_463 = arith.constant 0 : i32
    %dma_wait3A_464 = arith.constant 0 : i32
    %dma_wait3A_465 = tpu.memref_slice %arg6[%dma_wait3A_462, %dma_wait3A_463, %dma_wait3A_464] : memref<4x3x112xi32, #tpu.memory_space<vmem>> -> memref<1x1x112xi32, #tpu.memory_space<vmem>>
    %dma_wait3A_466 = tpu.memref_squeeze %dma_wait3A_465 : memref<1x1x112xi32, #tpu.memory_space<vmem>> -> memref<112xi32, #tpu.memory_space<vmem>>
    %dma_wait3A_467 = arith.constant 0 : i32
    %dma_wait3A_468 = arith.constant 0 : i32
    %dma_wait3A_469 = tpu.memref_slice %arg2[%dma_wait3A_467, %dma_wait3A_468] : memref<20480x144xf32, #tpu.memory_space<hbm>> -> memref<20480x144xf32, #tpu.memory_space<hbm>>
    tpu.wait_indirect_dma semaphore(%arg16 : memref<!tpu.dma_semaphore, #tpu.memory_space<semaphore_mem>>) src(%dma_wait3A_469 : memref<20480x144xf32, #tpu.memory_space<hbm>>) dst(%arg9 : memref<112x144xf32, #tpu.memory_space<vmem>>)
    %dma_wait3A_470 = arith.constant 0 : i32
    %dma_wait3A_471 = arith.constant 1 : i32
    %dma_wait3A_472 = arith.constant 0 : i32
    %dma_wait3A_473 = tpu.memref_slice %arg6[%dma_wait3A_470, %dma_wait3A_471, %dma_wait3A_472] : memref<4x3x112xi32, #tpu.memory_space<vmem>> -> memref<1x1x112xi32, #tpu.memory_space<vmem>>
    %dma_wait3A_474 = tpu.memref_squeeze %dma_wait3A_473 : memref<1x1x112xi32, #tpu.memory_space<vmem>> -> memref<112xi32, #tpu.memory_space<vmem>>
    %dma_wait3A_475 = arith.constant 0 : i32
    %dma_wait3A_476 = arith.constant 0 : i32
    %dma_wait3A_477 = tpu.memref_slice %arg3[%dma_wait3A_475, %dma_wait3A_476] : memref<20480x16xf32, #tpu.memory_space<hbm>> -> memref<20480x16xf32, #tpu.memory_space<hbm>>
    tpu.wait_indirect_dma semaphore(%arg18 : memref<!tpu.dma_semaphore, #tpu.memory_space<semaphore_mem>>) src(%dma_wait3A_477 : memref<20480x16xf32, #tpu.memory_space<hbm>>) dst(%arg11 : memref<112x16xf32, #tpu.memory_space<vmem>>)
    %dma_wait3A_478 = arith.constant 3 : i32
    %dma_wait3A_479 = arith.constant 2 : i32
    %dma_wait3A_480 = arith.constant 0 : i32
    %dma_wait3A_481 = tpu.memref_slice %arg7[%dma_wait3A_478, %dma_wait3A_479, %dma_wait3A_480] : memref<4x3x112xi32, #tpu.memory_space<vmem>> -> memref<1x1x112xi32, #tpu.memory_space<vmem>>
    %dma_wait3A_482 = tpu.memref_squeeze %dma_wait3A_481 : memref<1x1x112xi32, #tpu.memory_space<vmem>> -> memref<112xi32, #tpu.memory_space<vmem>>
    %dma_wait3A_483 = arith.constant 0 : i32
    %dma_wait3A_484 = arith.constant 0 : i32
    %dma_wait3A_485 = tpu.memref_slice %arg12[%dma_wait3A_483, %dma_wait3A_484] : memref<10016x144xf32, #tpu.memory_space<vmem_shared>> -> memref<10016x144xf32, #tpu.memory_space<vmem_shared>>
    tpu.wait_indirect_dma semaphore(%arg19 : memref<!tpu.dma_semaphore, #tpu.memory_space<semaphore_mem>>) src(%arg8 : memref<112x144xf32, #tpu.memory_space<vmem>>) dst(%dma_wait3A_485 : memref<10016x144xf32, #tpu.memory_space<vmem_shared>>)
    %dma_wait3A_486 = arith.constant 0 : i32
    %dma_wait3A_487 = arith.constant 0 : i32
    %dma_wait3A_488 = arith.constant 0 : i32
    %dma_wait3A_489 = tpu.memref_slice %arg4[%arg0, %arg1, %dma_wait3A_486, %dma_wait3A_487, %dma_wait3A_488] : memref<2x16x188x3x112xi32, #tpu.memory_space<hbm>> -> memref<1x1x4x3x112xi32, #tpu.memory_space<hbm>>
    %dma_wait3A_490 = tpu.memref_squeeze %dma_wait3A_489 : memref<1x1x4x3x112xi32, #tpu.memory_space<hbm>> -> memref<4x3x112xi32, #tpu.memory_space<hbm>>
    %dma_wait3A_491 = arith.constant 0 : i32
    %dma_wait3A_492 = arith.constant 0 : i32
    %dma_wait3A_493 = arith.constant 0 : i32
    %dma_wait3A_494 = tpu.memref_slice %arg4[%arg0, %arg1, %dma_wait3A_491, %dma_wait3A_492, %dma_wait3A_493] : memref<2x16x188x3x112xi32, #tpu.memory_space<hbm>> -> memref<1x1x4x3x112xi32, #tpu.memory_space<hbm>>
    %dma_wait3A_495 = tpu.memref_squeeze %dma_wait3A_494 : memref<1x1x4x3x112xi32, #tpu.memory_space<hbm>> -> memref<4x3x112xi32, #tpu.memory_space<hbm>>
    tpu.wait_dma2 semaphore(%arg13 : memref<!tpu.dma_semaphore, #tpu.memory_space<semaphore_mem>>) src(%dma_wait3A_495 : memref<4x3x112xi32, #tpu.memory_space<hbm>>) dst(%arg6 : memref<4x3x112xi32, #tpu.memory_space<vmem>>)
    %dma_start3A_496 = arith.constant 0 : i32
    %dma_start3A_497 = arith.constant 0 : i32
    %dma_start3A_498 = arith.constant 0 : i32
    %dma_start3A_499 = tpu.memref_slice %arg6[%dma_start3A_496, %dma_start3A_497, %dma_start3A_498] : memref<4x3x112xi32, #tpu.memory_space<vmem>> -> memref<1x1x112xi32, #tpu.memory_space<vmem>>
    %dma_start3A_500 = tpu.memref_squeeze %dma_start3A_499 : memref<1x1x112xi32, #tpu.memory_space<vmem>> -> memref<112xi32, #tpu.memory_space<vmem>>
    %dma_start3A_501 = arith.constant 0 : i32
    %dma_start3A_502 = arith.constant 0 : i32
    %dma_start3A_503 = tpu.memref_slice %arg2[%dma_start3A_501, %dma_start3A_502] : memref<20480x144xf32, #tpu.memory_space<hbm>> -> memref<20480x144xf32, #tpu.memory_space<hbm>>
    tpu.enqueue_indirect_dma source(%dma_start3A_503 : memref<20480x144xf32, #tpu.memory_space<hbm>>) target(%arg8 : memref<112x144xf32, #tpu.memory_space<vmem>>) offsets(%dma_start3A_500 : memref<112xi32, #tpu.memory_space<vmem>>) semaphore(%arg15 : memref<!tpu.dma_semaphore, #tpu.memory_space<semaphore_mem>>)
    %dma_start3A_504 = arith.constant 0 : i32
    %dma_start3A_505 = arith.constant 1 : i32
    %dma_start3A_506 = arith.constant 0 : i32
    %dma_start3A_507 = tpu.memref_slice %arg6[%dma_start3A_504, %dma_start3A_505, %dma_start3A_506] : memref<4x3x112xi32, #tpu.memory_space<vmem>> -> memref<1x1x112xi32, #tpu.memory_space<vmem>>
    %dma_start3A_508 = tpu.memref_squeeze %dma_start3A_507 : memref<1x1x112xi32, #tpu.memory_space<vmem>> -> memref<112xi32, #tpu.memory_space<vmem>>
    %dma_start3A_509 = arith.constant 0 : i32
    %dma_start3A_510 = arith.constant 0 : i32
    %dma_start3A_511 = tpu.memref_slice %arg3[%dma_start3A_509, %dma_start3A_510] : memref<20480x16xf32, #tpu.memory_space<hbm>> -> memref<20480x16xf32, #tpu.memory_space<hbm>>
    tpu.enqueue_indirect_dma source(%dma_start3A_511 : memref<20480x16xf32, #tpu.memory_space<hbm>>) target(%arg10 : memref<112x16xf32, #tpu.memory_space<vmem>>) offsets(%dma_start3A_508 : memref<112xi32, #tpu.memory_space<vmem>>) semaphore(%arg17 : memref<!tpu.dma_semaphore, #tpu.memory_space<semaphore_mem>>)
    %scan3A_512 = arith.constant 0 : i32
    %scan3A_513 = arith.constant 0 : i32
    %scan3A_514 = arith.constant 112 : i32
    %scan3A_515 = arith.addi %scan3A_513, %scan3A_514 : i32
    %scan3A_516 = arith.constant 1 : i32
    %scan3A_517 = scf.for %scan3A_571 = %scan3A_513 to %scan3A_515 step %scan3A_516 iter_args(%scan3A_572 = %scan3A_512) -> (i32)  : i32 {
      %get3A = arith.index_cast %scan3A_571 : i32 to index
      %get3A_573 = arith.constant 128 : index
      %get3A_574 = tpu.vector_load %arg9[%get3A, %get3A_573] {strides = array<i32>} : memref<112x144xf32, #tpu.memory_space<vmem>>, vector<1x16xf32>,
      %get3A_575 = vector.shape_cast %get3A_574 : vector<1x16xf32> to vector<16xf32>
      %get3A_576 = arith.index_cast %scan3A_571 : i32 to index
      %get3A_577 = arith.constant 0 : index
      %get3A_578 = tpu.vector_load %arg11[%get3A_576, %get3A_577] {strides = array<i32>} : memref<112x16xf32, #tpu.memory_space<vmem>>, vector<1x16xf32>,
      %get3A_579 = vector.shape_cast %get3A_578 : vector<1x16xf32> to vector<16xf32>
      %add3A_580 = arith.addf %get3A_575, %get3A_579 : vector<16xf32>
      %mul3A_581 = arith.constant 2.000000e-01 : f32
      %mul3A_582 = vector.broadcast %mul3A_581 : f32 to vector<16xf32>
      %mul3A_583 = arith.mulf %mul3A_582, %add3A_580 : vector<16xf32>
      %max3A = arith.maximumf %add3A_580, %mul3A_583 : vector<16xf32>
      %exp3A = math.exp %max3A : vector<16xf32>
      %swap3A = arith.index_cast %scan3A_571 : i32 to index
      %swap3A_584 = arith.constant 128 : index
      %swap3A_585 = tpu.vector_load %arg9[%swap3A, %swap3A_584] {strides = array<i32>} : memref<112x144xf32, #tpu.memory_space<vmem>>, vector<1x16xf32>,
      %swap3A_586 = vector.shape_cast %swap3A_585 : vector<1x16xf32> to vector<16xf32>
      %swap3A_587 = vector.shape_cast %exp3A : vector<16xf32> to vector<1x16xf32>
      tpu.vector_store %arg9[%swap3A, %swap3A_584], %swap3A_587 {strides = array<i32>} : memref<112x144xf32, #tpu.memory_space<vmem>>, vector<1x16xf32>,
      %slice3A = vector.extract_strided_slice %exp3A {offsets = [0], sizes = [1], strides = [1]} : vector<16xf32> to vector<1xf32>
      %squeeze3A = vector.extract %slice3A[0] : f32 from vector<1xf32>
      %get3A_588 = arith.index_cast %scan3A_571 : i32 to index
      %get3A_589 = arith.constant 0 : index
      %get3A_590 = tpu.vector_load %arg9[%get3A_588, %get3A_589] {strides = array<i32>} : memref<112x144xf32, #tpu.memory_space<vmem>>, vector<1x16xf32>,
      %get3A_591 = vector.shape_cast %get3A_590 : vector<1x16xf32> to vector<16xf32>
      %mul3A_592 = vector.broadcast %squeeze3A : f32 to vector<16xf32>
      %mul3A_593 = arith.mulf %get3A_591, %mul3A_592 : vector<16xf32>
      %swap3A_594 = arith.index_cast %scan3A_571 : i32 to index
      %swap3A_595 = arith.constant 0 : index
      %swap3A_596 = tpu.vector_load %arg9[%swap3A_594, %swap3A_595] {strides = array<i32>} : memref<112x144xf32, #tpu.memory_space<vmem>>, vector<1x16xf32>,
      %swap3A_597 = vector.shape_cast %swap3A_596 : vector<1x16xf32> to vector<16xf32>
      %swap3A_598 = vector.shape_cast %mul3A_593 : vector<16xf32> to vector<1x16xf32>
      tpu.vector_store %arg9[%swap3A_594, %swap3A_595], %swap3A_598 {strides = array<i32>} : memref<112x144xf32, #tpu.memory_space<vmem>>, vector<1x16xf32>,
      %slice3A_599 = vector.extract_strided_slice %exp3A {offsets = [1], sizes = [1], strides = [1]} : vector<16xf32> to vector<1xf32>
      %squeeze3A_600 = vector.extract %slice3A_599[0] : f32 from vector<1xf32>
      %get3A_601 = arith.index_cast %scan3A_571 : i32 to index
      %get3A_602 = arith.constant 16 : index
      %get3A_603 = tpu.vector_load %arg9[%get3A_601, %get3A_602] {strides = array<i32>} : memref<112x144xf32, #tpu.memory_space<vmem>>, vector<1x16xf32>,
      %get3A_604 = vector.shape_cast %get3A_603 : vector<1x16xf32> to vector<16xf32>
      %mul3A_605 = vector.broadcast %squeeze3A_600 : f32 to vector<16xf32>
      %mul3A_606 = arith.mulf %get3A_604, %mul3A_605 : vector<16xf32>
      %swap3A_607 = arith.index_cast %scan3A_571 : i32 to index
      %swap3A_608 = arith.constant 16 : index
      %swap3A_609 = tpu.vector_load %arg9[%swap3A_607, %swap3A_608] {strides = array<i32>} : memref<112x144xf32, #tpu.memory_space<vmem>>, vector<1x16xf32>,
      %swap3A_610 = vector.shape_cast %swap3A_609 : vector<1x16xf32> to vector<16xf32>
      %swap3A_611 = vector.shape_cast %mul3A_606 : vector<16xf32> to vector<1x16xf32>
      tpu.vector_store %arg9[%swap3A_607, %swap3A_608], %swap3A_611 {strides = array<i32>} : memref<112x144xf32, #tpu.memory_space<vmem>>, vector<1x16xf32>,
      %slice3A_612 = vector.extract_strided_slice %exp3A {offsets = [2], sizes = [1], strides = [1]} : vector<16xf32> to vector<1xf32>
      %squeeze3A_613 = vector.extract %slice3A_612[0] : f32 from vector<1xf32>
      %get3A_614 = arith.index_cast %scan3A_571 : i32 to index
      %get3A_615 = arith.constant 32 : index
      %get3A_616 = tpu.vector_load %arg9[%get3A_614, %get3A_615] {strides = array<i32>} : memref<112x144xf32, #tpu.memory_space<vmem>>, vector<1x16xf32>,
      %get3A_617 = vector.shape_cast %get3A_616 : vector<1x16xf32> to vector<16xf32>
      %mul3A_618 = vector.broadcast %squeeze3A_613 : f32 to vector<16xf32>
      %mul3A_619 = arith.mulf %get3A_617, %mul3A_618 : vector<16xf32>
      %swap3A_620 = arith.index_cast %scan3A_571 : i32 to index
      %swap3A_621 = arith.constant 32 : index
      %swap3A_622 = tpu.vector_load %arg9[%swap3A_620, %swap3A_621] {strides = array<i32>} : memref<112x144xf32, #tpu.memory_space<vmem>>, vector<1x16xf32>,
      %swap3A_623 = vector.shape_cast %swap3A_622 : vector<1x16xf32> to vector<16xf32>
      %swap3A_624 = vector.shape_cast %mul3A_619 : vector<16xf32> to vector<1x16xf32>
      tpu.vector_store %arg9[%swap3A_620, %swap3A_621], %swap3A_624 {strides = array<i32>} : memref<112x144xf32, #tpu.memory_space<vmem>>, vector<1x16xf32>,
      %slice3A_625 = vector.extract_strided_slice %exp3A {offsets = [3], sizes = [1], strides = [1]} : vector<16xf32> to vector<1xf32>
      %squeeze3A_626 = vector.extract %slice3A_625[0] : f32 from vector<1xf32>
      %get3A_627 = arith.index_cast %scan3A_571 : i32 to index
      %get3A_628 = arith.constant 48 : index
      %get3A_629 = tpu.vector_load %arg9[%get3A_627, %get3A_628] {strides = array<i32>} : memref<112x144xf32, #tpu.memory_space<vmem>>, vector<1x16xf32>,
      %get3A_630 = vector.shape_cast %get3A_629 : vector<1x16xf32> to vector<16xf32>
      %mul3A_631 = vector.broadcast %squeeze3A_626 : f32 to vector<16xf32>
      %mul3A_632 = arith.mulf %get3A_630, %mul3A_631 : vector<16xf32>
      %swap3A_633 = arith.index_cast %scan3A_571 : i32 to index
      %swap3A_634 = arith.constant 48 : index
      %swap3A_635 = tpu.vector_load %arg9[%swap3A_633, %swap3A_634] {strides = array<i32>} : memref<112x144xf32, #tpu.memory_space<vmem>>, vector<1x16xf32>,
      %swap3A_636 = vector.shape_cast %swap3A_635 : vector<1x16xf32> to vector<16xf32>
      %swap3A_637 = vector.shape_cast %mul3A_632 : vector<16xf32> to vector<1x16xf32>
      tpu.vector_store %arg9[%swap3A_633, %swap3A_634], %swap3A_637 {strides = array<i32>} : memref<112x144xf32, #tpu.memory_space<vmem>>, vector<1x16xf32>,
      %slice3A_638 = vector.extract_strided_slice %exp3A {offsets = [4], sizes = [1], strides = [1]} : vector<16xf32> to vector<1xf32>
      %squeeze3A_639 = vector.extract %slice3A_638[0] : f32 from vector<1xf32>
      %get3A_640 = arith.index_cast %scan3A_571 : i32 to index
      %get3A_641 = arith.constant 64 : index
      %get3A_642 = tpu.vector_load %arg9[%get3A_640, %get3A_641] {strides = array<i32>} : memref<112x144xf32, #tpu.memory_space<vmem>>, vector<1x16xf32>,
      %get3A_643 = vector.shape_cast %get3A_642 : vector<1x16xf32> to vector<16xf32>
      %mul3A_644 = vector.broadcast %squeeze3A_639 : f32 to vector<16xf32>
      %mul3A_645 = arith.mulf %get3A_643, %mul3A_644 : vector<16xf32>
      %swap3A_646 = arith.index_cast %scan3A_571 : i32 to index
      %swap3A_647 = arith.constant 64 : index
      %swap3A_648 = tpu.vector_load %arg9[%swap3A_646, %swap3A_647] {strides = array<i32>} : memref<112x144xf32, #tpu.memory_space<vmem>>, vector<1x16xf32>,
      %swap3A_649 = vector.shape_cast %swap3A_648 : vector<1x16xf32> to vector<16xf32>
      %swap3A_650 = vector.shape_cast %mul3A_645 : vector<16xf32> to vector<1x16xf32>
      tpu.vector_store %arg9[%swap3A_646, %swap3A_647], %swap3A_650 {strides = array<i32>} : memref<112x144xf32, #tpu.memory_space<vmem>>, vector<1x16xf32>,
      %slice3A_651 = vector.extract_strided_slice %exp3A {offsets = [5], sizes = [1], strides = [1]} : vector<16xf32> to vector<1xf32>
      %squeeze3A_652 = vector.extract %slice3A_651[0] : f32 from vector<1xf32>
      %get3A_653 = arith.index_cast %scan3A_571 : i32 to index
      %get3A_654 = arith.constant 80 : index
      %get3A_655 = tpu.vector_load %arg9[%get3A_653, %get3A_654] {strides = array<i32>} : memref<112x144xf32, #tpu.memory_space<vmem>>, vector<1x16xf32>,
      %get3A_656 = vector.shape_cast %get3A_655 : vector<1x16xf32> to vector<16xf32>
      %mul3A_657 = vector.broadcast %squeeze3A_652 : f32 to vector<16xf32>
      %mul3A_658 = arith.mulf %get3A_656, %mul3A_657 : vector<16xf32>
      %swap3A_659 = arith.index_cast %scan3A_571 : i32 to index
      %swap3A_660 = arith.constant 80 : index
      %swap3A_661 = tpu.vector_load %arg9[%swap3A_659, %swap3A_660] {strides = array<i32>} : memref<112x144xf32, #tpu.memory_space<vmem>>, vector<1x16xf32>,
      %swap3A_662 = vector.shape_cast %swap3A_661 : vector<1x16xf32> to vector<16xf32>
      %swap3A_663 = vector.shape_cast %mul3A_658 : vector<16xf32> to vector<1x16xf32>
      tpu.vector_store %arg9[%swap3A_659, %swap3A_660], %swap3A_663 {strides = array<i32>} : memref<112x144xf32, #tpu.memory_space<vmem>>, vector<1x16xf32>,
      %slice3A_664 = vector.extract_strided_slice %exp3A {offsets = [6], sizes = [1], strides = [1]} : vector<16xf32> to vector<1xf32>
      %squeeze3A_665 = vector.extract %slice3A_664[0] : f32 from vector<1xf32>
      %get3A_666 = arith.index_cast %scan3A_571 : i32 to index
      %get3A_667 = arith.constant 96 : index
      %get3A_668 = tpu.vector_load %arg9[%get3A_666, %get3A_667] {strides = array<i32>} : memref<112x144xf32, #tpu.memory_space<vmem>>, vector<1x16xf32>,
      %get3A_669 = vector.shape_cast %get3A_668 : vector<1x16xf32> to vector<16xf32>
      %mul3A_670 = vector.broadcast %squeeze3A_665 : f32 to vector<16xf32>
      %mul3A_671 = arith.mulf %get3A_669, %mul3A_670 : vector<16xf32>
      %swap3A_672 = arith.index_cast %scan3A_571 : i32 to index
      %swap3A_673 = arith.constant 96 : index
      %swap3A_674 = tpu.vector_load %arg9[%swap3A_672, %swap3A_673] {strides = array<i32>} : memref<112x144xf32, #tpu.memory_space<vmem>>, vector<1x16xf32>,
      %swap3A_675 = vector.shape_cast %swap3A_674 : vector<1x16xf32> to vector<16xf32>
      %swap3A_676 = vector.shape_cast %mul3A_671 : vector<16xf32> to vector<1x16xf32>
      tpu.vector_store %arg9[%swap3A_672, %swap3A_673], %swap3A_676 {strides = array<i32>} : memref<112x144xf32, #tpu.memory_space<vmem>>, vector<1x16xf32>,
      %slice3A_677 = vector.extract_strided_slice %exp3A {offsets = [7], sizes = [1], strides = [1]} : vector<16xf32> to vector<1xf32>
      %squeeze3A_678 = vector.extract %slice3A_677[0] : f32 from vector<1xf32>
      %get3A_679 = arith.index_cast %scan3A_571 : i32 to index
      %get3A_680 = arith.constant 112 : index
      %get3A_681 = tpu.vector_load %arg9[%get3A_679, %get3A_680] {strides = array<i32>} : memref<112x144xf32, #tpu.memory_space<vmem>>, vector<1x16xf32>,
      %get3A_682 = vector.shape_cast %get3A_681 : vector<1x16xf32> to vector<16xf32>
      %mul3A_683 = vector.broadcast %squeeze3A_678 : f32 to vector<16xf32>
      %mul3A_684 = arith.mulf %get3A_682, %mul3A_683 : vector<16xf32>
      %swap3A_685 = arith.index_cast %scan3A_571 : i32 to index
      %swap3A_686 = arith.constant 112 : index
      %swap3A_687 = tpu.vector_load %arg9[%swap3A_685, %swap3A_686] {strides = array<i32>} : memref<112x144xf32, #tpu.memory_space<vmem>>, vector<1x16xf32>,
      %swap3A_688 = vector.shape_cast %swap3A_687 : vector<1x16xf32> to vector<16xf32>
      %swap3A_689 = vector.shape_cast %mul3A_684 : vector<16xf32> to vector<1x16xf32>
      tpu.vector_store %arg9[%swap3A_685, %swap3A_686], %swap3A_689 {strides = array<i32>} : memref<112x144xf32, #tpu.memory_space<vmem>>, vector<1x16xf32>,
      %scan3A_690 = arith.constant 0 : i32
      scf.yield %scan3A_690 : i32
    }
    %scan3A_518 = arith.constant 112 : i32
    %dma_start3A_519 = arith.constant 3 : i32
    %dma_start3A_520 = arith.constant 2 : i32
    %dma_start3A_521 = arith.constant 0 : i32
    %dma_start3A_522 = tpu.memref_slice %arg7[%dma_start3A_519, %dma_start3A_520, %dma_start3A_521] : memref<4x3x112xi32, #tpu.memory_space<vmem>> -> memref<1x1x112xi32, #tpu.memory_space<vmem>>
    %dma_start3A_523 = tpu.memref_squeeze %dma_start3A_522 : memref<1x1x112xi32, #tpu.memory_space<vmem>> -> memref<112xi32, #tpu.memory_space<vmem>>
    %dma_start3A_524 = arith.constant 0 : i32
    %dma_start3A_525 = arith.constant 0 : i32
    %dma_start3A_526 = tpu.memref_slice %arg12[%dma_start3A_524, %dma_start3A_525] : memref<10016x144xf32, #tpu.memory_space<vmem_shared>> -> memref<10016x144xf32, #tpu.memory_space<vmem_shared>>
    tpu.enqueue_indirect_dma source(%arg9 : memref<112x144xf32, #tpu.memory_space<vmem>>) target(%dma_start3A_526 : memref<10016x144xf32, #tpu.memory_space<vmem_shared>>) offsets(%dma_start3A_523 : memref<112xi32, #tpu.memory_space<vmem>>) semaphore(%arg20 : memref<!tpu.dma_semaphore, #tpu.memory_space<semaphore_mem>>) {add = true}
    %scan3A_527 = arith.constant 0 : i32
    %scan3A_528 = arith.constant 1 : i32
    %scan3A_529 = arith.constant 22 : i32
    %scan3A_530 = arith.addi %scan3A_528, %scan3A_529 : i32
    %scan3A_531 = arith.constant 1 : i32
    %scan3A_532 = scf.for %scan3A_571 = %scan3A_528 to %scan3A_530 step %scan3A_531 iter_args(%scan3A_572 = %scan3A_527) -> (i32)  : i32 {
      %mul3A_573 = arith.constant 8 : i32
      %mul3A_574 = arith.muli %mul3A_573, %scan3A_571 : i32
      %dma_wait3A_575 = arith.constant 0 : i32
      %dma_wait3A_576 = arith.constant 0 : i32
      %dma_wait3A_577 = arith.constant 0 : i32
      %dma_wait3A_578 = tpu.memref_slice %arg6[%dma_wait3A_575, %dma_wait3A_576, %dma_wait3A_577] : memref<4x3x112xi32, #tpu.memory_space<vmem>> -> memref<1x1x112xi32, #tpu.memory_space<vmem>>
      %dma_wait3A_579 = tpu.memref_squeeze %dma_wait3A_578 : memref<1x1x112xi32, #tpu.memory_space<vmem>> -> memref<112xi32, #tpu.memory_space<vmem>>
      %dma_wait3A_580 = arith.constant 0 : i32
      %dma_wait3A_581 = arith.constant 0 : i32
      %dma_wait3A_582 = tpu.memref_slice %arg2[%dma_wait3A_580, %dma_wait3A_581] : memref<20480x144xf32, #tpu.memory_space<hbm>> -> memref<20480x144xf32, #tpu.memory_space<hbm>>
      tpu.wait_indirect_dma semaphore(%arg15 : memref<!tpu.dma_semaphore, #tpu.memory_space<semaphore_mem>>) src(%dma_wait3A_582 : memref<20480x144xf32, #tpu.memory_space<hbm>>) dst(%arg8 : memref<112x144xf32, #tpu.memory_space<vmem>>)
      %dma_wait3A_583 = arith.constant 0 : i32
      %dma_wait3A_584 = arith.constant 1 : i32
      %dma_wait3A_585 = arith.constant 0 : i32
      %dma_wait3A_586 = tpu.memref_slice %arg6[%dma_wait3A_583, %dma_wait3A_584, %dma_wait3A_585] : memref<4x3x112xi32, #tpu.memory_space<vmem>> -> memref<1x1x112xi32, #tpu.memory_space<vmem>>
      %dma_wait3A_587 = tpu.memref_squeeze %dma_wait3A_586 : memref<1x1x112xi32, #tpu.memory_space<vmem>> -> memref<112xi32, #tpu.memory_space<vmem>>
      %dma_wait3A_588 = arith.constant 0 : i32
      %dma_wait3A_589 = arith.constant 0 : i32
      %dma_wait3A_590 = tpu.memref_slice %arg3[%dma_wait3A_588, %dma_wait3A_589] : memref<20480x16xf32, #tpu.memory_space<hbm>> -> memref<20480x16xf32, #tpu.memory_space<hbm>>
      tpu.wait_indirect_dma semaphore(%arg17 : memref<!tpu.dma_semaphore, #tpu.memory_space<semaphore_mem>>) src(%dma_wait3A_590 : memref<20480x16xf32, #tpu.memory_space<hbm>>) dst(%arg10 : memref<112x16xf32, #tpu.memory_space<vmem>>)
      %dma_wait3A_591 = arith.constant 0 : i32
      %dma_wait3A_592 = arith.constant 2 : i32
      %dma_wait3A_593 = arith.constant 0 : i32
      %dma_wait3A_594 = tpu.memref_slice %arg6[%dma_wait3A_591, %dma_wait3A_592, %dma_wait3A_593] : memref<4x3x112xi32, #tpu.memory_space<vmem>> -> memref<1x1x112xi32, #tpu.memory_space<vmem>>
      %dma_wait3A_595 = tpu.memref_squeeze %dma_wait3A_594 : memref<1x1x112xi32, #tpu.memory_space<vmem>> -> memref<112xi32, #tpu.memory_space<vmem>>
      %dma_wait3A_596 = arith.constant 0 : i32
      %dma_wait3A_597 = arith.constant 0 : i32
      %dma_wait3A_598 = tpu.memref_slice %arg12[%dma_wait3A_596, %dma_wait3A_597] : memref<10016x144xf32, #tpu.memory_space<vmem_shared>> -> memref<10016x144xf32, #tpu.memory_space<vmem_shared>>
      tpu.wait_indirect_dma semaphore(%arg20 : memref<!tpu.dma_semaphore, #tpu.memory_space<semaphore_mem>>) src(%arg9 : memref<112x144xf32, #tpu.memory_space<vmem>>) dst(%dma_wait3A_598 : memref<10016x144xf32, #tpu.memory_space<vmem_shared>>)
      %add3A_599 = arith.constant 4 : i32
      %add3A_600 = arith.addi %mul3A_574, %add3A_599 : i32
      %dma_start3A_601 = arith.constant 0 : i32
      %dma_start3A_602 = arith.constant 0 : i32
      %dma_start3A_603 = tpu.memref_slice %arg4[%arg0, %arg1, %add3A_600, %dma_start3A_601, %dma_start3A_602] : memref<2x16x188x3x112xi32, #tpu.memory_space<hbm>> -> memref<1x1x4x3x112xi32, #tpu.memory_space<hbm>>
      %dma_start3A_604 = tpu.memref_squeeze %dma_start3A_603 : memref<1x1x4x3x112xi32, #tpu.memory_space<hbm>> -> memref<4x3x112xi32, #tpu.memory_space<hbm>>
      %dma_start3A_605 = arith.constant 0 : i32
      %dma_start3A_606 = arith.constant 0 : i32
      %dma_start3A_607 = tpu.memref_slice %arg4[%arg0, %arg1, %add3A_600, %dma_start3A_605, %dma_start3A_606] : memref<2x16x188x3x112xi32, #tpu.memory_space<hbm>> -> memref<1x1x4x3x112xi32, #tpu.memory_space<hbm>>
      %dma_start3A_608 = tpu.memref_squeeze %dma_start3A_607 : memref<1x1x4x3x112xi32, #tpu.memory_space<hbm>> -> memref<4x3x112xi32, #tpu.memory_space<hbm>>
      tpu.enqueue_dma source(%dma_start3A_608 : memref<4x3x112xi32, #tpu.memory_space<hbm>>) target(%arg7 : memref<4x3x112xi32, #tpu.memory_space<vmem>>) target_semaphore(%arg14 : memref<!tpu.dma_semaphore, #tpu.memory_space<semaphore_mem>>)
      %dma_start3A_609 = arith.constant 1 : i32
      %dma_start3A_610 = arith.constant 0 : i32
      %dma_start3A_611 = arith.constant 0 : i32
      %dma_start3A_612 = tpu.memref_slice %arg6[%dma_start3A_609, %dma_start3A_610, %dma_start3A_611] : memref<4x3x112xi32, #tpu.memory_space<vmem>> -> memref<1x1x112xi32, #tpu.memory_space<vmem>>
      %dma_start3A_613 = tpu.memref_squeeze %dma_start3A_612 : memref<1x1x112xi32, #tpu.memory_space<vmem>> -> memref<112xi32, #tpu.memory_space<vmem>>
      %dma_start3A_614 = arith.constant 0 : i32
      %dma_start3A_615 = arith.constant 0 : i32
      %dma_start3A_616 = tpu.memref_slice %arg2[%dma_start3A_614, %dma_start3A_615] : memref<20480x144xf32, #tpu.memory_space<hbm>> -> memref<20480x144xf32, #tpu.memory_space<hbm>>
      tpu.enqueue_indirect_dma source(%dma_start3A_616 : memref<20480x144xf32, #tpu.memory_space<hbm>>) target(%arg9 : memref<112x144xf32, #tpu.memory_space<vmem>>) offsets(%dma_start3A_613 : memref<112xi32, #tpu.memory_space<vmem>>) semaphore(%arg16 : memref<!tpu.dma_semaphore, #tpu.memory_space<semaphore_mem>>)
      %dma_start3A_617 = arith.constant 1 : i32
      %dma_start3A_618 = arith.constant 1 : i32
      %dma_start3A_619 = arith.constant 0 : i32
      %dma_start3A_620 = tpu.memref_slice %arg6[%dma_start3A_617, %dma_start3A_618, %dma_start3A_619] : memref<4x3x112xi32, #tpu.memory_space<vmem>> -> memref<1x1x112xi32, #tpu.memory_space<vmem>>
      %dma_start3A_621 = tpu.memref_squeeze %dma_start3A_620 : memref<1x1x112xi32, #tpu.memory_space<vmem>> -> memref<112xi32, #tpu.memory_space<vmem>>
      %dma_start3A_622 = arith.constant 0 : i32
      %dma_start3A_623 = arith.constant 0 : i32
      %dma_start3A_624 = tpu.memref_slice %arg3[%dma_start3A_622, %dma_start3A_623] : memref<20480x16xf32, #tpu.memory_space<hbm>> -> memref<20480x16xf32, #tpu.memory_space<hbm>>
      tpu.enqueue_indirect_dma source(%dma_start3A_624 : memref<20480x16xf32, #tpu.memory_space<hbm>>) target(%arg11 : memref<112x16xf32, #tpu.memory_space<vmem>>) offsets(%dma_start3A_621 : memref<112xi32, #tpu.memory_space<vmem>>) semaphore(%arg18 : memref<!tpu.dma_semaphore, #tpu.memory_space<semaphore_mem>>)
      %scan3A_625 = arith.constant 0 : i32
      %scan3A_626 = arith.constant 0 : i32
      %scan3A_627 = arith.constant 112 : i32
      %scan3A_628 = arith.addi %scan3A_626, %scan3A_627 : i32
      %scan3A_629 = arith.constant 1 : i32
      %scan3A_630 = scf.for %scan3A_1060 = %scan3A_626 to %scan3A_628 step %scan3A_629 iter_args(%scan3A_1061 = %scan3A_625) -> (i32)  : i32 {
        %get3A = arith.index_cast %scan3A_1060 : i32 to index
        %get3A_1062 = arith.constant 128 : index
        %get3A_1063 = tpu.vector_load %arg8[%get3A, %get3A_1062] {strides = array<i32>} : memref<112x144xf32, #tpu.memory_space<vmem>>, vector<1x16xf32>,
        %get3A_1064 = vector.shape_cast %get3A_1063 : vector<1x16xf32> to vector<16xf32>
        %get3A_1065 = arith.index_cast %scan3A_1060 : i32 to index
        %get3A_1066 = arith.constant 0 : index
        %get3A_1067 = tpu.vector_load %arg10[%get3A_1065, %get3A_1066] {strides = array<i32>} : memref<112x16xf32, #tpu.memory_space<vmem>>, vector<1x16xf32>,
        %get3A_1068 = vector.shape_cast %get3A_1067 : vector<1x16xf32> to vector<16xf32>
        %add3A_1069 = arith.addf %get3A_1064, %get3A_1068 : vector<16xf32>
        %mul3A_1070 = arith.constant 2.000000e-01 : f32
        %mul3A_1071 = vector.broadcast %mul3A_1070 : f32 to vector<16xf32>
        %mul3A_1072 = arith.mulf %mul3A_1071, %add3A_1069 : vector<16xf32>
        %max3A = arith.maximumf %add3A_1069, %mul3A_1072 : vector<16xf32>
        %exp3A = math.exp %max3A : vector<16xf32>
        %swap3A = arith.index_cast %scan3A_1060 : i32 to index
        %swap3A_1073 = arith.constant 128 : index
        %swap3A_1074 = tpu.vector_load %arg8[%swap3A, %swap3A_1073] {strides = array<i32>} : memref<112x144xf32, #tpu.memory_space<vmem>>, vector<1x16xf32>,
        %swap3A_1075 = vector.shape_cast %swap3A_1074 : vector<1x16xf32> to vector<16xf32>
        %swap3A_1076 = vector.shape_cast %exp3A : vector<16xf32> to vector<1x16xf32>
        tpu.vector_store %arg8[%swap3A, %swap3A_1073], %swap3A_1076 {strides = array<i32>} : memref<112x144xf32, #tpu.memory_space<vmem>>, vector<1x16xf32>,
        %slice3A = vector.extract_strided_slice %exp3A {offsets = [0], sizes = [1], strides = [1]} : vector<16xf32> to vector<1xf32>
        %squeeze3A = vector.extract %slice3A[0] : f32 from vector<1xf32>
        %get3A_1077 = arith.index_cast %scan3A_1060 : i32 to index
        %get3A_1078 = arith.constant 0 : index
        %get3A_1079 = tpu.vector_load %arg8[%get3A_1077, %get3A_1078] {strides = array<i32>} : memref<112x144xf32, #tpu.memory_space<vmem>>, vector<1x16xf32>,
        %get3A_1080 = vector.shape_cast %get3A_1079 : vector<1x16xf32> to vector<16xf32>
        %mul3A_1081 = vector.broadcast %squeeze3A : f32 to vector<16xf32>
        %mul3A_1082 = arith.mulf %get3A_1080, %mul3A_1081 : vector<16xf32>
        %swap3A_1083 = arith.index_cast %scan3A_1060 : i32 to index
        %swap3A_1084 = arith.constant 0 : index
        %swap3A_1085 = tpu.vector_load %arg8[%swap3A_1083, %swap3A_1084] {strides = array<i32>} : memref<112x144xf32, #tpu.memory_space<vmem>>, vector<1x16xf32>,
        %swap3A_1086 = vector.shape_cast %swap3A_1085 : vector<1x16xf32> to vector<16xf32>
        %swap3A_1087 = vector.shape_cast %mul3A_1082 : vector<16xf32> to vector<1x16xf32>
        tpu.vector_store %arg8[%swap3A_1083, %swap3A_1084], %swap3A_1087 {strides = array<i32>} : memref<112x144xf32, #tpu.memory_space<vmem>>, vector<1x16xf32>,
        %slice3A_1088 = vector.extract_strided_slice %exp3A {offsets = [1], sizes = [1], strides = [1]} : vector<16xf32> to vector<1xf32>
        %squeeze3A_1089 = vector.extract %slice3A_1088[0] : f32 from vector<1xf32>
        %get3A_1090 = arith.index_cast %scan3A_1060 : i32 to index
        %get3A_1091 = arith.constant 16 : index
        %get3A_1092 = tpu.vector_load %arg8[%get3A_1090, %get3A_1091] {strides = array<i32>} : memref<112x144xf32, #tpu.memory_space<vmem>>, vector<1x16xf32>,
        %get3A_1093 = vector.shape_cast %get3A_1092 : vector<1x16xf32> to vector<16xf32>
        %mul3A_1094 = vector.broadcast %squeeze3A_1089 : f32 to vector<16xf32>
        %mul3A_1095 = arith.mulf %get3A_1093, %mul3A_1094 : vector<16xf32>
        %swap3A_1096 = arith.index_cast %scan3A_1060 : i32 to index
        %swap3A_1097 = arith.constant 16 : index
        %swap3A_1098 = tpu.vector_load %arg8[%swap3A_1096, %swap3A_1097] {strides = array<i32>} : memref<112x144xf32, #tpu.memory_space<vmem>>, vector<1x16xf32>,
        %swap3A_1099 = vector.shape_cast %swap3A_1098 : vector<1x16xf32> to vector<16xf32>
        %swap3A_1100 = vector.shape_cast %mul3A_1095 : vector<16xf32> to vector<1x16xf32>
        tpu.vector_store %arg8[%swap3A_1096, %swap3A_1097], %swap3A_1100 {strides = array<i32>} : memref<112x144xf32, #tpu.memory_space<vmem>>, vector<1x16xf32>,
        %slice3A_1101 = vector.extract_strided_slice %exp3A {offsets = [2], sizes = [1], strides = [1]} : vector<16xf32> to vector<1xf32>
        %squeeze3A_1102 = vector.extract %slice3A_1101[0] : f32 from vector<1xf32>
        %get3A_1103 = arith.index_cast %scan3A_1060 : i32 to index
        %get3A_1104 = arith.constant 32 : index
        %get3A_1105 = tpu.vector_load %arg8[%get3A_1103, %get3A_1104] {strides = array<i32>} : memref<112x144xf32, #tpu.memory_space<vmem>>, vector<1x16xf32>,
        %get3A_1106 = vector.shape_cast %get3A_1105 : vector<1x16xf32> to vector<16xf32>
        %mul3A_1107 = vector.broadcast %squeeze3A_1102 : f32 to vector<16xf32>
        %mul3A_1108 = arith.mulf %get3A_1106, %mul3A_1107 : vector<16xf32>
        %swap3A_1109 = arith.index_cast %scan3A_1060 : i32 to index
        %swap3A_1110 = arith.constant 32 : index
        %swap3A_1111 = tpu.vector_load %arg8[%swap3A_1109, %swap3A_1110] {strides = array<i32>} : memref<112x144xf32, #tpu.memory_space<vmem>>, vector<1x16xf32>,
        %swap3A_1112 = vector.shape_cast %swap3A_1111 : vector<1x16xf32> to vector<16xf32>
        %swap3A_1113 = vector.shape_cast %mul3A_1108 : vector<16xf32> to vector<1x16xf32>
        tpu.vector_store %arg8[%swap3A_1109, %swap3A_1110], %swap3A_1113 {strides = array<i32>} : memref<112x144xf32, #tpu.memory_space<vmem>>, vector<1x16xf32>,
        %slice3A_1114 = vector.extract_strided_slice %exp3A {offsets = [3], sizes = [1], strides = [1]} : vector<16xf32> to vector<1xf32>
        %squeeze3A_1115 = vector.extract %slice3A_1114[0] : f32 from vector<1xf32>
        %get3A_1116 = arith.index_cast %scan3A_1060 : i32 to index
        %get3A_1117 = arith.constant 48 : index
        %get3A_1118 = tpu.vector_load %arg8[%get3A_1116, %get3A_1117] {strides = array<i32>} : memref<112x144xf32, #tpu.memory_space<vmem>>, vector<1x16xf32>,
        %get3A_1119 = vector.shape_cast %get3A_1118 : vector<1x16xf32> to vector<16xf32>
        %mul3A_1120 = vector.broadcast %squeeze3A_1115 : f32 to vector<16xf32>
        %mul3A_1121 = arith.mulf %get3A_1119, %mul3A_1120 : vector<16xf32>
        %swap3A_1122 = arith.index_cast %scan3A_1060 : i32 to index
        %swap3A_1123 = arith.constant 48 : index
        %swap3A_1124 = tpu.vector_load %arg8[%swap3A_1122, %swap3A_1123] {strides = array<i32>} : memref<112x144xf32, #tpu.memory_space<vmem>>, vector<1x16xf32>,
        %swap3A_1125 = vector.shape_cast %swap3A_1124 : vector<1x16xf32> to vector<16xf32>
        %swap3A_1126 = vector.shape_cast %mul3A_1121 : vector<16xf32> to vector<1x16xf32>
        tpu.vector_store %arg8[%swap3A_1122, %swap3A_1123], %swap3A_1126 {strides = array<i32>} : memref<112x144xf32, #tpu.memory_space<vmem>>, vector<1x16xf32>,
        %slice3A_1127 = vector.extract_strided_slice %exp3A {offsets = [4], sizes = [1], strides = [1]} : vector<16xf32> to vector<1xf32>
        %squeeze3A_1128 = vector.extract %slice3A_1127[0] : f32 from vector<1xf32>
        %get3A_1129 = arith.index_cast %scan3A_1060 : i32 to index
        %get3A_1130 = arith.constant 64 : index
        %get3A_1131 = tpu.vector_load %arg8[%get3A_1129, %get3A_1130] {strides = array<i32>} : memref<112x144xf32, #tpu.memory_space<vmem>>, vector<1x16xf32>,
        %get3A_1132 = vector.shape_cast %get3A_1131 : vector<1x16xf32> to vector<16xf32>
        %mul3A_1133 = vector.broadcast %squeeze3A_1128 : f32 to vector<16xf32>
        %mul3A_1134 = arith.mulf %get3A_1132, %mul3A_1133 : vector<16xf32>
        %swap3A_1135 = arith.index_cast %scan3A_1060 : i32 to index
        %swap3A_1136 = arith.constant 64 : index
        %swap3A_1137 = tpu.vector_load %arg8[%swap3A_1135, %swap3A_1136] {strides = array<i32>} : memref<112x144xf32, #tpu.memory_space<vmem>>, vector<1x16xf32>,
        %swap3A_1138 = vector.shape_cast %swap3A_1137 : vector<1x16xf32> to vector<16xf32>
        %swap3A_1139 = vector.shape_cast %mul3A_1134 : vector<16xf32> to vector<1x16xf32>
        tpu.vector_store %arg8[%swap3A_1135, %swap3A_1136], %swap3A_1139 {strides = array<i32>} : memref<112x144xf32, #tpu.memory_space<vmem>>, vector<1x16xf32>,
        %slice3A_1140 = vector.extract_strided_slice %exp3A {offsets = [5], sizes = [1], strides = [1]} : vector<16xf32> to vector<1xf32>
        %squeeze3A_1141 = vector.extract %slice3A_1140[0] : f32 from vector<1xf32>
        %get3A_1142 = arith.index_cast %scan3A_1060 : i32 to index
        %get3A_1143 = arith.constant 80 : index
        %get3A_1144 = tpu.vector_load %arg8[%get3A_1142, %get3A_1143] {strides = array<i32>} : memref<112x144xf32, #tpu.memory_space<vmem>>, vector<1x16xf32>,
        %get3A_1145 = vector.shape_cast %get3A_1144 : vector<1x16xf32> to vector<16xf32>
        %mul3A_1146 = vector.broadcast %squeeze3A_1141 : f32 to vector<16xf32>
        %mul3A_1147 = arith.mulf %get3A_1145, %mul3A_1146 : vector<16xf32>
        %swap3A_1148 = arith.index_cast %scan3A_1060 : i32 to index
        %swap3A_1149 = arith.constant 80 : index
        %swap3A_1150 = tpu.vector_load %arg8[%swap3A_1148, %swap3A_1149] {strides = array<i32>} : memref<112x144xf32, #tpu.memory_space<vmem>>, vector<1x16xf32>,
        %swap3A_1151 = vector.shape_cast %swap3A_1150 : vector<1x16xf32> to vector<16xf32>
        %swap3A_1152 = vector.shape_cast %mul3A_1147 : vector<16xf32> to vector<1x16xf32>
        tpu.vector_store %arg8[%swap3A_1148, %swap3A_1149], %swap3A_1152 {strides = array<i32>} : memref<112x144xf32, #tpu.memory_space<vmem>>, vector<1x16xf32>,
        %slice3A_1153 = vector.extract_strided_slice %exp3A {offsets = [6], sizes = [1], strides = [1]} : vector<16xf32> to vector<1xf32>
        %squeeze3A_1154 = vector.extract %slice3A_1153[0] : f32 from vector<1xf32>
        %get3A_1155 = arith.index_cast %scan3A_1060 : i32 to index
        %get3A_1156 = arith.constant 96 : index
        %get3A_1157 = tpu.vector_load %arg8[%get3A_1155, %get3A_1156] {strides = array<i32>} : memref<112x144xf32, #tpu.memory_space<vmem>>, vector<1x16xf32>,
        %get3A_1158 = vector.shape_cast %get3A_1157 : vector<1x16xf32> to vector<16xf32>
        %mul3A_1159 = vector.broadcast %squeeze3A_1154 : f32 to vector<16xf32>
        %mul3A_1160 = arith.mulf %get3A_1158, %mul3A_1159 : vector<16xf32>
        %swap3A_1161 = arith.index_cast %scan3A_1060 : i32 to index
        %swap3A_1162 = arith.constant 96 : index
        %swap3A_1163 = tpu.vector_load %arg8[%swap3A_1161, %swap3A_1162] {strides = array<i32>} : memref<112x144xf32, #tpu.memory_space<vmem>>, vector<1x16xf32>,
        %swap3A_1164 = vector.shape_cast %swap3A_1163 : vector<1x16xf32> to vector<16xf32>
        %swap3A_1165 = vector.shape_cast %mul3A_1160 : vector<16xf32> to vector<1x16xf32>
        tpu.vector_store %arg8[%swap3A_1161, %swap3A_1162], %swap3A_1165 {strides = array<i32>} : memref<112x144xf32, #tpu.memory_space<vmem>>, vector<1x16xf32>,
        %slice3A_1166 = vector.extract_strided_slice %exp3A {offsets = [7], sizes = [1], strides = [1]} : vector<16xf32> to vector<1xf32>
        %squeeze3A_1167 = vector.extract %slice3A_1166[0] : f32 from vector<1xf32>
        %get3A_1168 = arith.index_cast %scan3A_1060 : i32 to index
        %get3A_1169 = arith.constant 112 : index
        %get3A_1170 = tpu.vector_load %arg8[%get3A_1168, %get3A_1169] {strides = array<i32>} : memref<112x144xf32, #tpu.memory_space<vmem>>, vector<1x16xf32>,
        %get3A_1171 = vector.shape_cast %get3A_1170 : vector<1x16xf32> to vector<16xf32>
        %mul3A_1172 = vector.broadcast %squeeze3A_1167 : f32 to vector<16xf32>
        %mul3A_1173 = arith.mulf %get3A_1171, %mul3A_1172 : vector<16xf32>
        %swap3A_1174 = arith.index_cast %scan3A_1060 : i32 to index
        %swap3A_1175 = arith.constant 112 : index
        %swap3A_1176 = tpu.vector_load %arg8[%swap3A_1174, %swap3A_1175] {strides = array<i32>} : memref<112x144xf32, #tpu.memory_space<vmem>>, vector<1x16xf32>,
        %swap3A_1177 = vector.shape_cast %swap3A_1176 : vector<1x16xf32> to vector<16xf32>
        %swap3A_1178 = vector.shape_cast %mul3A_1173 : vector<16xf32> to vector<1x16xf32>
        tpu.vector_store %arg8[%swap3A_1174, %swap3A_1175], %swap3A_1178 {strides = array<i32>} : memref<112x144xf32, #tpu.memory_space<vmem>>, vector<1x16xf32>,
        %scan3A_1179 = arith.constant 0 : i32
        scf.yield %scan3A_1179 : i32
      }
      %scan3A_631 = arith.constant 112 : i32
      %dma_start3A_632 = arith.constant 0 : i32
      %dma_start3A_633 = arith.constant 2 : i32
      %dma_start3A_634 = arith.constant 0 : i32
      %dma_start3A_635 = tpu.memref_slice %arg6[%dma_start3A_632, %dma_start3A_633, %dma_start3A_634] : memref<4x3x112xi32, #tpu.memory_space<vmem>> -> memref<1x1x112xi32, #tpu.memory_space<vmem>>
      %dma_start3A_636 = tpu.memref_squeeze %dma_start3A_635 : memref<1x1x112xi32, #tpu.memory_space<vmem>> -> memref<112xi32, #tpu.memory_space<vmem>>
      %dma_start3A_637 = arith.constant 0 : i32
      %dma_start3A_638 = arith.constant 0 : i32
      %dma_start3A_639 = tpu.memref_slice %arg12[%dma_start3A_637, %dma_start3A_638] : memref<10016x144xf32, #tpu.memory_space<vmem_shared>> -> memref<10016x144xf32, #tpu.memory_space<vmem_shared>>
      tpu.enqueue_indirect_dma source(%arg8 : memref<112x144xf32, #tpu.memory_space<vmem>>) target(%dma_start3A_639 : memref<10016x144xf32, #tpu.memory_space<vmem_shared>>) offsets(%dma_start3A_636 : memref<112xi32, #tpu.memory_space<vmem>>) semaphore(%arg19 : memref<!tpu.dma_semaphore, #tpu.memory_space<semaphore_mem>>) {add = true}
      %dma_wait3A_640 = arith.constant 0 : i32
      %dma_wait3A_641 = arith.constant 0 : i32
      %dma_wait3A_642 = arith.constant 0 : i32
      %dma_wait3A_643 = tpu.memref_slice %arg6[%dma_wait3A_640, %dma_wait3A_641, %dma_wait3A_642] : memref<4x3x112xi32, #tpu.memory_space<vmem>> -> memref<1x1x112xi32, #tpu.memory_space<vmem>>
      %dma_wait3A_644 = tpu.memref_squeeze %dma_wait3A_643 : memref<1x1x112xi32, #tpu.memory_space<vmem>> -> memref<112xi32, #tpu.memory_space<vmem>>
      %dma_wait3A_645 = arith.constant 0 : i32
      %dma_wait3A_646 = arith.constant 0 : i32
      %dma_wait3A_647 = tpu.memref_slice %arg2[%dma_wait3A_645, %dma_wait3A_646] : memref<20480x144xf32, #tpu.memory_space<hbm>> -> memref<20480x144xf32, #tpu.memory_space<hbm>>
      tpu.wait_indirect_dma semaphore(%arg16 : memref<!tpu.dma_semaphore, #tpu.memory_space<semaphore_mem>>) src(%dma_wait3A_647 : memref<20480x144xf32, #tpu.memory_space<hbm>>) dst(%arg9 : memref<112x144xf32, #tpu.memory_space<vmem>>)
      %dma_wait3A_648 = arith.constant 0 : i32
      %dma_wait3A_649 = arith.constant 1 : i32
      %dma_wait3A_650 = arith.constant 0 : i32
      %dma_wait3A_651 = tpu.memref_slice %arg6[%dma_wait3A_648, %dma_wait3A_649, %dma_wait3A_650] : memref<4x3x112xi32, #tpu.memory_space<vmem>> -> memref<1x1x112xi32, #tpu.memory_space<vmem>>
      %dma_wait3A_652 = tpu.memref_squeeze %dma_wait3A_651 : memref<1x1x112xi32, #tpu.memory_space<vmem>> -> memref<112xi32, #tpu.memory_space<vmem>>
      %dma_wait3A_653 = arith.constant 0 : i32
      %dma_wait3A_654 = arith.constant 0 : i32
      %dma_wait3A_655 = tpu.memref_slice %arg3[%dma_wait3A_653, %dma_wait3A_654] : memref<20480x16xf32, #tpu.memory_space<hbm>> -> memref<20480x16xf32, #tpu.memory_space<hbm>>
      tpu.wait_indirect_dma semaphore(%arg18 : memref<!tpu.dma_semaphore, #tpu.memory_space<semaphore_mem>>) src(%dma_wait3A_655 : memref<20480x16xf32, #tpu.memory_space<hbm>>) dst(%arg11 : memref<112x16xf32, #tpu.memory_space<vmem>>)
      %dma_wait3A_656 = arith.constant 1 : i32
      %dma_wait3A_657 = arith.constant 2 : i32
      %dma_wait3A_658 = arith.constant 0 : i32
      %dma_wait3A_659 = tpu.memref_slice %arg6[%dma_wait3A_656, %dma_wait3A_657, %dma_wait3A_658] : memref<4x3x112xi32, #tpu.memory_space<vmem>> -> memref<1x1x112xi32, #tpu.memory_space<vmem>>
      %dma_wait3A_660 = tpu.memref_squeeze %dma_wait3A_659 : memref<1x1x112xi32, #tpu.memory_space<vmem>> -> memref<112xi32, #tpu.memory_space<vmem>>
      %dma_wait3A_661 = arith.constant 0 : i32
      %dma_wait3A_662 = arith.constant 0 : i32
      %dma_wait3A_663 = tpu.memref_slice %arg12[%dma_wait3A_661, %dma_wait3A_662] : memref<10016x144xf32, #tpu.memory_space<vmem_shared>> -> memref<10016x144xf32, #tpu.memory_space<vmem_shared>>
      tpu.wait_indirect_dma semaphore(%arg19 : memref<!tpu.dma_semaphore, #tpu.memory_space<semaphore_mem>>) src(%arg8 : memref<112x144xf32, #tpu.memory_space<vmem>>) dst(%dma_wait3A_663 : memref<10016x144xf32, #tpu.memory_space<vmem_shared>>)
      %dma_start3A_664 = arith.constant 2 : i32
      %dma_start3A_665 = arith.constant 0 : i32
      %dma_start3A_666 = arith.constant 0 : i32
      %dma_start3A_667 = tpu.memref_slice %arg6[%dma_start3A_664, %dma_start3A_665, %dma_start3A_666] : memref<4x3x112xi32, #tpu.memory_space<vmem>> -> memref<1x1x112xi32, #tpu.memory_space<vmem>>
      %dma_start3A_668 = tpu.memref_squeeze %dma_start3A_667 : memref<1x1x112xi32, #tpu.memory_space<vmem>> -> memref<112xi32, #tpu.memory_space<vmem>>
      %dma_start3A_669 = arith.constant 0 : i32
      %dma_start3A_670 = arith.constant 0 : i32
      %dma_start3A_671 = tpu.memref_slice %arg2[%dma_start3A_669, %dma_start3A_670] : memref<20480x144xf32, #tpu.memory_space<hbm>> -> memref<20480x144xf32, #tpu.memory_space<hbm>>
      tpu.enqueue_indirect_dma source(%dma_start3A_671 : memref<20480x144xf32, #tpu.memory_space<hbm>>) target(%arg8 : memref<112x144xf32, #tpu.memory_space<vmem>>) offsets(%dma_start3A_668 : memref<112xi32, #tpu.memory_space<vmem>>) semaphore(%arg15 : memref<!tpu.dma_semaphore, #tpu.memory_space<semaphore_mem>>)
      %dma_start3A_672 = arith.constant 2 : i32
      %dma_start3A_673 = arith.constant 1 : i32
      %dma_start3A_674 = arith.constant 0 : i32
      %dma_start3A_675 = tpu.memref_slice %arg6[%dma_start3A_672, %dma_start3A_673, %dma_start3A_674] : memref<4x3x112xi32, #tpu.memory_space<vmem>> -> memref<1x1x112xi32, #tpu.memory_space<vmem>>
      %dma_start3A_676 = tpu.memref_squeeze %dma_start3A_675 : memref<1x1x112xi32, #tpu.memory_space<vmem>> -> memref<112xi32, #tpu.memory_space<vmem>>
      %dma_start3A_677 = arith.constant 0 : i32
      %dma_start3A_678 = arith.constant 0 : i32
      %dma_start3A_679 = tpu.memref_slice %arg3[%dma_start3A_677, %dma_start3A_678] : memref<20480x16xf32, #tpu.memory_space<hbm>> -> memref<20480x16xf32, #tpu.memory_space<hbm>>
      tpu.enqueue_indirect_dma source(%dma_start3A_679 : memref<20480x16xf32, #tpu.memory_space<hbm>>) target(%arg10 : memref<112x16xf32, #tpu.memory_space<vmem>>) offsets(%dma_start3A_676 : memref<112xi32, #tpu.memory_space<vmem>>) semaphore(%arg17 : memref<!tpu.dma_semaphore, #tpu.memory_space<semaphore_mem>>)
      %scan3A_680 = arith.constant 0 : i32
      %scan3A_681 = arith.constant 0 : i32
      %scan3A_682 = arith.constant 112 : i32
      %scan3A_683 = arith.addi %scan3A_681, %scan3A_682 : i32
      %scan3A_684 = arith.constant 1 : i32
      %scan3A_685 = scf.for %scan3A_1060 = %scan3A_681 to %scan3A_683 step %scan3A_684 iter_args(%scan3A_1061 = %scan3A_680) -> (i32)  : i32 {
        %get3A = arith.index_cast %scan3A_1060 : i32 to index
        %get3A_1062 = arith.constant 128 : index
        %get3A_1063 = tpu.vector_load %arg9[%get3A, %get3A_1062] {strides = array<i32>} : memref<112x144xf32, #tpu.memory_space<vmem>>, vector<1x16xf32>,
        %get3A_1064 = vector.shape_cast %get3A_1063 : vector<1x16xf32> to vector<16xf32>
        %get3A_1065 = arith.index_cast %scan3A_1060 : i32 to index
        %get3A_1066 = arith.constant 0 : index
        %get3A_1067 = tpu.vector_load %arg11[%get3A_1065, %get3A_1066] {strides = array<i32>} : memref<112x16xf32, #tpu.memory_space<vmem>>, vector<1x16xf32>,
        %get3A_1068 = vector.shape_cast %get3A_1067 : vector<1x16xf32> to vector<16xf32>
        %add3A_1069 = arith.addf %get3A_1064, %get3A_1068 : vector<16xf32>
        %mul3A_1070 = arith.constant 2.000000e-01 : f32
        %mul3A_1071 = vector.broadcast %mul3A_1070 : f32 to vector<16xf32>
        %mul3A_1072 = arith.mulf %mul3A_1071, %add3A_1069 : vector<16xf32>
        %max3A = arith.maximumf %add3A_1069, %mul3A_1072 : vector<16xf32>
        %exp3A = math.exp %max3A : vector<16xf32>
        %swap3A = arith.index_cast %scan3A_1060 : i32 to index
        %swap3A_1073 = arith.constant 128 : index
        %swap3A_1074 = tpu.vector_load %arg9[%swap3A, %swap3A_1073] {strides = array<i32>} : memref<112x144xf32, #tpu.memory_space<vmem>>, vector<1x16xf32>,
        %swap3A_1075 = vector.shape_cast %swap3A_1074 : vector<1x16xf32> to vector<16xf32>
        %swap3A_1076 = vector.shape_cast %exp3A : vector<16xf32> to vector<1x16xf32>
        tpu.vector_store %arg9[%swap3A, %swap3A_1073], %swap3A_1076 {strides = array<i32>} : memref<112x144xf32, #tpu.memory_space<vmem>>, vector<1x16xf32>,
        %slice3A = vector.extract_strided_slice %exp3A {offsets = [0], sizes = [1], strides = [1]} : vector<16xf32> to vector<1xf32>
        %squeeze3A = vector.extract %slice3A[0] : f32 from vector<1xf32>
        %get3A_1077 = arith.index_cast %scan3A_1060 : i32 to index
        %get3A_1078 = arith.constant 0 : index
        %get3A_1079 = tpu.vector_load %arg9[%get3A_1077, %get3A_1078] {strides = array<i32>} : memref<112x144xf32, #tpu.memory_space<vmem>>, vector<1x16xf32>,
        %get3A_1080 = vector.shape_cast %get3A_1079 : vector<1x16xf32> to vector<16xf32>
        %mul3A_1081 = vector.broadcast %squeeze3A : f32 to vector<16xf32>
        %mul3A_1082 = arith.mulf %get3A_1080, %mul3A_1081 : vector<16xf32>
        %swap3A_1083 = arith.index_cast %scan3A_1060 : i32 to index
        %swap3A_1084 = arith.constant 0 : index
        %swap3A_1085 = tpu.vector_load %arg9[%swap3A_1083, %swap3A_1084] {strides = array<i32>} : memref<112x144xf32, #tpu.memory_space<vmem>>, vector<1x16xf32>,
        %swap3A_1086 = vector.shape_cast %swap3A_1085 : vector<1x16xf32> to vector<16xf32>
        %swap3A_1087 = vector.shape_cast %mul3A_1082 : vector<16xf32> to vector<1x16xf32>
        tpu.vector_store %arg9[%swap3A_1083, %swap3A_1084], %swap3A_1087 {strides = array<i32>} : memref<112x144xf32, #tpu.memory_space<vmem>>, vector<1x16xf32>,
        %slice3A_1088 = vector.extract_strided_slice %exp3A {offsets = [1], sizes = [1], strides = [1]} : vector<16xf32> to vector<1xf32>
        %squeeze3A_1089 = vector.extract %slice3A_1088[0] : f32 from vector<1xf32>
        %get3A_1090 = arith.index_cast %scan3A_1060 : i32 to index
        %get3A_1091 = arith.constant 16 : index
        %get3A_1092 = tpu.vector_load %arg9[%get3A_1090, %get3A_1091] {strides = array<i32>} : memref<112x144xf32, #tpu.memory_space<vmem>>, vector<1x16xf32>,
        %get3A_1093 = vector.shape_cast %get3A_1092 : vector<1x16xf32> to vector<16xf32>
        %mul3A_1094 = vector.broadcast %squeeze3A_1089 : f32 to vector<16xf32>
        %mul3A_1095 = arith.mulf %get3A_1093, %mul3A_1094 : vector<16xf32>
        %swap3A_1096 = arith.index_cast %scan3A_1060 : i32 to index
        %swap3A_1097 = arith.constant 16 : index
        %swap3A_1098 = tpu.vector_load %arg9[%swap3A_1096, %swap3A_1097] {strides = array<i32>} : memref<112x144xf32, #tpu.memory_space<vmem>>, vector<1x16xf32>,
        %swap3A_1099 = vector.shape_cast %swap3A_1098 : vector<1x16xf32> to vector<16xf32>
        %swap3A_1100 = vector.shape_cast %mul3A_1095 : vector<16xf32> to vector<1x16xf32>
        tpu.vector_store %arg9[%swap3A_1096, %swap3A_1097], %swap3A_1100 {strides = array<i32>} : memref<112x144xf32, #tpu.memory_space<vmem>>, vector<1x16xf32>,
        %slice3A_1101 = vector.extract_strided_slice %exp3A {offsets = [2], sizes = [1], strides = [1]} : vector<16xf32> to vector<1xf32>
        %squeeze3A_1102 = vector.extract %slice3A_1101[0] : f32 from vector<1xf32>
        %get3A_1103 = arith.index_cast %scan3A_1060 : i32 to index
        %get3A_1104 = arith.constant 32 : index
        %get3A_1105 = tpu.vector_load %arg9[%get3A_1103, %get3A_1104] {strides = array<i32>} : memref<112x144xf32, #tpu.memory_space<vmem>>, vector<1x16xf32>,
        %get3A_1106 = vector.shape_cast %get3A_1105 : vector<1x16xf32> to vector<16xf32>
        %mul3A_1107 = vector.broadcast %squeeze3A_1102 : f32 to vector<16xf32>
        %mul3A_1108 = arith.mulf %get3A_1106, %mul3A_1107 : vector<16xf32>
        %swap3A_1109 = arith.index_cast %scan3A_1060 : i32 to index
        %swap3A_1110 = arith.constant 32 : index
        %swap3A_1111 = tpu.vector_load %arg9[%swap3A_1109, %swap3A_1110] {strides = array<i32>} : memref<112x144xf32, #tpu.memory_space<vmem>>, vector<1x16xf32>,
        %swap3A_1112 = vector.shape_cast %swap3A_1111 : vector<1x16xf32> to vector<16xf32>
        %swap3A_1113 = vector.shape_cast %mul3A_1108 : vector<16xf32> to vector<1x16xf32>
        tpu.vector_store %arg9[%swap3A_1109, %swap3A_1110], %swap3A_1113 {strides = array<i32>} : memref<112x144xf32, #tpu.memory_space<vmem>>, vector<1x16xf32>,
        %slice3A_1114 = vector.extract_strided_slice %exp3A {offsets = [3], sizes = [1], strides = [1]} : vector<16xf32> to vector<1xf32>
        %squeeze3A_1115 = vector.extract %slice3A_1114[0] : f32 from vector<1xf32>
        %get3A_1116 = arith.index_cast %scan3A_1060 : i32 to index
        %get3A_1117 = arith.constant 48 : index
        %get3A_1118 = tpu.vector_load %arg9[%get3A_1116, %get3A_1117] {strides = array<i32>} : memref<112x144xf32, #tpu.memory_space<vmem>>, vector<1x16xf32>,
        %get3A_1119 = vector.shape_cast %get3A_1118 : vector<1x16xf32> to vector<16xf32>
        %mul3A_1120 = vector.broadcast %squeeze3A_1115 : f32 to vector<16xf32>
        %mul3A_1121 = arith.mulf %get3A_1119, %mul3A_1120 : vector<16xf32>
        %swap3A_1122 = arith.index_cast %scan3A_1060 : i32 to index
        %swap3A_1123 = arith.constant 48 : index
        %swap3A_1124 = tpu.vector_load %arg9[%swap3A_1122, %swap3A_1123] {strides = array<i32>} : memref<112x144xf32, #tpu.memory_space<vmem>>, vector<1x16xf32>,
        %swap3A_1125 = vector.shape_cast %swap3A_1124 : vector<1x16xf32> to vector<16xf32>
        %swap3A_1126 = vector.shape_cast %mul3A_1121 : vector<16xf32> to vector<1x16xf32>
        tpu.vector_store %arg9[%swap3A_1122, %swap3A_1123], %swap3A_1126 {strides = array<i32>} : memref<112x144xf32, #tpu.memory_space<vmem>>, vector<1x16xf32>,
        %slice3A_1127 = vector.extract_strided_slice %exp3A {offsets = [4], sizes = [1], strides = [1]} : vector<16xf32> to vector<1xf32>
        %squeeze3A_1128 = vector.extract %slice3A_1127[0] : f32 from vector<1xf32>
        %get3A_1129 = arith.index_cast %scan3A_1060 : i32 to index
        %get3A_1130 = arith.constant 64 : index
        %get3A_1131 = tpu.vector_load %arg9[%get3A_1129, %get3A_1130] {strides = array<i32>} : memref<112x144xf32, #tpu.memory_space<vmem>>, vector<1x16xf32>,
        %get3A_1132 = vector.shape_cast %get3A_1131 : vector<1x16xf32> to vector<16xf32>
        %mul3A_1133 = vector.broadcast %squeeze3A_1128 : f32 to vector<16xf32>
        %mul3A_1134 = arith.mulf %get3A_1132, %mul3A_1133 : vector<16xf32>
        %swap3A_1135 = arith.index_cast %scan3A_1060 : i32 to index
        %swap3A_1136 = arith.constant 64 : index
        %swap3A_1137 = tpu.vector_load %arg9[%swap3A_1135, %swap3A_1136] {strides = array<i32>} : memref<112x144xf32, #tpu.memory_space<vmem>>, vector<1x16xf32>,
        %swap3A_1138 = vector.shape_cast %swap3A_1137 : vector<1x16xf32> to vector<16xf32>
        %swap3A_1139 = vector.shape_cast %mul3A_1134 : vector<16xf32> to vector<1x16xf32>
        tpu.vector_store %arg9[%swap3A_1135, %swap3A_1136], %swap3A_1139 {strides = array<i32>} : memref<112x144xf32, #tpu.memory_space<vmem>>, vector<1x16xf32>,
        %slice3A_1140 = vector.extract_strided_slice %exp3A {offsets = [5], sizes = [1], strides = [1]} : vector<16xf32> to vector<1xf32>
        %squeeze3A_1141 = vector.extract %slice3A_1140[0] : f32 from vector<1xf32>
        %get3A_1142 = arith.index_cast %scan3A_1060 : i32 to index
        %get3A_1143 = arith.constant 80 : index
        %get3A_1144 = tpu.vector_load %arg9[%get3A_1142, %get3A_1143] {strides = array<i32>} : memref<112x144xf32, #tpu.memory_space<vmem>>, vector<1x16xf32>,
        %get3A_1145 = vector.shape_cast %get3A_1144 : vector<1x16xf32> to vector<16xf32>
        %mul3A_1146 = vector.broadcast %squeeze3A_1141 : f32 to vector<16xf32>
        %mul3A_1147 = arith.mulf %get3A_1145, %mul3A_1146 : vector<16xf32>
        %swap3A_1148 = arith.index_cast %scan3A_1060 : i32 to index
        %swap3A_1149 = arith.constant 80 : index
        %swap3A_1150 = tpu.vector_load %arg9[%swap3A_1148, %swap3A_1149] {strides = array<i32>} : memref<112x144xf32, #tpu.memory_space<vmem>>, vector<1x16xf32>,
        %swap3A_1151 = vector.shape_cast %swap3A_1150 : vector<1x16xf32> to vector<16xf32>
        %swap3A_1152 = vector.shape_cast %mul3A_1147 : vector<16xf32> to vector<1x16xf32>
        tpu.vector_store %arg9[%swap3A_1148, %swap3A_1149], %swap3A_1152 {strides = array<i32>} : memref<112x144xf32, #tpu.memory_space<vmem>>, vector<1x16xf32>,
        %slice3A_1153 = vector.extract_strided_slice %exp3A {offsets = [6], sizes = [1], strides = [1]} : vector<16xf32> to vector<1xf32>
        %squeeze3A_1154 = vector.extract %slice3A_1153[0] : f32 from vector<1xf32>
        %get3A_1155 = arith.index_cast %scan3A_1060 : i32 to index
        %get3A_1156 = arith.constant 96 : index
        %get3A_1157 = tpu.vector_load %arg9[%get3A_1155, %get3A_1156] {strides = array<i32>} : memref<112x144xf32, #tpu.memory_space<vmem>>, vector<1x16xf32>,
        %get3A_1158 = vector.shape_cast %get3A_1157 : vector<1x16xf32> to vector<16xf32>
        %mul3A_1159 = vector.broadcast %squeeze3A_1154 : f32 to vector<16xf32>
        %mul3A_1160 = arith.mulf %get3A_1158, %mul3A_1159 : vector<16xf32>
        %swap3A_1161 = arith.index_cast %scan3A_1060 : i32 to index
        %swap3A_1162 = arith.constant 96 : index
        %swap3A_1163 = tpu.vector_load %arg9[%swap3A_1161, %swap3A_1162] {strides = array<i32>} : memref<112x144xf32, #tpu.memory_space<vmem>>, vector<1x16xf32>,
        %swap3A_1164 = vector.shape_cast %swap3A_1163 : vector<1x16xf32> to vector<16xf32>
        %swap3A_1165 = vector.shape_cast %mul3A_1160 : vector<16xf32> to vector<1x16xf32>
        tpu.vector_store %arg9[%swap3A_1161, %swap3A_1162], %swap3A_1165 {strides = array<i32>} : memref<112x144xf32, #tpu.memory_space<vmem>>, vector<1x16xf32>,
        %slice3A_1166 = vector.extract_strided_slice %exp3A {offsets = [7], sizes = [1], strides = [1]} : vector<16xf32> to vector<1xf32>
        %squeeze3A_1167 = vector.extract %slice3A_1166[0] : f32 from vector<1xf32>
        %get3A_1168 = arith.index_cast %scan3A_1060 : i32 to index
        %get3A_1169 = arith.constant 112 : index
        %get3A_1170 = tpu.vector_load %arg9[%get3A_1168, %get3A_1169] {strides = array<i32>} : memref<112x144xf32, #tpu.memory_space<vmem>>, vector<1x16xf32>,
        %get3A_1171 = vector.shape_cast %get3A_1170 : vector<1x16xf32> to vector<16xf32>
        %mul3A_1172 = vector.broadcast %squeeze3A_1167 : f32 to vector<16xf32>
        %mul3A_1173 = arith.mulf %get3A_1171, %mul3A_1172 : vector<16xf32>
        %swap3A_1174 = arith.index_cast %scan3A_1060 : i32 to index
        %swap3A_1175 = arith.constant 112 : index
        %swap3A_1176 = tpu.vector_load %arg9[%swap3A_1174, %swap3A_1175] {strides = array<i32>} : memref<112x144xf32, #tpu.memory_space<vmem>>, vector<1x16xf32>,
        %swap3A_1177 = vector.shape_cast %swap3A_1176 : vector<1x16xf32> to vector<16xf32>
        %swap3A_1178 = vector.shape_cast %mul3A_1173 : vector<16xf32> to vector<1x16xf32>
        tpu.vector_store %arg9[%swap3A_1174, %swap3A_1175], %swap3A_1178 {strides = array<i32>} : memref<112x144xf32, #tpu.memory_space<vmem>>, vector<1x16xf32>,
        %scan3A_1179 = arith.constant 0 : i32
        scf.yield %scan3A_1179 : i32
      }
      %scan3A_686 = arith.constant 112 : i32
      %dma_start3A_687 = arith.constant 1 : i32
      %dma_start3A_688 = arith.constant 2 : i32
      %dma_start3A_689 = arith.constant 0 : i32
      %dma_start3A_690 = tpu.memref_slice %arg6[%dma_start3A_687, %dma_start3A_688, %dma_start3A_689] : memref<4x3x112xi32, #tpu.memory_space<vmem>> -> memref<1x1x112xi32, #tpu.memory_space<vmem>>
      %dma_start3A_691 = tpu.memref_squeeze %dma_start3A_690 : memref<1x1x112xi32, #tpu.memory_space<vmem>> -> memref<112xi32, #tpu.memory_space<vmem>>
      %dma_start3A_692 = arith.constant 0 : i32
      %dma_start3A_693 = arith.constant 0 : i32
      %dma_start3A_694 = tpu.memref_slice %arg12[%dma_start3A_692, %dma_start3A_693] : memref<10016x144xf32, #tpu.memory_space<vmem_shared>> -> memref<10016x144xf32, #tpu.memory_space<vmem_shared>>
      tpu.enqueue_indirect_dma source(%arg9 : memref<112x144xf32, #tpu.memory_space<vmem>>) target(%dma_start3A_694 : memref<10016x144xf32, #tpu.memory_space<vmem_shared>>) offsets(%dma_start3A_691 : memref<112xi32, #tpu.memory_space<vmem>>) semaphore(%arg20 : memref<!tpu.dma_semaphore, #tpu.memory_space<semaphore_mem>>) {add = true}
      %dma_wait3A_695 = arith.constant 0 : i32
      %dma_wait3A_696 = arith.constant 0 : i32
      %dma_wait3A_697 = arith.constant 0 : i32
      %dma_wait3A_698 = tpu.memref_slice %arg6[%dma_wait3A_695, %dma_wait3A_696, %dma_wait3A_697] : memref<4x3x112xi32, #tpu.memory_space<vmem>> -> memref<1x1x112xi32, #tpu.memory_space<vmem>>
      %dma_wait3A_699 = tpu.memref_squeeze %dma_wait3A_698 : memref<1x1x112xi32, #tpu.memory_space<vmem>> -> memref<112xi32, #tpu.memory_space<vmem>>
      %dma_wait3A_700 = arith.constant 0 : i32
      %dma_wait3A_701 = arith.constant 0 : i32
      %dma_wait3A_702 = tpu.memref_slice %arg2[%dma_wait3A_700, %dma_wait3A_701] : memref<20480x144xf32, #tpu.memory_space<hbm>> -> memref<20480x144xf32, #tpu.memory_space<hbm>>
      tpu.wait_indirect_dma semaphore(%arg15 : memref<!tpu.dma_semaphore, #tpu.memory_space<semaphore_mem>>) src(%dma_wait3A_702 : memref<20480x144xf32, #tpu.memory_space<hbm>>) dst(%arg8 : memref<112x144xf32, #tpu.memory_space<vmem>>)
      %dma_wait3A_703 = arith.constant 0 : i32
      %dma_wait3A_704 = arith.constant 1 : i32
      %dma_wait3A_705 = arith.constant 0 : i32
      %dma_wait3A_706 = tpu.memref_slice %arg6[%dma_wait3A_703, %dma_wait3A_704, %dma_wait3A_705] : memref<4x3x112xi32, #tpu.memory_space<vmem>> -> memref<1x1x112xi32, #tpu.memory_space<vmem>>
      %dma_wait3A_707 = tpu.memref_squeeze %dma_wait3A_706 : memref<1x1x112xi32, #tpu.memory_space<vmem>> -> memref<112xi32, #tpu.memory_space<vmem>>
      %dma_wait3A_708 = arith.constant 0 : i32
      %dma_wait3A_709 = arith.constant 0 : i32
      %dma_wait3A_710 = tpu.memref_slice %arg3[%dma_wait3A_708, %dma_wait3A_709] : memref<20480x16xf32, #tpu.memory_space<hbm>> -> memref<20480x16xf32, #tpu.memory_space<hbm>>
      tpu.wait_indirect_dma semaphore(%arg17 : memref<!tpu.dma_semaphore, #tpu.memory_space<semaphore_mem>>) src(%dma_wait3A_710 : memref<20480x16xf32, #tpu.memory_space<hbm>>) dst(%arg10 : memref<112x16xf32, #tpu.memory_space<vmem>>)
      %dma_wait3A_711 = arith.constant 2 : i32
      %dma_wait3A_712 = arith.constant 2 : i32
      %dma_wait3A_713 = arith.constant 0 : i32
      %dma_wait3A_714 = tpu.memref_slice %arg6[%dma_wait3A_711, %dma_wait3A_712, %dma_wait3A_713] : memref<4x3x112xi32, #tpu.memory_space<vmem>> -> memref<1x1x112xi32, #tpu.memory_space<vmem>>
      %dma_wait3A_715 = tpu.memref_squeeze %dma_wait3A_714 : memref<1x1x112xi32, #tpu.memory_space<vmem>> -> memref<112xi32, #tpu.memory_space<vmem>>
      %dma_wait3A_716 = arith.constant 0 : i32
      %dma_wait3A_717 = arith.constant 0 : i32
      %dma_wait3A_718 = tpu.memref_slice %arg12[%dma_wait3A_716, %dma_wait3A_717] : memref<10016x144xf32, #tpu.memory_space<vmem_shared>> -> memref<10016x144xf32, #tpu.memory_space<vmem_shared>>
      tpu.wait_indirect_dma semaphore(%arg20 : memref<!tpu.dma_semaphore, #tpu.memory_space<semaphore_mem>>) src(%arg9 : memref<112x144xf32, #tpu.memory_space<vmem>>) dst(%dma_wait3A_718 : memref<10016x144xf32, #tpu.memory_space<vmem_shared>>)
      %dma_start3A_719 = arith.constant 3 : i32
      %dma_start3A_720 = arith.constant 0 : i32
      %dma_start3A_721 = arith.constant 0 : i32
      %dma_start3A_722 = tpu.memref_slice %arg6[%dma_start3A_719, %dma_start3A_720, %dma_start3A_721] : memref<4x3x112xi32, #tpu.memory_space<vmem>> -> memref<1x1x112xi32, #tpu.memory_space<vmem>>
      %dma_start3A_723 = tpu.memref_squeeze %dma_start3A_722 : memref<1x1x112xi32, #tpu.memory_space<vmem>> -> memref<112xi32, #tpu.memory_space<vmem>>
      %dma_start3A_724 = arith.constant 0 : i32
      %dma_start3A_725 = arith.constant 0 : i32
      %dma_start3A_726 = tpu.memref_slice %arg2[%dma_start3A_724, %dma_start3A_725] : memref<20480x144xf32, #tpu.memory_space<hbm>> -> memref<20480x144xf32, #tpu.memory_space<hbm>>
      tpu.enqueue_indirect_dma source(%dma_start3A_726 : memref<20480x144xf32, #tpu.memory_space<hbm>>) target(%arg9 : memref<112x144xf32, #tpu.memory_space<vmem>>) offsets(%dma_start3A_723 : memref<112xi32, #tpu.memory_space<vmem>>) semaphore(%arg16 : memref<!tpu.dma_semaphore, #tpu.memory_space<semaphore_mem>>)
      %dma_start3A_727 = arith.constant 3 : i32
      %dma_start3A_728 = arith.constant 1 : i32
      %dma_start3A_729 = arith.constant 0 : i32
      %dma_start3A_730 = tpu.memref_slice %arg6[%dma_start3A_727, %dma_start3A_728, %dma_start3A_729] : memref<4x3x112xi32, #tpu.memory_space<vmem>> -> memref<1x1x112xi32, #tpu.memory_space<vmem>>
      %dma_start3A_731 = tpu.memref_squeeze %dma_start3A_730 : memref<1x1x112xi32, #tpu.memory_space<vmem>> -> memref<112xi32, #tpu.memory_space<vmem>>
      %dma_start3A_732 = arith.constant 0 : i32
      %dma_start3A_733 = arith.constant 0 : i32
      %dma_start3A_734 = tpu.memref_slice %arg3[%dma_start3A_732, %dma_start3A_733] : memref<20480x16xf32, #tpu.memory_space<hbm>> -> memref<20480x16xf32, #tpu.memory_space<hbm>>
      tpu.enqueue_indirect_dma source(%dma_start3A_734 : memref<20480x16xf32, #tpu.memory_space<hbm>>) target(%arg11 : memref<112x16xf32, #tpu.memory_space<vmem>>) offsets(%dma_start3A_731 : memref<112xi32, #tpu.memory_space<vmem>>) semaphore(%arg18 : memref<!tpu.dma_semaphore, #tpu.memory_space<semaphore_mem>>)
      %scan3A_735 = arith.constant 0 : i32
      %scan3A_736 = arith.constant 0 : i32
      %scan3A_737 = arith.constant 112 : i32
      %scan3A_738 = arith.addi %scan3A_736, %scan3A_737 : i32
      %scan3A_739 = arith.constant 1 : i32
      %scan3A_740 = scf.for %scan3A_1060 = %scan3A_736 to %scan3A_738 step %scan3A_739 iter_args(%scan3A_1061 = %scan3A_735) -> (i32)  : i32 {
        %get3A = arith.index_cast %scan3A_1060 : i32 to index
        %get3A_1062 = arith.constant 128 : index
        %get3A_1063 = tpu.vector_load %arg8[%get3A, %get3A_1062] {strides = array<i32>} : memref<112x144xf32, #tpu.memory_space<vmem>>, vector<1x16xf32>,
        %get3A_1064 = vector.shape_cast %get3A_1063 : vector<1x16xf32> to vector<16xf32>
        %get3A_1065 = arith.index_cast %scan3A_1060 : i32 to index
        %get3A_1066 = arith.constant 0 : index
        %get3A_1067 = tpu.vector_load %arg10[%get3A_1065, %get3A_1066] {strides = array<i32>} : memref<112x16xf32, #tpu.memory_space<vmem>>, vector<1x16xf32>,
        %get3A_1068 = vector.shape_cast %get3A_1067 : vector<1x16xf32> to vector<16xf32>
        %add3A_1069 = arith.addf %get3A_1064, %get3A_1068 : vector<16xf32>
        %mul3A_1070 = arith.constant 2.000000e-01 : f32
        %mul3A_1071 = vector.broadcast %mul3A_1070 : f32 to vector<16xf32>
        %mul3A_1072 = arith.mulf %mul3A_1071, %add3A_1069 : vector<16xf32>
        %max3A = arith.maximumf %add3A_1069, %mul3A_1072 : vector<16xf32>
        %exp3A = math.exp %max3A : vector<16xf32>
        %swap3A = arith.index_cast %scan3A_1060 : i32 to index
        %swap3A_1073 = arith.constant 128 : index
        %swap3A_1074 = tpu.vector_load %arg8[%swap3A, %swap3A_1073] {strides = array<i32>} : memref<112x144xf32, #tpu.memory_space<vmem>>, vector<1x16xf32>,
        %swap3A_1075 = vector.shape_cast %swap3A_1074 : vector<1x16xf32> to vector<16xf32>
        %swap3A_1076 = vector.shape_cast %exp3A : vector<16xf32> to vector<1x16xf32>
        tpu.vector_store %arg8[%swap3A, %swap3A_1073], %swap3A_1076 {strides = array<i32>} : memref<112x144xf32, #tpu.memory_space<vmem>>, vector<1x16xf32>,
        %slice3A = vector.extract_strided_slice %exp3A {offsets = [0], sizes = [1], strides = [1]} : vector<16xf32> to vector<1xf32>
        %squeeze3A = vector.extract %slice3A[0] : f32 from vector<1xf32>
        %get3A_1077 = arith.index_cast %scan3A_1060 : i32 to index
        %get3A_1078 = arith.constant 0 : index
        %get3A_1079 = tpu.vector_load %arg8[%get3A_1077, %get3A_1078] {strides = array<i32>} : memref<112x144xf32, #tpu.memory_space<vmem>>, vector<1x16xf32>,
        %get3A_1080 = vector.shape_cast %get3A_1079 : vector<1x16xf32> to vector<16xf32>
        %mul3A_1081 = vector.broadcast %squeeze3A : f32 to vector<16xf32>
        %mul3A_1082 = arith.mulf %get3A_1080, %mul3A_1081 : vector<16xf32>
        %swap3A_1083 = arith.index_cast %scan3A_1060 : i32 to index
        %swap3A_1084 = arith.constant 0 : index
        %swap3A_1085 = tpu.vector_load %arg8[%swap3A_1083, %swap3A_1084] {strides = array<i32>} : memref<112x144xf32, #tpu.memory_space<vmem>>, vector<1x16xf32>,
        %swap3A_1086 = vector.shape_cast %swap3A_1085 : vector<1x16xf32> to vector<16xf32>
        %swap3A_1087 = vector.shape_cast %mul3A_1082 : vector<16xf32> to vector<1x16xf32>
        tpu.vector_store %arg8[%swap3A_1083, %swap3A_1084], %swap3A_1087 {strides = array<i32>} : memref<112x144xf32, #tpu.memory_space<vmem>>, vector<1x16xf32>,
        %slice3A_1088 = vector.extract_strided_slice %exp3A {offsets = [1], sizes = [1], strides = [1]} : vector<16xf32> to vector<1xf32>
        %squeeze3A_1089 = vector.extract %slice3A_1088[0] : f32 from vector<1xf32>
        %get3A_1090 = arith.index_cast %scan3A_1060 : i32 to index
        %get3A_1091 = arith.constant 16 : index
        %get3A_1092 = tpu.vector_load %arg8[%get3A_1090, %get3A_1091] {strides = array<i32>} : memref<112x144xf32, #tpu.memory_space<vmem>>, vector<1x16xf32>,
        %get3A_1093 = vector.shape_cast %get3A_1092 : vector<1x16xf32> to vector<16xf32>
        %mul3A_1094 = vector.broadcast %squeeze3A_1089 : f32 to vector<16xf32>
        %mul3A_1095 = arith.mulf %get3A_1093, %mul3A_1094 : vector<16xf32>
        %swap3A_1096 = arith.index_cast %scan3A_1060 : i32 to index
        %swap3A_1097 = arith.constant 16 : index
        %swap3A_1098 = tpu.vector_load %arg8[%swap3A_1096, %swap3A_1097] {strides = array<i32>} : memref<112x144xf32, #tpu.memory_space<vmem>>, vector<1x16xf32>,
        %swap3A_1099 = vector.shape_cast %swap3A_1098 : vector<1x16xf32> to vector<16xf32>
        %swap3A_1100 = vector.shape_cast %mul3A_1095 : vector<16xf32> to vector<1x16xf32>
        tpu.vector_store %arg8[%swap3A_1096, %swap3A_1097], %swap3A_1100 {strides = array<i32>} : memref<112x144xf32, #tpu.memory_space<vmem>>, vector<1x16xf32>,
        %slice3A_1101 = vector.extract_strided_slice %exp3A {offsets = [2], sizes = [1], strides = [1]} : vector<16xf32> to vector<1xf32>
        %squeeze3A_1102 = vector.extract %slice3A_1101[0] : f32 from vector<1xf32>
        %get3A_1103 = arith.index_cast %scan3A_1060 : i32 to index
        %get3A_1104 = arith.constant 32 : index
        %get3A_1105 = tpu.vector_load %arg8[%get3A_1103, %get3A_1104] {strides = array<i32>} : memref<112x144xf32, #tpu.memory_space<vmem>>, vector<1x16xf32>,
        %get3A_1106 = vector.shape_cast %get3A_1105 : vector<1x16xf32> to vector<16xf32>
        %mul3A_1107 = vector.broadcast %squeeze3A_1102 : f32 to vector<16xf32>
        %mul3A_1108 = arith.mulf %get3A_1106, %mul3A_1107 : vector<16xf32>
        %swap3A_1109 = arith.index_cast %scan3A_1060 : i32 to index
        %swap3A_1110 = arith.constant 32 : index
        %swap3A_1111 = tpu.vector_load %arg8[%swap3A_1109, %swap3A_1110] {strides = array<i32>} : memref<112x144xf32, #tpu.memory_space<vmem>>, vector<1x16xf32>,
        %swap3A_1112 = vector.shape_cast %swap3A_1111 : vector<1x16xf32> to vector<16xf32>
        %swap3A_1113 = vector.shape_cast %mul3A_1108 : vector<16xf32> to vector<1x16xf32>
        tpu.vector_store %arg8[%swap3A_1109, %swap3A_1110], %swap3A_1113 {strides = array<i32>} : memref<112x144xf32, #tpu.memory_space<vmem>>, vector<1x16xf32>,
        %slice3A_1114 = vector.extract_strided_slice %exp3A {offsets = [3], sizes = [1], strides = [1]} : vector<16xf32> to vector<1xf32>
        %squeeze3A_1115 = vector.extract %slice3A_1114[0] : f32 from vector<1xf32>
        %get3A_1116 = arith.index_cast %scan3A_1060 : i32 to index
        %get3A_1117 = arith.constant 48 : index
        %get3A_1118 = tpu.vector_load %arg8[%get3A_1116, %get3A_1117] {strides = array<i32>} : memref<112x144xf32, #tpu.memory_space<vmem>>, vector<1x16xf32>,
        %get3A_1119 = vector.shape_cast %get3A_1118 : vector<1x16xf32> to vector<16xf32>
        %mul3A_1120 = vector.broadcast %squeeze3A_1115 : f32 to vector<16xf32>
        %mul3A_1121 = arith.mulf %get3A_1119, %mul3A_1120 : vector<16xf32>
        %swap3A_1122 = arith.index_cast %scan3A_1060 : i32 to index
        %swap3A_1123 = arith.constant 48 : index
        %swap3A_1124 = tpu.vector_load %arg8[%swap3A_1122, %swap3A_1123] {strides = array<i32>} : memref<112x144xf32, #tpu.memory_space<vmem>>, vector<1x16xf32>,
        %swap3A_1125 = vector.shape_cast %swap3A_1124 : vector<1x16xf32> to vector<16xf32>
        %swap3A_1126 = vector.shape_cast %mul3A_1121 : vector<16xf32> to vector<1x16xf32>
        tpu.vector_store %arg8[%swap3A_1122, %swap3A_1123], %swap3A_1126 {strides = array<i32>} : memref<112x144xf32, #tpu.memory_space<vmem>>, vector<1x16xf32>,
        %slice3A_1127 = vector.extract_strided_slice %exp3A {offsets = [4], sizes = [1], strides = [1]} : vector<16xf32> to vector<1xf32>
        %squeeze3A_1128 = vector.extract %slice3A_1127[0] : f32 from vector<1xf32>
        %get3A_1129 = arith.index_cast %scan3A_1060 : i32 to index
        %get3A_1130 = arith.constant 64 : index
        %get3A_1131 = tpu.vector_load %arg8[%get3A_1129, %get3A_1130] {strides = array<i32>} : memref<112x144xf32, #tpu.memory_space<vmem>>, vector<1x16xf32>,
        %get3A_1132 = vector.shape_cast %get3A_1131 : vector<1x16xf32> to vector<16xf32>
        %mul3A_1133 = vector.broadcast %squeeze3A_1128 : f32 to vector<16xf32>
        %mul3A_1134 = arith.mulf %get3A_1132, %mul3A_1133 : vector<16xf32>
        %swap3A_1135 = arith.index_cast %scan3A_1060 : i32 to index
        %swap3A_1136 = arith.constant 64 : index
        %swap3A_1137 = tpu.vector_load %arg8[%swap3A_1135, %swap3A_1136] {strides = array<i32>} : memref<112x144xf32, #tpu.memory_space<vmem>>, vector<1x16xf32>,
        %swap3A_1138 = vector.shape_cast %swap3A_1137 : vector<1x16xf32> to vector<16xf32>
        %swap3A_1139 = vector.shape_cast %mul3A_1134 : vector<16xf32> to vector<1x16xf32>
        tpu.vector_store %arg8[%swap3A_1135, %swap3A_1136], %swap3A_1139 {strides = array<i32>} : memref<112x144xf32, #tpu.memory_space<vmem>>, vector<1x16xf32>,
        %slice3A_1140 = vector.extract_strided_slice %exp3A {offsets = [5], sizes = [1], strides = [1]} : vector<16xf32> to vector<1xf32>
        %squeeze3A_1141 = vector.extract %slice3A_1140[0] : f32 from vector<1xf32>
        %get3A_1142 = arith.index_cast %scan3A_1060 : i32 to index
        %get3A_1143 = arith.constant 80 : index
        %get3A_1144 = tpu.vector_load %arg8[%get3A_1142, %get3A_1143] {strides = array<i32>} : memref<112x144xf32, #tpu.memory_space<vmem>>, vector<1x16xf32>,
        %get3A_1145 = vector.shape_cast %get3A_1144 : vector<1x16xf32> to vector<16xf32>
        %mul3A_1146 = vector.broadcast %squeeze3A_1141 : f32 to vector<16xf32>
        %mul3A_1147 = arith.mulf %get3A_1145, %mul3A_1146 : vector<16xf32>
        %swap3A_1148 = arith.index_cast %scan3A_1060 : i32 to index
        %swap3A_1149 = arith.constant 80 : index
        %swap3A_1150 = tpu.vector_load %arg8[%swap3A_1148, %swap3A_1149] {strides = array<i32>} : memref<112x144xf32, #tpu.memory_space<vmem>>, vector<1x16xf32>,
        %swap3A_1151 = vector.shape_cast %swap3A_1150 : vector<1x16xf32> to vector<16xf32>
        %swap3A_1152 = vector.shape_cast %mul3A_1147 : vector<16xf32> to vector<1x16xf32>
        tpu.vector_store %arg8[%swap3A_1148, %swap3A_1149], %swap3A_1152 {strides = array<i32>} : memref<112x144xf32, #tpu.memory_space<vmem>>, vector<1x16xf32>,
        %slice3A_1153 = vector.extract_strided_slice %exp3A {offsets = [6], sizes = [1], strides = [1]} : vector<16xf32> to vector<1xf32>
        %squeeze3A_1154 = vector.extract %slice3A_1153[0] : f32 from vector<1xf32>
        %get3A_1155 = arith.index_cast %scan3A_1060 : i32 to index
        %get3A_1156 = arith.constant 96 : index
        %get3A_1157 = tpu.vector_load %arg8[%get3A_1155, %get3A_1156] {strides = array<i32>} : memref<112x144xf32, #tpu.memory_space<vmem>>, vector<1x16xf32>,
        %get3A_1158 = vector.shape_cast %get3A_1157 : vector<1x16xf32> to vector<16xf32>
        %mul3A_1159 = vector.broadcast %squeeze3A_1154 : f32 to vector<16xf32>
        %mul3A_1160 = arith.mulf %get3A_1158, %mul3A_1159 : vector<16xf32>
        %swap3A_1161 = arith.index_cast %scan3A_1060 : i32 to index
        %swap3A_1162 = arith.constant 96 : index
        %swap3A_1163 = tpu.vector_load %arg8[%swap3A_1161, %swap3A_1162] {strides = array<i32>} : memref<112x144xf32, #tpu.memory_space<vmem>>, vector<1x16xf32>,
        %swap3A_1164 = vector.shape_cast %swap3A_1163 : vector<1x16xf32> to vector<16xf32>
        %swap3A_1165 = vector.shape_cast %mul3A_1160 : vector<16xf32> to vector<1x16xf32>
        tpu.vector_store %arg8[%swap3A_1161, %swap3A_1162], %swap3A_1165 {strides = array<i32>} : memref<112x144xf32, #tpu.memory_space<vmem>>, vector<1x16xf32>,
        %slice3A_1166 = vector.extract_strided_slice %exp3A {offsets = [7], sizes = [1], strides = [1]} : vector<16xf32> to vector<1xf32>
        %squeeze3A_1167 = vector.extract %slice3A_1166[0] : f32 from vector<1xf32>
        %get3A_1168 = arith.index_cast %scan3A_1060 : i32 to index
        %get3A_1169 = arith.constant 112 : index
        %get3A_1170 = tpu.vector_load %arg8[%get3A_1168, %get3A_1169] {strides = array<i32>} : memref<112x144xf32, #tpu.memory_space<vmem>>, vector<1x16xf32>,
        %get3A_1171 = vector.shape_cast %get3A_1170 : vector<1x16xf32> to vector<16xf32>
        %mul3A_1172 = vector.broadcast %squeeze3A_1167 : f32 to vector<16xf32>
        %mul3A_1173 = arith.mulf %get3A_1171, %mul3A_1172 : vector<16xf32>
        %swap3A_1174 = arith.index_cast %scan3A_1060 : i32 to index
        %swap3A_1175 = arith.constant 112 : index
        %swap3A_1176 = tpu.vector_load %arg8[%swap3A_1174, %swap3A_1175] {strides = array<i32>} : memref<112x144xf32, #tpu.memory_space<vmem>>, vector<1x16xf32>,
        %swap3A_1177 = vector.shape_cast %swap3A_1176 : vector<1x16xf32> to vector<16xf32>
        %swap3A_1178 = vector.shape_cast %mul3A_1173 : vector<16xf32> to vector<1x16xf32>
        tpu.vector_store %arg8[%swap3A_1174, %swap3A_1175], %swap3A_1178 {strides = array<i32>} : memref<112x144xf32, #tpu.memory_space<vmem>>, vector<1x16xf32>,
        %scan3A_1179 = arith.constant 0 : i32
        scf.yield %scan3A_1179 : i32
      }
      %scan3A_741 = arith.constant 112 : i32
      %dma_start3A_742 = arith.constant 2 : i32
      %dma_start3A_743 = arith.constant 2 : i32
      %dma_start3A_744 = arith.constant 0 : i32
      %dma_start3A_745 = tpu.memref_slice %arg6[%dma_start3A_742, %dma_start3A_743, %dma_start3A_744] : memref<4x3x112xi32, #tpu.memory_space<vmem>> -> memref<1x1x112xi32, #tpu.memory_space<vmem>>
      %dma_start3A_746 = tpu.memref_squeeze %dma_start3A_745 : memref<1x1x112xi32, #tpu.memory_space<vmem>> -> memref<112xi32, #tpu.memory_space<vmem>>
      %dma_start3A_747 = arith.constant 0 : i32
      %dma_start3A_748 = arith.constant 0 : i32
      %dma_start3A_749 = tpu.memref_slice %arg12[%dma_start3A_747, %dma_start3A_748] : memref<10016x144xf32, #tpu.memory_space<vmem_shared>> -> memref<10016x144xf32, #tpu.memory_space<vmem_shared>>
      tpu.enqueue_indirect_dma source(%arg8 : memref<112x144xf32, #tpu.memory_space<vmem>>) target(%dma_start3A_749 : memref<10016x144xf32, #tpu.memory_space<vmem_shared>>) offsets(%dma_start3A_746 : memref<112xi32, #tpu.memory_space<vmem>>) semaphore(%arg19 : memref<!tpu.dma_semaphore, #tpu.memory_space<semaphore_mem>>) {add = true}
      %dma_wait3A_750 = arith.constant 0 : i32
      %dma_wait3A_751 = arith.constant 0 : i32
      %dma_wait3A_752 = arith.constant 0 : i32
      %dma_wait3A_753 = tpu.memref_slice %arg6[%dma_wait3A_750, %dma_wait3A_751, %dma_wait3A_752] : memref<4x3x112xi32, #tpu.memory_space<vmem>> -> memref<1x1x112xi32, #tpu.memory_space<vmem>>
      %dma_wait3A_754 = tpu.memref_squeeze %dma_wait3A_753 : memref<1x1x112xi32, #tpu.memory_space<vmem>> -> memref<112xi32, #tpu.memory_space<vmem>>
      %dma_wait3A_755 = arith.constant 0 : i32
      %dma_wait3A_756 = arith.constant 0 : i32
      %dma_wait3A_757 = tpu.memref_slice %arg2[%dma_wait3A_755, %dma_wait3A_756] : memref<20480x144xf32, #tpu.memory_space<hbm>> -> memref<20480x144xf32, #tpu.memory_space<hbm>>
      tpu.wait_indirect_dma semaphore(%arg16 : memref<!tpu.dma_semaphore, #tpu.memory_space<semaphore_mem>>) src(%dma_wait3A_757 : memref<20480x144xf32, #tpu.memory_space<hbm>>) dst(%arg9 : memref<112x144xf32, #tpu.memory_space<vmem>>)
      %dma_wait3A_758 = arith.constant 0 : i32
      %dma_wait3A_759 = arith.constant 1 : i32
      %dma_wait3A_760 = arith.constant 0 : i32
      %dma_wait3A_761 = tpu.memref_slice %arg6[%dma_wait3A_758, %dma_wait3A_759, %dma_wait3A_760] : memref<4x3x112xi32, #tpu.memory_space<vmem>> -> memref<1x1x112xi32, #tpu.memory_space<vmem>>
      %dma_wait3A_762 = tpu.memref_squeeze %dma_wait3A_761 : memref<1x1x112xi32, #tpu.memory_space<vmem>> -> memref<112xi32, #tpu.memory_space<vmem>>
      %dma_wait3A_763 = arith.constant 0 : i32
      %dma_wait3A_764 = arith.constant 0 : i32
      %dma_wait3A_765 = tpu.memref_slice %arg3[%dma_wait3A_763, %dma_wait3A_764] : memref<20480x16xf32, #tpu.memory_space<hbm>> -> memref<20480x16xf32, #tpu.memory_space<hbm>>
      tpu.wait_indirect_dma semaphore(%arg18 : memref<!tpu.dma_semaphore, #tpu.memory_space<semaphore_mem>>) src(%dma_wait3A_765 : memref<20480x16xf32, #tpu.memory_space<hbm>>) dst(%arg11 : memref<112x16xf32, #tpu.memory_space<vmem>>)
      %dma_wait3A_766 = arith.constant 3 : i32
      %dma_wait3A_767 = arith.constant 2 : i32
      %dma_wait3A_768 = arith.constant 0 : i32
      %dma_wait3A_769 = tpu.memref_slice %arg6[%dma_wait3A_766, %dma_wait3A_767, %dma_wait3A_768] : memref<4x3x112xi32, #tpu.memory_space<vmem>> -> memref<1x1x112xi32, #tpu.memory_space<vmem>>
      %dma_wait3A_770 = tpu.memref_squeeze %dma_wait3A_769 : memref<1x1x112xi32, #tpu.memory_space<vmem>> -> memref<112xi32, #tpu.memory_space<vmem>>
      %dma_wait3A_771 = arith.constant 0 : i32
      %dma_wait3A_772 = arith.constant 0 : i32
      %dma_wait3A_773 = tpu.memref_slice %arg12[%dma_wait3A_771, %dma_wait3A_772] : memref<10016x144xf32, #tpu.memory_space<vmem_shared>> -> memref<10016x144xf32, #tpu.memory_space<vmem_shared>>
      tpu.wait_indirect_dma semaphore(%arg19 : memref<!tpu.dma_semaphore, #tpu.memory_space<semaphore_mem>>) src(%arg8 : memref<112x144xf32, #tpu.memory_space<vmem>>) dst(%dma_wait3A_773 : memref<10016x144xf32, #tpu.memory_space<vmem_shared>>)
      %dma_wait3A_774 = arith.constant 0 : i32
      %dma_wait3A_775 = arith.constant 0 : i32
      %dma_wait3A_776 = arith.constant 0 : i32
      %dma_wait3A_777 = tpu.memref_slice %arg4[%arg0, %arg1, %dma_wait3A_774, %dma_wait3A_775, %dma_wait3A_776] : memref<2x16x188x3x112xi32, #tpu.memory_space<hbm>> -> memref<1x1x4x3x112xi32, #tpu.memory_space<hbm>>
      %dma_wait3A_778 = tpu.memref_squeeze %dma_wait3A_777 : memref<1x1x4x3x112xi32, #tpu.memory_space<hbm>> -> memref<4x3x112xi32, #tpu.memory_space<hbm>>
      %dma_wait3A_779 = arith.constant 0 : i32
      %dma_wait3A_780 = arith.constant 0 : i32
      %dma_wait3A_781 = arith.constant 0 : i32
      %dma_wait3A_782 = tpu.memref_slice %arg4[%arg0, %arg1, %dma_wait3A_779, %dma_wait3A_780, %dma_wait3A_781] : memref<2x16x188x3x112xi32, #tpu.memory_space<hbm>> -> memref<1x1x4x3x112xi32, #tpu.memory_space<hbm>>
      %dma_wait3A_783 = tpu.memref_squeeze %dma_wait3A_782 : memref<1x1x4x3x112xi32, #tpu.memory_space<hbm>> -> memref<4x3x112xi32, #tpu.memory_space<hbm>>
      tpu.wait_dma2 semaphore(%arg14 : memref<!tpu.dma_semaphore, #tpu.memory_space<semaphore_mem>>) src(%dma_wait3A_783 : memref<4x3x112xi32, #tpu.memory_space<hbm>>) dst(%arg7 : memref<4x3x112xi32, #tpu.memory_space<vmem>>)
      %dma_start3A_784 = arith.constant 0 : i32
      %dma_start3A_785 = arith.constant 0 : i32
      %dma_start3A_786 = arith.constant 0 : i32
      %dma_start3A_787 = tpu.memref_slice %arg7[%dma_start3A_784, %dma_start3A_785, %dma_start3A_786] : memref<4x3x112xi32, #tpu.memory_space<vmem>> -> memref<1x1x112xi32, #tpu.memory_space<vmem>>
      %dma_start3A_788 = tpu.memref_squeeze %dma_start3A_787 : memref<1x1x112xi32, #tpu.memory_space<vmem>> -> memref<112xi32, #tpu.memory_space<vmem>>
      %dma_start3A_789 = arith.constant 0 : i32
      %dma_start3A_790 = arith.constant 0 : i32
      %dma_start3A_791 = tpu.memref_slice %arg2[%dma_start3A_789, %dma_start3A_790] : memref<20480x144xf32, #tpu.memory_space<hbm>> -> memref<20480x144xf32, #tpu.memory_space<hbm>>
      tpu.enqueue_indirect_dma source(%dma_start3A_791 : memref<20480x144xf32, #tpu.memory_space<hbm>>) target(%arg8 : memref<112x144xf32, #tpu.memory_space<vmem>>) offsets(%dma_start3A_788 : memref<112xi32, #tpu.memory_space<vmem>>) semaphore(%arg15 : memref<!tpu.dma_semaphore, #tpu.memory_space<semaphore_mem>>)
      %dma_start3A_792 = arith.constant 0 : i32
      %dma_start3A_793 = arith.constant 1 : i32
      %dma_start3A_794 = arith.constant 0 : i32
      %dma_start3A_795 = tpu.memref_slice %arg7[%dma_start3A_792, %dma_start3A_793, %dma_start3A_794] : memref<4x3x112xi32, #tpu.memory_space<vmem>> -> memref<1x1x112xi32, #tpu.memory_space<vmem>>
      %dma_start3A_796 = tpu.memref_squeeze %dma_start3A_795 : memref<1x1x112xi32, #tpu.memory_space<vmem>> -> memref<112xi32, #tpu.memory_space<vmem>>
      %dma_start3A_797 = arith.constant 0 : i32
      %dma_start3A_798 = arith.constant 0 : i32
      %dma_start3A_799 = tpu.memref_slice %arg3[%dma_start3A_797, %dma_start3A_798] : memref<20480x16xf32, #tpu.memory_space<hbm>> -> memref<20480x16xf32, #tpu.memory_space<hbm>>
      tpu.enqueue_indirect_dma source(%dma_start3A_799 : memref<20480x16xf32, #tpu.memory_space<hbm>>) target(%arg10 : memref<112x16xf32, #tpu.memory_space<vmem>>) offsets(%dma_start3A_796 : memref<112xi32, #tpu.memory_space<vmem>>) semaphore(%arg17 : memref<!tpu.dma_semaphore, #tpu.memory_space<semaphore_mem>>)
      %scan3A_800 = arith.constant 0 : i32
      %scan3A_801 = arith.constant 0 : i32
      %scan3A_802 = arith.constant 112 : i32
      %scan3A_803 = arith.addi %scan3A_801, %scan3A_802 : i32
      %scan3A_804 = arith.constant 1 : i32
      %scan3A_805 = scf.for %scan3A_1060 = %scan3A_801 to %scan3A_803 step %scan3A_804 iter_args(%scan3A_1061 = %scan3A_800) -> (i32)  : i32 {
        %get3A = arith.index_cast %scan3A_1060 : i32 to index
        %get3A_1062 = arith.constant 128 : index
        %get3A_1063 = tpu.vector_load %arg9[%get3A, %get3A_1062] {strides = array<i32>} : memref<112x144xf32, #tpu.memory_space<vmem>>, vector<1x16xf32>,
        %get3A_1064 = vector.shape_cast %get3A_1063 : vector<1x16xf32> to vector<16xf32>
        %get3A_1065 = arith.index_cast %scan3A_1060 : i32 to index
        %get3A_1066 = arith.constant 0 : index
        %get3A_1067 = tpu.vector_load %arg11[%get3A_1065, %get3A_1066] {strides = array<i32>} : memref<112x16xf32, #tpu.memory_space<vmem>>, vector<1x16xf32>,
        %get3A_1068 = vector.shape_cast %get3A_1067 : vector<1x16xf32> to vector<16xf32>
        %add3A_1069 = arith.addf %get3A_1064, %get3A_1068 : vector<16xf32>
        %mul3A_1070 = arith.constant 2.000000e-01 : f32
        %mul3A_1071 = vector.broadcast %mul3A_1070 : f32 to vector<16xf32>
        %mul3A_1072 = arith.mulf %mul3A_1071, %add3A_1069 : vector<16xf32>
        %max3A = arith.maximumf %add3A_1069, %mul3A_1072 : vector<16xf32>
        %exp3A = math.exp %max3A : vector<16xf32>
        %swap3A = arith.index_cast %scan3A_1060 : i32 to index
        %swap3A_1073 = arith.constant 128 : index
        %swap3A_1074 = tpu.vector_load %arg9[%swap3A, %swap3A_1073] {strides = array<i32>} : memref<112x144xf32, #tpu.memory_space<vmem>>, vector<1x16xf32>,
        %swap3A_1075 = vector.shape_cast %swap3A_1074 : vector<1x16xf32> to vector<16xf32>
        %swap3A_1076 = vector.shape_cast %exp3A : vector<16xf32> to vector<1x16xf32>
        tpu.vector_store %arg9[%swap3A, %swap3A_1073], %swap3A_1076 {strides = array<i32>} : memref<112x144xf32, #tpu.memory_space<vmem>>, vector<1x16xf32>,
        %slice3A = vector.extract_strided_slice %exp3A {offsets = [0], sizes = [1], strides = [1]} : vector<16xf32> to vector<1xf32>
        %squeeze3A = vector.extract %slice3A[0] : f32 from vector<1xf32>
        %get3A_1077 = arith.index_cast %scan3A_1060 : i32 to index
        %get3A_1078 = arith.constant 0 : index
        %get3A_1079 = tpu.vector_load %arg9[%get3A_1077, %get3A_1078] {strides = array<i32>} : memref<112x144xf32, #tpu.memory_space<vmem>>, vector<1x16xf32>,
        %get3A_1080 = vector.shape_cast %get3A_1079 : vector<1x16xf32> to vector<16xf32>
        %mul3A_1081 = vector.broadcast %squeeze3A : f32 to vector<16xf32>
        %mul3A_1082 = arith.mulf %get3A_1080, %mul3A_1081 : vector<16xf32>
        %swap3A_1083 = arith.index_cast %scan3A_1060 : i32 to index
        %swap3A_1084 = arith.constant 0 : index
        %swap3A_1085 = tpu.vector_load %arg9[%swap3A_1083, %swap3A_1084] {strides = array<i32>} : memref<112x144xf32, #tpu.memory_space<vmem>>, vector<1x16xf32>,
        %swap3A_1086 = vector.shape_cast %swap3A_1085 : vector<1x16xf32> to vector<16xf32>
        %swap3A_1087 = vector.shape_cast %mul3A_1082 : vector<16xf32> to vector<1x16xf32>
        tpu.vector_store %arg9[%swap3A_1083, %swap3A_1084], %swap3A_1087 {strides = array<i32>} : memref<112x144xf32, #tpu.memory_space<vmem>>, vector<1x16xf32>,
        %slice3A_1088 = vector.extract_strided_slice %exp3A {offsets = [1], sizes = [1], strides = [1]} : vector<16xf32> to vector<1xf32>
        %squeeze3A_1089 = vector.extract %slice3A_1088[0] : f32 from vector<1xf32>
        %get3A_1090 = arith.index_cast %scan3A_1060 : i32 to index
        %get3A_1091 = arith.constant 16 : index
        %get3A_1092 = tpu.vector_load %arg9[%get3A_1090, %get3A_1091] {strides = array<i32>} : memref<112x144xf32, #tpu.memory_space<vmem>>, vector<1x16xf32>,
        %get3A_1093 = vector.shape_cast %get3A_1092 : vector<1x16xf32> to vector<16xf32>
        %mul3A_1094 = vector.broadcast %squeeze3A_1089 : f32 to vector<16xf32>
        %mul3A_1095 = arith.mulf %get3A_1093, %mul3A_1094 : vector<16xf32>
        %swap3A_1096 = arith.index_cast %scan3A_1060 : i32 to index
        %swap3A_1097 = arith.constant 16 : index
        %swap3A_1098 = tpu.vector_load %arg9[%swap3A_1096, %swap3A_1097] {strides = array<i32>} : memref<112x144xf32, #tpu.memory_space<vmem>>, vector<1x16xf32>,
        %swap3A_1099 = vector.shape_cast %swap3A_1098 : vector<1x16xf32> to vector<16xf32>
        %swap3A_1100 = vector.shape_cast %mul3A_1095 : vector<16xf32> to vector<1x16xf32>
        tpu.vector_store %arg9[%swap3A_1096, %swap3A_1097], %swap3A_1100 {strides = array<i32>} : memref<112x144xf32, #tpu.memory_space<vmem>>, vector<1x16xf32>,
        %slice3A_1101 = vector.extract_strided_slice %exp3A {offsets = [2], sizes = [1], strides = [1]} : vector<16xf32> to vector<1xf32>
        %squeeze3A_1102 = vector.extract %slice3A_1101[0] : f32 from vector<1xf32>
        %get3A_1103 = arith.index_cast %scan3A_1060 : i32 to index
        %get3A_1104 = arith.constant 32 : index
        %get3A_1105 = tpu.vector_load %arg9[%get3A_1103, %get3A_1104] {strides = array<i32>} : memref<112x144xf32, #tpu.memory_space<vmem>>, vector<1x16xf32>,
        %get3A_1106 = vector.shape_cast %get3A_1105 : vector<1x16xf32> to vector<16xf32>
        %mul3A_1107 = vector.broadcast %squeeze3A_1102 : f32 to vector<16xf32>
        %mul3A_1108 = arith.mulf %get3A_1106, %mul3A_1107 : vector<16xf32>
        %swap3A_1109 = arith.index_cast %scan3A_1060 : i32 to index
        %swap3A_1110 = arith.constant 32 : index
        %swap3A_1111 = tpu.vector_load %arg9[%swap3A_1109, %swap3A_1110] {strides = array<i32>} : memref<112x144xf32, #tpu.memory_space<vmem>>, vector<1x16xf32>,
        %swap3A_1112 = vector.shape_cast %swap3A_1111 : vector<1x16xf32> to vector<16xf32>
        %swap3A_1113 = vector.shape_cast %mul3A_1108 : vector<16xf32> to vector<1x16xf32>
        tpu.vector_store %arg9[%swap3A_1109, %swap3A_1110], %swap3A_1113 {strides = array<i32>} : memref<112x144xf32, #tpu.memory_space<vmem>>, vector<1x16xf32>,
        %slice3A_1114 = vector.extract_strided_slice %exp3A {offsets = [3], sizes = [1], strides = [1]} : vector<16xf32> to vector<1xf32>
        %squeeze3A_1115 = vector.extract %slice3A_1114[0] : f32 from vector<1xf32>
        %get3A_1116 = arith.index_cast %scan3A_1060 : i32 to index
        %get3A_1117 = arith.constant 48 : index
        %get3A_1118 = tpu.vector_load %arg9[%get3A_1116, %get3A_1117] {strides = array<i32>} : memref<112x144xf32, #tpu.memory_space<vmem>>, vector<1x16xf32>,
        %get3A_1119 = vector.shape_cast %get3A_1118 : vector<1x16xf32> to vector<16xf32>
        %mul3A_1120 = vector.broadcast %squeeze3A_1115 : f32 to vector<16xf32>
        %mul3A_1121 = arith.mulf %get3A_1119, %mul3A_1120 : vector<16xf32>
        %swap3A_1122 = arith.index_cast %scan3A_1060 : i32 to index
        %swap3A_1123 = arith.constant 48 : index
        %swap3A_1124 = tpu.vector_load %arg9[%swap3A_1122, %swap3A_1123] {strides = array<i32>} : memref<112x144xf32, #tpu.memory_space<vmem>>, vector<1x16xf32>,
        %swap3A_1125 = vector.shape_cast %swap3A_1124 : vector<1x16xf32> to vector<16xf32>
        %swap3A_1126 = vector.shape_cast %mul3A_1121 : vector<16xf32> to vector<1x16xf32>
        tpu.vector_store %arg9[%swap3A_1122, %swap3A_1123], %swap3A_1126 {strides = array<i32>} : memref<112x144xf32, #tpu.memory_space<vmem>>, vector<1x16xf32>,
        %slice3A_1127 = vector.extract_strided_slice %exp3A {offsets = [4], sizes = [1], strides = [1]} : vector<16xf32> to vector<1xf32>
        %squeeze3A_1128 = vector.extract %slice3A_1127[0] : f32 from vector<1xf32>
        %get3A_1129 = arith.index_cast %scan3A_1060 : i32 to index
        %get3A_1130 = arith.constant 64 : index
        %get3A_1131 = tpu.vector_load %arg9[%get3A_1129, %get3A_1130] {strides = array<i32>} : memref<112x144xf32, #tpu.memory_space<vmem>>, vector<1x16xf32>,
        %get3A_1132 = vector.shape_cast %get3A_1131 : vector<1x16xf32> to vector<16xf32>
        %mul3A_1133 = vector.broadcast %squeeze3A_1128 : f32 to vector<16xf32>
        %mul3A_1134 = arith.mulf %get3A_1132, %mul3A_1133 : vector<16xf32>
        %swap3A_1135 = arith.index_cast %scan3A_1060 : i32 to index
        %swap3A_1136 = arith.constant 64 : index
        %swap3A_1137 = tpu.vector_load %arg9[%swap3A_1135, %swap3A_1136] {strides = array<i32>} : memref<112x144xf32, #tpu.memory_space<vmem>>, vector<1x16xf32>,
        %swap3A_1138 = vector.shape_cast %swap3A_1137 : vector<1x16xf32> to vector<16xf32>
        %swap3A_1139 = vector.shape_cast %mul3A_1134 : vector<16xf32> to vector<1x16xf32>
        tpu.vector_store %arg9[%swap3A_1135, %swap3A_1136], %swap3A_1139 {strides = array<i32>} : memref<112x144xf32, #tpu.memory_space<vmem>>, vector<1x16xf32>,
        %slice3A_1140 = vector.extract_strided_slice %exp3A {offsets = [5], sizes = [1], strides = [1]} : vector<16xf32> to vector<1xf32>
        %squeeze3A_1141 = vector.extract %slice3A_1140[0] : f32 from vector<1xf32>
        %get3A_1142 = arith.index_cast %scan3A_1060 : i32 to index
        %get3A_1143 = arith.constant 80 : index
        %get3A_1144 = tpu.vector_load %arg9[%get3A_1142, %get3A_1143] {strides = array<i32>} : memref<112x144xf32, #tpu.memory_space<vmem>>, vector<1x16xf32>,
        %get3A_1145 = vector.shape_cast %get3A_1144 : vector<1x16xf32> to vector<16xf32>
        %mul3A_1146 = vector.broadcast %squeeze3A_1141 : f32 to vector<16xf32>
        %mul3A_1147 = arith.mulf %get3A_1145, %mul3A_1146 : vector<16xf32>
        %swap3A_1148 = arith.index_cast %scan3A_1060 : i32 to index
        %swap3A_1149 = arith.constant 80 : index
        %swap3A_1150 = tpu.vector_load %arg9[%swap3A_1148, %swap3A_1149] {strides = array<i32>} : memref<112x144xf32, #tpu.memory_space<vmem>>, vector<1x16xf32>,
        %swap3A_1151 = vector.shape_cast %swap3A_1150 : vector<1x16xf32> to vector<16xf32>
        %swap3A_1152 = vector.shape_cast %mul3A_1147 : vector<16xf32> to vector<1x16xf32>
        tpu.vector_store %arg9[%swap3A_1148, %swap3A_1149], %swap3A_1152 {strides = array<i32>} : memref<112x144xf32, #tpu.memory_space<vmem>>, vector<1x16xf32>,
        %slice3A_1153 = vector.extract_strided_slice %exp3A {offsets = [6], sizes = [1], strides = [1]} : vector<16xf32> to vector<1xf32>
        %squeeze3A_1154 = vector.extract %slice3A_1153[0] : f32 from vector<1xf32>
        %get3A_1155 = arith.index_cast %scan3A_1060 : i32 to index
        %get3A_1156 = arith.constant 96 : index
        %get3A_1157 = tpu.vector_load %arg9[%get3A_1155, %get3A_1156] {strides = array<i32>} : memref<112x144xf32, #tpu.memory_space<vmem>>, vector<1x16xf32>,
        %get3A_1158 = vector.shape_cast %get3A_1157 : vector<1x16xf32> to vector<16xf32>
        %mul3A_1159 = vector.broadcast %squeeze3A_1154 : f32 to vector<16xf32>
        %mul3A_1160 = arith.mulf %get3A_1158, %mul3A_1159 : vector<16xf32>
        %swap3A_1161 = arith.index_cast %scan3A_1060 : i32 to index
        %swap3A_1162 = arith.constant 96 : index
        %swap3A_1163 = tpu.vector_load %arg9[%swap3A_1161, %swap3A_1162] {strides = array<i32>} : memref<112x144xf32, #tpu.memory_space<vmem>>, vector<1x16xf32>,
        %swap3A_1164 = vector.shape_cast %swap3A_1163 : vector<1x16xf32> to vector<16xf32>
        %swap3A_1165 = vector.shape_cast %mul3A_1160 : vector<16xf32> to vector<1x16xf32>
        tpu.vector_store %arg9[%swap3A_1161, %swap3A_1162], %swap3A_1165 {strides = array<i32>} : memref<112x144xf32, #tpu.memory_space<vmem>>, vector<1x16xf32>,
        %slice3A_1166 = vector.extract_strided_slice %exp3A {offsets = [7], sizes = [1], strides = [1]} : vector<16xf32> to vector<1xf32>
        %squeeze3A_1167 = vector.extract %slice3A_1166[0] : f32 from vector<1xf32>
        %get3A_1168 = arith.index_cast %scan3A_1060 : i32 to index
        %get3A_1169 = arith.constant 112 : index
        %get3A_1170 = tpu.vector_load %arg9[%get3A_1168, %get3A_1169] {strides = array<i32>} : memref<112x144xf32, #tpu.memory_space<vmem>>, vector<1x16xf32>,
        %get3A_1171 = vector.shape_cast %get3A_1170 : vector<1x16xf32> to vector<16xf32>
        %mul3A_1172 = vector.broadcast %squeeze3A_1167 : f32 to vector<16xf32>
        %mul3A_1173 = arith.mulf %get3A_1171, %mul3A_1172 : vector<16xf32>
        %swap3A_1174 = arith.index_cast %scan3A_1060 : i32 to index
        %swap3A_1175 = arith.constant 112 : index
        %swap3A_1176 = tpu.vector_load %arg9[%swap3A_1174, %swap3A_1175] {strides = array<i32>} : memref<112x144xf32, #tpu.memory_space<vmem>>, vector<1x16xf32>,
        %swap3A_1177 = vector.shape_cast %swap3A_1176 : vector<1x16xf32> to vector<16xf32>
        %swap3A_1178 = vector.shape_cast %mul3A_1173 : vector<16xf32> to vector<1x16xf32>
        tpu.vector_store %arg9[%swap3A_1174, %swap3A_1175], %swap3A_1178 {strides = array<i32>} : memref<112x144xf32, #tpu.memory_space<vmem>>, vector<1x16xf32>,
        %scan3A_1179 = arith.constant 0 : i32
        scf.yield %scan3A_1179 : i32
      }
      %scan3A_806 = arith.constant 112 : i32
      %dma_start3A_807 = arith.constant 3 : i32
      %dma_start3A_808 = arith.constant 2 : i32
      %dma_start3A_809 = arith.constant 0 : i32
      %dma_start3A_810 = tpu.memref_slice %arg6[%dma_start3A_807, %dma_start3A_808, %dma_start3A_809] : memref<4x3x112xi32, #tpu.memory_space<vmem>> -> memref<1x1x112xi32, #tpu.memory_space<vmem>>
      %dma_start3A_811 = tpu.memref_squeeze %dma_start3A_810 : memref<1x1x112xi32, #tpu.memory_space<vmem>> -> memref<112xi32, #tpu.memory_space<vmem>>
      %dma_start3A_812 = arith.constant 0 : i32
      %dma_start3A_813 = arith.constant 0 : i32
      %dma_start3A_814 = tpu.memref_slice %arg12[%dma_start3A_812, %dma_start3A_813] : memref<10016x144xf32, #tpu.memory_space<vmem_shared>> -> memref<10016x144xf32, #tpu.memory_space<vmem_shared>>
      tpu.enqueue_indirect_dma source(%arg9 : memref<112x144xf32, #tpu.memory_space<vmem>>) target(%dma_start3A_814 : memref<10016x144xf32, #tpu.memory_space<vmem_shared>>) offsets(%dma_start3A_811 : memref<112xi32, #tpu.memory_space<vmem>>) semaphore(%arg20 : memref<!tpu.dma_semaphore, #tpu.memory_space<semaphore_mem>>) {add = true}
      %mul3A_815 = arith.constant 8 : i32
      %mul3A_816 = arith.muli %mul3A_815, %scan3A_571 : i32
      %add3A_817 = arith.constant 4 : i32
      %add3A_818 = arith.addi %mul3A_816, %add3A_817 : i32
      %dma_wait3A_819 = arith.constant 0 : i32
      %dma_wait3A_820 = arith.constant 0 : i32
      %dma_wait3A_821 = arith.constant 0 : i32
      %dma_wait3A_822 = tpu.memref_slice %arg6[%dma_wait3A_819, %dma_wait3A_820, %dma_wait3A_821] : memref<4x3x112xi32, #tpu.memory_space<vmem>> -> memref<1x1x112xi32, #tpu.memory_space<vmem>>
      %dma_wait3A_823 = tpu.memref_squeeze %dma_wait3A_822 : memref<1x1x112xi32, #tpu.memory_space<vmem>> -> memref<112xi32, #tpu.memory_space<vmem>>
      %dma_wait3A_824 = arith.constant 0 : i32
      %dma_wait3A_825 = arith.constant 0 : i32
      %dma_wait3A_826 = tpu.memref_slice %arg2[%dma_wait3A_824, %dma_wait3A_825] : memref<20480x144xf32, #tpu.memory_space<hbm>> -> memref<20480x144xf32, #tpu.memory_space<hbm>>
      tpu.wait_indirect_dma semaphore(%arg15 : memref<!tpu.dma_semaphore, #tpu.memory_space<semaphore_mem>>) src(%dma_wait3A_826 : memref<20480x144xf32, #tpu.memory_space<hbm>>) dst(%arg8 : memref<112x144xf32, #tpu.memory_space<vmem>>)
      %dma_wait3A_827 = arith.constant 0 : i32
      %dma_wait3A_828 = arith.constant 1 : i32
      %dma_wait3A_829 = arith.constant 0 : i32
      %dma_wait3A_830 = tpu.memref_slice %arg6[%dma_wait3A_827, %dma_wait3A_828, %dma_wait3A_829] : memref<4x3x112xi32, #tpu.memory_space<vmem>> -> memref<1x1x112xi32, #tpu.memory_space<vmem>>
      %dma_wait3A_831 = tpu.memref_squeeze %dma_wait3A_830 : memref<1x1x112xi32, #tpu.memory_space<vmem>> -> memref<112xi32, #tpu.memory_space<vmem>>
      %dma_wait3A_832 = arith.constant 0 : i32
      %dma_wait3A_833 = arith.constant 0 : i32
      %dma_wait3A_834 = tpu.memref_slice %arg3[%dma_wait3A_832, %dma_wait3A_833] : memref<20480x16xf32, #tpu.memory_space<hbm>> -> memref<20480x16xf32, #tpu.memory_space<hbm>>
      tpu.wait_indirect_dma semaphore(%arg17 : memref<!tpu.dma_semaphore, #tpu.memory_space<semaphore_mem>>) src(%dma_wait3A_834 : memref<20480x16xf32, #tpu.memory_space<hbm>>) dst(%arg10 : memref<112x16xf32, #tpu.memory_space<vmem>>)
      %dma_wait3A_835 = arith.constant 0 : i32
      %dma_wait3A_836 = arith.constant 2 : i32
      %dma_wait3A_837 = arith.constant 0 : i32
      %dma_wait3A_838 = tpu.memref_slice %arg7[%dma_wait3A_835, %dma_wait3A_836, %dma_wait3A_837] : memref<4x3x112xi32, #tpu.memory_space<vmem>> -> memref<1x1x112xi32, #tpu.memory_space<vmem>>
      %dma_wait3A_839 = tpu.memref_squeeze %dma_wait3A_838 : memref<1x1x112xi32, #tpu.memory_space<vmem>> -> memref<112xi32, #tpu.memory_space<vmem>>
      %dma_wait3A_840 = arith.constant 0 : i32
      %dma_wait3A_841 = arith.constant 0 : i32
      %dma_wait3A_842 = tpu.memref_slice %arg12[%dma_wait3A_840, %dma_wait3A_841] : memref<10016x144xf32, #tpu.memory_space<vmem_shared>> -> memref<10016x144xf32, #tpu.memory_space<vmem_shared>>
      tpu.wait_indirect_dma semaphore(%arg20 : memref<!tpu.dma_semaphore, #tpu.memory_space<semaphore_mem>>) src(%arg9 : memref<112x144xf32, #tpu.memory_space<vmem>>) dst(%dma_wait3A_842 : memref<10016x144xf32, #tpu.memory_space<vmem_shared>>)
      %add3A_843 = arith.constant 4 : i32
      %add3A_844 = arith.addi %add3A_818, %add3A_843 : i32
      %dma_start3A_845 = arith.constant 0 : i32
      %dma_start3A_846 = arith.constant 0 : i32
      %dma_start3A_847 = tpu.memref_slice %arg4[%arg0, %arg1, %add3A_844, %dma_start3A_845, %dma_start3A_846] : memref<2x16x188x3x112xi32, #tpu.memory_space<hbm>> -> memref<1x1x4x3x112xi32, #tpu.memory_space<hbm>>
      %dma_start3A_848 = tpu.memref_squeeze %dma_start3A_847 : memref<1x1x4x3x112xi32, #tpu.memory_space<hbm>> -> memref<4x3x112xi32, #tpu.memory_space<hbm>>
      %dma_start3A_849 = arith.constant 0 : i32
      %dma_start3A_850 = arith.constant 0 : i32
      %dma_start3A_851 = tpu.memref_slice %arg4[%arg0, %arg1, %add3A_844, %dma_start3A_849, %dma_start3A_850] : memref<2x16x188x3x112xi32, #tpu.memory_space<hbm>> -> memref<1x1x4x3x112xi32, #tpu.memory_space<hbm>>
      %dma_start3A_852 = tpu.memref_squeeze %dma_start3A_851 : memref<1x1x4x3x112xi32, #tpu.memory_space<hbm>> -> memref<4x3x112xi32, #tpu.memory_space<hbm>>
      tpu.enqueue_dma source(%dma_start3A_852 : memref<4x3x112xi32, #tpu.memory_space<hbm>>) target(%arg6 : memref<4x3x112xi32, #tpu.memory_space<vmem>>) target_semaphore(%arg13 : memref<!tpu.dma_semaphore, #tpu.memory_space<semaphore_mem>>)
      %dma_start3A_853 = arith.constant 1 : i32
      %dma_start3A_854 = arith.constant 0 : i32
      %dma_start3A_855 = arith.constant 0 : i32
      %dma_start3A_856 = tpu.memref_slice %arg7[%dma_start3A_853, %dma_start3A_854, %dma_start3A_855] : memref<4x3x112xi32, #tpu.memory_space<vmem>> -> memref<1x1x112xi32, #tpu.memory_space<vmem>>
      %dma_start3A_857 = tpu.memref_squeeze %dma_start3A_856 : memref<1x1x112xi32, #tpu.memory_space<vmem>> -> memref<112xi32, #tpu.memory_space<vmem>>
      %dma_start3A_858 = arith.constant 0 : i32
      %dma_start3A_859 = arith.constant 0 : i32
      %dma_start3A_860 = tpu.memref_slice %arg2[%dma_start3A_858, %dma_start3A_859] : memref<20480x144xf32, #tpu.memory_space<hbm>> -> memref<20480x144xf32, #tpu.memory_space<hbm>>
      tpu.enqueue_indirect_dma source(%dma_start3A_860 : memref<20480x144xf32, #tpu.memory_space<hbm>>) target(%arg9 : memref<112x144xf32, #tpu.memory_space<vmem>>) offsets(%dma_start3A_857 : memref<112xi32, #tpu.memory_space<vmem>>) semaphore(%arg16 : memref<!tpu.dma_semaphore, #tpu.memory_space<semaphore_mem>>)
      %dma_start3A_861 = arith.constant 1 : i32
      %dma_start3A_862 = arith.constant 1 : i32
      %dma_start3A_863 = arith.constant 0 : i32
      %dma_start3A_864 = tpu.memref_slice %arg7[%dma_start3A_861, %dma_start3A_862, %dma_start3A_863] : memref<4x3x112xi32, #tpu.memory_space<vmem>> -> memref<1x1x112xi32, #tpu.memory_space<vmem>>
      %dma_start3A_865 = tpu.memref_squeeze %dma_start3A_864 : memref<1x1x112xi32, #tpu.memory_space<vmem>> -> memref<112xi32, #tpu.memory_space<vmem>>
      %dma_start3A_866 = arith.constant 0 : i32
      %dma_start3A_867 = arith.constant 0 : i32
      %dma_start3A_868 = tpu.memref_slice %arg3[%dma_start3A_866, %dma_start3A_867] : memref<20480x16xf32, #tpu.memory_space<hbm>> -> memref<20480x16xf32, #tpu.memory_space<hbm>>
      tpu.enqueue_indirect_dma source(%dma_start3A_868 : memref<20480x16xf32, #tpu.memory_space<hbm>>) target(%arg11 : memref<112x16xf32, #tpu.memory_space<vmem>>) offsets(%dma_start3A_865 : memref<112xi32, #tpu.memory_space<vmem>>) semaphore(%arg18 : memref<!tpu.dma_semaphore, #tpu.memory_space<semaphore_mem>>)
      %scan3A_869 = arith.constant 0 : i32
      %scan3A_870 = arith.constant 0 : i32
      %scan3A_871 = arith.constant 112 : i32
      %scan3A_872 = arith.addi %scan3A_870, %scan3A_871 : i32
      %scan3A_873 = arith.constant 1 : i32
      %scan3A_874 = scf.for %scan3A_1060 = %scan3A_870 to %scan3A_872 step %scan3A_873 iter_args(%scan3A_1061 = %scan3A_869) -> (i32)  : i32 {
        %get3A = arith.index_cast %scan3A_1060 : i32 to index
        %get3A_1062 = arith.constant 128 : index
        %get3A_1063 = tpu.vector_load %arg8[%get3A, %get3A_1062] {strides = array<i32>} : memref<112x144xf32, #tpu.memory_space<vmem>>, vector<1x16xf32>,
        %get3A_1064 = vector.shape_cast %get3A_1063 : vector<1x16xf32> to vector<16xf32>
        %get3A_1065 = arith.index_cast %scan3A_1060 : i32 to index
        %get3A_1066 = arith.constant 0 : index
        %get3A_1067 = tpu.vector_load %arg10[%get3A_1065, %get3A_1066] {strides = array<i32>} : memref<112x16xf32, #tpu.memory_space<vmem>>, vector<1x16xf32>,
        %get3A_1068 = vector.shape_cast %get3A_1067 : vector<1x16xf32> to vector<16xf32>
        %add3A_1069 = arith.addf %get3A_1064, %get3A_1068 : vector<16xf32>
        %mul3A_1070 = arith.constant 2.000000e-01 : f32
        %mul3A_1071 = vector.broadcast %mul3A_1070 : f32 to vector<16xf32>
        %mul3A_1072 = arith.mulf %mul3A_1071, %add3A_1069 : vector<16xf32>
        %max3A = arith.maximumf %add3A_1069, %mul3A_1072 : vector<16xf32>
        %exp3A = math.exp %max3A : vector<16xf32>
        %swap3A = arith.index_cast %scan3A_1060 : i32 to index
        %swap3A_1073 = arith.constant 128 : index
        %swap3A_1074 = tpu.vector_load %arg8[%swap3A, %swap3A_1073] {strides = array<i32>} : memref<112x144xf32, #tpu.memory_space<vmem>>, vector<1x16xf32>,
        %swap3A_1075 = vector.shape_cast %swap3A_1074 : vector<1x16xf32> to vector<16xf32>
        %swap3A_1076 = vector.shape_cast %exp3A : vector<16xf32> to vector<1x16xf32>
        tpu.vector_store %arg8[%swap3A, %swap3A_1073], %swap3A_1076 {strides = array<i32>} : memref<112x144xf32, #tpu.memory_space<vmem>>, vector<1x16xf32>,
        %slice3A = vector.extract_strided_slice %exp3A {offsets = [0], sizes = [1], strides = [1]} : vector<16xf32> to vector<1xf32>
        %squeeze3A = vector.extract %slice3A[0] : f32 from vector<1xf32>
        %get3A_1077 = arith.index_cast %scan3A_1060 : i32 to index
        %get3A_1078 = arith.constant 0 : index
        %get3A_1079 = tpu.vector_load %arg8[%get3A_1077, %get3A_1078] {strides = array<i32>} : memref<112x144xf32, #tpu.memory_space<vmem>>, vector<1x16xf32>,
        %get3A_1080 = vector.shape_cast %get3A_1079 : vector<1x16xf32> to vector<16xf32>
        %mul3A_1081 = vector.broadcast %squeeze3A : f32 to vector<16xf32>
        %mul3A_1082 = arith.mulf %get3A_1080, %mul3A_1081 : vector<16xf32>
        %swap3A_1083 = arith.index_cast %scan3A_1060 : i32 to index
        %swap3A_1084 = arith.constant 0 : index
        %swap3A_1085 = tpu.vector_load %arg8[%swap3A_1083, %swap3A_1084] {strides = array<i32>} : memref<112x144xf32, #tpu.memory_space<vmem>>, vector<1x16xf32>,
        %swap3A_1086 = vector.shape_cast %swap3A_1085 : vector<1x16xf32> to vector<16xf32>
        %swap3A_1087 = vector.shape_cast %mul3A_1082 : vector<16xf32> to vector<1x16xf32>
        tpu.vector_store %arg8[%swap3A_1083, %swap3A_1084], %swap3A_1087 {strides = array<i32>} : memref<112x144xf32, #tpu.memory_space<vmem>>, vector<1x16xf32>,
        %slice3A_1088 = vector.extract_strided_slice %exp3A {offsets = [1], sizes = [1], strides = [1]} : vector<16xf32> to vector<1xf32>
        %squeeze3A_1089 = vector.extract %slice3A_1088[0] : f32 from vector<1xf32>
        %get3A_1090 = arith.index_cast %scan3A_1060 : i32 to index
        %get3A_1091 = arith.constant 16 : index
        %get3A_1092 = tpu.vector_load %arg8[%get3A_1090, %get3A_1091] {strides = array<i32>} : memref<112x144xf32, #tpu.memory_space<vmem>>, vector<1x16xf32>,
        %get3A_1093 = vector.shape_cast %get3A_1092 : vector<1x16xf32> to vector<16xf32>
        %mul3A_1094 = vector.broadcast %squeeze3A_1089 : f32 to vector<16xf32>
        %mul3A_1095 = arith.mulf %get3A_1093, %mul3A_1094 : vector<16xf32>
        %swap3A_1096 = arith.index_cast %scan3A_1060 : i32 to index
        %swap3A_1097 = arith.constant 16 : index
        %swap3A_1098 = tpu.vector_load %arg8[%swap3A_1096, %swap3A_1097] {strides = array<i32>} : memref<112x144xf32, #tpu.memory_space<vmem>>, vector<1x16xf32>,
        %swap3A_1099 = vector.shape_cast %swap3A_1098 : vector<1x16xf32> to vector<16xf32>
        %swap3A_1100 = vector.shape_cast %mul3A_1095 : vector<16xf32> to vector<1x16xf32>
        tpu.vector_store %arg8[%swap3A_1096, %swap3A_1097], %swap3A_1100 {strides = array<i32>} : memref<112x144xf32, #tpu.memory_space<vmem>>, vector<1x16xf32>,
        %slice3A_1101 = vector.extract_strided_slice %exp3A {offsets = [2], sizes = [1], strides = [1]} : vector<16xf32> to vector<1xf32>
        %squeeze3A_1102 = vector.extract %slice3A_1101[0] : f32 from vector<1xf32>
        %get3A_1103 = arith.index_cast %scan3A_1060 : i32 to index
        %get3A_1104 = arith.constant 32 : index
        %get3A_1105 = tpu.vector_load %arg8[%get3A_1103, %get3A_1104] {strides = array<i32>} : memref<112x144xf32, #tpu.memory_space<vmem>>, vector<1x16xf32>,
        %get3A_1106 = vector.shape_cast %get3A_1105 : vector<1x16xf32> to vector<16xf32>
        %mul3A_1107 = vector.broadcast %squeeze3A_1102 : f32 to vector<16xf32>
        %mul3A_1108 = arith.mulf %get3A_1106, %mul3A_1107 : vector<16xf32>
        %swap3A_1109 = arith.index_cast %scan3A_1060 : i32 to index
        %swap3A_1110 = arith.constant 32 : index
        %swap3A_1111 = tpu.vector_load %arg8[%swap3A_1109, %swap3A_1110] {strides = array<i32>} : memref<112x144xf32, #tpu.memory_space<vmem>>, vector<1x16xf32>,
        %swap3A_1112 = vector.shape_cast %swap3A_1111 : vector<1x16xf32> to vector<16xf32>
        %swap3A_1113 = vector.shape_cast %mul3A_1108 : vector<16xf32> to vector<1x16xf32>
        tpu.vector_store %arg8[%swap3A_1109, %swap3A_1110], %swap3A_1113 {strides = array<i32>} : memref<112x144xf32, #tpu.memory_space<vmem>>, vector<1x16xf32>,
        %slice3A_1114 = vector.extract_strided_slice %exp3A {offsets = [3], sizes = [1], strides = [1]} : vector<16xf32> to vector<1xf32>
        %squeeze3A_1115 = vector.extract %slice3A_1114[0] : f32 from vector<1xf32>
        %get3A_1116 = arith.index_cast %scan3A_1060 : i32 to index
        %get3A_1117 = arith.constant 48 : index
        %get3A_1118 = tpu.vector_load %arg8[%get3A_1116, %get3A_1117] {strides = array<i32>} : memref<112x144xf32, #tpu.memory_space<vmem>>, vector<1x16xf32>,
        %get3A_1119 = vector.shape_cast %get3A_1118 : vector<1x16xf32> to vector<16xf32>
        %mul3A_1120 = vector.broadcast %squeeze3A_1115 : f32 to vector<16xf32>
        %mul3A_1121 = arith.mulf %get3A_1119, %mul3A_1120 : vector<16xf32>
        %swap3A_1122 = arith.index_cast %scan3A_1060 : i32 to index
        %swap3A_1123 = arith.constant 48 : index
        %swap3A_1124 = tpu.vector_load %arg8[%swap3A_1122, %swap3A_1123] {strides = array<i32>} : memref<112x144xf32, #tpu.memory_space<vmem>>, vector<1x16xf32>,
        %swap3A_1125 = vector.shape_cast %swap3A_1124 : vector<1x16xf32> to vector<16xf32>
        %swap3A_1126 = vector.shape_cast %mul3A_1121 : vector<16xf32> to vector<1x16xf32>
        tpu.vector_store %arg8[%swap3A_1122, %swap3A_1123], %swap3A_1126 {strides = array<i32>} : memref<112x144xf32, #tpu.memory_space<vmem>>, vector<1x16xf32>,
        %slice3A_1127 = vector.extract_strided_slice %exp3A {offsets = [4], sizes = [1], strides = [1]} : vector<16xf32> to vector<1xf32>
        %squeeze3A_1128 = vector.extract %slice3A_1127[0] : f32 from vector<1xf32>
        %get3A_1129 = arith.index_cast %scan3A_1060 : i32 to index
        %get3A_1130 = arith.constant 64 : index
        %get3A_1131 = tpu.vector_load %arg8[%get3A_1129, %get3A_1130] {strides = array<i32>} : memref<112x144xf32, #tpu.memory_space<vmem>>, vector<1x16xf32>,
        %get3A_1132 = vector.shape_cast %get3A_1131 : vector<1x16xf32> to vector<16xf32>
        %mul3A_1133 = vector.broadcast %squeeze3A_1128 : f32 to vector<16xf32>
        %mul3A_1134 = arith.mulf %get3A_1132, %mul3A_1133 : vector<16xf32>
        %swap3A_1135 = arith.index_cast %scan3A_1060 : i32 to index
        %swap3A_1136 = arith.constant 64 : index
        %swap3A_1137 = tpu.vector_load %arg8[%swap3A_1135, %swap3A_1136] {strides = array<i32>} : memref<112x144xf32, #tpu.memory_space<vmem>>, vector<1x16xf32>,
        %swap3A_1138 = vector.shape_cast %swap3A_1137 : vector<1x16xf32> to vector<16xf32>
        %swap3A_1139 = vector.shape_cast %mul3A_1134 : vector<16xf32> to vector<1x16xf32>
        tpu.vector_store %arg8[%swap3A_1135, %swap3A_1136], %swap3A_1139 {strides = array<i32>} : memref<112x144xf32, #tpu.memory_space<vmem>>, vector<1x16xf32>,
        %slice3A_1140 = vector.extract_strided_slice %exp3A {offsets = [5], sizes = [1], strides = [1]} : vector<16xf32> to vector<1xf32>
        %squeeze3A_1141 = vector.extract %slice3A_1140[0] : f32 from vector<1xf32>
        %get3A_1142 = arith.index_cast %scan3A_1060 : i32 to index
        %get3A_1143 = arith.constant 80 : index
        %get3A_1144 = tpu.vector_load %arg8[%get3A_1142, %get3A_1143] {strides = array<i32>} : memref<112x144xf32, #tpu.memory_space<vmem>>, vector<1x16xf32>,
        %get3A_1145 = vector.shape_cast %get3A_1144 : vector<1x16xf32> to vector<16xf32>
        %mul3A_1146 = vector.broadcast %squeeze3A_1141 : f32 to vector<16xf32>
        %mul3A_1147 = arith.mulf %get3A_1145, %mul3A_1146 : vector<16xf32>
        %swap3A_1148 = arith.index_cast %scan3A_1060 : i32 to index
        %swap3A_1149 = arith.constant 80 : index
        %swap3A_1150 = tpu.vector_load %arg8[%swap3A_1148, %swap3A_1149] {strides = array<i32>} : memref<112x144xf32, #tpu.memory_space<vmem>>, vector<1x16xf32>,
        %swap3A_1151 = vector.shape_cast %swap3A_1150 : vector<1x16xf32> to vector<16xf32>
        %swap3A_1152 = vector.shape_cast %mul3A_1147 : vector<16xf32> to vector<1x16xf32>
        tpu.vector_store %arg8[%swap3A_1148, %swap3A_1149], %swap3A_1152 {strides = array<i32>} : memref<112x144xf32, #tpu.memory_space<vmem>>, vector<1x16xf32>,
        %slice3A_1153 = vector.extract_strided_slice %exp3A {offsets = [6], sizes = [1], strides = [1]} : vector<16xf32> to vector<1xf32>
        %squeeze3A_1154 = vector.extract %slice3A_1153[0] : f32 from vector<1xf32>
        %get3A_1155 = arith.index_cast %scan3A_1060 : i32 to index
        %get3A_1156 = arith.constant 96 : index
        %get3A_1157 = tpu.vector_load %arg8[%get3A_1155, %get3A_1156] {strides = array<i32>} : memref<112x144xf32, #tpu.memory_space<vmem>>, vector<1x16xf32>,
        %get3A_1158 = vector.shape_cast %get3A_1157 : vector<1x16xf32> to vector<16xf32>
        %mul3A_1159 = vector.broadcast %squeeze3A_1154 : f32 to vector<16xf32>
        %mul3A_1160 = arith.mulf %get3A_1158, %mul3A_1159 : vector<16xf32>
        %swap3A_1161 = arith.index_cast %scan3A_1060 : i32 to index
        %swap3A_1162 = arith.constant 96 : index
        %swap3A_1163 = tpu.vector_load %arg8[%swap3A_1161, %swap3A_1162] {strides = array<i32>} : memref<112x144xf32, #tpu.memory_space<vmem>>, vector<1x16xf32>,
        %swap3A_1164 = vector.shape_cast %swap3A_1163 : vector<1x16xf32> to vector<16xf32>
        %swap3A_1165 = vector.shape_cast %mul3A_1160 : vector<16xf32> to vector<1x16xf32>
        tpu.vector_store %arg8[%swap3A_1161, %swap3A_1162], %swap3A_1165 {strides = array<i32>} : memref<112x144xf32, #tpu.memory_space<vmem>>, vector<1x16xf32>,
        %slice3A_1166 = vector.extract_strided_slice %exp3A {offsets = [7], sizes = [1], strides = [1]} : vector<16xf32> to vector<1xf32>
        %squeeze3A_1167 = vector.extract %slice3A_1166[0] : f32 from vector<1xf32>
        %get3A_1168 = arith.index_cast %scan3A_1060 : i32 to index
        %get3A_1169 = arith.constant 112 : index
        %get3A_1170 = tpu.vector_load %arg8[%get3A_1168, %get3A_1169] {strides = array<i32>} : memref<112x144xf32, #tpu.memory_space<vmem>>, vector<1x16xf32>,
        %get3A_1171 = vector.shape_cast %get3A_1170 : vector<1x16xf32> to vector<16xf32>
        %mul3A_1172 = vector.broadcast %squeeze3A_1167 : f32 to vector<16xf32>
        %mul3A_1173 = arith.mulf %get3A_1171, %mul3A_1172 : vector<16xf32>
        %swap3A_1174 = arith.index_cast %scan3A_1060 : i32 to index
        %swap3A_1175 = arith.constant 112 : index
        %swap3A_1176 = tpu.vector_load %arg8[%swap3A_1174, %swap3A_1175] {strides = array<i32>} : memref<112x144xf32, #tpu.memory_space<vmem>>, vector<1x16xf32>,
        %swap3A_1177 = vector.shape_cast %swap3A_1176 : vector<1x16xf32> to vector<16xf32>
        %swap3A_1178 = vector.shape_cast %mul3A_1173 : vector<16xf32> to vector<1x16xf32>
        tpu.vector_store %arg8[%swap3A_1174, %swap3A_1175], %swap3A_1178 {strides = array<i32>} : memref<112x144xf32, #tpu.memory_space<vmem>>, vector<1x16xf32>,
        %scan3A_1179 = arith.constant 0 : i32
        scf.yield %scan3A_1179 : i32
      }
      %scan3A_875 = arith.constant 112 : i32
      %dma_start3A_876 = arith.constant 0 : i32
      %dma_start3A_877 = arith.constant 2 : i32
      %dma_start3A_878 = arith.constant 0 : i32
      %dma_start3A_879 = tpu.memref_slice %arg7[%dma_start3A_876, %dma_start3A_877, %dma_start3A_878] : memref<4x3x112xi32, #tpu.memory_space<vmem>> -> memref<1x1x112xi32, #tpu.memory_space<vmem>>
      %dma_start3A_880 = tpu.memref_squeeze %dma_start3A_879 : memref<1x1x112xi32, #tpu.memory_space<vmem>> -> memref<112xi32, #tpu.memory_space<vmem>>
      %dma_start3A_881 = arith.constant 0 : i32
      %dma_start3A_882 = arith.constant 0 : i32
      %dma_start3A_883 = tpu.memref_slice %arg12[%dma_start3A_881, %dma_start3A_882] : memref<10016x144xf32, #tpu.memory_space<vmem_shared>> -> memref<10016x144xf32, #tpu.memory_space<vmem_shared>>
      tpu.enqueue_indirect_dma source(%arg8 : memref<112x144xf32, #tpu.memory_space<vmem>>) target(%dma_start3A_883 : memref<10016x144xf32, #tpu.memory_space<vmem_shared>>) offsets(%dma_start3A_880 : memref<112xi32, #tpu.memory_space<vmem>>) semaphore(%arg19 : memref<!tpu.dma_semaphore, #tpu.memory_space<semaphore_mem>>) {add = true}
      %dma_wait3A_884 = arith.constant 0 : i32
      %dma_wait3A_885 = arith.constant 0 : i32
      %dma_wait3A_886 = arith.constant 0 : i32
      %dma_wait3A_887 = tpu.memref_slice %arg6[%dma_wait3A_884, %dma_wait3A_885, %dma_wait3A_886] : memref<4x3x112xi32, #tpu.memory_space<vmem>> -> memref<1x1x112xi32, #tpu.memory_space<vmem>>
      %dma_wait3A_888 = tpu.memref_squeeze %dma_wait3A_887 : memref<1x1x112xi32, #tpu.memory_space<vmem>> -> memref<112xi32, #tpu.memory_space<vmem>>
      %dma_wait3A_889 = arith.constant 0 : i32
      %dma_wait3A_890 = arith.constant 0 : i32
      %dma_wait3A_891 = tpu.memref_slice %arg2[%dma_wait3A_889, %dma_wait3A_890] : memref<20480x144xf32, #tpu.memory_space<hbm>> -> memref<20480x144xf32, #tpu.memory_space<hbm>>
      tpu.wait_indirect_dma semaphore(%arg16 : memref<!tpu.dma_semaphore, #tpu.memory_space<semaphore_mem>>) src(%dma_wait3A_891 : memref<20480x144xf32, #tpu.memory_space<hbm>>) dst(%arg9 : memref<112x144xf32, #tpu.memory_space<vmem>>)
      %dma_wait3A_892 = arith.constant 0 : i32
      %dma_wait3A_893 = arith.constant 1 : i32
      %dma_wait3A_894 = arith.constant 0 : i32
      %dma_wait3A_895 = tpu.memref_slice %arg6[%dma_wait3A_892, %dma_wait3A_893, %dma_wait3A_894] : memref<4x3x112xi32, #tpu.memory_space<vmem>> -> memref<1x1x112xi32, #tpu.memory_space<vmem>>
      %dma_wait3A_896 = tpu.memref_squeeze %dma_wait3A_895 : memref<1x1x112xi32, #tpu.memory_space<vmem>> -> memref<112xi32, #tpu.memory_space<vmem>>
      %dma_wait3A_897 = arith.constant 0 : i32
      %dma_wait3A_898 = arith.constant 0 : i32
      %dma_wait3A_899 = tpu.memref_slice %arg3[%dma_wait3A_897, %dma_wait3A_898] : memref<20480x16xf32, #tpu.memory_space<hbm>> -> memref<20480x16xf32, #tpu.memory_space<hbm>>
      tpu.wait_indirect_dma semaphore(%arg18 : memref<!tpu.dma_semaphore, #tpu.memory_space<semaphore_mem>>) src(%dma_wait3A_899 : memref<20480x16xf32, #tpu.memory_space<hbm>>) dst(%arg11 : memref<112x16xf32, #tpu.memory_space<vmem>>)
      %dma_wait3A_900 = arith.constant 1 : i32
      %dma_wait3A_901 = arith.constant 2 : i32
      %dma_wait3A_902 = arith.constant 0 : i32
      %dma_wait3A_903 = tpu.memref_slice %arg7[%dma_wait3A_900, %dma_wait3A_901, %dma_wait3A_902] : memref<4x3x112xi32, #tpu.memory_space<vmem>> -> memref<1x1x112xi32, #tpu.memory_space<vmem>>
      %dma_wait3A_904 = tpu.memref_squeeze %dma_wait3A_903 : memref<1x1x112xi32, #tpu.memory_space<vmem>> -> memref<112xi32, #tpu.memory_space<vmem>>
      %dma_wait3A_905 = arith.constant 0 : i32
      %dma_wait3A_906 = arith.constant 0 : i32
      %dma_wait3A_907 = tpu.memref_slice %arg12[%dma_wait3A_905, %dma_wait3A_906] : memref<10016x144xf32, #tpu.memory_space<vmem_shared>> -> memref<10016x144xf32, #tpu.memory_space<vmem_shared>>
      tpu.wait_indirect_dma semaphore(%arg19 : memref<!tpu.dma_semaphore, #tpu.memory_space<semaphore_mem>>) src(%arg8 : memref<112x144xf32, #tpu.memory_space<vmem>>) dst(%dma_wait3A_907 : memref<10016x144xf32, #tpu.memory_space<vmem_shared>>)
      %dma_start3A_908 = arith.constant 2 : i32
      %dma_start3A_909 = arith.constant 0 : i32
      %dma_start3A_910 = arith.constant 0 : i32
      %dma_start3A_911 = tpu.memref_slice %arg7[%dma_start3A_908, %dma_start3A_909, %dma_start3A_910] : memref<4x3x112xi32, #tpu.memory_space<vmem>> -> memref<1x1x112xi32, #tpu.memory_space<vmem>>
      %dma_start3A_912 = tpu.memref_squeeze %dma_start3A_911 : memref<1x1x112xi32, #tpu.memory_space<vmem>> -> memref<112xi32, #tpu.memory_space<vmem>>
      %dma_start3A_913 = arith.constant 0 : i32
      %dma_start3A_914 = arith.constant 0 : i32
      %dma_start3A_915 = tpu.memref_slice %arg2[%dma_start3A_913, %dma_start3A_914] : memref<20480x144xf32, #tpu.memory_space<hbm>> -> memref<20480x144xf32, #tpu.memory_space<hbm>>
      tpu.enqueue_indirect_dma source(%dma_start3A_915 : memref<20480x144xf32, #tpu.memory_space<hbm>>) target(%arg8 : memref<112x144xf32, #tpu.memory_space<vmem>>) offsets(%dma_start3A_912 : memref<112xi32, #tpu.memory_space<vmem>>) semaphore(%arg15 : memref<!tpu.dma_semaphore, #tpu.memory_space<semaphore_mem>>)
      %dma_start3A_916 = arith.constant 2 : i32
      %dma_start3A_917 = arith.constant 1 : i32
      %dma_start3A_918 = arith.constant 0 : i32
      %dma_start3A_919 = tpu.memref_slice %arg7[%dma_start3A_916, %dma_start3A_917, %dma_start3A_918] : memref<4x3x112xi32, #tpu.memory_space<vmem>> -> memref<1x1x112xi32, #tpu.memory_space<vmem>>
      %dma_start3A_920 = tpu.memref_squeeze %dma_start3A_919 : memref<1x1x112xi32, #tpu.memory_space<vmem>> -> memref<112xi32, #tpu.memory_space<vmem>>
      %dma_start3A_921 = arith.constant 0 : i32
      %dma_start3A_922 = arith.constant 0 : i32
      %dma_start3A_923 = tpu.memref_slice %arg3[%dma_start3A_921, %dma_start3A_922] : memref<20480x16xf32, #tpu.memory_space<hbm>> -> memref<20480x16xf32, #tpu.memory_space<hbm>>
      tpu.enqueue_indirect_dma source(%dma_start3A_923 : memref<20480x16xf32, #tpu.memory_space<hbm>>) target(%arg10 : memref<112x16xf32, #tpu.memory_space<vmem>>) offsets(%dma_start3A_920 : memref<112xi32, #tpu.memory_space<vmem>>) semaphore(%arg17 : memref<!tpu.dma_semaphore, #tpu.memory_space<semaphore_mem>>)
      %scan3A_924 = arith.constant 0 : i32
      %scan3A_925 = arith.constant 0 : i32
      %scan3A_926 = arith.constant 112 : i32
      %scan3A_927 = arith.addi %scan3A_925, %scan3A_926 : i32
      %scan3A_928 = arith.constant 1 : i32
      %scan3A_929 = scf.for %scan3A_1060 = %scan3A_925 to %scan3A_927 step %scan3A_928 iter_args(%scan3A_1061 = %scan3A_924) -> (i32)  : i32 {
        %get3A = arith.index_cast %scan3A_1060 : i32 to index
        %get3A_1062 = arith.constant 128 : index
        %get3A_1063 = tpu.vector_load %arg9[%get3A, %get3A_1062] {strides = array<i32>} : memref<112x144xf32, #tpu.memory_space<vmem>>, vector<1x16xf32>,
        %get3A_1064 = vector.shape_cast %get3A_1063 : vector<1x16xf32> to vector<16xf32>
        %get3A_1065 = arith.index_cast %scan3A_1060 : i32 to index
        %get3A_1066 = arith.constant 0 : index
        %get3A_1067 = tpu.vector_load %arg11[%get3A_1065, %get3A_1066] {strides = array<i32>} : memref<112x16xf32, #tpu.memory_space<vmem>>, vector<1x16xf32>,
        %get3A_1068 = vector.shape_cast %get3A_1067 : vector<1x16xf32> to vector<16xf32>
        %add3A_1069 = arith.addf %get3A_1064, %get3A_1068 : vector<16xf32>
        %mul3A_1070 = arith.constant 2.000000e-01 : f32
        %mul3A_1071 = vector.broadcast %mul3A_1070 : f32 to vector<16xf32>
        %mul3A_1072 = arith.mulf %mul3A_1071, %add3A_1069 : vector<16xf32>
        %max3A = arith.maximumf %add3A_1069, %mul3A_1072 : vector<16xf32>
        %exp3A = math.exp %max3A : vector<16xf32>
        %swap3A = arith.index_cast %scan3A_1060 : i32 to index
        %swap3A_1073 = arith.constant 128 : index
        %swap3A_1074 = tpu.vector_load %arg9[%swap3A, %swap3A_1073] {strides = array<i32>} : memref<112x144xf32, #tpu.memory_space<vmem>>, vector<1x16xf32>,
        %swap3A_1075 = vector.shape_cast %swap3A_1074 : vector<1x16xf32> to vector<16xf32>
        %swap3A_1076 = vector.shape_cast %exp3A : vector<16xf32> to vector<1x16xf32>
        tpu.vector_store %arg9[%swap3A, %swap3A_1073], %swap3A_1076 {strides = array<i32>} : memref<112x144xf32, #tpu.memory_space<vmem>>, vector<1x16xf32>,
        %slice3A = vector.extract_strided_slice %exp3A {offsets = [0], sizes = [1], strides = [1]} : vector<16xf32> to vector<1xf32>
        %squeeze3A = vector.extract %slice3A[0] : f32 from vector<1xf32>
        %get3A_1077 = arith.index_cast %scan3A_1060 : i32 to index
        %get3A_1078 = arith.constant 0 : index
        %get3A_1079 = tpu.vector_load %arg9[%get3A_1077, %get3A_1078] {strides = array<i32>} : memref<112x144xf32, #tpu.memory_space<vmem>>, vector<1x16xf32>,
        %get3A_1080 = vector.shape_cast %get3A_1079 : vector<1x16xf32> to vector<16xf32>
        %mul3A_1081 = vector.broadcast %squeeze3A : f32 to vector<16xf32>
        %mul3A_1082 = arith.mulf %get3A_1080, %mul3A_1081 : vector<16xf32>
        %swap3A_1083 = arith.index_cast %scan3A_1060 : i32 to index
        %swap3A_1084 = arith.constant 0 : index
        %swap3A_1085 = tpu.vector_load %arg9[%swap3A_1083, %swap3A_1084] {strides = array<i32>} : memref<112x144xf32, #tpu.memory_space<vmem>>, vector<1x16xf32>,
        %swap3A_1086 = vector.shape_cast %swap3A_1085 : vector<1x16xf32> to vector<16xf32>
        %swap3A_1087 = vector.shape_cast %mul3A_1082 : vector<16xf32> to vector<1x16xf32>
        tpu.vector_store %arg9[%swap3A_1083, %swap3A_1084], %swap3A_1087 {strides = array<i32>} : memref<112x144xf32, #tpu.memory_space<vmem>>, vector<1x16xf32>,
        %slice3A_1088 = vector.extract_strided_slice %exp3A {offsets = [1], sizes = [1], strides = [1]} : vector<16xf32> to vector<1xf32>
        %squeeze3A_1089 = vector.extract %slice3A_1088[0] : f32 from vector<1xf32>
        %get3A_1090 = arith.index_cast %scan3A_1060 : i32 to index
        %get3A_1091 = arith.constant 16 : index
        %get3A_1092 = tpu.vector_load %arg9[%get3A_1090, %get3A_1091] {strides = array<i32>} : memref<112x144xf32, #tpu.memory_space<vmem>>, vector<1x16xf32>,
        %get3A_1093 = vector.shape_cast %get3A_1092 : vector<1x16xf32> to vector<16xf32>
        %mul3A_1094 = vector.broadcast %squeeze3A_1089 : f32 to vector<16xf32>
        %mul3A_1095 = arith.mulf %get3A_1093, %mul3A_1094 : vector<16xf32>
        %swap3A_1096 = arith.index_cast %scan3A_1060 : i32 to index
        %swap3A_1097 = arith.constant 16 : index
        %swap3A_1098 = tpu.vector_load %arg9[%swap3A_1096, %swap3A_1097] {strides = array<i32>} : memref<112x144xf32, #tpu.memory_space<vmem>>, vector<1x16xf32>,
        %swap3A_1099 = vector.shape_cast %swap3A_1098 : vector<1x16xf32> to vector<16xf32>
        %swap3A_1100 = vector.shape_cast %mul3A_1095 : vector<16xf32> to vector<1x16xf32>
        tpu.vector_store %arg9[%swap3A_1096, %swap3A_1097], %swap3A_1100 {strides = array<i32>} : memref<112x144xf32, #tpu.memory_space<vmem>>, vector<1x16xf32>,
        %slice3A_1101 = vector.extract_strided_slice %exp3A {offsets = [2], sizes = [1], strides = [1]} : vector<16xf32> to vector<1xf32>
        %squeeze3A_1102 = vector.extract %slice3A_1101[0] : f32 from vector<1xf32>
        %get3A_1103 = arith.index_cast %scan3A_1060 : i32 to index
        %get3A_1104 = arith.constant 32 : index
        %get3A_1105 = tpu.vector_load %arg9[%get3A_1103, %get3A_1104] {strides = array<i32>} : memref<112x144xf32, #tpu.memory_space<vmem>>, vector<1x16xf32>,
        %get3A_1106 = vector.shape_cast %get3A_1105 : vector<1x16xf32> to vector<16xf32>
        %mul3A_1107 = vector.broadcast %squeeze3A_1102 : f32 to vector<16xf32>
        %mul3A_1108 = arith.mulf %get3A_1106, %mul3A_1107 : vector<16xf32>
        %swap3A_1109 = arith.index_cast %scan3A_1060 : i32 to index
        %swap3A_1110 = arith.constant 32 : index
        %swap3A_1111 = tpu.vector_load %arg9[%swap3A_1109, %swap3A_1110] {strides = array<i32>} : memref<112x144xf32, #tpu.memory_space<vmem>>, vector<1x16xf32>,
        %swap3A_1112 = vector.shape_cast %swap3A_1111 : vector<1x16xf32> to vector<16xf32>
        %swap3A_1113 = vector.shape_cast %mul3A_1108 : vector<16xf32> to vector<1x16xf32>
        tpu.vector_store %arg9[%swap3A_1109, %swap3A_1110], %swap3A_1113 {strides = array<i32>} : memref<112x144xf32, #tpu.memory_space<vmem>>, vector<1x16xf32>,
        %slice3A_1114 = vector.extract_strided_slice %exp3A {offsets = [3], sizes = [1], strides = [1]} : vector<16xf32> to vector<1xf32>
        %squeeze3A_1115 = vector.extract %slice3A_1114[0] : f32 from vector<1xf32>
        %get3A_1116 = arith.index_cast %scan3A_1060 : i32 to index
        %get3A_1117 = arith.constant 48 : index
        %get3A_1118 = tpu.vector_load %arg9[%get3A_1116, %get3A_1117] {strides = array<i32>} : memref<112x144xf32, #tpu.memory_space<vmem>>, vector<1x16xf32>,
        %get3A_1119 = vector.shape_cast %get3A_1118 : vector<1x16xf32> to vector<16xf32>
        %mul3A_1120 = vector.broadcast %squeeze3A_1115 : f32 to vector<16xf32>
        %mul3A_1121 = arith.mulf %get3A_1119, %mul3A_1120 : vector<16xf32>
        %swap3A_1122 = arith.index_cast %scan3A_1060 : i32 to index
        %swap3A_1123 = arith.constant 48 : index
        %swap3A_1124 = tpu.vector_load %arg9[%swap3A_1122, %swap3A_1123] {strides = array<i32>} : memref<112x144xf32, #tpu.memory_space<vmem>>, vector<1x16xf32>,
        %swap3A_1125 = vector.shape_cast %swap3A_1124 : vector<1x16xf32> to vector<16xf32>
        %swap3A_1126 = vector.shape_cast %mul3A_1121 : vector<16xf32> to vector<1x16xf32>
        tpu.vector_store %arg9[%swap3A_1122, %swap3A_1123], %swap3A_1126 {strides = array<i32>} : memref<112x144xf32, #tpu.memory_space<vmem>>, vector<1x16xf32>,
        %slice3A_1127 = vector.extract_strided_slice %exp3A {offsets = [4], sizes = [1], strides = [1]} : vector<16xf32> to vector<1xf32>
        %squeeze3A_1128 = vector.extract %slice3A_1127[0] : f32 from vector<1xf32>
        %get3A_1129 = arith.index_cast %scan3A_1060 : i32 to index
        %get3A_1130 = arith.constant 64 : index
        %get3A_1131 = tpu.vector_load %arg9[%get3A_1129, %get3A_1130] {strides = array<i32>} : memref<112x144xf32, #tpu.memory_space<vmem>>, vector<1x16xf32>,
        %get3A_1132 = vector.shape_cast %get3A_1131 : vector<1x16xf32> to vector<16xf32>
        %mul3A_1133 = vector.broadcast %squeeze3A_1128 : f32 to vector<16xf32>
        %mul3A_1134 = arith.mulf %get3A_1132, %mul3A_1133 : vector<16xf32>
        %swap3A_1135 = arith.index_cast %scan3A_1060 : i32 to index
        %swap3A_1136 = arith.constant 64 : index
        %swap3A_1137 = tpu.vector_load %arg9[%swap3A_1135, %swap3A_1136] {strides = array<i32>} : memref<112x144xf32, #tpu.memory_space<vmem>>, vector<1x16xf32>,
        %swap3A_1138 = vector.shape_cast %swap3A_1137 : vector<1x16xf32> to vector<16xf32>
        %swap3A_1139 = vector.shape_cast %mul3A_1134 : vector<16xf32> to vector<1x16xf32>
        tpu.vector_store %arg9[%swap3A_1135, %swap3A_1136], %swap3A_1139 {strides = array<i32>} : memref<112x144xf32, #tpu.memory_space<vmem>>, vector<1x16xf32>,
        %slice3A_1140 = vector.extract_strided_slice %exp3A {offsets = [5], sizes = [1], strides = [1]} : vector<16xf32> to vector<1xf32>
        %squeeze3A_1141 = vector.extract %slice3A_1140[0] : f32 from vector<1xf32>
        %get3A_1142 = arith.index_cast %scan3A_1060 : i32 to index
        %get3A_1143 = arith.constant 80 : index
        %get3A_1144 = tpu.vector_load %arg9[%get3A_1142, %get3A_1143] {strides = array<i32>} : memref<112x144xf32, #tpu.memory_space<vmem>>, vector<1x16xf32>,
        %get3A_1145 = vector.shape_cast %get3A_1144 : vector<1x16xf32> to vector<16xf32>
        %mul3A_1146 = vector.broadcast %squeeze3A_1141 : f32 to vector<16xf32>
        %mul3A_1147 = arith.mulf %get3A_1145, %mul3A_1146 : vector<16xf32>
        %swap3A_1148 = arith.index_cast %scan3A_1060 : i32 to index
        %swap3A_1149 = arith.constant 80 : index
        %swap3A_1150 = tpu.vector_load %arg9[%swap3A_1148, %swap3A_1149] {strides = array<i32>} : memref<112x144xf32, #tpu.memory_space<vmem>>, vector<1x16xf32>,
        %swap3A_1151 = vector.shape_cast %swap3A_1150 : vector<1x16xf32> to vector<16xf32>
        %swap3A_1152 = vector.shape_cast %mul3A_1147 : vector<16xf32> to vector<1x16xf32>
        tpu.vector_store %arg9[%swap3A_1148, %swap3A_1149], %swap3A_1152 {strides = array<i32>} : memref<112x144xf32, #tpu.memory_space<vmem>>, vector<1x16xf32>,
        %slice3A_1153 = vector.extract_strided_slice %exp3A {offsets = [6], sizes = [1], strides = [1]} : vector<16xf32> to vector<1xf32>
        %squeeze3A_1154 = vector.extract %slice3A_1153[0] : f32 from vector<1xf32>
        %get3A_1155 = arith.index_cast %scan3A_1060 : i32 to index
        %get3A_1156 = arith.constant 96 : index
        %get3A_1157 = tpu.vector_load %arg9[%get3A_1155, %get3A_1156] {strides = array<i32>} : memref<112x144xf32, #tpu.memory_space<vmem>>, vector<1x16xf32>,
        %get3A_1158 = vector.shape_cast %get3A_1157 : vector<1x16xf32> to vector<16xf32>
        %mul3A_1159 = vector.broadcast %squeeze3A_1154 : f32 to vector<16xf32>
        %mul3A_1160 = arith.mulf %get3A_1158, %mul3A_1159 : vector<16xf32>
        %swap3A_1161 = arith.index_cast %scan3A_1060 : i32 to index
        %swap3A_1162 = arith.constant 96 : index
        %swap3A_1163 = tpu.vector_load %arg9[%swap3A_1161, %swap3A_1162] {strides = array<i32>} : memref<112x144xf32, #tpu.memory_space<vmem>>, vector<1x16xf32>,
        %swap3A_1164 = vector.shape_cast %swap3A_1163 : vector<1x16xf32> to vector<16xf32>
        %swap3A_1165 = vector.shape_cast %mul3A_1160 : vector<16xf32> to vector<1x16xf32>
        tpu.vector_store %arg9[%swap3A_1161, %swap3A_1162], %swap3A_1165 {strides = array<i32>} : memref<112x144xf32, #tpu.memory_space<vmem>>, vector<1x16xf32>,
        %slice3A_1166 = vector.extract_strided_slice %exp3A {offsets = [7], sizes = [1], strides = [1]} : vector<16xf32> to vector<1xf32>
        %squeeze3A_1167 = vector.extract %slice3A_1166[0] : f32 from vector<1xf32>
        %get3A_1168 = arith.index_cast %scan3A_1060 : i32 to index
        %get3A_1169 = arith.constant 112 : index
        %get3A_1170 = tpu.vector_load %arg9[%get3A_1168, %get3A_1169] {strides = array<i32>} : memref<112x144xf32, #tpu.memory_space<vmem>>, vector<1x16xf32>,
        %get3A_1171 = vector.shape_cast %get3A_1170 : vector<1x16xf32> to vector<16xf32>
        %mul3A_1172 = vector.broadcast %squeeze3A_1167 : f32 to vector<16xf32>
        %mul3A_1173 = arith.mulf %get3A_1171, %mul3A_1172 : vector<16xf32>
        %swap3A_1174 = arith.index_cast %scan3A_1060 : i32 to index
        %swap3A_1175 = arith.constant 112 : index
        %swap3A_1176 = tpu.vector_load %arg9[%swap3A_1174, %swap3A_1175] {strides = array<i32>} : memref<112x144xf32, #tpu.memory_space<vmem>>, vector<1x16xf32>,
        %swap3A_1177 = vector.shape_cast %swap3A_1176 : vector<1x16xf32> to vector<16xf32>
        %swap3A_1178 = vector.shape_cast %mul3A_1173 : vector<16xf32> to vector<1x16xf32>
        tpu.vector_store %arg9[%swap3A_1174, %swap3A_1175], %swap3A_1178 {strides = array<i32>} : memref<112x144xf32, #tpu.memory_space<vmem>>, vector<1x16xf32>,
        %scan3A_1179 = arith.constant 0 : i32
        scf.yield %scan3A_1179 : i32
      }
      %scan3A_930 = arith.constant 112 : i32
      %dma_start3A_931 = arith.constant 1 : i32
      %dma_start3A_932 = arith.constant 2 : i32
      %dma_start3A_933 = arith.constant 0 : i32
      %dma_start3A_934 = tpu.memref_slice %arg7[%dma_start3A_931, %dma_start3A_932, %dma_start3A_933] : memref<4x3x112xi32, #tpu.memory_space<vmem>> -> memref<1x1x112xi32, #tpu.memory_space<vmem>>
      %dma_start3A_935 = tpu.memref_squeeze %dma_start3A_934 : memref<1x1x112xi32, #tpu.memory_space<vmem>> -> memref<112xi32, #tpu.memory_space<vmem>>
      %dma_start3A_936 = arith.constant 0 : i32
      %dma_start3A_937 = arith.constant 0 : i32
      %dma_start3A_938 = tpu.memref_slice %arg12[%dma_start3A_936, %dma_start3A_937] : memref<10016x144xf32, #tpu.memory_space<vmem_shared>> -> memref<10016x144xf32, #tpu.memory_space<vmem_shared>>
      tpu.enqueue_indirect_dma source(%arg9 : memref<112x144xf32, #tpu.memory_space<vmem>>) target(%dma_start3A_938 : memref<10016x144xf32, #tpu.memory_space<vmem_shared>>) offsets(%dma_start3A_935 : memref<112xi32, #tpu.memory_space<vmem>>) semaphore(%arg20 : memref<!tpu.dma_semaphore, #tpu.memory_space<semaphore_mem>>) {add = true}
      %dma_wait3A_939 = arith.constant 0 : i32
      %dma_wait3A_940 = arith.constant 0 : i32
      %dma_wait3A_941 = arith.constant 0 : i32
      %dma_wait3A_942 = tpu.memref_slice %arg6[%dma_wait3A_939, %dma_wait3A_940, %dma_wait3A_941] : memref<4x3x112xi32, #tpu.memory_space<vmem>> -> memref<1x1x112xi32, #tpu.memory_space<vmem>>
      %dma_wait3A_943 = tpu.memref_squeeze %dma_wait3A_942 : memref<1x1x112xi32, #tpu.memory_space<vmem>> -> memref<112xi32, #tpu.memory_space<vmem>>
      %dma_wait3A_944 = arith.constant 0 : i32
      %dma_wait3A_945 = arith.constant 0 : i32
      %dma_wait3A_946 = tpu.memref_slice %arg2[%dma_wait3A_944, %dma_wait3A_945] : memref<20480x144xf32, #tpu.memory_space<hbm>> -> memref<20480x144xf32, #tpu.memory_space<hbm>>
      tpu.wait_indirect_dma semaphore(%arg15 : memref<!tpu.dma_semaphore, #tpu.memory_space<semaphore_mem>>) src(%dma_wait3A_946 : memref<20480x144xf32, #tpu.memory_space<hbm>>) dst(%arg8 : memref<112x144xf32, #tpu.memory_space<vmem>>)
      %dma_wait3A_947 = arith.constant 0 : i32
      %dma_wait3A_948 = arith.constant 1 : i32
      %dma_wait3A_949 = arith.constant 0 : i32
      %dma_wait3A_950 = tpu.memref_slice %arg6[%dma_wait3A_947, %dma_wait3A_948, %dma_wait3A_949] : memref<4x3x112xi32, #tpu.memory_space<vmem>> -> memref<1x1x112xi32, #tpu.memory_space<vmem>>
      %dma_wait3A_951 = tpu.memref_squeeze %dma_wait3A_950 : memref<1x1x112xi32, #tpu.memory_space<vmem>> -> memref<112xi32, #tpu.memory_space<vmem>>
      %dma_wait3A_952 = arith.constant 0 : i32
      %dma_wait3A_953 = arith.constant 0 : i32
      %dma_wait3A_954 = tpu.memref_slice %arg3[%dma_wait3A_952, %dma_wait3A_953] : memref<20480x16xf32, #tpu.memory_space<hbm>> -> memref<20480x16xf32, #tpu.memory_space<hbm>>
      tpu.wait_indirect_dma semaphore(%arg17 : memref<!tpu.dma_semaphore, #tpu.memory_space<semaphore_mem>>) src(%dma_wait3A_954 : memref<20480x16xf32, #tpu.memory_space<hbm>>) dst(%arg10 : memref<112x16xf32, #tpu.memory_space<vmem>>)
      %dma_wait3A_955 = arith.constant 2 : i32
      %dma_wait3A_956 = arith.constant 2 : i32
      %dma_wait3A_957 = arith.constant 0 : i32
      %dma_wait3A_958 = tpu.memref_slice %arg7[%dma_wait3A_955, %dma_wait3A_956, %dma_wait3A_957] : memref<4x3x112xi32, #tpu.memory_space<vmem>> -> memref<1x1x112xi32, #tpu.memory_space<vmem>>
      %dma_wait3A_959 = tpu.memref_squeeze %dma_wait3A_958 : memref<1x1x112xi32, #tpu.memory_space<vmem>> -> memref<112xi32, #tpu.memory_space<vmem>>
      %dma_wait3A_960 = arith.constant 0 : i32
      %dma_wait3A_961 = arith.constant 0 : i32
      %dma_wait3A_962 = tpu.memref_slice %arg12[%dma_wait3A_960, %dma_wait3A_961] : memref<10016x144xf32, #tpu.memory_space<vmem_shared>> -> memref<10016x144xf32, #tpu.memory_space<vmem_shared>>
      tpu.wait_indirect_dma semaphore(%arg20 : memref<!tpu.dma_semaphore, #tpu.memory_space<semaphore_mem>>) src(%arg9 : memref<112x144xf32, #tpu.memory_space<vmem>>) dst(%dma_wait3A_962 : memref<10016x144xf32, #tpu.memory_space<vmem_shared>>)
      %dma_start3A_963 = arith.constant 3 : i32
      %dma_start3A_964 = arith.constant 0 : i32
      %dma_start3A_965 = arith.constant 0 : i32
      %dma_start3A_966 = tpu.memref_slice %arg7[%dma_start3A_963, %dma_start3A_964, %dma_start3A_965] : memref<4x3x112xi32, #tpu.memory_space<vmem>> -> memref<1x1x112xi32, #tpu.memory_space<vmem>>
      %dma_start3A_967 = tpu.memref_squeeze %dma_start3A_966 : memref<1x1x112xi32, #tpu.memory_space<vmem>> -> memref<112xi32, #tpu.memory_space<vmem>>
      %dma_start3A_968 = arith.constant 0 : i32
      %dma_start3A_969 = arith.constant 0 : i32
      %dma_start3A_970 = tpu.memref_slice %arg2[%dma_start3A_968, %dma_start3A_969] : memref<20480x144xf32, #tpu.memory_space<hbm>> -> memref<20480x144xf32, #tpu.memory_space<hbm>>
      tpu.enqueue_indirect_dma source(%dma_start3A_970 : memref<20480x144xf32, #tpu.memory_space<hbm>>) target(%arg9 : memref<112x144xf32, #tpu.memory_space<vmem>>) offsets(%dma_start3A_967 : memref<112xi32, #tpu.memory_space<vmem>>) semaphore(%arg16 : memref<!tpu.dma_semaphore, #tpu.memory_space<semaphore_mem>>)
      %dma_start3A_971 = arith.constant 3 : i32
      %dma_start3A_972 = arith.constant 1 : i32
      %dma_start3A_973 = arith.constant 0 : i32
      %dma_start3A_974 = tpu.memref_slice %arg7[%dma_start3A_971, %dma_start3A_972, %dma_start3A_973] : memref<4x3x112xi32, #tpu.memory_space<vmem>> -> memref<1x1x112xi32, #tpu.memory_space<vmem>>
      %dma_start3A_975 = tpu.memref_squeeze %dma_start3A_974 : memref<1x1x112xi32, #tpu.memory_space<vmem>> -> memref<112xi32, #tpu.memory_space<vmem>>
      %dma_start3A_976 = arith.constant 0 : i32
      %dma_start3A_977 = arith.constant 0 : i32
      %dma_start3A_978 = tpu.memref_slice %arg3[%dma_start3A_976, %dma_start3A_977] : memref<20480x16xf32, #tpu.memory_space<hbm>> -> memref<20480x16xf32, #tpu.memory_space<hbm>>
      tpu.enqueue_indirect_dma source(%dma_start3A_978 : memref<20480x16xf32, #tpu.memory_space<hbm>>) target(%arg11 : memref<112x16xf32, #tpu.memory_space<vmem>>) offsets(%dma_start3A_975 : memref<112xi32, #tpu.memory_space<vmem>>) semaphore(%arg18 : memref<!tpu.dma_semaphore, #tpu.memory_space<semaphore_mem>>)
      %scan3A_979 = arith.constant 0 : i32
      %scan3A_980 = arith.constant 0 : i32
      %scan3A_981 = arith.constant 112 : i32
      %scan3A_982 = arith.addi %scan3A_980, %scan3A_981 : i32
      %scan3A_983 = arith.constant 1 : i32
      %scan3A_984 = scf.for %scan3A_1060 = %scan3A_980 to %scan3A_982 step %scan3A_983 iter_args(%scan3A_1061 = %scan3A_979) -> (i32)  : i32 {
        %get3A = arith.index_cast %scan3A_1060 : i32 to index
        %get3A_1062 = arith.constant 128 : index
        %get3A_1063 = tpu.vector_load %arg8[%get3A, %get3A_1062] {strides = array<i32>} : memref<112x144xf32, #tpu.memory_space<vmem>>, vector<1x16xf32>,
        %get3A_1064 = vector.shape_cast %get3A_1063 : vector<1x16xf32> to vector<16xf32>
        %get3A_1065 = arith.index_cast %scan3A_1060 : i32 to index
        %get3A_1066 = arith.constant 0 : index
        %get3A_1067 = tpu.vector_load %arg10[%get3A_1065, %get3A_1066] {strides = array<i32>} : memref<112x16xf32, #tpu.memory_space<vmem>>, vector<1x16xf32>,
        %get3A_1068 = vector.shape_cast %get3A_1067 : vector<1x16xf32> to vector<16xf32>
        %add3A_1069 = arith.addf %get3A_1064, %get3A_1068 : vector<16xf32>
        %mul3A_1070 = arith.constant 2.000000e-01 : f32
        %mul3A_1071 = vector.broadcast %mul3A_1070 : f32 to vector<16xf32>
        %mul3A_1072 = arith.mulf %mul3A_1071, %add3A_1069 : vector<16xf32>
        %max3A = arith.maximumf %add3A_1069, %mul3A_1072 : vector<16xf32>
        %exp3A = math.exp %max3A : vector<16xf32>
        %swap3A = arith.index_cast %scan3A_1060 : i32 to index
        %swap3A_1073 = arith.constant 128 : index
        %swap3A_1074 = tpu.vector_load %arg8[%swap3A, %swap3A_1073] {strides = array<i32>} : memref<112x144xf32, #tpu.memory_space<vmem>>, vector<1x16xf32>,
        %swap3A_1075 = vector.shape_cast %swap3A_1074 : vector<1x16xf32> to vector<16xf32>
        %swap3A_1076 = vector.shape_cast %exp3A : vector<16xf32> to vector<1x16xf32>
        tpu.vector_store %arg8[%swap3A, %swap3A_1073], %swap3A_1076 {strides = array<i32>} : memref<112x144xf32, #tpu.memory_space<vmem>>, vector<1x16xf32>,
        %slice3A = vector.extract_strided_slice %exp3A {offsets = [0], sizes = [1], strides = [1]} : vector<16xf32> to vector<1xf32>
        %squeeze3A = vector.extract %slice3A[0] : f32 from vector<1xf32>
        %get3A_1077 = arith.index_cast %scan3A_1060 : i32 to index
        %get3A_1078 = arith.constant 0 : index
        %get3A_1079 = tpu.vector_load %arg8[%get3A_1077, %get3A_1078] {strides = array<i32>} : memref<112x144xf32, #tpu.memory_space<vmem>>, vector<1x16xf32>,
        %get3A_1080 = vector.shape_cast %get3A_1079 : vector<1x16xf32> to vector<16xf32>
        %mul3A_1081 = vector.broadcast %squeeze3A : f32 to vector<16xf32>
        %mul3A_1082 = arith.mulf %get3A_1080, %mul3A_1081 : vector<16xf32>
        %swap3A_1083 = arith.index_cast %scan3A_1060 : i32 to index
        %swap3A_1084 = arith.constant 0 : index
        %swap3A_1085 = tpu.vector_load %arg8[%swap3A_1083, %swap3A_1084] {strides = array<i32>} : memref<112x144xf32, #tpu.memory_space<vmem>>, vector<1x16xf32>,
        %swap3A_1086 = vector.shape_cast %swap3A_1085 : vector<1x16xf32> to vector<16xf32>
        %swap3A_1087 = vector.shape_cast %mul3A_1082 : vector<16xf32> to vector<1x16xf32>
        tpu.vector_store %arg8[%swap3A_1083, %swap3A_1084], %swap3A_1087 {strides = array<i32>} : memref<112x144xf32, #tpu.memory_space<vmem>>, vector<1x16xf32>,
        %slice3A_1088 = vector.extract_strided_slice %exp3A {offsets = [1], sizes = [1], strides = [1]} : vector<16xf32> to vector<1xf32>
        %squeeze3A_1089 = vector.extract %slice3A_1088[0] : f32 from vector<1xf32>
        %get3A_1090 = arith.index_cast %scan3A_1060 : i32 to index
        %get3A_1091 = arith.constant 16 : index
        %get3A_1092 = tpu.vector_load %arg8[%get3A_1090, %get3A_1091] {strides = array<i32>} : memref<112x144xf32, #tpu.memory_space<vmem>>, vector<1x16xf32>,
        %get3A_1093 = vector.shape_cast %get3A_1092 : vector<1x16xf32> to vector<16xf32>
        %mul3A_1094 = vector.broadcast %squeeze3A_1089 : f32 to vector<16xf32>
        %mul3A_1095 = arith.mulf %get3A_1093, %mul3A_1094 : vector<16xf32>
        %swap3A_1096 = arith.index_cast %scan3A_1060 : i32 to index
        %swap3A_1097 = arith.constant 16 : index
        %swap3A_1098 = tpu.vector_load %arg8[%swap3A_1096, %swap3A_1097] {strides = array<i32>} : memref<112x144xf32, #tpu.memory_space<vmem>>, vector<1x16xf32>,
        %swap3A_1099 = vector.shape_cast %swap3A_1098 : vector<1x16xf32> to vector<16xf32>
        %swap3A_1100 = vector.shape_cast %mul3A_1095 : vector<16xf32> to vector<1x16xf32>
        tpu.vector_store %arg8[%swap3A_1096, %swap3A_1097], %swap3A_1100 {strides = array<i32>} : memref<112x144xf32, #tpu.memory_space<vmem>>, vector<1x16xf32>,
        %slice3A_1101 = vector.extract_strided_slice %exp3A {offsets = [2], sizes = [1], strides = [1]} : vector<16xf32> to vector<1xf32>
        %squeeze3A_1102 = vector.extract %slice3A_1101[0] : f32 from vector<1xf32>
        %get3A_1103 = arith.index_cast %scan3A_1060 : i32 to index
        %get3A_1104 = arith.constant 32 : index
        %get3A_1105 = tpu.vector_load %arg8[%get3A_1103, %get3A_1104] {strides = array<i32>} : memref<112x144xf32, #tpu.memory_space<vmem>>, vector<1x16xf32>,
        %get3A_1106 = vector.shape_cast %get3A_1105 : vector<1x16xf32> to vector<16xf32>
        %mul3A_1107 = vector.broadcast %squeeze3A_1102 : f32 to vector<16xf32>
        %mul3A_1108 = arith.mulf %get3A_1106, %mul3A_1107 : vector<16xf32>
        %swap3A_1109 = arith.index_cast %scan3A_1060 : i32 to index
        %swap3A_1110 = arith.constant 32 : index
        %swap3A_1111 = tpu.vector_load %arg8[%swap3A_1109, %swap3A_1110] {strides = array<i32>} : memref<112x144xf32, #tpu.memory_space<vmem>>, vector<1x16xf32>,
        %swap3A_1112 = vector.shape_cast %swap3A_1111 : vector<1x16xf32> to vector<16xf32>
        %swap3A_1113 = vector.shape_cast %mul3A_1108 : vector<16xf32> to vector<1x16xf32>
        tpu.vector_store %arg8[%swap3A_1109, %swap3A_1110], %swap3A_1113 {strides = array<i32>} : memref<112x144xf32, #tpu.memory_space<vmem>>, vector<1x16xf32>,
        %slice3A_1114 = vector.extract_strided_slice %exp3A {offsets = [3], sizes = [1], strides = [1]} : vector<16xf32> to vector<1xf32>
        %squeeze3A_1115 = vector.extract %slice3A_1114[0] : f32 from vector<1xf32>
        %get3A_1116 = arith.index_cast %scan3A_1060 : i32 to index
        %get3A_1117 = arith.constant 48 : index
        %get3A_1118 = tpu.vector_load %arg8[%get3A_1116, %get3A_1117] {strides = array<i32>} : memref<112x144xf32, #tpu.memory_space<vmem>>, vector<1x16xf32>,
        %get3A_1119 = vector.shape_cast %get3A_1118 : vector<1x16xf32> to vector<16xf32>
        %mul3A_1120 = vector.broadcast %squeeze3A_1115 : f32 to vector<16xf32>
        %mul3A_1121 = arith.mulf %get3A_1119, %mul3A_1120 : vector<16xf32>
        %swap3A_1122 = arith.index_cast %scan3A_1060 : i32 to index
        %swap3A_1123 = arith.constant 48 : index
        %swap3A_1124 = tpu.vector_load %arg8[%swap3A_1122, %swap3A_1123] {strides = array<i32>} : memref<112x144xf32, #tpu.memory_space<vmem>>, vector<1x16xf32>,
        %swap3A_1125 = vector.shape_cast %swap3A_1124 : vector<1x16xf32> to vector<16xf32>
        %swap3A_1126 = vector.shape_cast %mul3A_1121 : vector<16xf32> to vector<1x16xf32>
        tpu.vector_store %arg8[%swap3A_1122, %swap3A_1123], %swap3A_1126 {strides = array<i32>} : memref<112x144xf32, #tpu.memory_space<vmem>>, vector<1x16xf32>,
        %slice3A_1127 = vector.extract_strided_slice %exp3A {offsets = [4], sizes = [1], strides = [1]} : vector<16xf32> to vector<1xf32>
        %squeeze3A_1128 = vector.extract %slice3A_1127[0] : f32 from vector<1xf32>
        %get3A_1129 = arith.index_cast %scan3A_1060 : i32 to index
        %get3A_1130 = arith.constant 64 : index
        %get3A_1131 = tpu.vector_load %arg8[%get3A_1129, %get3A_1130] {strides = array<i32>} : memref<112x144xf32, #tpu.memory_space<vmem>>, vector<1x16xf32>,
        %get3A_1132 = vector.shape_cast %get3A_1131 : vector<1x16xf32> to vector<16xf32>
        %mul3A_1133 = vector.broadcast %squeeze3A_1128 : f32 to vector<16xf32>
        %mul3A_1134 = arith.mulf %get3A_1132, %mul3A_1133 : vector<16xf32>
        %swap3A_1135 = arith.index_cast %scan3A_1060 : i32 to index
        %swap3A_1136 = arith.constant 64 : index
        %swap3A_1137 = tpu.vector_load %arg8[%swap3A_1135, %swap3A_1136] {strides = array<i32>} : memref<112x144xf32, #tpu.memory_space<vmem>>, vector<1x16xf32>,
        %swap3A_1138 = vector.shape_cast %swap3A_1137 : vector<1x16xf32> to vector<16xf32>
        %swap3A_1139 = vector.shape_cast %mul3A_1134 : vector<16xf32> to vector<1x16xf32>
        tpu.vector_store %arg8[%swap3A_1135, %swap3A_1136], %swap3A_1139 {strides = array<i32>} : memref<112x144xf32, #tpu.memory_space<vmem>>, vector<1x16xf32>,
        %slice3A_1140 = vector.extract_strided_slice %exp3A {offsets = [5], sizes = [1], strides = [1]} : vector<16xf32> to vector<1xf32>
        %squeeze3A_1141 = vector.extract %slice3A_1140[0] : f32 from vector<1xf32>
        %get3A_1142 = arith.index_cast %scan3A_1060 : i32 to index
        %get3A_1143 = arith.constant 80 : index
        %get3A_1144 = tpu.vector_load %arg8[%get3A_1142, %get3A_1143] {strides = array<i32>} : memref<112x144xf32, #tpu.memory_space<vmem>>, vector<1x16xf32>,
        %get3A_1145 = vector.shape_cast %get3A_1144 : vector<1x16xf32> to vector<16xf32>
        %mul3A_1146 = vector.broadcast %squeeze3A_1141 : f32 to vector<16xf32>
        %mul3A_1147 = arith.mulf %get3A_1145, %mul3A_1146 : vector<16xf32>
        %swap3A_1148 = arith.index_cast %scan3A_1060 : i32 to index
        %swap3A_1149 = arith.constant 80 : index
        %swap3A_1150 = tpu.vector_load %arg8[%swap3A_1148, %swap3A_1149] {strides = array<i32>} : memref<112x144xf32, #tpu.memory_space<vmem>>, vector<1x16xf32>,
        %swap3A_1151 = vector.shape_cast %swap3A_1150 : vector<1x16xf32> to vector<16xf32>
        %swap3A_1152 = vector.shape_cast %mul3A_1147 : vector<16xf32> to vector<1x16xf32>
        tpu.vector_store %arg8[%swap3A_1148, %swap3A_1149], %swap3A_1152 {strides = array<i32>} : memref<112x144xf32, #tpu.memory_space<vmem>>, vector<1x16xf32>,
        %slice3A_1153 = vector.extract_strided_slice %exp3A {offsets = [6], sizes = [1], strides = [1]} : vector<16xf32> to vector<1xf32>
        %squeeze3A_1154 = vector.extract %slice3A_1153[0] : f32 from vector<1xf32>
        %get3A_1155 = arith.index_cast %scan3A_1060 : i32 to index
        %get3A_1156 = arith.constant 96 : index
        %get3A_1157 = tpu.vector_load %arg8[%get3A_1155, %get3A_1156] {strides = array<i32>} : memref<112x144xf32, #tpu.memory_space<vmem>>, vector<1x16xf32>,
        %get3A_1158 = vector.shape_cast %get3A_1157 : vector<1x16xf32> to vector<16xf32>
        %mul3A_1159 = vector.broadcast %squeeze3A_1154 : f32 to vector<16xf32>
        %mul3A_1160 = arith.mulf %get3A_1158, %mul3A_1159 : vector<16xf32>
        %swap3A_1161 = arith.index_cast %scan3A_1060 : i32 to index
        %swap3A_1162 = arith.constant 96 : index
        %swap3A_1163 = tpu.vector_load %arg8[%swap3A_1161, %swap3A_1162] {strides = array<i32>} : memref<112x144xf32, #tpu.memory_space<vmem>>, vector<1x16xf32>,
        %swap3A_1164 = vector.shape_cast %swap3A_1163 : vector<1x16xf32> to vector<16xf32>
        %swap3A_1165 = vector.shape_cast %mul3A_1160 : vector<16xf32> to vector<1x16xf32>
        tpu.vector_store %arg8[%swap3A_1161, %swap3A_1162], %swap3A_1165 {strides = array<i32>} : memref<112x144xf32, #tpu.memory_space<vmem>>, vector<1x16xf32>,
        %slice3A_1166 = vector.extract_strided_slice %exp3A {offsets = [7], sizes = [1], strides = [1]} : vector<16xf32> to vector<1xf32>
        %squeeze3A_1167 = vector.extract %slice3A_1166[0] : f32 from vector<1xf32>
        %get3A_1168 = arith.index_cast %scan3A_1060 : i32 to index
        %get3A_1169 = arith.constant 112 : index
        %get3A_1170 = tpu.vector_load %arg8[%get3A_1168, %get3A_1169] {strides = array<i32>} : memref<112x144xf32, #tpu.memory_space<vmem>>, vector<1x16xf32>,
        %get3A_1171 = vector.shape_cast %get3A_1170 : vector<1x16xf32> to vector<16xf32>
        %mul3A_1172 = vector.broadcast %squeeze3A_1167 : f32 to vector<16xf32>
        %mul3A_1173 = arith.mulf %get3A_1171, %mul3A_1172 : vector<16xf32>
        %swap3A_1174 = arith.index_cast %scan3A_1060 : i32 to index
        %swap3A_1175 = arith.constant 112 : index
        %swap3A_1176 = tpu.vector_load %arg8[%swap3A_1174, %swap3A_1175] {strides = array<i32>} : memref<112x144xf32, #tpu.memory_space<vmem>>, vector<1x16xf32>,
        %swap3A_1177 = vector.shape_cast %swap3A_1176 : vector<1x16xf32> to vector<16xf32>
        %swap3A_1178 = vector.shape_cast %mul3A_1173 : vector<16xf32> to vector<1x16xf32>
        tpu.vector_store %arg8[%swap3A_1174, %swap3A_1175], %swap3A_1178 {strides = array<i32>} : memref<112x144xf32, #tpu.memory_space<vmem>>, vector<1x16xf32>,
        %scan3A_1179 = arith.constant 0 : i32
        scf.yield %scan3A_1179 : i32
      }
      %scan3A_985 = arith.constant 112 : i32
      %dma_start3A_986 = arith.constant 2 : i32
      %dma_start3A_987 = arith.constant 2 : i32
      %dma_start3A_988 = arith.constant 0 : i32
      %dma_start3A_989 = tpu.memref_slice %arg7[%dma_start3A_986, %dma_start3A_987, %dma_start3A_988] : memref<4x3x112xi32, #tpu.memory_space<vmem>> -> memref<1x1x112xi32, #tpu.memory_space<vmem>>
      %dma_start3A_990 = tpu.memref_squeeze %dma_start3A_989 : memref<1x1x112xi32, #tpu.memory_space<vmem>> -> memref<112xi32, #tpu.memory_space<vmem>>
      %dma_start3A_991 = arith.constant 0 : i32
      %dma_start3A_992 = arith.constant 0 : i32
      %dma_start3A_993 = tpu.memref_slice %arg12[%dma_start3A_991, %dma_start3A_992] : memref<10016x144xf32, #tpu.memory_space<vmem_shared>> -> memref<10016x144xf32, #tpu.memory_space<vmem_shared>>
      tpu.enqueue_indirect_dma source(%arg8 : memref<112x144xf32, #tpu.memory_space<vmem>>) target(%dma_start3A_993 : memref<10016x144xf32, #tpu.memory_space<vmem_shared>>) offsets(%dma_start3A_990 : memref<112xi32, #tpu.memory_space<vmem>>) semaphore(%arg19 : memref<!tpu.dma_semaphore, #tpu.memory_space<semaphore_mem>>) {add = true}
      %dma_wait3A_994 = arith.constant 0 : i32
      %dma_wait3A_995 = arith.constant 0 : i32
      %dma_wait3A_996 = arith.constant 0 : i32
      %dma_wait3A_997 = tpu.memref_slice %arg6[%dma_wait3A_994, %dma_wait3A_995, %dma_wait3A_996] : memref<4x3x112xi32, #tpu.memory_space<vmem>> -> memref<1x1x112xi32, #tpu.memory_space<vmem>>
      %dma_wait3A_998 = tpu.memref_squeeze %dma_wait3A_997 : memref<1x1x112xi32, #tpu.memory_space<vmem>> -> memref<112xi32, #tpu.memory_space<vmem>>
      %dma_wait3A_999 = arith.constant 0 : i32
      %dma_wait3A_1000 = arith.constant 0 : i32
      %dma_wait3A_1001 = tpu.memref_slice %arg2[%dma_wait3A_999, %dma_wait3A_1000] : memref<20480x144xf32, #tpu.memory_space<hbm>> -> memref<20480x144xf32, #tpu.memory_space<hbm>>
      tpu.wait_indirect_dma semaphore(%arg16 : memref<!tpu.dma_semaphore, #tpu.memory_space<semaphore_mem>>) src(%dma_wait3A_1001 : memref<20480x144xf32, #tpu.memory_space<hbm>>) dst(%arg9 : memref<112x144xf32, #tpu.memory_space<vmem>>)
      %dma_wait3A_1002 = arith.constant 0 : i32
      %dma_wait3A_1003 = arith.constant 1 : i32
      %dma_wait3A_1004 = arith.constant 0 : i32
      %dma_wait3A_1005 = tpu.memref_slice %arg6[%dma_wait3A_1002, %dma_wait3A_1003, %dma_wait3A_1004] : memref<4x3x112xi32, #tpu.memory_space<vmem>> -> memref<1x1x112xi32, #tpu.memory_space<vmem>>
      %dma_wait3A_1006 = tpu.memref_squeeze %dma_wait3A_1005 : memref<1x1x112xi32, #tpu.memory_space<vmem>> -> memref<112xi32, #tpu.memory_space<vmem>>
      %dma_wait3A_1007 = arith.constant 0 : i32
      %dma_wait3A_1008 = arith.constant 0 : i32
      %dma_wait3A_1009 = tpu.memref_slice %arg3[%dma_wait3A_1007, %dma_wait3A_1008] : memref<20480x16xf32, #tpu.memory_space<hbm>> -> memref<20480x16xf32, #tpu.memory_space<hbm>>
      tpu.wait_indirect_dma semaphore(%arg18 : memref<!tpu.dma_semaphore, #tpu.memory_space<semaphore_mem>>) src(%dma_wait3A_1009 : memref<20480x16xf32, #tpu.memory_space<hbm>>) dst(%arg11 : memref<112x16xf32, #tpu.memory_space<vmem>>)
      %dma_wait3A_1010 = arith.constant 3 : i32
      %dma_wait3A_1011 = arith.constant 2 : i32
      %dma_wait3A_1012 = arith.constant 0 : i32
      %dma_wait3A_1013 = tpu.memref_slice %arg7[%dma_wait3A_1010, %dma_wait3A_1011, %dma_wait3A_1012] : memref<4x3x112xi32, #tpu.memory_space<vmem>> -> memref<1x1x112xi32, #tpu.memory_space<vmem>>
      %dma_wait3A_1014 = tpu.memref_squeeze %dma_wait3A_1013 : memref<1x1x112xi32, #tpu.memory_space<vmem>> -> memref<112xi32, #tpu.memory_space<vmem>>
      %dma_wait3A_1015 = arith.constant 0 : i32
      %dma_wait3A_1016 = arith.constant 0 : i32
      %dma_wait3A_1017 = tpu.memref_slice %arg12[%dma_wait3A_1015, %dma_wait3A_1016] : memref<10016x144xf32, #tpu.memory_space<vmem_shared>> -> memref<10016x144xf32, #tpu.memory_space<vmem_shared>>
      tpu.wait_indirect_dma semaphore(%arg19 : memref<!tpu.dma_semaphore, #tpu.memory_space<semaphore_mem>>) src(%arg8 : memref<112x144xf32, #tpu.memory_space<vmem>>) dst(%dma_wait3A_1017 : memref<10016x144xf32, #tpu.memory_space<vmem_shared>>)
      %dma_wait3A_1018 = arith.constant 0 : i32
      %dma_wait3A_1019 = arith.constant 0 : i32
      %dma_wait3A_1020 = arith.constant 0 : i32
      %dma_wait3A_1021 = tpu.memref_slice %arg4[%arg0, %arg1, %dma_wait3A_1018, %dma_wait3A_1019, %dma_wait3A_1020] : memref<2x16x188x3x112xi32, #tpu.memory_space<hbm>> -> memref<1x1x4x3x112xi32, #tpu.memory_space<hbm>>
      %dma_wait3A_1022 = tpu.memref_squeeze %dma_wait3A_1021 : memref<1x1x4x3x112xi32, #tpu.memory_space<hbm>> -> memref<4x3x112xi32, #tpu.memory_space<hbm>>
      %dma_wait3A_1023 = arith.constant 0 : i32
      %dma_wait3A_1024 = arith.constant 0 : i32
      %dma_wait3A_1025 = arith.constant 0 : i32
      %dma_wait3A_1026 = tpu.memref_slice %arg4[%arg0, %arg1, %dma_wait3A_1023, %dma_wait3A_1024, %dma_wait3A_1025] : memref<2x16x188x3x112xi32, #tpu.memory_space<hbm>> -> memref<1x1x4x3x112xi32, #tpu.memory_space<hbm>>
      %dma_wait3A_1027 = tpu.memref_squeeze %dma_wait3A_1026 : memref<1x1x4x3x112xi32, #tpu.memory_space<hbm>> -> memref<4x3x112xi32, #tpu.memory_space<hbm>>
      tpu.wait_dma2 semaphore(%arg13 : memref<!tpu.dma_semaphore, #tpu.memory_space<semaphore_mem>>) src(%dma_wait3A_1027 : memref<4x3x112xi32, #tpu.memory_space<hbm>>) dst(%arg6 : memref<4x3x112xi32, #tpu.memory_space<vmem>>)
      %dma_start3A_1028 = arith.constant 0 : i32
      %dma_start3A_1029 = arith.constant 0 : i32
      %dma_start3A_1030 = arith.constant 0 : i32
      %dma_start3A_1031 = tpu.memref_slice %arg6[%dma_start3A_1028, %dma_start3A_1029, %dma_start3A_1030] : memref<4x3x112xi32, #tpu.memory_space<vmem>> -> memref<1x1x112xi32, #tpu.memory_space<vmem>>
      %dma_start3A_1032 = tpu.memref_squeeze %dma_start3A_1031 : memref<1x1x112xi32, #tpu.memory_space<vmem>> -> memref<112xi32, #tpu.memory_space<vmem>>
      %dma_start3A_1033 = arith.constant 0 : i32
      %dma_start3A_1034 = arith.constant 0 : i32
      %dma_start3A_1035 = tpu.memref_slice %arg2[%dma_start3A_1033, %dma_start3A_1034] : memref<20480x144xf32, #tpu.memory_space<hbm>> -> memref<20480x144xf32, #tpu.memory_space<hbm>>
      tpu.enqueue_indirect_dma source(%dma_start3A_1035 : memref<20480x144xf32, #tpu.memory_space<hbm>>) target(%arg8 : memref<112x144xf32, #tpu.memory_space<vmem>>) offsets(%dma_start3A_1032 : memref<112xi32, #tpu.memory_space<vmem>>) semaphore(%arg15 : memref<!tpu.dma_semaphore, #tpu.memory_space<semaphore_mem>>)
      %dma_start3A_1036 = arith.constant 0 : i32
      %dma_start3A_1037 = arith.constant 1 : i32
      %dma_start3A_1038 = arith.constant 0 : i32
      %dma_start3A_1039 = tpu.memref_slice %arg6[%dma_start3A_1036, %dma_start3A_1037, %dma_start3A_1038] : memref<4x3x112xi32, #tpu.memory_space<vmem>> -> memref<1x1x112xi32, #tpu.memory_space<vmem>>
      %dma_start3A_1040 = tpu.memref_squeeze %dma_start3A_1039 : memref<1x1x112xi32, #tpu.memory_space<vmem>> -> memref<112xi32, #tpu.memory_space<vmem>>
      %dma_start3A_1041 = arith.constant 0 : i32
      %dma_start3A_1042 = arith.constant 0 : i32
      %dma_start3A_1043 = tpu.memref_slice %arg3[%dma_start3A_1041, %dma_start3A_1042] : memref<20480x16xf32, #tpu.memory_space<hbm>> -> memref<20480x16xf32, #tpu.memory_space<hbm>>
      tpu.enqueue_indirect_dma source(%dma_start3A_1043 : memref<20480x16xf32, #tpu.memory_space<hbm>>) target(%arg10 : memref<112x16xf32, #tpu.memory_space<vmem>>) offsets(%dma_start3A_1040 : memref<112xi32, #tpu.memory_space<vmem>>) semaphore(%arg17 : memref<!tpu.dma_semaphore, #tpu.memory_space<semaphore_mem>>)
      %scan3A_1044 = arith.constant 0 : i32
      %scan3A_1045 = arith.constant 0 : i32
      %scan3A_1046 = arith.constant 112 : i32
      %scan3A_1047 = arith.addi %scan3A_1045, %scan3A_1046 : i32
      %scan3A_1048 = arith.constant 1 : i32
      %scan3A_1049 = scf.for %scan3A_1060 = %scan3A_1045 to %scan3A_1047 step %scan3A_1048 iter_args(%scan3A_1061 = %scan3A_1044) -> (i32)  : i32 {
        %get3A = arith.index_cast %scan3A_1060 : i32 to index
        %get3A_1062 = arith.constant 128 : index
        %get3A_1063 = tpu.vector_load %arg9[%get3A, %get3A_1062] {strides = array<i32>} : memref<112x144xf32, #tpu.memory_space<vmem>>, vector<1x16xf32>,
        %get3A_1064 = vector.shape_cast %get3A_1063 : vector<1x16xf32> to vector<16xf32>
        %get3A_1065 = arith.index_cast %scan3A_1060 : i32 to index
        %get3A_1066 = arith.constant 0 : index
        %get3A_1067 = tpu.vector_load %arg11[%get3A_1065, %get3A_1066] {strides = array<i32>} : memref<112x16xf32, #tpu.memory_space<vmem>>, vector<1x16xf32>,
        %get3A_1068 = vector.shape_cast %get3A_1067 : vector<1x16xf32> to vector<16xf32>
        %add3A_1069 = arith.addf %get3A_1064, %get3A_1068 : vector<16xf32>
        %mul3A_1070 = arith.constant 2.000000e-01 : f32
        %mul3A_1071 = vector.broadcast %mul3A_1070 : f32 to vector<16xf32>
        %mul3A_1072 = arith.mulf %mul3A_1071, %add3A_1069 : vector<16xf32>
        %max3A = arith.maximumf %add3A_1069, %mul3A_1072 : vector<16xf32>
        %exp3A = math.exp %max3A : vector<16xf32>
        %swap3A = arith.index_cast %scan3A_1060 : i32 to index
        %swap3A_1073 = arith.constant 128 : index
        %swap3A_1074 = tpu.vector_load %arg9[%swap3A, %swap3A_1073] {strides = array<i32>} : memref<112x144xf32, #tpu.memory_space<vmem>>, vector<1x16xf32>,
        %swap3A_1075 = vector.shape_cast %swap3A_1074 : vector<1x16xf32> to vector<16xf32>
        %swap3A_1076 = vector.shape_cast %exp3A : vector<16xf32> to vector<1x16xf32>
        tpu.vector_store %arg9[%swap3A, %swap3A_1073], %swap3A_1076 {strides = array<i32>} : memref<112x144xf32, #tpu.memory_space<vmem>>, vector<1x16xf32>,
        %slice3A = vector.extract_strided_slice %exp3A {offsets = [0], sizes = [1], strides = [1]} : vector<16xf32> to vector<1xf32>
        %squeeze3A = vector.extract %slice3A[0] : f32 from vector<1xf32>
        %get3A_1077 = arith.index_cast %scan3A_1060 : i32 to index
        %get3A_1078 = arith.constant 0 : index
        %get3A_1079 = tpu.vector_load %arg9[%get3A_1077, %get3A_1078] {strides = array<i32>} : memref<112x144xf32, #tpu.memory_space<vmem>>, vector<1x16xf32>,
        %get3A_1080 = vector.shape_cast %get3A_1079 : vector<1x16xf32> to vector<16xf32>
        %mul3A_1081 = vector.broadcast %squeeze3A : f32 to vector<16xf32>
        %mul3A_1082 = arith.mulf %get3A_1080, %mul3A_1081 : vector<16xf32>
        %swap3A_1083 = arith.index_cast %scan3A_1060 : i32 to index
        %swap3A_1084 = arith.constant 0 : index
        %swap3A_1085 = tpu.vector_load %arg9[%swap3A_1083, %swap3A_1084] {strides = array<i32>} : memref<112x144xf32, #tpu.memory_space<vmem>>, vector<1x16xf32>,
        %swap3A_1086 = vector.shape_cast %swap3A_1085 : vector<1x16xf32> to vector<16xf32>
        %swap3A_1087 = vector.shape_cast %mul3A_1082 : vector<16xf32> to vector<1x16xf32>
        tpu.vector_store %arg9[%swap3A_1083, %swap3A_1084], %swap3A_1087 {strides = array<i32>} : memref<112x144xf32, #tpu.memory_space<vmem>>, vector<1x16xf32>,
        %slice3A_1088 = vector.extract_strided_slice %exp3A {offsets = [1], sizes = [1], strides = [1]} : vector<16xf32> to vector<1xf32>
        %squeeze3A_1089 = vector.extract %slice3A_1088[0] : f32 from vector<1xf32>
        %get3A_1090 = arith.index_cast %scan3A_1060 : i32 to index
        %get3A_1091 = arith.constant 16 : index
        %get3A_1092 = tpu.vector_load %arg9[%get3A_1090, %get3A_1091] {strides = array<i32>} : memref<112x144xf32, #tpu.memory_space<vmem>>, vector<1x16xf32>,
        %get3A_1093 = vector.shape_cast %get3A_1092 : vector<1x16xf32> to vector<16xf32>
        %mul3A_1094 = vector.broadcast %squeeze3A_1089 : f32 to vector<16xf32>
        %mul3A_1095 = arith.mulf %get3A_1093, %mul3A_1094 : vector<16xf32>
        %swap3A_1096 = arith.index_cast %scan3A_1060 : i32 to index
        %swap3A_1097 = arith.constant 16 : index
        %swap3A_1098 = tpu.vector_load %arg9[%swap3A_1096, %swap3A_1097] {strides = array<i32>} : memref<112x144xf32, #tpu.memory_space<vmem>>, vector<1x16xf32>,
        %swap3A_1099 = vector.shape_cast %swap3A_1098 : vector<1x16xf32> to vector<16xf32>
        %swap3A_1100 = vector.shape_cast %mul3A_1095 : vector<16xf32> to vector<1x16xf32>
        tpu.vector_store %arg9[%swap3A_1096, %swap3A_1097], %swap3A_1100 {strides = array<i32>} : memref<112x144xf32, #tpu.memory_space<vmem>>, vector<1x16xf32>,
        %slice3A_1101 = vector.extract_strided_slice %exp3A {offsets = [2], sizes = [1], strides = [1]} : vector<16xf32> to vector<1xf32>
        %squeeze3A_1102 = vector.extract %slice3A_1101[0] : f32 from vector<1xf32>
        %get3A_1103 = arith.index_cast %scan3A_1060 : i32 to index
        %get3A_1104 = arith.constant 32 : index
        %get3A_1105 = tpu.vector_load %arg9[%get3A_1103, %get3A_1104] {strides = array<i32>} : memref<112x144xf32, #tpu.memory_space<vmem>>, vector<1x16xf32>,
        %get3A_1106 = vector.shape_cast %get3A_1105 : vector<1x16xf32> to vector<16xf32>
        %mul3A_1107 = vector.broadcast %squeeze3A_1102 : f32 to vector<16xf32>
        %mul3A_1108 = arith.mulf %get3A_1106, %mul3A_1107 : vector<16xf32>
        %swap3A_1109 = arith.index_cast %scan3A_1060 : i32 to index
        %swap3A_1110 = arith.constant 32 : index
        %swap3A_1111 = tpu.vector_load %arg9[%swap3A_1109, %swap3A_1110] {strides = array<i32>} : memref<112x144xf32, #tpu.memory_space<vmem>>, vector<1x16xf32>,
        %swap3A_1112 = vector.shape_cast %swap3A_1111 : vector<1x16xf32> to vector<16xf32>
        %swap3A_1113 = vector.shape_cast %mul3A_1108 : vector<16xf32> to vector<1x16xf32>
        tpu.vector_store %arg9[%swap3A_1109, %swap3A_1110], %swap3A_1113 {strides = array<i32>} : memref<112x144xf32, #tpu.memory_space<vmem>>, vector<1x16xf32>,
        %slice3A_1114 = vector.extract_strided_slice %exp3A {offsets = [3], sizes = [1], strides = [1]} : vector<16xf32> to vector<1xf32>
        %squeeze3A_1115 = vector.extract %slice3A_1114[0] : f32 from vector<1xf32>
        %get3A_1116 = arith.index_cast %scan3A_1060 : i32 to index
        %get3A_1117 = arith.constant 48 : index
        %get3A_1118 = tpu.vector_load %arg9[%get3A_1116, %get3A_1117] {strides = array<i32>} : memref<112x144xf32, #tpu.memory_space<vmem>>, vector<1x16xf32>,
        %get3A_1119 = vector.shape_cast %get3A_1118 : vector<1x16xf32> to vector<16xf32>
        %mul3A_1120 = vector.broadcast %squeeze3A_1115 : f32 to vector<16xf32>
        %mul3A_1121 = arith.mulf %get3A_1119, %mul3A_1120 : vector<16xf32>
        %swap3A_1122 = arith.index_cast %scan3A_1060 : i32 to index
        %swap3A_1123 = arith.constant 48 : index
        %swap3A_1124 = tpu.vector_load %arg9[%swap3A_1122, %swap3A_1123] {strides = array<i32>} : memref<112x144xf32, #tpu.memory_space<vmem>>, vector<1x16xf32>,
        %swap3A_1125 = vector.shape_cast %swap3A_1124 : vector<1x16xf32> to vector<16xf32>
        %swap3A_1126 = vector.shape_cast %mul3A_1121 : vector<16xf32> to vector<1x16xf32>
        tpu.vector_store %arg9[%swap3A_1122, %swap3A_1123], %swap3A_1126 {strides = array<i32>} : memref<112x144xf32, #tpu.memory_space<vmem>>, vector<1x16xf32>,
        %slice3A_1127 = vector.extract_strided_slice %exp3A {offsets = [4], sizes = [1], strides = [1]} : vector<16xf32> to vector<1xf32>
        %squeeze3A_1128 = vector.extract %slice3A_1127[0] : f32 from vector<1xf32>
        %get3A_1129 = arith.index_cast %scan3A_1060 : i32 to index
        %get3A_1130 = arith.constant 64 : index
        %get3A_1131 = tpu.vector_load %arg9[%get3A_1129, %get3A_1130] {strides = array<i32>} : memref<112x144xf32, #tpu.memory_space<vmem>>, vector<1x16xf32>,
        %get3A_1132 = vector.shape_cast %get3A_1131 : vector<1x16xf32> to vector<16xf32>
        %mul3A_1133 = vector.broadcast %squeeze3A_1128 : f32 to vector<16xf32>
        %mul3A_1134 = arith.mulf %get3A_1132, %mul3A_1133 : vector<16xf32>
        %swap3A_1135 = arith.index_cast %scan3A_1060 : i32 to index
        %swap3A_1136 = arith.constant 64 : index
        %swap3A_1137 = tpu.vector_load %arg9[%swap3A_1135, %swap3A_1136] {strides = array<i32>} : memref<112x144xf32, #tpu.memory_space<vmem>>, vector<1x16xf32>,
        %swap3A_1138 = vector.shape_cast %swap3A_1137 : vector<1x16xf32> to vector<16xf32>
        %swap3A_1139 = vector.shape_cast %mul3A_1134 : vector<16xf32> to vector<1x16xf32>
        tpu.vector_store %arg9[%swap3A_1135, %swap3A_1136], %swap3A_1139 {strides = array<i32>} : memref<112x144xf32, #tpu.memory_space<vmem>>, vector<1x16xf32>,
        %slice3A_1140 = vector.extract_strided_slice %exp3A {offsets = [5], sizes = [1], strides = [1]} : vector<16xf32> to vector<1xf32>
        %squeeze3A_1141 = vector.extract %slice3A_1140[0] : f32 from vector<1xf32>
        %get3A_1142 = arith.index_cast %scan3A_1060 : i32 to index
        %get3A_1143 = arith.constant 80 : index
        %get3A_1144 = tpu.vector_load %arg9[%get3A_1142, %get3A_1143] {strides = array<i32>} : memref<112x144xf32, #tpu.memory_space<vmem>>, vector<1x16xf32>,
        %get3A_1145 = vector.shape_cast %get3A_1144 : vector<1x16xf32> to vector<16xf32>
        %mul3A_1146 = vector.broadcast %squeeze3A_1141 : f32 to vector<16xf32>
        %mul3A_1147 = arith.mulf %get3A_1145, %mul3A_1146 : vector<16xf32>
        %swap3A_1148 = arith.index_cast %scan3A_1060 : i32 to index
        %swap3A_1149 = arith.constant 80 : index
        %swap3A_1150 = tpu.vector_load %arg9[%swap3A_1148, %swap3A_1149] {strides = array<i32>} : memref<112x144xf32, #tpu.memory_space<vmem>>, vector<1x16xf32>,
        %swap3A_1151 = vector.shape_cast %swap3A_1150 : vector<1x16xf32> to vector<16xf32>
        %swap3A_1152 = vector.shape_cast %mul3A_1147 : vector<16xf32> to vector<1x16xf32>
        tpu.vector_store %arg9[%swap3A_1148, %swap3A_1149], %swap3A_1152 {strides = array<i32>} : memref<112x144xf32, #tpu.memory_space<vmem>>, vector<1x16xf32>,
        %slice3A_1153 = vector.extract_strided_slice %exp3A {offsets = [6], sizes = [1], strides = [1]} : vector<16xf32> to vector<1xf32>
        %squeeze3A_1154 = vector.extract %slice3A_1153[0] : f32 from vector<1xf32>
        %get3A_1155 = arith.index_cast %scan3A_1060 : i32 to index
        %get3A_1156 = arith.constant 96 : index
        %get3A_1157 = tpu.vector_load %arg9[%get3A_1155, %get3A_1156] {strides = array<i32>} : memref<112x144xf32, #tpu.memory_space<vmem>>, vector<1x16xf32>,
        %get3A_1158 = vector.shape_cast %get3A_1157 : vector<1x16xf32> to vector<16xf32>
        %mul3A_1159 = vector.broadcast %squeeze3A_1154 : f32 to vector<16xf32>
        %mul3A_1160 = arith.mulf %get3A_1158, %mul3A_1159 : vector<16xf32>
        %swap3A_1161 = arith.index_cast %scan3A_1060 : i32 to index
        %swap3A_1162 = arith.constant 96 : index
        %swap3A_1163 = tpu.vector_load %arg9[%swap3A_1161, %swap3A_1162] {strides = array<i32>} : memref<112x144xf32, #tpu.memory_space<vmem>>, vector<1x16xf32>,
        %swap3A_1164 = vector.shape_cast %swap3A_1163 : vector<1x16xf32> to vector<16xf32>
        %swap3A_1165 = vector.shape_cast %mul3A_1160 : vector<16xf32> to vector<1x16xf32>
        tpu.vector_store %arg9[%swap3A_1161, %swap3A_1162], %swap3A_1165 {strides = array<i32>} : memref<112x144xf32, #tpu.memory_space<vmem>>, vector<1x16xf32>,
        %slice3A_1166 = vector.extract_strided_slice %exp3A {offsets = [7], sizes = [1], strides = [1]} : vector<16xf32> to vector<1xf32>
        %squeeze3A_1167 = vector.extract %slice3A_1166[0] : f32 from vector<1xf32>
        %get3A_1168 = arith.index_cast %scan3A_1060 : i32 to index
        %get3A_1169 = arith.constant 112 : index
        %get3A_1170 = tpu.vector_load %arg9[%get3A_1168, %get3A_1169] {strides = array<i32>} : memref<112x144xf32, #tpu.memory_space<vmem>>, vector<1x16xf32>,
        %get3A_1171 = vector.shape_cast %get3A_1170 : vector<1x16xf32> to vector<16xf32>
        %mul3A_1172 = vector.broadcast %squeeze3A_1167 : f32 to vector<16xf32>
        %mul3A_1173 = arith.mulf %get3A_1171, %mul3A_1172 : vector<16xf32>
        %swap3A_1174 = arith.index_cast %scan3A_1060 : i32 to index
        %swap3A_1175 = arith.constant 112 : index
        %swap3A_1176 = tpu.vector_load %arg9[%swap3A_1174, %swap3A_1175] {strides = array<i32>} : memref<112x144xf32, #tpu.memory_space<vmem>>, vector<1x16xf32>,
        %swap3A_1177 = vector.shape_cast %swap3A_1176 : vector<1x16xf32> to vector<16xf32>
        %swap3A_1178 = vector.shape_cast %mul3A_1173 : vector<16xf32> to vector<1x16xf32>
        tpu.vector_store %arg9[%swap3A_1174, %swap3A_1175], %swap3A_1178 {strides = array<i32>} : memref<112x144xf32, #tpu.memory_space<vmem>>, vector<1x16xf32>,
        %scan3A_1179 = arith.constant 0 : i32
        scf.yield %scan3A_1179 : i32
      }
      %scan3A_1050 = arith.constant 112 : i32
      %dma_start3A_1051 = arith.constant 3 : i32
      %dma_start3A_1052 = arith.constant 2 : i32
      %dma_start3A_1053 = arith.constant 0 : i32
      %dma_start3A_1054 = tpu.memref_slice %arg7[%dma_start3A_1051, %dma_start3A_1052, %dma_start3A_1053] : memref<4x3x112xi32, #tpu.memory_space<vmem>> -> memref<1x1x112xi32, #tpu.memory_space<vmem>>
      %dma_start3A_1055 = tpu.memref_squeeze %dma_start3A_1054 : memref<1x1x112xi32, #tpu.memory_space<vmem>> -> memref<112xi32, #tpu.memory_space<vmem>>
      %dma_start3A_1056 = arith.constant 0 : i32
      %dma_start3A_1057 = arith.constant 0 : i32
      %dma_start3A_1058 = tpu.memref_slice %arg12[%dma_start3A_1056, %dma_start3A_1057] : memref<10016x144xf32, #tpu.memory_space<vmem_shared>> -> memref<10016x144xf32, #tpu.memory_space<vmem_shared>>
      tpu.enqueue_indirect_dma source(%arg9 : memref<112x144xf32, #tpu.memory_space<vmem>>) target(%dma_start3A_1058 : memref<10016x144xf32, #tpu.memory_space<vmem_shared>>) offsets(%dma_start3A_1055 : memref<112xi32, #tpu.memory_space<vmem>>) semaphore(%arg20 : memref<!tpu.dma_semaphore, #tpu.memory_space<semaphore_mem>>) {add = true}
      %scan3A_1059 = arith.constant 0 : i32
      scf.yield %scan3A_1059 : i32
    }
    %scan3A_533 = arith.constant 22 : i32
    %dma_wait3A_534 = arith.constant 3 : i32
    %dma_wait3A_535 = arith.constant 2 : i32
    %dma_wait3A_536 = arith.constant 0 : i32
    %dma_wait3A_537 = tpu.memref_slice %arg7[%dma_wait3A_534, %dma_wait3A_535, %dma_wait3A_536] : memref<4x3x112xi32, #tpu.memory_space<vmem>> -> memref<1x1x112xi32, #tpu.memory_space<vmem>>
    %dma_wait3A_538 = tpu.memref_squeeze %dma_wait3A_537 : memref<1x1x112xi32, #tpu.memory_space<vmem>> -> memref<112xi32, #tpu.memory_space<vmem>>
    %dma_wait3A_539 = arith.constant 0 : i32
    %dma_wait3A_540 = arith.constant 0 : i32
    %dma_wait3A_541 = tpu.memref_slice %arg12[%dma_wait3A_539, %dma_wait3A_540] : memref<10016x144xf32, #tpu.memory_space<vmem_shared>> -> memref<10016x144xf32, #tpu.memory_space<vmem_shared>>
    tpu.wait_indirect_dma semaphore(%arg20 : memref<!tpu.dma_semaphore, #tpu.memory_space<semaphore_mem>>) src(%arg9 : memref<112x144xf32, #tpu.memory_space<vmem>>) dst(%dma_wait3A_541 : memref<10016x144xf32, #tpu.memory_space<vmem_shared>>)
    %dma_wait3A_542 = arith.constant 0 : i32
    %dma_wait3A_543 = arith.constant 0 : i32
    %dma_wait3A_544 = arith.constant 0 : i32
    %dma_wait3A_545 = tpu.memref_slice %arg6[%dma_wait3A_542, %dma_wait3A_543, %dma_wait3A_544] : memref<4x3x112xi32, #tpu.memory_space<vmem>> -> memref<1x1x112xi32, #tpu.memory_space<vmem>>
    %dma_wait3A_546 = tpu.memref_squeeze %dma_wait3A_545 : memref<1x1x112xi32, #tpu.memory_space<vmem>> -> memref<112xi32, #tpu.memory_space<vmem>>
    %dma_wait3A_547 = arith.constant 0 : i32
    %dma_wait3A_548 = arith.constant 0 : i32
    %dma_wait3A_549 = tpu.memref_slice %arg2[%dma_wait3A_547, %dma_wait3A_548] : memref<20480x144xf32, #tpu.memory_space<hbm>> -> memref<20480x144xf32, #tpu.memory_space<hbm>>
    tpu.wait_indirect_dma semaphore(%arg15 : memref<!tpu.dma_semaphore, #tpu.memory_space<semaphore_mem>>) src(%dma_wait3A_549 : memref<20480x144xf32, #tpu.memory_space<hbm>>) dst(%arg8 : memref<112x144xf32, #tpu.memory_space<vmem>>)
    %dma_wait3A_550 = arith.constant 0 : i32
    %dma_wait3A_551 = arith.constant 1 : i32
    %dma_wait3A_552 = arith.constant 0 : i32
    %dma_wait3A_553 = tpu.memref_slice %arg6[%dma_wait3A_550, %dma_wait3A_551, %dma_wait3A_552] : memref<4x3x112xi32, #tpu.memory_space<vmem>> -> memref<1x1x112xi32, #tpu.memory_space<vmem>>
    %dma_wait3A_554 = tpu.memref_squeeze %dma_wait3A_553 : memref<1x1x112xi32, #tpu.memory_space<vmem>> -> memref<112xi32, #tpu.memory_space<vmem>>
    %dma_wait3A_555 = arith.constant 0 : i32
    %dma_wait3A_556 = arith.constant 0 : i32
    %dma_wait3A_557 = tpu.memref_slice %arg3[%dma_wait3A_555, %dma_wait3A_556] : memref<20480x16xf32, #tpu.memory_space<hbm>> -> memref<20480x16xf32, #tpu.memory_space<hbm>>
    tpu.wait_indirect_dma semaphore(%arg17 : memref<!tpu.dma_semaphore, #tpu.memory_space<semaphore_mem>>) src(%dma_wait3A_557 : memref<20480x16xf32, #tpu.memory_space<hbm>>) dst(%arg10 : memref<112x16xf32, #tpu.memory_space<vmem>>)
    %barrier3A_558 = arith.constant 0 : index
    tpu.barrier barrier_id(%barrier3A_558)
    %add3A_559 = arith.constant 0 : i32
    %add3A_560 = arith.addi %mul3A_7, %add3A_559 : i32
    "tpu.region"() ({
      %run_scoped3A = tpu.sem_alloc : memref<!tpu.dma_semaphore, #tpu.memory_space<semaphore_mem>>
      %dma_start3A_571 = arith.constant 0 : i32
      %dma_start3A_572 = tpu.memref_slice %arg5[%arg0, %add3A_560, %dma_start3A_571] : memref<2x10240x144xf32, #tpu.memory_space<hbm>> -> memref<1x112x144xf32, #tpu.memory_space<hbm>>
      %dma_start3A_573 = tpu.memref_squeeze %dma_start3A_572 : memref<1x112x144xf32, #tpu.memory_space<hbm>> -> memref<112x144xf32, #tpu.memory_space<hbm>>
      %dma_start3A_574 = arith.constant 0 : i32
      %dma_start3A_575 = tpu.memref_slice %arg12[%add3A_560, %dma_start3A_574] : memref<10016x144xf32, #tpu.memory_space<vmem_shared>> -> memref<112x144xf32, #tpu.memory_space<vmem_shared>>
      tpu.enqueue_dma source(%dma_start3A_575 : memref<112x144xf32, #tpu.memory_space<vmem_shared>>) target(%dma_start3A_573 : memref<112x144xf32, #tpu.memory_space<hbm>>) target_semaphore(%run_scoped3A : memref<!tpu.dma_semaphore, #tpu.memory_space<semaphore_mem>>)
      %dma_wait3A_576 = arith.constant 0 : i32
      %dma_wait3A_577 = tpu.memref_slice %arg5[%arg0, %add3A_560, %dma_wait3A_576] : memref<2x10240x144xf32, #tpu.memory_space<hbm>> -> memref<1x112x144xf32, #tpu.memory_space<hbm>>
      %dma_wait3A_578 = tpu.memref_squeeze %dma_wait3A_577 : memref<1x112x144xf32, #tpu.memory_space<hbm>> -> memref<112x144xf32, #tpu.memory_space<hbm>>
      %dma_wait3A_579 = arith.constant 0 : i32
      %dma_wait3A_580 = tpu.memref_slice %arg12[%add3A_560, %dma_wait3A_579] : memref<10016x144xf32, #tpu.memory_space<vmem_shared>> -> memref<112x144xf32, #tpu.memory_space<vmem_shared>>
      tpu.wait_dma2 semaphore(%run_scoped3A : memref<!tpu.dma_semaphore, #tpu.memory_space<semaphore_mem>>) src(%dma_wait3A_580 : memref<112x144xf32, #tpu.memory_space<vmem_shared>>) dst(%dma_wait3A_578 : memref<112x144xf32, #tpu.memory_space<hbm>>)
      tpu.yield
    }) : () -> ()
    %add3A_561 = arith.constant 112 : i32
    %add3A_562 = arith.addi %mul3A_7, %add3A_561 : i32
    "tpu.region"() ({
      %run_scoped3A = tpu.sem_alloc : memref<!tpu.dma_semaphore, #tpu.memory_space<semaphore_mem>>
      %dma_start3A_571 = arith.constant 0 : i32
      %dma_start3A_572 = tpu.memref_slice %arg5[%arg0, %add3A_562, %dma_start3A_571] : memref<2x10240x144xf32, #tpu.memory_space<hbm>> -> memref<1x112x144xf32, #tpu.memory_space<hbm>>
      %dma_start3A_573 = tpu.memref_squeeze %dma_start3A_572 : memref<1x112x144xf32, #tpu.memory_space<hbm>> -> memref<112x144xf32, #tpu.memory_space<hbm>>
      %dma_start3A_574 = arith.constant 0 : i32
      %dma_start3A_575 = tpu.memref_slice %arg12[%add3A_562, %dma_start3A_574] : memref<10016x144xf32, #tpu.memory_space<vmem_shared>> -> memref<112x144xf32, #tpu.memory_space<vmem_shared>>
      tpu.enqueue_dma source(%dma_start3A_575 : memref<112x144xf32, #tpu.memory_space<vmem_shared>>) target(%dma_start3A_573 : memref<112x144xf32, #tpu.memory_space<hbm>>) target_semaphore(%run_scoped3A : memref<!tpu.dma_semaphore, #tpu.memory_space<semaphore_mem>>)
      %dma_wait3A_576 = arith.constant 0 : i32
      %dma_wait3A_577 = tpu.memref_slice %arg5[%arg0, %add3A_562, %dma_wait3A_576] : memref<2x10240x144xf32, #tpu.memory_space<hbm>> -> memref<1x112x144xf32, #tpu.memory_space<hbm>>
      %dma_wait3A_578 = tpu.memref_squeeze %dma_wait3A_577 : memref<1x112x144xf32, #tpu.memory_space<hbm>> -> memref<112x144xf32, #tpu.memory_space<hbm>>
      %dma_wait3A_579 = arith.constant 0 : i32
      %dma_wait3A_580 = tpu.memref_slice %arg12[%add3A_562, %dma_wait3A_579] : memref<10016x144xf32, #tpu.memory_space<vmem_shared>> -> memref<112x144xf32, #tpu.memory_space<vmem_shared>>
      tpu.wait_dma2 semaphore(%run_scoped3A : memref<!tpu.dma_semaphore, #tpu.memory_space<semaphore_mem>>) src(%dma_wait3A_580 : memref<112x144xf32, #tpu.memory_space<vmem_shared>>) dst(%dma_wait3A_578 : memref<112x144xf32, #tpu.memory_space<hbm>>)
      tpu.yield
    }) : () -> ()
    %add3A_563 = arith.constant 224 : i32
    %add3A_564 = arith.addi %mul3A_7, %add3A_563 : i32
    "tpu.region"() ({
      %run_scoped3A = tpu.sem_alloc : memref<!tpu.dma_semaphore, #tpu.memory_space<semaphore_mem>>
      %dma_start3A_571 = arith.constant 0 : i32
      %dma_start3A_572 = tpu.memref_slice %arg5[%arg0, %add3A_564, %dma_start3A_571] : memref<2x10240x144xf32, #tpu.memory_space<hbm>> -> memref<1x112x144xf32, #tpu.memory_space<hbm>>
      %dma_start3A_573 = tpu.memref_squeeze %dma_start3A_572 : memref<1x112x144xf32, #tpu.memory_space<hbm>> -> memref<112x144xf32, #tpu.memory_space<hbm>>
      %dma_start3A_574 = arith.constant 0 : i32
      %dma_start3A_575 = tpu.memref_slice %arg12[%add3A_564, %dma_start3A_574] : memref<10016x144xf32, #tpu.memory_space<vmem_shared>> -> memref<112x144xf32, #tpu.memory_space<vmem_shared>>
      tpu.enqueue_dma source(%dma_start3A_575 : memref<112x144xf32, #tpu.memory_space<vmem_shared>>) target(%dma_start3A_573 : memref<112x144xf32, #tpu.memory_space<hbm>>) target_semaphore(%run_scoped3A : memref<!tpu.dma_semaphore, #tpu.memory_space<semaphore_mem>>)
      %dma_wait3A_576 = arith.constant 0 : i32
      %dma_wait3A_577 = tpu.memref_slice %arg5[%arg0, %add3A_564, %dma_wait3A_576] : memref<2x10240x144xf32, #tpu.memory_space<hbm>> -> memref<1x112x144xf32, #tpu.memory_space<hbm>>
      %dma_wait3A_578 = tpu.memref_squeeze %dma_wait3A_577 : memref<1x112x144xf32, #tpu.memory_space<hbm>> -> memref<112x144xf32, #tpu.memory_space<hbm>>
      %dma_wait3A_579 = arith.constant 0 : i32
      %dma_wait3A_580 = tpu.memref_slice %arg12[%add3A_564, %dma_wait3A_579] : memref<10016x144xf32, #tpu.memory_space<vmem_shared>> -> memref<112x144xf32, #tpu.memory_space<vmem_shared>>
      tpu.wait_dma2 semaphore(%run_scoped3A : memref<!tpu.dma_semaphore, #tpu.memory_space<semaphore_mem>>) src(%dma_wait3A_580 : memref<112x144xf32, #tpu.memory_space<vmem_shared>>) dst(%dma_wait3A_578 : memref<112x144xf32, #tpu.memory_space<hbm>>)
      tpu.yield
    }) : () -> ()
    %add3A_565 = arith.constant 336 : i32
    %add3A_566 = arith.addi %mul3A_7, %add3A_565 : i32
    "tpu.region"() ({
      %run_scoped3A = tpu.sem_alloc : memref<!tpu.dma_semaphore, #tpu.memory_space<semaphore_mem>>
      %dma_start3A_571 = arith.constant 0 : i32
      %dma_start3A_572 = tpu.memref_slice %arg5[%arg0, %add3A_566, %dma_start3A_571] : memref<2x10240x144xf32, #tpu.memory_space<hbm>> -> memref<1x112x144xf32, #tpu.memory_space<hbm>>
      %dma_start3A_573 = tpu.memref_squeeze %dma_start3A_572 : memref<1x112x144xf32, #tpu.memory_space<hbm>> -> memref<112x144xf32, #tpu.memory_space<hbm>>
      %dma_start3A_574 = arith.constant 0 : i32
      %dma_start3A_575 = tpu.memref_slice %arg12[%add3A_566, %dma_start3A_574] : memref<10016x144xf32, #tpu.memory_space<vmem_shared>> -> memref<112x144xf32, #tpu.memory_space<vmem_shared>>
      tpu.enqueue_dma source(%dma_start3A_575 : memref<112x144xf32, #tpu.memory_space<vmem_shared>>) target(%dma_start3A_573 : memref<112x144xf32, #tpu.memory_space<hbm>>) target_semaphore(%run_scoped3A : memref<!tpu.dma_semaphore, #tpu.memory_space<semaphore_mem>>)
      %dma_wait3A_576 = arith.constant 0 : i32
      %dma_wait3A_577 = tpu.memref_slice %arg5[%arg0, %add3A_566, %dma_wait3A_576] : memref<2x10240x144xf32, #tpu.memory_space<hbm>> -> memref<1x112x144xf32, #tpu.memory_space<hbm>>
      %dma_wait3A_578 = tpu.memref_squeeze %dma_wait3A_577 : memref<1x112x144xf32, #tpu.memory_space<hbm>> -> memref<112x144xf32, #tpu.memory_space<hbm>>
      %dma_wait3A_579 = arith.constant 0 : i32
      %dma_wait3A_580 = tpu.memref_slice %arg12[%add3A_566, %dma_wait3A_579] : memref<10016x144xf32, #tpu.memory_space<vmem_shared>> -> memref<112x144xf32, #tpu.memory_space<vmem_shared>>
      tpu.wait_dma2 semaphore(%run_scoped3A : memref<!tpu.dma_semaphore, #tpu.memory_space<semaphore_mem>>) src(%dma_wait3A_580 : memref<112x144xf32, #tpu.memory_space<vmem_shared>>) dst(%dma_wait3A_578 : memref<112x144xf32, #tpu.memory_space<hbm>>)
      tpu.yield
    }) : () -> ()
    %add3A_567 = arith.constant 448 : i32
    %add3A_568 = arith.addi %mul3A_7, %add3A_567 : i32
    "tpu.region"() ({
      %run_scoped3A = tpu.sem_alloc : memref<!tpu.dma_semaphore, #tpu.memory_space<semaphore_mem>>
      %dma_start3A_571 = arith.constant 0 : i32
      %dma_start3A_572 = tpu.memref_slice %arg5[%arg0, %add3A_568, %dma_start3A_571] : memref<2x10240x144xf32, #tpu.memory_space<hbm>> -> memref<1x112x144xf32, #tpu.memory_space<hbm>>
      %dma_start3A_573 = tpu.memref_squeeze %dma_start3A_572 : memref<1x112x144xf32, #tpu.memory_space<hbm>> -> memref<112x144xf32, #tpu.memory_space<hbm>>
      %dma_start3A_574 = arith.constant 0 : i32
      %dma_start3A_575 = tpu.memref_slice %arg12[%add3A_568, %dma_start3A_574] : memref<10016x144xf32, #tpu.memory_space<vmem_shared>> -> memref<112x144xf32, #tpu.memory_space<vmem_shared>>
      tpu.enqueue_dma source(%dma_start3A_575 : memref<112x144xf32, #tpu.memory_space<vmem_shared>>) target(%dma_start3A_573 : memref<112x144xf32, #tpu.memory_space<hbm>>) target_semaphore(%run_scoped3A : memref<!tpu.dma_semaphore, #tpu.memory_space<semaphore_mem>>)
      %dma_wait3A_576 = arith.constant 0 : i32
      %dma_wait3A_577 = tpu.memref_slice %arg5[%arg0, %add3A_568, %dma_wait3A_576] : memref<2x10240x144xf32, #tpu.memory_space<hbm>> -> memref<1x112x144xf32, #tpu.memory_space<hbm>>
      %dma_wait3A_578 = tpu.memref_squeeze %dma_wait3A_577 : memref<1x112x144xf32, #tpu.memory_space<hbm>> -> memref<112x144xf32, #tpu.memory_space<hbm>>
      %dma_wait3A_579 = arith.constant 0 : i32
      %dma_wait3A_580 = tpu.memref_slice %arg12[%add3A_568, %dma_wait3A_579] : memref<10016x144xf32, #tpu.memory_space<vmem_shared>> -> memref<112x144xf32, #tpu.memory_space<vmem_shared>>
      tpu.wait_dma2 semaphore(%run_scoped3A : memref<!tpu.dma_semaphore, #tpu.memory_space<semaphore_mem>>) src(%dma_wait3A_580 : memref<112x144xf32, #tpu.memory_space<vmem_shared>>) dst(%dma_wait3A_578 : memref<112x144xf32, #tpu.memory_space<hbm>>)
      tpu.yield
    }) : () -> ()
    %add3A_569 = arith.constant 560 : i32
    %add3A_570 = arith.addi %mul3A_7, %add3A_569 : i32
    "tpu.region"() ({
      %run_scoped3A = tpu.sem_alloc : memref<!tpu.dma_semaphore, #tpu.memory_space<semaphore_mem>>
      %dma_start3A_571 = arith.constant 0 : i32
      %dma_start3A_572 = tpu.memref_slice %arg5[%arg0, %add3A_570, %dma_start3A_571] : memref<2x10240x144xf32, #tpu.memory_space<hbm>> -> memref<1x66x144xf32, #tpu.memory_space<hbm>>
      %dma_start3A_573 = tpu.memref_squeeze %dma_start3A_572 : memref<1x66x144xf32, #tpu.memory_space<hbm>> -> memref<66x144xf32, #tpu.memory_space<hbm>>
      %dma_start3A_574 = arith.constant 0 : i32
      %dma_start3A_575 = tpu.memref_slice %arg12[%add3A_570, %dma_start3A_574] : memref<10016x144xf32, #tpu.memory_space<vmem_shared>> -> memref<66x144xf32, #tpu.memory_space<vmem_shared>>
      tpu.enqueue_dma source(%dma_start3A_575 : memref<66x144xf32, #tpu.memory_space<vmem_shared>>) target(%dma_start3A_573 : memref<66x144xf32, #tpu.memory_space<hbm>>) target_semaphore(%run_scoped3A : memref<!tpu.dma_semaphore, #tpu.memory_space<semaphore_mem>>)
      %dma_wait3A_576 = arith.constant 0 : i32
      %dma_wait3A_577 = tpu.memref_slice %arg5[%arg0, %add3A_570, %dma_wait3A_576] : memref<2x10240x144xf32, #tpu.memory_space<hbm>> -> memref<1x66x144xf32, #tpu.memory_space<hbm>>
      %dma_wait3A_578 = tpu.memref_squeeze %dma_wait3A_577 : memref<1x66x144xf32, #tpu.memory_space<hbm>> -> memref<66x144xf32, #tpu.memory_space<hbm>>
      %dma_wait3A_579 = arith.constant 0 : i32
      %dma_wait3A_580 = tpu.memref_slice %arg12[%add3A_570, %dma_wait3A_579] : memref<10016x144xf32, #tpu.memory_space<vmem_shared>> -> memref<66x144xf32, #tpu.memory_space<vmem_shared>>
      tpu.wait_dma2 semaphore(%run_scoped3A : memref<!tpu.dma_semaphore, #tpu.memory_space<semaphore_mem>>) src(%dma_wait3A_580 : memref<66x144xf32, #tpu.memory_space<vmem_shared>>) dst(%dma_wait3A_578 : memref<66x144xf32, #tpu.memory_space<hbm>>)
      tpu.yield
    }) : () -> ()
    return
  }
}

module attributes {stable_mosaic.version = 14 : i64} {
  func.func @_dense_body(%arg0: i32, %arg1: i32, %arg2: memref<512x128xf32, #tpu.memory_space<vmem>>, %arg3: memref<1x128x128xf32, #tpu.memory_space<vmem>>, %arg4: memref<1x128x16xf32, #tpu.memory_space<vmem>>, %arg5: memref<1x128x16xf32, #tpu.memory_space<vmem>>, %arg6: memref<512x144xf32, #tpu.memory_space<vmem>>, %arg7: memref<512x16xf32, #tpu.memory_space<vmem>>) attributes {dimension_semantics = [#tpu.dimension_semantics<arbitrary>, #tpu.dimension_semantics<arbitrary>], iteration_bounds = array<i64: 2, 20>, scalar_prefetch = 0 : i64, scratch_operands = 0 : i64, tpu.core_type = #tpu.core_type<tc>, window_params = [{transform_indices = @transform_0, window_bounds = array<i64: 512, 128>}, {transform_indices = @transform_1, window_bounds = array<i64: 1, 128, 128>}, {transform_indices = @transform_2, window_bounds = array<i64: 1, 128, 16>}, {transform_indices = @transform_3, window_bounds = array<i64: 1, 128, 16>}, {transform_indices = @transform_4, window_bounds = array<i64: 512, 144>}, {transform_indices = @transform_5, window_bounds = array<i64: 512, 16>}]} {
    %get3A = arith.constant 0 : index
    %get3A_0 = arith.constant 0 : index
    %get3A_1 = vector.load %arg2[%get3A, %get3A_0] : memref<512x128xf32, #tpu.memory_space<vmem>>, vector<512x128xf32>
    %get3A_2 = arith.constant 0 : index
    %get3A_3 = arith.constant 0 : index
    %get3A_4 = arith.constant 0 : index
    %get3A_5 = vector.load %arg3[%get3A_2, %get3A_3, %get3A_4] : memref<1x128x128xf32, #tpu.memory_space<vmem>>, vector<1x128x128xf32>
    %get3A_6 = vector.shape_cast %get3A_5 : vector<1x128x128xf32> to vector<128x128xf32>
    %dot_general3A = arith.constant dense<0.000000e+00> : vector<512x128xf32>
    %dot_general3A_7 = tpu.matmul %get3A_1, %get3A_6, %dot_general3A {dimension_numbers = #tpu.dot_dimension_numbers<[1], [0], [0], [1], [0, 0, 1, 1], [], []>, transpose_lhs_hint = false} : vector<512x128xf32>, vector<128x128xf32>, vector<512x128xf32> -> vector<512x128xf32>
    %get3A_8 = arith.constant 0 : index
    %get3A_9 = arith.constant 0 : index
    %get3A_10 = arith.constant 0 : index
    %get3A_11 = vector.load %arg4[%get3A_8, %get3A_9, %get3A_10] : memref<1x128x16xf32, #tpu.memory_space<vmem>>, vector<1x128x16xf32>
    %get3A_12 = vector.shape_cast %get3A_11 : vector<1x128x16xf32> to vector<128x16xf32>
    %dot_general3A_13 = arith.constant dense<0.000000e+00> : vector<512x16xf32>
    %dot_general3A_14 = tpu.matmul %dot_general3A_7, %get3A_12, %dot_general3A_13 {dimension_numbers = #tpu.dot_dimension_numbers<[1], [0], [0], [1], [0, 0, 1, 1], [], []>, transpose_lhs_hint = false} : vector<512x128xf32>, vector<128x16xf32>, vector<512x16xf32> -> vector<512x16xf32>
    %get3A_15 = arith.constant 0 : index
    %get3A_16 = arith.constant 0 : index
    %get3A_17 = arith.constant 0 : index
    %get3A_18 = vector.load %arg5[%get3A_15, %get3A_16, %get3A_17] : memref<1x128x16xf32, #tpu.memory_space<vmem>>, vector<1x128x16xf32>
    %get3A_19 = vector.shape_cast %get3A_18 : vector<1x128x16xf32> to vector<128x16xf32>
    %dot_general3A_20 = arith.constant dense<0.000000e+00> : vector<512x16xf32>
    %dot_general3A_21 = tpu.matmul %dot_general3A_7, %get3A_19, %dot_general3A_20 {dimension_numbers = #tpu.dot_dimension_numbers<[1], [0], [0], [1], [0, 0, 1, 1], [], []>, transpose_lhs_hint = false} : vector<512x128xf32>, vector<128x16xf32>, vector<512x16xf32> -> vector<512x16xf32>
    %concatenate3A = tpu.concatenate %dot_general3A_7, %dot_general3A_14 in 1 : vector<512x128xf32>, vector<512x16xf32> -> vector<512x144xf32>
    %swap3A = arith.constant 0 : index
    %swap3A_22 = arith.constant 0 : index
    %swap3A_23 = vector.load %arg6[%swap3A, %swap3A_22] : memref<512x144xf32, #tpu.memory_space<vmem>>, vector<512x144xf32>
    tpu.vector_store %arg6[%swap3A, %swap3A_22], %concatenate3A {strides = array<i32>} : memref<512x144xf32, #tpu.memory_space<vmem>>, vector<512x144xf32>,
    %swap3A_24 = arith.constant 0 : index
    %swap3A_25 = arith.constant 0 : index
    %swap3A_26 = vector.load %arg7[%swap3A_24, %swap3A_25] : memref<512x16xf32, #tpu.memory_space<vmem>>, vector<512x16xf32>
    tpu.vector_store %arg7[%swap3A_24, %swap3A_25], %dot_general3A_21 {strides = array<i32>} : memref<512x16xf32, #tpu.memory_space<vmem>>, vector<512x16xf32>,
    return
  }
  func.func @transform_0(%arg0: i32, %arg1: i32) -> (i32, i32) {
    %c0_i32 = arith.constant 0 : i32
    %c0_i32_0 = arith.constant 0 : i32
    return %arg1, %c0_i32 : i32, i32
  }
  func.func @transform_1(%arg0: i32, %arg1: i32) -> (i32, i32, i32) {
    %c0_i32 = arith.constant 0 : i32
    %c0_i32_0 = arith.constant 0 : i32
    %c0_i32_1 = arith.constant 0 : i32
    return %arg0, %c0_i32, %c0_i32_0 : i32, i32, i32
  }
  func.func @transform_2(%arg0: i32, %arg1: i32) -> (i32, i32, i32) {
    %c0_i32 = arith.constant 0 : i32
    %c0_i32_0 = arith.constant 0 : i32
    %c0_i32_1 = arith.constant 0 : i32
    return %arg0, %c0_i32, %c0_i32_0 : i32, i32, i32
  }
  func.func @transform_3(%arg0: i32, %arg1: i32) -> (i32, i32, i32) {
    %c0_i32 = arith.constant 0 : i32
    %c0_i32_0 = arith.constant 0 : i32
    %c0_i32_1 = arith.constant 0 : i32
    return %arg0, %c0_i32, %c0_i32_0 : i32, i32, i32
  }
  func.func @transform_4(%arg0: i32, %arg1: i32) -> (i32, i32) {
    %mul3A = arith.constant 20 : i32
    %mul3A_0 = arith.muli %arg0, %mul3A : i32
    %add3A = arith.addi %mul3A_0, %arg1 : i32
    %c0_i32 = arith.constant 0 : i32
    %c0_i32_1 = arith.constant 0 : i32
    return %add3A, %c0_i32 : i32, i32
  }
  func.func @transform_5(%arg0: i32, %arg1: i32) -> (i32, i32) {
    %mul3A = arith.constant 20 : i32
    %mul3A_0 = arith.muli %arg0, %mul3A : i32
    %add3A = arith.addi %mul3A_0, %arg1 : i32
    %c0_i32 = arith.constant 0 : i32
    %c0_i32_1 = arith.constant 0 : i32
    return %add3A, %c0_i32 : i32, i32
  }
}

module attributes {stable_mosaic.version = 14 : i64} {
  func.func @_comb_body(%arg0: i32, %arg1: memref<1x512x144xf32, #tpu.memory_space<vmem>>, %arg2: memref<1x512x144xf32, #tpu.memory_space<vmem>>, %arg3: memref<8x128xf32, #tpu.memory_space<vmem>>, %arg4: memref<2x128xf32, #tpu.memory_space<vmem>>, %arg5: memref<1x128xf32, #tpu.memory_space<vmem>>, %arg6: memref<1x1xf32, #tpu.memory_space<vmem>>, %arg7: memref<512x128xf32, #tpu.memory_space<vmem>>) attributes {dimension_semantics = [#tpu.dimension_semantics<arbitrary>], iteration_bounds = array<i64: 20>, scalar_prefetch = 0 : i64, scratch_operands = 0 : i64, tpu.core_type = #tpu.core_type<tc>, window_params = [{transform_indices = @transform_0, window_bounds = array<i64: 1, 512, 144>}, {transform_indices = @transform_1, window_bounds = array<i64: 1, 512, 144>}, {pipeline_mode = #tpu.pipeline_mode<synchronous>, transform_indices = @transform_2, window_bounds = array<i64: 8, 128>}, {pipeline_mode = #tpu.pipeline_mode<synchronous>, transform_indices = @transform_3, window_bounds = array<i64: 2, 128>}, {pipeline_mode = #tpu.pipeline_mode<synchronous>, transform_indices = @transform_4, window_bounds = array<i64: 1, 128>}, {pipeline_mode = #tpu.pipeline_mode<synchronous>, transform_indices = @transform_5, window_bounds = array<i64: 1, 1>}, {transform_indices = @transform_6, window_bounds = array<i64: 512, 128>}]} {
    %get3A = arith.constant 0 : index
    %get3A_0 = arith.constant 0 : index
    %get3A_1 = vector.load %arg3[%get3A, %get3A_0] : memref<8x128xf32, #tpu.memory_space<vmem>>, vector<8x128xf32>
    %get3A_2 = arith.constant 0 : index
    %get3A_3 = arith.constant 0 : index
    %get3A_4 = vector.load %arg5[%get3A_2, %get3A_3] : memref<1x128xf32, #tpu.memory_space<vmem>>, vector<1x128xf32>
    %get3A_5 = arith.constant 0 : index
    %get3A_6 = arith.constant 0 : index
    %get3A_7 = vector.load %arg6[%get3A_5, %get3A_6] : memref<1x1xf32, #tpu.memory_space<vmem>>, vector<1x1xf32>
    %get3A_8 = vector.extract %get3A_7[0, 0] : f32 from vector<1x1xf32>
    %get3A_9 = arith.constant 0 : index
    %get3A_10 = arith.constant 0 : index
    %get3A_11 = arith.constant 0 : index
    %get3A_12 = vector.load %arg1[%get3A_9, %get3A_10, %get3A_11] : memref<1x512x144xf32, #tpu.memory_space<vmem>>, vector<1x512x144xf32>
    %get3A_13 = vector.shape_cast %get3A_12 : vector<1x512x144xf32> to vector<512x144xf32>
    %slice3A = vector.extract_strided_slice %get3A_13 {offsets = [0, 0], sizes = [512, 128], strides = [1, 1]} : vector<512x144xf32> to vector<512x128xf32>
    %slice3A_14 = vector.extract_strided_slice %get3A_13 {offsets = [0, 128], sizes = [512, 8], strides = [1, 1]} : vector<512x144xf32> to vector<512x8xf32>
    %dot_general3A = arith.constant dense<0.000000e+00> : vector<512x128xf32>
    %dot_general3A_15 = tpu.matmul %slice3A_14, %get3A_1, %dot_general3A {dimension_numbers = #tpu.dot_dimension_numbers<[1], [0], [0], [1], [0, 0, 1, 1], [], []>, transpose_lhs_hint = false} : vector<512x8xf32>, vector<8x128xf32>, vector<512x128xf32> -> vector<512x128xf32>
    %add3A = arith.constant 1.000000e-16 : f32
    %add3A_16 = vector.broadcast %add3A : f32 to vector<512x128xf32>
    %add3A_17 = arith.addf %dot_general3A_15, %add3A_16 : vector<512x128xf32>
    %div3A = arith.divf %slice3A, %add3A_17 : vector<512x128xf32>
    %get3A_18 = arith.constant 0 : index
    %get3A_19 = arith.constant 0 : index
    %get3A_20 = vector.load %arg4[%get3A_18, %get3A_19] : memref<2x128xf32, #tpu.memory_space<vmem>>, vector<1x128xf32>
    %get3A_21 = vector.shape_cast %get3A_20 : vector<1x128xf32> to vector<128xf32>
    %broadcast_in_dim3A = vector.shape_cast %get3A_21 : vector<128xf32> to vector<1x128xf32>
    %add3A_22 = vector.broadcast %broadcast_in_dim3A : vector<1x128xf32> to vector<512x128xf32>
    %add3A_23 = arith.addf %div3A, %add3A_22 : vector<512x128xf32>
    %mul3A = vector.broadcast %get3A_4 : vector<1x128xf32> to vector<512x128xf32>
    %mul3A_24 = arith.mulf %add3A_23, %mul3A : vector<512x128xf32>
    %reduce_sum3A = arith.constant dense<0.000000e+00> : vector<512xf32>
    %reduce_sum3A_25 = vector.multi_reduction <add>, %mul3A_24, %reduce_sum3A [1] : vector<512x128xf32> to vector<512xf32>
    %broadcast_in_dim3A_26 = vector.shape_cast %reduce_sum3A_25 : vector<512xf32> to vector<512x1xf32>
    %add3A_27 = vector.broadcast %get3A_8 : f32 to vector<512x1xf32>
    %add3A_28 = arith.addf %broadcast_in_dim3A_26, %add3A_27 : vector<512x1xf32>
    %get3A_29 = arith.constant 0 : index
    %get3A_30 = arith.constant 0 : index
    %get3A_31 = arith.constant 0 : index
    %get3A_32 = vector.load %arg2[%get3A_29, %get3A_30, %get3A_31] : memref<1x512x144xf32, #tpu.memory_space<vmem>>, vector<1x512x144xf32>
    %get3A_33 = vector.shape_cast %get3A_32 : vector<1x512x144xf32> to vector<512x144xf32>
    %slice3A_34 = vector.extract_strided_slice %get3A_33 {offsets = [0, 0], sizes = [512, 128], strides = [1, 1]} : vector<512x144xf32> to vector<512x128xf32>
    %slice3A_35 = vector.extract_strided_slice %get3A_33 {offsets = [0, 128], sizes = [512, 8], strides = [1, 1]} : vector<512x144xf32> to vector<512x8xf32>
    %dot_general3A_36 = arith.constant dense<0.000000e+00> : vector<512x128xf32>
    %dot_general3A_37 = tpu.matmul %slice3A_35, %get3A_1, %dot_general3A_36 {dimension_numbers = #tpu.dot_dimension_numbers<[1], [0], [0], [1], [0, 0, 1, 1], [], []>, transpose_lhs_hint = false} : vector<512x8xf32>, vector<8x128xf32>, vector<512x128xf32> -> vector<512x128xf32>
    %add3A_38 = arith.constant 1.000000e-16 : f32
    %add3A_39 = vector.broadcast %add3A_38 : f32 to vector<512x128xf32>
    %add3A_40 = arith.addf %dot_general3A_37, %add3A_39 : vector<512x128xf32>
    %div3A_41 = arith.divf %slice3A_34, %add3A_40 : vector<512x128xf32>
    %get3A_42 = arith.constant 1 : index
    %get3A_43 = arith.constant 0 : index
    %get3A_44 = vector.load %arg4[%get3A_42, %get3A_43] : memref<2x128xf32, #tpu.memory_space<vmem>>, vector<1x128xf32>
    %get3A_45 = vector.shape_cast %get3A_44 : vector<1x128xf32> to vector<128xf32>
    %broadcast_in_dim3A_46 = vector.shape_cast %get3A_45 : vector<128xf32> to vector<1x128xf32>
    %add3A_47 = vector.broadcast %broadcast_in_dim3A_46 : vector<1x128xf32> to vector<512x128xf32>
    %add3A_48 = arith.addf %div3A_41, %add3A_47 : vector<512x128xf32>
    %mul3A_49 = vector.broadcast %get3A_4 : vector<1x128xf32> to vector<512x128xf32>
    %mul3A_50 = arith.mulf %add3A_48, %mul3A_49 : vector<512x128xf32>
    %reduce_sum3A_51 = arith.constant dense<0.000000e+00> : vector<512xf32>
    %reduce_sum3A_52 = vector.multi_reduction <add>, %mul3A_50, %reduce_sum3A_51 [1] : vector<512x128xf32> to vector<512xf32>
    %broadcast_in_dim3A_53 = vector.shape_cast %reduce_sum3A_52 : vector<512xf32> to vector<512x1xf32>
    %add3A_54 = vector.broadcast %get3A_8 : f32 to vector<512x1xf32>
    %add3A_55 = arith.addf %broadcast_in_dim3A_53, %add3A_54 : vector<512x1xf32>
    %mul3A_56 = vector.broadcast %add3A_28 : vector<512x1xf32> to vector<512x128xf32>
    %mul3A_57 = arith.mulf %mul3A_56, %add3A_23 : vector<512x128xf32>
    %mul3A_58 = vector.broadcast %add3A_55 : vector<512x1xf32> to vector<512x128xf32>
    %mul3A_59 = arith.mulf %mul3A_58, %add3A_48 : vector<512x128xf32>
    %add3A_60 = arith.addf %mul3A_57, %mul3A_59 : vector<512x128xf32>
    %swap3A = arith.constant 0 : index
    %swap3A_61 = arith.constant 0 : index
    %swap3A_62 = vector.load %arg7[%swap3A, %swap3A_61] : memref<512x128xf32, #tpu.memory_space<vmem>>, vector<512x128xf32>
    tpu.vector_store %arg7[%swap3A, %swap3A_61], %add3A_60 {strides = array<i32>} : memref<512x128xf32, #tpu.memory_space<vmem>>, vector<512x128xf32>,
    return
  }
  func.func @transform_0(%arg0: i32) -> (i32, i32, i32) {
    %c0_i32 = arith.constant 0 : i32
    %c0_i32_0 = arith.constant 0 : i32
    %c0_i32_1 = arith.constant 0 : i32
    return %c0_i32, %arg0, %c0_i32_0 : i32, i32, i32
  }
  func.func @transform_1(%arg0: i32) -> (i32, i32, i32) {
    %c1_i32 = arith.constant 1 : i32
    %c0_i32 = arith.constant 0 : i32
    %c0_i32_0 = arith.constant 0 : i32
    return %c1_i32, %arg0, %c0_i32 : i32, i32, i32
  }
  func.func @transform_2(%arg0: i32) -> (i32, i32) {
    %c0_i32 = arith.constant 0 : i32
    %c0_i32_0 = arith.constant 0 : i32
    %c0_i32_1 = arith.constant 0 : i32
    return %c0_i32, %c0_i32_0 : i32, i32
  }
  func.func @transform_3(%arg0: i32) -> (i32, i32) {
    %c0_i32 = arith.constant 0 : i32
    %c0_i32_0 = arith.constant 0 : i32
    %c0_i32_1 = arith.constant 0 : i32
    return %c0_i32, %c0_i32_0 : i32, i32
  }
  func.func @transform_4(%arg0: i32) -> (i32, i32) {
    %c0_i32 = arith.constant 0 : i32
    %c0_i32_0 = arith.constant 0 : i32
    %c0_i32_1 = arith.constant 0 : i32
    return %c0_i32, %c0_i32_0 : i32, i32
  }
  func.func @transform_5(%arg0: i32) -> (i32, i32) {
    %c0_i32 = arith.constant 0 : i32
    %c0_i32_0 = arith.constant 0 : i32
    %c0_i32_1 = arith.constant 0 : i32
    return %c0_i32, %c0_i32_0 : i32, i32
  }
  func.func @transform_6(%arg0: i32) -> (i32, i32) {
    %c0_i32 = arith.constant 0 : i32
    %c0_i32_0 = arith.constant 0 : i32
    return %arg0, %c0_i32 : i32, i32
  }
}

</mosaic_0001>

<sc_bundles>
// kernel: kernel.5.cloned.1.call-start
scs
__scs_entry_jumppad:
0x0: {  	(pc) =	sbr.rel $0x88, $3  }
0x1: {  	(tag) =	ssettag $0x0;
	lr =	simm.s32 $0x1  }
0x2: {  	[smem:$0x3F94] =	sst lr;
	_ =	strace $0xD0000000  }
0x3: {  	_ = 	snop  }
0x4: {  	_ = 	snop  }
0x5: {  	_ = 	snop  }
0x6: {  	_ = 	snop  }
0x7: {  	_ = 	snop  }
__scs_overlays_trampoline_lowered:
0x8: {  	[smem:$0x3FA3] =	sst s0  }
0x9: {  	[smem:$0x3FA4] =	sst s1  }
0xa: {  	[smem:$0x3FA5] =	sst s2  }
0xb: {  	[smem:$0x3FA6] =	sst s3  }
0xc: {  	[smem:$0x3FA7] =	sst s4  }
0xd: {  	[smem:$0x3FA8] =	sst s5  }
0xe: {  	[smem:$0x3FA9] =	sst s6  }
0xf: {  	[smem:$0x3FAA] =	sst s7  }
0x10: {  	[smem:$0x3FAB] =	sst s8  }
0x11: {  	[smem:$0x3FAC] =	sst s9;
	s0 =	simm.s32 @!p0 $0x0  }
0x12: {  	s1 =	sld [smem:$0x3F92];
	s0 =	simm.s32 @p0 $0x1  }
0x13: {  	[smem:$0x3FAD] =	sst s0;
	s0 =	simm.s32 @!p1 $0x0  }
0x14: {  	s2 =	sld [smem:$0x3F91];
	s0 =	simm.s32 @p1 $0x1  }
0x15: {  	[smem:$0x3FAE] =	sst s0;
	s0 =	simm.s32 @!p2 $0x0  }
0x16: {  	s3 =	sld [smem:$0x3FDB];
	s0 =	simm.s32 @p2 $0x1  }
0x17: {  	s4 =	simm.s32 $0x1BF5;
	[smem:$0x3FB0] =	sst s0  }
0x18: {  	s0 =	sld [smem:$0x3F93];
	_ =	swait.ge [sflag:s4], $0x0  }
0x19: {  	s7 =	sld [smem:$0x3F94]  }
0x1a: {  	s8 =	sadd.s32 $0xFFFFE003, lr  }
0x1b: {  	s9 =	sadd.s32 $0xFFFFFEF7, lr;
	s5 =	simm.s32 $0xFFFFFFFF;
	p2 =	slt.u32 s8, $0xFFFFF086  }
0x1c: {  	p1 =	slt.u32 s9, $0xF7A;
	s5 =	simm.s32 @!p2 $0x0  }
0x1d: {  	s5 =	simm.s32 @p1 $0x1;
	p0 =	seq.s32 s7, s2  }
0x1e: {  	s7 =	smul.u32 @!p0 $0xF7A, s2;
	p2 =	seq.s32 @!p0 s5, $0x0  }
0x1f: {  	s9 =	smul.u32 $0xF7A, s1;
	s8 =	simm.s32 @!p0 $0x1BF5;
	p2 =	por !p2, p0  }
0x20: {  	[sflag:s8] =	ssyncset.s32 @!p0 $0xFFFFF086;
	s6 =	sadd.s32 @!p0 s3, s7;
	s7 =	simm.s32 @!p0 $0x108  }
0x21: {  	s3 =	sadd.s32 s3, s9;
	s6 =	sadd.s32 @!p0 $0x88, s6;
	s7 =	simm.s32 @p2 $0x1082  }
0x22: {  	[simem:s7], [sflag:s8] =	dma.local @!p0 [hbm:s6], $0xF7A  }
0x23: {  	s9 =	sor.u32 $0xD0000000, s2;
	s6 =	simm.s32 $0x108;
	_ =	swait.ge @!p0 [sflag:s8], $0x0  }
0x24: {  	s3 =	sadd.s32 $0x88, s3;
	s6 =	simm.s32 @!p1 $0x1082;
	[sflag:s4] =	ssyncset.s32 $0xFFFFF086  }
0x25: {  	[simem:s6], [sflag:s4] =	dma.local [hbm:s3], $0xF7A  }
0x26: {  	[smem:$0x3F94] =	sst s1;
	(tag) =	ssettag s2;
	_ =	strace s9  }
0x27: {  	s1 =	sld [smem:$0x3FA4]  }
0x28: {  	s2 =	sld [smem:$0x3FA5]  }
0x29: {  	s4 =	sld [smem:$0x3FA7]  }
0x2a: {  	p0 =	seq.s32 s5, $0x0;
	s5 =	sld [smem:$0x3FA8]  }
0x2b: {  	s6 =	sld [smem:$0x3FA9]  }
0x2c: {  	s7 =	sld [smem:$0x3FAA]  }
0x2d: {  	s3 =	simm.s32 $0x108;
	s8 =	sld [smem:$0x3FAB]  }
0x2e: {  	s3 =	simm.s32 @!p0 $0x1082;
	s9 =	sld [smem:$0x3FAC]  }
0x2f: {  	lr =	sadd.s32 s0, s3;
	s0 =	sld [smem:$0x3FA3]  }
0x30: {  	s3 =	sld [smem:$0x3FA6]  }
0x31: {  	[smem:$0x3FAF] =	sst s10  }
0x32: {  	s10 =	sld [smem:$0x3FAD];
	_ =	sdelay $0x3  }
0x33: {  	p0 =	seq.s32 s10, $0x1;
	s10 =	sld [smem:$0x3FAF];
	_ =	sdelay $0x3  }
0x34: {  	[smem:$0x3FAF] =	sst s10  }
0x35: {  	s10 =	sld [smem:$0x3FAE];
	_ =	sdelay $0x3  }
0x36: {  	p1 =	seq.s32 s10, $0x1;
	s10 =	sld [smem:$0x3FAF];
	_ =	sdelay $0x3  }
0x37: {  	[smem:$0x3FAF] =	sst s10  }
0x38: {  	s10 =	sld [smem:$0x3FB0]  }
0x39: {  	_ = 	snop;
	(pc) =	sbr.ind lr, $3  }
0x3a: {  	_ = 	snop  }
0x3b: {  	_ = 	snop  }
0x3c: {  	p2 =	seq.s32 s10, $0x1;
	s10 =	sld [smem:$0x3FAF]  }
0x3d: {  	_ =	shalt  }
0x3e: {  	_ =	shalt  }
0x3f: {  	_ =	shalt  }
0x40: {  	_ =	shalt  }
0x41: {  	_ =	shalt  }
0x42: {  	_ =	shalt  }
0x43: {  	_ =	shalt  }
0x44: {  	_ =	shalt  }
0x45: {  	_ =	shalt  }
0x46: {  	_ =	shalt  }
0x47: {  	_ =	shalt  }
0x48: {  	_ =	shalt  }
0x49: {  	_ =	shalt  }
0x4a: {  	_ =	shalt  }
0x4b: {  	_ =	shalt  }
0x4c: {  	_ =	shalt  }
0x4d: {  	_ =	shalt  }
0x4e: {  	_ =	shalt  }
0x4f: {  	_ =	shalt  }
0x50: {  	_ =	shalt  }
0x51: {  	_ =	shalt  }
0x52: {  	_ =	shalt  }
0x53: {  	_ =	shalt  }
0x54: {  	_ =	shalt  }
0x55: {  	_ =	shalt  }
0x56: {  	_ =	shalt  }
0x57: {  	_ =	shalt  }
0x58: {  	_ =	shalt  }
0x59: {  	_ =	shalt  }
0x5a: {  	_ =	shalt  }
0x5b: {  	_ =	shalt  }
0x5c: {  	_ =	shalt  }
0x5d: {  	_ =	shalt  }
0x5e: {  	_ =	shalt  }
0x5f: {  	_ =	shalt  }
0x60: {  	_ =	shalt  }
0x61: {  	_ =	shalt  }
0x62: {  	_ =	shalt  }
0x63: {  	_ =	shalt  }
0x64: {  	_ =	shalt  }
0x65: {  	_ =	shalt  }
0x66: {  	_ =	shalt  }
0x67: {  	_ =	shalt  }
0x68: {  	_ =	shalt  }
0x69: {  	_ =	shalt  }
0x6a: {  	_ =	shalt  }
0x6b: {  	_ =	shalt  }
0x6c: {  	_ =	shalt  }
0x6d: {  	_ =	shalt  }
0x6e: {  	_ =	shalt  }
0x6f: {  	_ =	shalt  }
0x70: {  	_ =	shalt  }
0x71: {  	_ =	shalt  }
0x72: {  	_ =	shalt  }
0x73: {  	_ =	shalt  }
0x74: {  	_ =	shalt  }
0x75: {  	_ =	shalt  }
0x76: {  	_ =	shalt  }
0x77: {  	_ =	shalt  }
0x78: {  	_ =	shalt  }
0x79: {  	_ =	shalt  }
0x7a: {  	_ =	shalt  }
0x7b: {  	_ =	shalt  }
0x7c: {  	_ =	shalt  }
0x7d: {  	_ =	shalt  }
0x7e: {  	_ =	shalt  }
0x7f: {  	_ =	shalt  }
0x80: {  	_ =	shalt  }
0x81: {  	_ =	shalt  }
0x82: {  	_ =	shalt  }
0x83: {  	_ =	shalt  }
0x84: {  	_ =	shalt  }
0x85: {  	_ =	shalt  }
0x86: {  	_ =	shalt  }
0x87: {  	_ =	shalt  }
.Lfunc_end0:
.L_simem_size_0:
called_computation_lowered:
.L_overlay_start_0:
0x88: {  	s2 =	sld [smem:$0x3FD9]  }
0x89: {  	s3 =	sld [smem:$0x3FFE];
	_ =	sdelay $0x1  }
0x8a: {  	s1 =	srdreg.scid  }
0x8b: {  	s0 =	sand.u32 $0x1, s1  }
0x8c: {  	s17 =	sshll.u32 s0, $0xA;
	s2 =	sadd.s32 s3, s2  }
0x8d: {  	s2 =	sadd.s32 s2, s17  }
0x8e: {  	[smem:$0x3FBB] =	sst s2  }
0x8f: {  	_ = 	snop  }
0x90: {  	s2 =	sld [smem:$0x3FD0];
	(tm) =	ssettm $0x1  }
0x91: {  	s18 =	sld [smem:$0x3FFB];
	_ =	sdelay $0x3  }
0x92: {  	_ =	strace s18  }
0x93: {  	s3 =	sld [smem:$0x3FFC];
	_ =	sdelay $0x3  }
0x94: {  	_ =	strace s3  }
0x95: {  	s3 =	sld [smem:$0x3FFD];
	_ =	sdelay $0x3  }
0x96: {  	_ =	strace s3  }
0x97: {  	_ =	strace $0x8FFFFFFF  }
0x98: {  	s19 =	sld [smem:$0x3FDB];
	_ =	sdelay $0x1  }
0x99: {  	s4 =	simm.s32 $_scs_section_size  }
0x9a: {  	s5 =	simm.s32 $_size__tile_overlayer_lowered;
	s6 =	simm.s32 $_tile_overlayer_lowered  }
0x9b: {  	s22 =	simm.s32 $0x1BFF;
	s21 =	sshll.u32 s6, $0x1;
	s3 =	sadd.s32 s4, s19  }
0x9c: {  	s7 =	simm.s32 $0x0;
	s20 =	sshll.u32 s5, $0x1;
	s5 =	sadd.s32 s21, s3  }
0x9d: {  	[timem:s7], [sflag:s22] =	dma.local [hbm:s5], s20  }
0x9e: {  	_ =	swait.ge [sflag:s22], s20  }
0x9f: {  	s4 =	ssub.s32 $0x0, s20;
	[sflag:s22] =	ssyncset.done $0x0  }
0xa0: {  	[sflag:s22] =	ssyncadd.s32 s4;
	_ =	sdelay $0x1  }
0xa1: {  	s23 =	simm.s32 $0x1B8B  }
0xa2: {  	_ =	swait.ge [sflag:s23], $0x1  }
0xa3: {  	[sflag:s23] =	ssyncset.done $0x0  }
0xa4: {  	s25 =	simm.s32 $0x1B8E;
	s24 =	sld [smem:$0x3FFE];
	[sflag:s23] =	ssyncadd.s32 $0xFFFFFFFF  }
0xa5: {  	s26 =	simm.s32 $execute0_lowered;
	[smem:$0x3FD2] =	sst s25  }
0xa6: {  	s5 =	sshll.u32 s26, $0x1;
	_ =	strace $0x80000046;
	[dreg:$0x1] =	wrdreg $0xFFFFFFFF  }
0xa7: {  	s28 =	simm.s32 $_size_execute0_lowered;
	s3 =	sadd.s32 s3, s5;
	[dreg:$0x0] =	wrdreg $0x0  }
0xa8: {  	s5 =	sshll.u32 s28, $0x1;
	[dreg:$0x2] =	wrdreg s3  }
0xa9: {  	[dreg:$0x3] =	wrdreg s5  }
0xaa: {  	[dreg:$0x4] =	wrdreg $0xC0  }
0xab: {  	_ =	task [dreg:s7], $0x5FFFF  }
0xac: {  	[dreg:$0x1] =	wrdreg $0xFFFFFFFF  }
0xad: {  	[dreg:$0x0] =	wrdreg $0x60  }
0xae: {  	[dreg:$0x2] =	wrdreg s24  }
0xaf: {  	[dreg:$0x3] =	wrdreg s2  }
0xb0: {  	[dreg:$0x4] =	wrdreg $0x96800  }
0xb1: {  	[dreg:$0x5] =	wrdreg $0x9  }
0xb2: {  	_ =	task.clear_ibuf [dreg:s7], $0x6FFFF;
	_ =	strace $0x90000046  }
0xb3: {  	s29 =	simm.s32 $0x9;
	_ =	strace $0x80000048  }
0xb4: {  	_ =	swait.ge [sflag:s29], $0x1  }
0xb5: {  	[sflag:s29] =	ssyncadd.s32 $0xFFFFFFFF  }
0xb6: {  	_ =	strace $0x90000048  }
0xb7: {  	_ =	sfence  }
0xb8: {  	s30 =	sld [smem:$0x0];
	_ =	sdelay $0x2  }
0xb9: {  	s31 =	sshll.u32 s1, $0xD;
	s1 =	sshrl.u32 s1, $0x2  }
0xba: {  	s3 =	sand.u32 $0x4000, s31;
	s1 =	sadd.s32 s1, s30  }
0xbb: {  	s0 =	sor.u32 s3, s0;
	s1 =	sshll.u32 s1, $0x11  }
0xbc: {  	s0 =	sor.u32 s1, s0  }
0xbd: {  	s0 =	sadd.s32 $0x8F2B, s0  }
0xbe: {  	[sflag:s0] =	ssyncadd.remote.s32 $0x1  }
0xbf: {  	_ =	sfence.sel $0xFFFF  }
0xc0: {  	[dreg:$0x0] =	wrdreg $0xFFFFFFFF;
	(pc) =	sbr.abs _section_cstart, $3  }
0xc1: {  	[dreg:$0x1] =	wrdreg $0xFFFFFFFF  }
0xc2: {  	_ =	task.clear_ibuf [dreg:s7], $0x2FFFF;
	_ =	strace $0x9FFFFFFF  }
0xc3: {  	(tm) =	ssettm $0x7FFFFFFF  }
tec
execute0_lowered:
.L_overlay_start_1:
0x0: {  	(tag) =	ssettag $0x1  }
0x1: {  	s0 =	rddreg [dreg:$0x0]  }
0x2: {  	s1 =	rddreg [dreg:$0x1]  }
0x3: {  	s2 =	rddreg [dreg:$0x2]  }
0x4: {  	s17 =	simm.s32 $0x0;
	s3 =	srdreg.scid;
	s11 =	stileid.u32  }
0x5: {  	s28 =	simm.s32 $0x1;
	s29 =	simm.s32 $0x70;
	s30 =	simm.s32 $0x8880  }
0x6: {  	s31 =	simm.s32 $0x3;
	[smem:$0x7FF] =	sst s17;
	s8 =	smul.u32 $0x16020, s11  }
0x7: {  	s3 =	sand.u32 $0x1, s3;
	s5 =	sadd.s32 $0xA0C00, s0;
	s11 =	smul.u32 $0xF6C0, s11  }
0x8: {  	s6 =	sadd.s32 $0xC00, s0;
	s0 =	sadd.s32 $0x3E800, s0;
	s9 =	smul.u32 $0xF6C00, s3  }
0x9: {  	_ =	strace $0x80000047;
	s4 =	ssub.s32 $0x2, s3;
	s3 =	smul.u32 $0x168000, s3  }
0xa: {  	s7 =	sshrl.u32 s4, $0x1;
	s19 =	sadd.s32 s8, s2;
	s26 =	sadd.s32 $0x3F00, s8  }
0xb: {  	s10 =	sadd.s32 $0x7E00, s8;
	s18 =	sadd.s32 $0xBD00, s8;
	s13 =	sadd.s32 $0xFC00, s8  }
0xc: {  	s21 =	sadd.s32 $0x13B00, s8;
	s4 =	ssub.s32 s4, s7;
	s23 =	sadd.s32 s26, s2  }
0xd: {  	s12 =	sadd.s32 s10, s2;
	s14 =	sadd.s32 s18, s2;
	s20 =	sadd.s32 s13, s2  }
0xe: {  	s9 =	sadd.s32 s11, s9;
	s15 =	sadd.s32 s21, s2;
	s8 =	sadd.s32 s8, s3  }
0xf: {  	s7 =	sadd.s32 s3, s26;
	s24 =	sadd.s32 s3, s10;
	[dreg:$0x5] =	wrdreg s19  }
0x10: {  	s25 =	sadd.s32 s3, s18;
	s26 =	sadd.s32 s3, s13;
	[dreg:$0x7] =	wrdreg s12  }
0x11: {  	s3 =	sadd.s32 s3, s21;
	s10 =	simm.s32 $0x930;
	[dreg:$0x8] =	wrdreg s14  }
0x12: {  	s13 =	simm.s32 $0xA10;
	[dreg:$0x9] =	wrdreg s20;
	s22 =	sshrl.u32 s9, $0x3  }
0x13: {  	[dreg:$0xa] =	wrdreg s15;
	s15 =	sadd.s32 $0xA80, s9;
	s8 =	sshrl.u32 s8, $0x3  }
0x14: {  	s7 =	sshrl.u32 s7, $0x3;
	s21 =	sshrl.u32 s24, $0x3;
	s24 =	sshrl.u32 s25, $0x3  }
0x15: {  	s25 =	sshrl.u32 s26, $0x3;
	s3 =	sshrl.u32 s3, $0x3;
	s26 =	smax.u32 s4, $0x1  }
0x16: {  	s4 =	simm.s32 $0x540;
	s12 =	simm.s32 $0x2;
	[dreg:$0x6] =	wrdreg s23  }
0x17: {  	s14 =	sadd.s32 s6, s22;
	s18 =	sshrl.u32 s15, $0x3;
	[dreg:$0x14] =	wrdreg s26  }
0x18: {  	s8 =	sadd.s32 s0, s8;
	s7 =	sadd.s32 s0, s7;
	[dreg:$0xb] =	wrdreg s14  }
0x19: {  	s22 =	sadd.s32 s0, s21;
	s26 =	simm.s32 $0x9;
	[dreg:$0xe] =	wrdreg s8  }
0x1a: {  	s21 =	simm.s32 $0x6;
	s14 =	sadd.s32 $0x540, s9;
	[dreg:$0xf] =	wrdreg s7  }
0x1b: {  	s11 =	sadd.s32 s6, s18;
	[dreg:$0x10] =	wrdreg s22;
	s7 =	sadd.s32 s0, s24  }
0x1c: {  	s18 =	simm.s32 $0x8F80;
	s22 =	simm.s32 $0x7;
	[dreg:$0xd] =	wrdreg s11  }
0x1d: {  	s8 =	simm.s32 $0x8;
	s16 =	sshrl.u32 s14, $0x3;
	[dreg:$0x11] =	wrdreg s7  }
0x1e: {  	s7 =	sadd.s32 s0, s25;
	s0 =	sadd.s32 s0, s3;
	s25 =	simm.s32 $0xA80  }
0x1f: {  	s11 =	simm.s32 $0x9A0;
	s3 =	simm.s32 $0x8C0;
	[dreg:$0x12] =	wrdreg s7  }
0x20: {  	s20 =	sadd.s32 s6, s16;
	[dreg:$0x13] =	wrdreg s0;
	s0 =	simm.s32 $0x5  }
0x21: {  	v0 =	vimm.f32 $0.0e+00;
	s16 =	simm.s32 $0x4980;
	[dreg:$0xc] =	wrdreg s20;
	s20 =	simm.s32 $0x4  }
.LBB2_1:
0x22: {  	[dreg:$0x4] =	wrdreg s17;
	s7 =	simm.s32 $0x0;
	s17 =	simm.s32 $0x240  }
.LBB2_2:
0x23: {  	p0 =	sne.s32 s17, $0xF9C0;
	[tilespmem:s7+$0xB00] =	vst v0  }
0x24: {  	[tilespmem:s7+$0xA80] =	vst v0  }
0x25: {  	[tilespmem:s7+$0xA90] =	vst v0  }
0x26: {  	[tilespmem:s7+$0xAA0] =	vst v0  }
.Ltmp0:
0x27: {  	[tilespmem:s7+$0xAB0] =	vst v0;
	(pc) =	sbr.rel @p0 .LBB2_2-.Ltmp0, $4  }
0x28: {  	[tilespmem:s7+$0xAC0] =	vst v0  }
0x29: {  	[tilespmem:s7+$0xAD0] =	vst v0  }
0x2a: {  	[tilespmem:s7+$0xAE0] =	vst v0  }
0x2b: {  	[tilespmem:s7+$0xAF0] =	vst v0;
	s7 =	sshra.s32 s17, $0x2;
	s17 =	sadd.s32 $0x240, s17  }
0x2c: {  	[tilespmem:s7+$0xB00] =	vst v0  }
0x2d: {  	[tilespmem:s7+$0xA80] =	vst v0  }
0x2e: {  	[tilespmem:s7+$0xA90] =	vst v0  }
0x2f: {  	[tilespmem:s7+$0xAA0] =	vst v0  }
0x30: {  	[tilespmem:s7+$0xAB0] =	vst v0  }
0x31: {  	[tilespmem:s7+$0xAC0] =	vst v0  }
0x32: {  	[tilespmem:s7+$0xAD0] =	vst v0  }
0x33: {  	[tilespmem:s7+$0xAE0] =	vst v0  }
0x34: {  	[tilespmem:s7+$0xAF0] =	vst v0  }
0x35: {  	[spmem:s19] =	stream.linear.scatter [tilespmem:s25], [sflag:$0x9], $0x3F00, $0x38;
	[tilespmem:$0x1F6A0] =	vst v63  }
0x36: {  	_ =	swait.ge [sflag:s26], $0x3F00  }
0x37: {  	[sflag:s26] =	ssyncset.done $0x0  }
0x38: {  	[sflag:s26] =	ssyncadd.s32 $0xFFFFC100  }
0x39: {  	[spmem:s23] =	stream.linear.scatter [tilespmem:s25], [sflag:$0x9], $0x3F00, $0x38;
	[tilespmem:$0x1F6A0] =	vst v63  }
0x3a: {  	_ =	swait.ge [sflag:s26], $0x3F00  }
0x3b: {  	[sflag:s26] =	ssyncset.done $0x0  }
0x3c: {  	s19 =	rddreg [dreg:$0x7];
	[sflag:s26] =	ssyncadd.s32 $0xFFFFC100  }
0x3d: {  	[spmem:s19] =	stream.linear.scatter [tilespmem:s25], [sflag:$0x9], $0x3F00, $0x38;
	[tilespmem:$0x1F6A0] =	vst v63  }
0x3e: {  	_ =	swait.ge [sflag:s26], $0x3F00  }
0x3f: {  	[sflag:s26] =	ssyncset.done $0x0  }
0x40: {  	s23 =	rddreg [dreg:$0x8];
	[sflag:s26] =	ssyncadd.s32 $0xFFFFC100  }
0x41: {  	[spmem:s23] =	stream.linear.scatter [tilespmem:s25], [sflag:$0x9], $0x3F00, $0x38;
	[tilespmem:$0x1F6A0] =	vst v63  }
0x42: {  	_ =	swait.ge [sflag:s26], $0x3F00  }
0x43: {  	[sflag:s26] =	ssyncset.done $0x0  }
0x44: {  	s24 =	rddreg [dreg:$0x9];
	[sflag:s26] =	ssyncadd.s32 $0xFFFFC100  }
0x45: {  	[spmem:s24] =	stream.linear.scatter [tilespmem:s25], [sflag:$0x9], $0x3F00, $0x38;
	[tilespmem:$0x1F6A0] =	vst v63  }
0x46: {  	_ =	swait.ge [sflag:s26], $0x3F00  }
0x47: {  	[sflag:s26] =	ssyncset.done $0x0  }
0x48: {  	s9 =	rddreg [dreg:$0xa];
	[sflag:s26] =	ssyncadd.s32 $0xFFFFC100  }
0x49: {  	[spmem:s9] =	stream.linear.scatter [tilespmem:s25], [sflag:$0x9], $0x2520, $0x38;
	[tilespmem:$0x1F6A0] =	vst v63  }
0x4a: {  	_ =	swait.ge [sflag:s26], $0x2520  }
0x4b: {  	[sflag:s26] =	ssyncset.done $0x0  }
0x4c: {  	s17 =	simm.s32 $0x0;
	s9 =	rddreg [dreg:$0xb];
	[sflag:s26] =	ssyncadd.s32 $0xFFFFDAE0  }
0x4d: {  	[tilespmem:s17], [sflag:$0x1] =	stream.linear.gather [hbm4b:s9+s17], $0x540, $0x38;
	[tilespmem:$0x1F6A0] =	vst v63  }
0x4e: {  	[bflag:$0x0] =	sbarrier.arrive $0xFFFF  }
0x4f: {  	_ =	swait.ge [sflag:s28], $0x540  }
0x50: {  	[sflag:s28] =	ssyncset.done $0x0  }
0x51: {  	[sflag:s28] =	ssyncadd.s32 $0xFFFFFAC0  }
0x52: {  	[tilespmem:s25], [sflag:$0x3] =	stream.indirect.gather [hbm4b:s5+s29], $0x90, s17, s29, $0xb8;
	[tilespmem:$0x1F6A0] =	vst v63  }
0x53: {  	_ = 	snop  }
0x54: {  	[tilespmem:s30], [sflag:$0x5] =	stream.indirect.gather [hbm4b:s1+s29], $0x10, s29, s29, $0xb8;
	[tilespmem:$0x1F6A0] =	vst v63  }
0x55: {  	_ =	swait.ge [sflag:s31], $0x3F00  }
0x56: {  	[sflag:s31] =	ssyncset.done $0x0  }
0x57: {  	[sflag:s31] =	ssyncadd.s32 $0xFFFFC100  }
0x58: {  	_ =	swait.ge [sflag:s0], $0x700  }
0x59: {  	[sflag:s0] =	ssyncset.done $0x0  }
0x5a: {  	s19 =	rddreg [dreg:$0xc];
	[sflag:s0] =	ssyncadd.s32 $0xFFFFF900  }
0x5b: {  	[tilespmem:s4], [sflag:$0x2] =	stream.linear.gather [hbm4b:s19+s17], $0x540, $0x38;
	[tilespmem:$0x1F6A0] =	vst v63  }
0x5c: {  	s23 =	simm.s32 $0x150  }
0x5d: {  	[tilespmem:s16], [sflag:$0x4] =	stream.indirect.gather [hbm4b:s5+s29], $0x90, s23, s29, $0xb8;
	[tilespmem:$0x1F6A0] =	vst v63  }
0x5e: {  	s24 =	simm.s32 $0x1C0;
	s17 =	simm.s32 $0xAC0  }
0x5f: {  	[tilespmem:s18], [sflag:$0x6] =	stream.indirect.gather [hbm4b:s1+s29], $0x10, s24, s29, $0xb8;
	[tilespmem:$0x1F6A0] =	vst v63  }
0x60: {  	s7 =	simm.s32 $0x0;
	s19 =	simm.s32 $0xAC0;
	s23 =	simm.s32 $0x40;
	v1 =	vld [tilespmem:s17+$0x40]  }
.LBB2_4:
0x61: {  	p0 =	sne.s32 s23, $0x1BC0;
	v2 =	vld [tilespmem:s7+$0x8880];
	_ =	sdelay $0x4  }
0x62: {  	v1 =	vadd.f32 v2, v1;
	_ =	sdelay $0x1  }
0x63: {  	v2 =	vmul.f32 $2.000000030e-01, v1;
	_ =	sdelay $0x1  }
0x64: {  	v1 =	vmax.f32 v1, v2  }
0x65: {  	v1 =	vmul.f32 $1.442695020e+00, v1;
	_ =	sdelay $0x1  }
0x66: {  	(erf) = vpow2.f32 v1;
	_ =	sdelay $0x4  }
0x67: {  	v1 =	vld [tilespmem:s17+$0xFFFFFFF0]  }
0x68: {  	v2 =	vld [tilespmem:s17+$0xFFFFFFD0]  }
0x69: {  	v3 =	vld [tilespmem:s17+$0xFFFFFFC0]  }
0x6a: {  	v4 =	vld [tilespmem:s17+$0xFFFFFFE0]  }
0x6b: {  	v5 =	vld [tilespmem:s17+$0x30];
	v6 =	vpop (erf)  }
0x6c: {  	[tilespmem:s17+$0x40] =	vst v6;
	v7 =	vbroadcast v6, $0x0;
	v8 =	vbroadcast v6, $0x1;
	v9 =	vld [tilespmem:s17+$0x10]  }
0x6d: {  	v10 =	vbroadcast v6, $0x2;
	v11 =	vbroadcast v6, $0x3;
	v12 =	vld [tilespmem:s17+$0x0]  }
0x6e: {  	v3 =	vmul.f32 v7, v3;
	v2 =	vmul.f32 v8, v2;
	v7 =	vld [tilespmem:s17+$0x20]  }
0x6f: {  	v1 =	vmul.f32 v1, v11;
	v4 =	vmul.f32 v10, v4  }
0x70: {  	v8 =	vbroadcast v6, $0x5;
	[tilespmem:s17+$0xFFFFFFC0] =	vst v3;
	v3 =	vbroadcast v6, $0x4  }
0x71: {  	[tilespmem:s17+$0xFFFFFFD0] =	vst v2;
	v2 =	vbroadcast v6, $0x6;
	v6 =	vbroadcast v6, $0x7  }
0x72: {  	[tilespmem:s17+$0xFFFFFFE0] =	vst v4;
	v3 =	vmul.f32 v12, v3;
	v4 =	vmul.f32 v9, v8  }
.Ltmp1:
0x73: {  	[tilespmem:s17+$0xFFFFFFF0] =	vst v1;
	v1 =	vmul.f32 v7, v2;
	v2 =	vmul.f32 v5, v6;
	(pc) =	sbr.rel @p0 .LBB2_4-.Ltmp1, $4  }
0x74: {  	[tilespmem:s17+$0x0] =	vst v3  }
0x75: {  	[tilespmem:s17+$0x10] =	vst v4  }
0x76: {  	s17 =	sadd.s32 $0x90, s17;
	[tilespmem:s19+$0x20] =	vst v1  }
0x77: {  	s7 =	sshra.s32 s23, $0x2;
	s23 =	sadd.s32 $0x40, s23;
	v1 =	vld [tilespmem:s17+$0x40];
	[tilespmem:s19+$0x30] =	vst v2;
	s19 =	smov.u32 s17  }
0x78: {  	v2 =	vld [tilespmem:s7+$0x8880];
	_ =	sdelay $0x4  }
0x79: {  	v1 =	vadd.f32 v2, v1;
	_ =	sdelay $0x1  }
0x7a: {  	v2 =	vmul.f32 $2.000000030e-01, v1;
	_ =	sdelay $0x1  }
0x7b: {  	v1 =	vmax.f32 v1, v2  }
0x7c: {  	v1 =	vmul.f32 $1.442695020e+00, v1;
	_ =	sdelay $0x1  }
0x7d: {  	(erf) = vpow2.f32 v1;
	_ =	sdelay $0x6  }
0x7e: {  	v2 =	vld [tilespmem:s17+$0xFFFFFFC0]  }
0x7f: {  	v3 =	vld [tilespmem:s17+$0xFFFFFFD0]  }
0x80: {  	v4 =	vld [tilespmem:s17+$0xFFFFFFE0];
	v5 =	vpop (erf)  }
0x81: {  	v1 =	vld [tilespmem:s17+$0xFFFFFFF0];
	v7 =	vbroadcast v5, $0x0  }
0x82: {  	v10 =	vld [tilespmem:s17+$0x10];
	v8 =	vbroadcast v5, $0x1  }
0x83: {  	v9 =	vld [tilespmem:s17+$0x0];
	v11 =	vbroadcast v5, $0x2;
	v2 =	vmul.f32 v7, v2  }
0x84: {  	v60 =	vld [tilespmem:s17+$0x20];
	[tilespmem:s17+$0x40] =	vst v5;
	v59 =	vbroadcast v5, $0x3;
	v3 =	vmul.f32 v8, v3  }
0x85: {  	v6 =	vld [tilespmem:s17+$0x30];
	v61 =	vbroadcast v5, $0x5;
	v4 =	vmul.f32 v11, v4;
	[tilespmem:s17+$0xFFFFFFC0] =	vst v2  }
0x86: {  	v1 =	vmul.f32 v1, v59;
	v2 =	vbroadcast v5, $0x4;
	[tilespmem:s17+$0xFFFFFFD0] =	vst v3  }
0x87: {  	v63 =	vmul.f32 v10, v61;
	v3 =	vbroadcast v5, $0x6;
	[tilespmem:s17+$0xFFFFFFE0] =	vst v4  }
0x88: {  	v62 =	vbroadcast v5, $0x7;
	[tilespmem:s17+$0xFFFFFFF0] =	vst v1;
	v2 =	vmul.f32 v9, v2  }
0x89: {  	[tilespmem:s17+$0x10] =	vst v63;
	v1 =	vmul.f32 v60, v3  }
0x8a: {  	[tilespmem:s17+$0x0] =	vst v2;
	v2 =	vmul.f32 v6, v62  }
0x8b: {  	[tilespmem:s19+$0x20] =	vst v1  }
0x8c: {  	[tilespmem:s19+$0x30] =	vst v2;
	s19 =	simm.s32 $0xE0  }
0x8d: {  	[spmem:s2] =	stream.indirect.scatter.add.f32 [tilespmem:s25], [sflag:$0x7], $0x90, s19, s29, $0xb8;
	[tilespmem:$0x1F6A0] =	vst v63  }
0x8e: {  	_ =	swait.ge [sflag:s20], $0x3F00  }
0x8f: {  	[sflag:s20] =	ssyncset.done $0x0  }
0x90: {  	[sflag:s20] =	ssyncadd.s32 $0xFFFFC100  }
0x91: {  	_ =	swait.ge [sflag:s21], $0x700  }
0x92: {  	[sflag:s21] =	ssyncset.done $0x0  }
0x93: {  	[sflag:s21] =	ssyncadd.s32 $0xFFFFF900  }
0x94: {  	_ =	swait.ge [sflag:s22], $0x3F00  }
0x95: {  	[sflag:s22] =	ssyncset.done $0x0  }
0x96: {  	s23 =	simm.s32 $0x2A0;
	[sflag:s22] =	ssyncadd.s32 $0xFFFFC100  }
0x97: {  	[tilespmem:s25], [sflag:$0x3] =	stream.indirect.gather [hbm4b:s5+s29], $0x90, s23, s29, $0xb8;
	[tilespmem:$0x1F6A0] =	vst v63  }
0x98: {  	s24 =	simm.s32 $0x310;
	s17 =	simm.s32 $0x49C0  }
0x99: {  	[tilespmem:s30], [sflag:$0x5] =	stream.indirect.gather [hbm4b:s1+s29], $0x10, s24, s29, $0xb8;
	[tilespmem:$0x1F6A0] =	vst v63  }
0x9a: {  	s7 =	simm.s32 $0x0;
	s19 =	simm.s32 $0x49C0;
	s23 =	simm.s32 $0x40;
	v1 =	vld [tilespmem:s17+$0x40]  }
.LBB2_6:
0x9b: {  	p0 =	sne.s32 s23, $0x1BC0;
	v2 =	vld [tilespmem:s7+$0x8F80];
	_ =	sdelay $0x4  }
0x9c: {  	v1 =	vadd.f32 v2, v1;
	_ =	sdelay $0x1  }
0x9d: {  	v2 =	vmul.f32 $2.000000030e-01, v1;
	_ =	sdelay $0x1  }
0x9e: {  	v1 =	vmax.f32 v1, v2  }
0x9f: {  	v1 =	vmul.f32 $1.442695020e+00, v1;
	_ =	sdelay $0x1  }
0xa0: {  	(erf) = vpow2.f32 v1;
	_ =	sdelay $0x4  }
0xa1: {  	v1 =	vld [tilespmem:s17+$0xFFFFFFF0]  }
0xa2: {  	v2 =	vld [tilespmem:s17+$0xFFFFFFD0]  }
0xa3: {  	v3 =	vld [tilespmem:s17+$0xFFFFFFC0]  }
0xa4: {  	v4 =	vld [tilespmem:s17+$0xFFFFFFE0]  }
0xa5: {  	v5 =	vld [tilespmem:s17+$0x30];
	v6 =	vpop (erf)  }
0xa6: {  	[tilespmem:s17+$0x40] =	vst v6;
	v7 =	vbroadcast v6, $0x0;
	v8 =	vbroadcast v6, $0x1;
	v9 =	vld [tilespmem:s17+$0x10]  }
0xa7: {  	v10 =	vbroadcast v6, $0x2;
	v11 =	vbroadcast v6, $0x3;
	v12 =	vld [tilespmem:s17+$0x0]  }
0xa8: {  	v3 =	vmul.f32 v7, v3;
	v2 =	vmul.f32 v8, v2;
	v7 =	vld [tilespmem:s17+$0x20]  }
0xa9: {  	v1 =	vmul.f32 v1, v11;
	v4 =	vmul.f32 v10, v4  }
0xaa: {  	v8 =	vbroadcast v6, $0x5;
	[tilespmem:s17+$0xFFFFFFC0] =	vst v3;
	v3 =	vbroadcast v6, $0x4  }
0xab: {  	[tilespmem:s17+$0xFFFFFFD0] =	vst v2;
	v2 =	vbroadcast v6, $0x6;
	v6 =	vbroadcast v6, $0x7  }
0xac: {  	[tilespmem:s17+$0xFFFFFFE0] =	vst v4;
	v3 =	vmul.f32 v12, v3;
	v4 =	vmul.f32 v9, v8  }
.Ltmp2:
0xad: {  	[tilespmem:s17+$0xFFFFFFF0] =	vst v1;
	v1 =	vmul.f32 v7, v2;
	v2 =	vmul.f32 v5, v6;
	(pc) =	sbr.rel @p0 .LBB2_6-.Ltmp2, $4  }
0xae: {  	[tilespmem:s17+$0x0] =	vst v3  }
0xaf: {  	[tilespmem:s17+$0x10] =	vst v4  }
0xb0: {  	s17 =	sadd.s32 $0x90, s17;
	[tilespmem:s19+$0x20] =	vst v1  }
0xb1: {  	s7 =	sshra.s32 s23, $0x2;
	s23 =	sadd.s32 $0x40, s23;
	v1 =	vld [tilespmem:s17+$0x40];
	[tilespmem:s19+$0x30] =	vst v2;
	s19 =	smov.u32 s17  }
0xb2: {  	v2 =	vld [tilespmem:s7+$0x8F80];
	_ =	sdelay $0x4  }
0xb3: {  	v1 =	vadd.f32 v2, v1;
	_ =	sdelay $0x1  }
0xb4: {  	v2 =	vmul.f32 $2.000000030e-01, v1;
	_ =	sdelay $0x1  }
0xb5: {  	v1 =	vmax.f32 v1, v2  }
0xb6: {  	v1 =	vmul.f32 $1.442695020e+00, v1;
	_ =	sdelay $0x1  }
0xb7: {  	(erf) = vpow2.f32 v1;
	_ =	sdelay $0x6  }
0xb8: {  	v2 =	vld [tilespmem:s17+$0xFFFFFFC0]  }
0xb9: {  	v3 =	vld [tilespmem:s17+$0xFFFFFFD0]  }
0xba: {  	v4 =	vld [tilespmem:s17+$0xFFFFFFE0];
	v5 =	vpop (erf)  }
0xbb: {  	v1 =	vld [tilespmem:s17+$0xFFFFFFF0];
	v7 =	vbroadcast v5, $0x0  }
0xbc: {  	v10 =	vld [tilespmem:s17+$0x10];
	v8 =	vbroadcast v5, $0x1  }
0xbd: {  	v9 =	vld [tilespmem:s17+$0x0];
	v11 =	vbroadcast v5, $0x2;
	v2 =	vmul.f32 v7, v2  }
0xbe: {  	v60 =	vld [tilespmem:s17+$0x20];
	[tilespmem:s17+$0x40] =	vst v5;
	v59 =	vbroadcast v5, $0x3;
	v3 =	vmul.f32 v8, v3  }
0xbf: {  	v6 =	vld [tilespmem:s17+$0x30];
	v61 =	vbroadcast v5, $0x5;
	v4 =	vmul.f32 v11, v4;
	[tilespmem:s17+$0xFFFFFFC0] =	vst v2  }
0xc0: {  	v1 =	vmul.f32 v1, v59;
	v2 =	vbroadcast v5, $0x4;
	[tilespmem:s17+$0xFFFFFFD0] =	vst v3  }
0xc1: {  	v63 =	vmul.f32 v10, v61;
	v3 =	vbroadcast v5, $0x6;
	[tilespmem:s17+$0xFFFFFFE0] =	vst v4  }
0xc2: {  	v62 =	vbroadcast v5, $0x7;
	[tilespmem:s17+$0xFFFFFFF0] =	vst v1;
	v2 =	vmul.f32 v9, v2  }
0xc3: {  	[tilespmem:s17+$0x10] =	vst v63;
	v1 =	vmul.f32 v60, v3  }
0xc4: {  	[tilespmem:s17+$0x0] =	vst v2;
	v2 =	vmul.f32 v6, v62  }
0xc5: {  	[tilespmem:s19+$0x20] =	vst v1  }
0xc6: {  	[tilespmem:s19+$0x30] =	vst v2;
	s19 =	simm.s32 $0x230  }
0xc7: {  	[spmem:s2] =	stream.indirect.scatter.add.f32 [tilespmem:s16], [sflag:$0x8], $0x90, s19, s29, $0xb8;
	[tilespmem:$0x1F6A0] =	vst v63  }
0xc8: {  	_ =	swait.ge [sflag:s31], $0x3F00  }
0xc9: {  	[sflag:s31] =	ssyncset.done $0x0  }
0xca: {  	[sflag:s31] =	ssyncadd.s32 $0xFFFFC100  }
0xcb: {  	_ =	swait.ge [sflag:s0], $0x700  }
0xcc: {  	[sflag:s0] =	ssyncset.done $0x0  }
0xcd: {  	[sflag:s0] =	ssyncadd.s32 $0xFFFFF900  }
0xce: {  	_ =	swait.ge [sflag:s8], $0x3F00  }
0xcf: {  	[sflag:s8] =	ssyncset.done $0x0  }
0xd0: {  	s23 =	simm.s32 $0x3F0;
	[sflag:s8] =	ssyncadd.s32 $0xFFFFC100  }
0xd1: {  	[tilespmem:s16], [sflag:$0x4] =	stream.indirect.gather [hbm4b:s5+s29], $0x90, s23, s29, $0xb8;
	[tilespmem:$0x1F6A0] =	vst v63  }
0xd2: {  	s24 =	simm.s32 $0x460;
	s17 =	simm.s32 $0xAC0  }
0xd3: {  	[tilespmem:s18], [sflag:$0x6] =	stream.indirect.gather [hbm4b:s1+s29], $0x10, s24, s29, $0xb8;
	[tilespmem:$0x1F6A0] =	vst v63  }
0xd4: {  	s7 =	simm.s32 $0x0;
	s19 =	simm.s32 $0xAC0;
	s23 =	simm.s32 $0x40;
	v1 =	vld [tilespmem:s17+$0x40]  }
.LBB2_8:
0xd5: {  	p0 =	sne.s32 s23, $0x1BC0;
	v2 =	vld [tilespmem:s7+$0x8880];
	_ =	sdelay $0x4  }
0xd6: {  	v1 =	vadd.f32 v2, v1;
	_ =	sdelay $0x1  }
0xd7: {  	v2 =	vmul.f32 $2.000000030e-01, v1;
	_ =	sdelay $0x1  }
0xd8: {  	v1 =	vmax.f32 v1, v2  }
0xd9: {  	v1 =	vmul.f32 $1.442695020e+00, v1;
	_ =	sdelay $0x1  }
0xda: {  	(erf) = vpow2.f32 v1;
	_ =	sdelay $0x4  }
0xdb: {  	v1 =	vld [tilespmem:s17+$0xFFFFFFF0]  }
0xdc: {  	v2 =	vld [tilespmem:s17+$0xFFFFFFD0]  }
0xdd: {  	v3 =	vld [tilespmem:s17+$0xFFFFFFC0]  }
0xde: {  	v4 =	vld [tilespmem:s17+$0xFFFFFFE0]  }
0xdf: {  	v5 =	vld [tilespmem:s17+$0x30];
	v6 =	vpop (erf)  }
0xe0: {  	[tilespmem:s17+$0x40] =	vst v6;
	v7 =	vbroadcast v6, $0x0;
	v8 =	vbroadcast v6, $0x1;
	v9 =	vld [tilespmem:s17+$0x10]  }
0xe1: {  	v10 =	vbroadcast v6, $0x2;
	v11 =	vbroadcast v6, $0x3;
	v12 =	vld [tilespmem:s17+$0x0]  }
0xe2: {  	v3 =	vmul.f32 v7, v3;
	v2 =	vmul.f32 v8, v2;
	v7 =	vld [tilespmem:s17+$0x20]  }
0xe3: {  	v1 =	vmul.f32 v1, v11;
	v4 =	vmul.f32 v10, v4  }
0xe4: {  	v8 =	vbroadcast v6, $0x5;
	[tilespmem:s17+$0xFFFFFFC0] =	vst v3;
	v3 =	vbroadcast v6, $0x4  }
0xe5: {  	[tilespmem:s17+$0xFFFFFFD0] =	vst v2;
	v2 =	vbroadcast v6, $0x6;
	v6 =	vbroadcast v6, $0x7  }
0xe6: {  	[tilespmem:s17+$0xFFFFFFE0] =	vst v4;
	v3 =	vmul.f32 v12, v3;
	v4 =	vmul.f32 v9, v8  }
.Ltmp3:
0xe7: {  	[tilespmem:s17+$0xFFFFFFF0] =	vst v1;
	v1 =	vmul.f32 v7, v2;
	v2 =	vmul.f32 v5, v6;
	(pc) =	sbr.rel @p0 .LBB2_8-.Ltmp3, $4  }
0xe8: {  	[tilespmem:s17+$0x0] =	vst v3  }
0xe9: {  	[tilespmem:s17+$0x10] =	vst v4  }
0xea: {  	s17 =	sadd.s32 $0x90, s17;
	[tilespmem:s19+$0x20] =	vst v1  }
0xeb: {  	s7 =	sshra.s32 s23, $0x2;
	s23 =	sadd.s32 $0x40, s23;
	v1 =	vld [tilespmem:s17+$0x40];
	[tilespmem:s19+$0x30] =	vst v2;
	s19 =	smov.u32 s17  }
0xec: {  	v2 =	vld [tilespmem:s7+$0x8880];
	_ =	sdelay $0x4  }
0xed: {  	v1 =	vadd.f32 v2, v1;
	_ =	sdelay $0x1  }
0xee: {  	v2 =	vmul.f32 $2.000000030e-01, v1;
	_ =	sdelay $0x1  }
0xef: {  	v1 =	vmax.f32 v1, v2  }
0xf0: {  	v1 =	vmul.f32 $1.442695020e+00, v1;
	_ =	sdelay $0x1  }
0xf1: {  	(erf) = vpow2.f32 v1;
	_ =	sdelay $0x6  }
0xf2: {  	v2 =	vld [tilespmem:s17+$0xFFFFFFC0]  }
0xf3: {  	v3 =	vld [tilespmem:s17+$0xFFFFFFD0]  }
0xf4: {  	v4 =	vld [tilespmem:s17+$0xFFFFFFE0];
	v5 =	vpop (erf)  }
0xf5: {  	v1 =	vld [tilespmem:s17+$0xFFFFFFF0];
	v7 =	vbroadcast v5, $0x0  }
0xf6: {  	v10 =	vld [tilespmem:s17+$0x10];
	v8 =	vbroadcast v5, $0x1  }
0xf7: {  	v9 =	vld [tilespmem:s17+$0x0];
	v11 =	vbroadcast v5, $0x2;
	v2 =	vmul.f32 v7, v2  }
0xf8: {  	v60 =	vld [tilespmem:s17+$0x20];
	[tilespmem:s17+$0x40] =	vst v5;
	v59 =	vbroadcast v5, $0x3;
	v3 =	vmul.f32 v8, v3  }
0xf9: {  	v6 =	vld [tilespmem:s17+$0x30];
	v61 =	vbroadcast v5, $0x5;
	v4 =	vmul.f32 v11, v4;
	[tilespmem:s17+$0xFFFFFFC0] =	vst v2  }
0xfa: {  	v1 =	vmul.f32 v1, v59;
	v2 =	vbroadcast v5, $0x4;
	[tilespmem:s17+$0xFFFFFFD0] =	vst v3  }
0xfb: {  	v63 =	vmul.f32 v10, v61;
	v3 =	vbroadcast v5, $0x6;
	[tilespmem:s17+$0xFFFFFFE0] =	vst v4  }
0xfc: {  	v62 =	vbroadcast v5, $0x7;
	[tilespmem:s17+$0xFFFFFFF0] =	vst v1;
	v2 =	vmul.f32 v9, v2  }
0xfd: {  	[tilespmem:s17+$0x10] =	vst v63;
	v1 =	vmul.f32 v60, v3  }
0xfe: {  	[tilespmem:s17+$0x0] =	vst v2;
	v2 =	vmul.f32 v6, v62  }
0xff: {  	[tilespmem:s19+$0x20] =	vst v1  }
0x100: {  	s23 =	simm.s32 $0x380;
	[tilespmem:s19+$0x30] =	vst v2  }
0x101: {  	[spmem:s2] =	stream.indirect.scatter.add.f32 [tilespmem:s25], [sflag:$0x7], $0x90, s23, s29, $0xb8;
	[tilespmem:$0x1F6A0] =	vst v63  }
0x102: {  	_ =	swait.ge [sflag:s20], $0x3F00  }
0x103: {  	[sflag:s20] =	ssyncset.done $0x0  }
0x104: {  	[sflag:s20] =	ssyncadd.s32 $0xFFFFC100  }
0x105: {  	_ =	swait.ge [sflag:s21], $0x700  }
0x106: {  	[sflag:s21] =	ssyncset.done $0x0  }
0x107: {  	[sflag:s21] =	ssyncadd.s32 $0xFFFFF900  }
0x108: {  	_ =	swait.ge [sflag:s22], $0x3F00  }
0x109: {  	[sflag:s22] =	ssyncset.done $0x0  }
0x10a: {  	[sflag:s22] =	ssyncadd.s32 $0xFFFFC100  }
0x10b: {  	_ =	swait.ge [sflag:s12], $0x540  }
0x10c: {  	[sflag:s12] =	ssyncset.done $0x0  }
0x10d: {  	[sflag:s12] =	ssyncadd.s32 $0xFFFFFAC0  }
0x10e: {  	[tilespmem:s25], [sflag:$0x3] =	stream.indirect.gather [hbm4b:s5+s29], $0x90, s4, s29, $0xb8;
	[tilespmem:$0x1F6A0] =	vst v63  }
0x10f: {  	s24 =	simm.s32 $0x5B0;
	s17 =	simm.s32 $0x49C0  }
0x110: {  	[tilespmem:s30], [sflag:$0x5] =	stream.indirect.gather [hbm4b:s1+s29], $0x10, s24, s29, $0xb8;
	[tilespmem:$0x1F6A0] =	vst v63  }
0x111: {  	s7 =	simm.s32 $0x0;
	s19 =	simm.s32 $0x49C0;
	s23 =	simm.s32 $0x40;
	v1 =	vld [tilespmem:s17+$0x40]  }
.LBB2_10:
0x112: {  	p0 =	sne.s32 s23, $0x1BC0;
	v2 =	vld [tilespmem:s7+$0x8F80];
	_ =	sdelay $0x4  }
0x113: {  	v1 =	vadd.f32 v2, v1;
	_ =	sdelay $0x1  }
0x114: {  	v2 =	vmul.f32 $2.000000030e-01, v1;
	_ =	sdelay $0x1  }
0x115: {  	v1 =	vmax.f32 v1, v2  }
0x116: {  	v1 =	vmul.f32 $1.442695020e+00, v1;
	_ =	sdelay $0x1  }
0x117: {  	(erf) = vpow2.f32 v1;
	_ =	sdelay $0x4  }
0x118: {  	v1 =	vld [tilespmem:s17+$0xFFFFFFF0]  }
0x119: {  	v2 =	vld [tilespmem:s17+$0xFFFFFFD0]  }
0x11a: {  	v3 =	vld [tilespmem:s17+$0xFFFFFFC0]  }
0x11b: {  	v4 =	vld [tilespmem:s17+$0xFFFFFFE0]  }
0x11c: {  	v5 =	vld [tilespmem:s17+$0x30];
	v6 =	vpop (erf)  }
0x11d: {  	[tilespmem:s17+$0x40] =	vst v6;
	v7 =	vbroadcast v6, $0x0;
	v8 =	vbroadcast v6, $0x1;
	v9 =	vld [tilespmem:s17+$0x10]  }
0x11e: {  	v10 =	vbroadcast v6, $0x2;
	v11 =	vbroadcast v6, $0x3;
	v12 =	vld [tilespmem:s17+$0x0]  }
0x11f: {  	v3 =	vmul.f32 v7, v3;
	v2 =	vmul.f32 v8, v2;
	v7 =	vld [tilespmem:s17+$0x20]  }
0x120: {  	v1 =	vmul.f32 v1, v11;
	v4 =	vmul.f32 v10, v4  }
0x121: {  	v8 =	vbroadcast v6, $0x5;
	[tilespmem:s17+$0xFFFFFFC0] =	vst v3;
	v3 =	vbroadcast v6, $0x4  }
0x122: {  	[tilespmem:s17+$0xFFFFFFD0] =	vst v2;
	v2 =	vbroadcast v6, $0x6;
	v6 =	vbroadcast v6, $0x7  }
0x123: {  	[tilespmem:s17+$0xFFFFFFE0] =	vst v4;
	v3 =	vmul.f32 v12, v3;
	v4 =	vmul.f32 v9, v8  }
.Ltmp4:
0x124: {  	[tilespmem:s17+$0xFFFFFFF0] =	vst v1;
	v1 =	vmul.f32 v7, v2;
	v2 =	vmul.f32 v5, v6;
	(pc) =	sbr.rel @p0 .LBB2_10-.Ltmp4, $4  }
0x125: {  	[tilespmem:s17+$0x0] =	vst v3  }
0x126: {  	[tilespmem:s17+$0x10] =	vst v4  }
0x127: {  	s17 =	sadd.s32 $0x90, s17;
	[tilespmem:s19+$0x20] =	vst v1  }
0x128: {  	s7 =	sshra.s32 s23, $0x2;
	s23 =	sadd.s32 $0x40, s23;
	v1 =	vld [tilespmem:s17+$0x40];
	[tilespmem:s19+$0x30] =	vst v2;
	s19 =	smov.u32 s17  }
0x129: {  	v2 =	vld [tilespmem:s7+$0x8F80];
	_ =	sdelay $0x4  }
0x12a: {  	v1 =	vadd.f32 v2, v1;
	_ =	sdelay $0x1  }
0x12b: {  	v2 =	vmul.f32 $2.000000030e-01, v1;
	_ =	sdelay $0x1  }
0x12c: {  	v1 =	vmax.f32 v1, v2  }
0x12d: {  	v1 =	vmul.f32 $1.442695020e+00, v1;
	_ =	sdelay $0x1  }
0x12e: {  	(erf) = vpow2.f32 v1;
	_ =	sdelay $0x6  }
0x12f: {  	v2 =	vld [tilespmem:s17+$0xFFFFFFC0]  }
0x130: {  	v3 =	vld [tilespmem:s17+$0xFFFFFFD0]  }
0x131: {  	v4 =	vld [tilespmem:s17+$0xFFFFFFE0];
	v5 =	vpop (erf)  }
0x132: {  	v1 =	vld [tilespmem:s17+$0xFFFFFFF0];
	v7 =	vbroadcast v5, $0x0  }
0x133: {  	v10 =	vld [tilespmem:s17+$0x10];
	v8 =	vbroadcast v5, $0x1  }
0x134: {  	v9 =	vld [tilespmem:s17+$0x0];
	v11 =	vbroadcast v5, $0x2;
	v2 =	vmul.f32 v7, v2  }
0x135: {  	v60 =	vld [tilespmem:s17+$0x20];
	[tilespmem:s17+$0x40] =	vst v5;
	v59 =	vbroadcast v5, $0x3;
	v3 =	vmul.f32 v8, v3  }
0x136: {  	v6 =	vld [tilespmem:s17+$0x30];
	v61 =	vbroadcast v5, $0x5;
	v4 =	vmul.f32 v11, v4;
	[tilespmem:s17+$0xFFFFFFC0] =	vst v2  }
0x137: {  	v1 =	vmul.f32 v1, v59;
	v2 =	vbroadcast v5, $0x4;
	[tilespmem:s17+$0xFFFFFFD0] =	vst v3  }
0x138: {  	v63 =	vmul.f32 v10, v61;
	v3 =	vbroadcast v5, $0x6;
	[tilespmem:s17+$0xFFFFFFE0] =	vst v4  }
0x139: {  	v62 =	vbroadcast v5, $0x7;
	[tilespmem:s17+$0xFFFFFFF0] =	vst v1;
	v2 =	vmul.f32 v9, v2  }
0x13a: {  	[tilespmem:s17+$0x10] =	vst v63;
	v1 =	vmul.f32 v60, v3  }
0x13b: {  	[tilespmem:s17+$0x0] =	vst v2;
	v2 =	vmul.f32 v6, v62  }
0x13c: {  	[tilespmem:s19+$0x20] =	vst v1  }
0x13d: {  	s17 =	simm.s32 $0x4D0;
	[tilespmem:s19+$0x30] =	vst v2  }
0x13e: {  	[spmem:s2] =	stream.indirect.scatter.add.f32 [tilespmem:s16], [sflag:$0x8], $0x90, s17, s29, $0xb8;
	[tilespmem:$0x1F6A0] =	vst v63  }
0x13f: {  	_ =	swait.ge [sflag:s31], $0x3F00  }
0x140: {  	[sflag:s31] =	ssyncset.done $0x0  }
0x141: {  	[sflag:s31] =	ssyncadd.s32 $0xFFFFC100  }
0x142: {  	_ =	swait.ge [sflag:s0], $0x700  }
0x143: {  	[sflag:s0] =	ssyncset.done $0x0  }
0x144: {  	[sflag:s0] =	ssyncadd.s32 $0xFFFFF900  }
0x145: {  	_ =	swait.ge [sflag:s8], $0x3F00  }
0x146: {  	[sflag:s8] =	ssyncset.done $0x0  }
0x147: {  	s19 =	simm.s32 $0x0;
	s9 =	rddreg [dreg:$0xd];
	[sflag:s8] =	ssyncadd.s32 $0xFFFFC100  }
0x148: {  	[tilespmem:s19], [sflag:$0x1] =	stream.linear.gather [hbm4b:s9+s19], $0x540, $0x38;
	[tilespmem:$0x1F6A0] =	vst v63  }
0x149: {  	s23 =	simm.s32 $0x690  }
0x14a: {  	[tilespmem:s16], [sflag:$0x4] =	stream.indirect.gather [hbm4b:s5+s29], $0x90, s23, s29, $0xb8;
	[tilespmem:$0x1F6A0] =	vst v63  }
0x14b: {  	s24 =	simm.s32 $0x700;
	s17 =	simm.s32 $0xAC0  }
0x14c: {  	[tilespmem:s18], [sflag:$0x6] =	stream.indirect.gather [hbm4b:s1+s29], $0x10, s24, s29, $0xb8;
	[tilespmem:$0x1F6A0] =	vst v63  }
0x14d: {  	s7 =	simm.s32 $0x0;
	s19 =	simm.s32 $0xAC0;
	s23 =	simm.s32 $0x40;
	v1 =	vld [tilespmem:s17+$0x40]  }
.LBB2_12:
0x14e: {  	p0 =	sne.s32 s23, $0x1BC0;
	v2 =	vld [tilespmem:s7+$0x8880];
	_ =	sdelay $0x4  }
0x14f: {  	v1 =	vadd.f32 v2, v1;
	_ =	sdelay $0x1  }
0x150: {  	v2 =	vmul.f32 $2.000000030e-01, v1;
	_ =	sdelay $0x1  }
0x151: {  	v1 =	vmax.f32 v1, v2  }
0x152: {  	v1 =	vmul.f32 $1.442695020e+00, v1;
	_ =	sdelay $0x1  }
0x153: {  	(erf) = vpow2.f32 v1;
	_ =	sdelay $0x4  }
0x154: {  	v1 =	vld [tilespmem:s17+$0xFFFFFFF0]  }
0x155: {  	v2 =	vld [tilespmem:s17+$0xFFFFFFD0]  }
0x156: {  	v3 =	vld [tilespmem:s17+$0xFFFFFFC0]  }
0x157: {  	v4 =	vld [tilespmem:s17+$0xFFFFFFE0]  }
0x158: {  	v5 =	vld [tilespmem:s17+$0x30];
	v6 =	vpop (erf)  }
0x159: {  	[tilespmem:s17+$0x40] =	vst v6;
	v7 =	vbroadcast v6, $0x0;
	v8 =	vbroadcast v6, $0x1;
	v9 =	vld [tilespmem:s17+$0x10]  }
0x15a: {  	v10 =	vbroadcast v6, $0x2;
	v11 =	vbroadcast v6, $0x3;
	v12 =	vld [tilespmem:s17+$0x0]  }
0x15b: {  	v3 =	vmul.f32 v7, v3;
	v2 =	vmul.f32 v8, v2;
	v7 =	vld [tilespmem:s17+$0x20]  }
0x15c: {  	v1 =	vmul.f32 v1, v11;
	v4 =	vmul.f32 v10, v4  }
0x15d: {  	v8 =	vbroadcast v6, $0x5;
	[tilespmem:s17+$0xFFFFFFC0] =	vst v3;
	v3 =	vbroadcast v6, $0x4  }
0x15e: {  	[tilespmem:s17+$0xFFFFFFD0] =	vst v2;
	v2 =	vbroadcast v6, $0x6;
	v6 =	vbroadcast v6, $0x7  }
0x15f: {  	[tilespmem:s17+$0xFFFFFFE0] =	vst v4;
	v3 =	vmul.f32 v12, v3;
	v4 =	vmul.f32 v9, v8  }
.Ltmp5:
0x160: {  	[tilespmem:s17+$0xFFFFFFF0] =	vst v1;
	v1 =	vmul.f32 v7, v2;
	v2 =	vmul.f32 v5, v6;
	(pc) =	sbr.rel @p0 .LBB2_12-.Ltmp5, $4  }
0x161: {  	[tilespmem:s17+$0x0] =	vst v3  }
0x162: {  	[tilespmem:s17+$0x10] =	vst v4  }
0x163: {  	s17 =	sadd.s32 $0x90, s17;
	[tilespmem:s19+$0x20] =	vst v1  }
0x164: {  	s7 =	sshra.s32 s23, $0x2;
	s23 =	sadd.s32 $0x40, s23;
	v1 =	vld [tilespmem:s17+$0x40];
	[tilespmem:s19+$0x30] =	vst v2;
	s19 =	smov.u32 s17  }
0x165: {  	v2 =	vld [tilespmem:s7+$0x8880];
	_ =	sdelay $0x4  }
0x166: {  	v1 =	vadd.f32 v2, v1;
	_ =	sdelay $0x1  }
0x167: {  	v2 =	vmul.f32 $2.000000030e-01, v1;
	_ =	sdelay $0x1  }
0x168: {  	v1 =	vmax.f32 v1, v2  }
0x169: {  	v1 =	vmul.f32 $1.442695020e+00, v1;
	_ =	sdelay $0x1  }
0x16a: {  	(erf) = vpow2.f32 v1;
	_ =	sdelay $0x6  }
0x16b: {  	v2 =	vld [tilespmem:s17+$0xFFFFFFC0]  }
0x16c: {  	v3 =	vld [tilespmem:s17+$0xFFFFFFD0]  }
0x16d: {  	v4 =	vld [tilespmem:s17+$0xFFFFFFE0];
	v5 =	vpop (erf)  }
0x16e: {  	v1 =	vld [tilespmem:s17+$0xFFFFFFF0];
	v7 =	vbroadcast v5, $0x0  }
0x16f: {  	v10 =	vld [tilespmem:s17+$0x10];
	v8 =	vbroadcast v5, $0x1  }
0x170: {  	v9 =	vld [tilespmem:s17+$0x0];
	v11 =	vbroadcast v5, $0x2;
	v2 =	vmul.f32 v7, v2  }
0x171: {  	v60 =	vld [tilespmem:s17+$0x20];
	[tilespmem:s17+$0x40] =	vst v5;
	v59 =	vbroadcast v5, $0x3;
	v3 =	vmul.f32 v8, v3  }
0x172: {  	v6 =	vld [tilespmem:s17+$0x30];
	v61 =	vbroadcast v5, $0x5;
	v4 =	vmul.f32 v11, v4;
	[tilespmem:s17+$0xFFFFFFC0] =	vst v2  }
0x173: {  	v1 =	vmul.f32 v1, v59;
	v2 =	vbroadcast v5, $0x4;
	[tilespmem:s17+$0xFFFFFFD0] =	vst v3  }
0x174: {  	v63 =	vmul.f32 v10, v61;
	v3 =	vbroadcast v5, $0x6;
	[tilespmem:s17+$0xFFFFFFE0] =	vst v4  }
0x175: {  	v62 =	vbroadcast v5, $0x7;
	[tilespmem:s17+$0xFFFFFFF0] =	vst v1;
	v2 =	vmul.f32 v9, v2  }
0x176: {  	[tilespmem:s17+$0x10] =	vst v63;
	v1 =	vmul.f32 v60, v3  }
0x177: {  	[tilespmem:s17+$0x0] =	vst v2;
	v2 =	vmul.f32 v6, v62  }
0x178: {  	[tilespmem:s19+$0x20] =	vst v1  }
0x179: {  	[tilespmem:s19+$0x30] =	vst v2;
	s19 =	simm.s32 $0x620  }
0x17a: {  	[spmem:s2] =	stream.indirect.scatter.add.f32 [tilespmem:s25], [sflag:$0x7], $0x90, s19, s29, $0xb8;
	[tilespmem:$0x1F6A0] =	vst v63  }
0x17b: {  	_ =	swait.ge [sflag:s20], $0x3F00  }
0x17c: {  	[sflag:s20] =	ssyncset.done $0x0  }
0x17d: {  	[sflag:s20] =	ssyncadd.s32 $0xFFFFC100  }
0x17e: {  	_ =	swait.ge [sflag:s21], $0x700  }
0x17f: {  	[sflag:s21] =	ssyncset.done $0x0  }
0x180: {  	[sflag:s21] =	ssyncadd.s32 $0xFFFFF900  }
0x181: {  	_ =	swait.ge [sflag:s22], $0x3F00  }
0x182: {  	[sflag:s22] =	ssyncset.done $0x0  }
0x183: {  	s23 =	simm.s32 $0x7E0;
	[sflag:s22] =	ssyncadd.s32 $0xFFFFC100  }
0x184: {  	[tilespmem:s25], [sflag:$0x3] =	stream.indirect.gather [hbm4b:s5+s29], $0x90, s23, s29, $0xb8;
	[tilespmem:$0x1F6A0] =	vst v63  }
0x185: {  	s24 =	simm.s32 $0x850;
	s17 =	simm.s32 $0x49C0  }
0x186: {  	[tilespmem:s30], [sflag:$0x5] =	stream.indirect.gather [hbm4b:s1+s29], $0x10, s24, s29, $0xb8;
	[tilespmem:$0x1F6A0] =	vst v63  }
0x187: {  	s7 =	simm.s32 $0x0;
	s19 =	simm.s32 $0x49C0;
	s23 =	simm.s32 $0x40;
	v1 =	vld [tilespmem:s17+$0x40]  }
.LBB2_14:
0x188: {  	p0 =	sne.s32 s23, $0x1BC0;
	v2 =	vld [tilespmem:s7+$0x8F80];
	_ =	sdelay $0x4  }
0x189: {  	v1 =	vadd.f32 v2, v1;
	_ =	sdelay $0x1  }
0x18a: {  	v2 =	vmul.f32 $2.000000030e-01, v1;
	_ =	sdelay $0x1  }
0x18b: {  	v1 =	vmax.f32 v1, v2  }
0x18c: {  	v1 =	vmul.f32 $1.442695020e+00, v1;
	_ =	sdelay $0x1  }
0x18d: {  	(erf) = vpow2.f32 v1;
	_ =	sdelay $0x4  }
0x18e: {  	v1 =	vld [tilespmem:s17+$0xFFFFFFF0]  }
0x18f: {  	v2 =	vld [tilespmem:s17+$0xFFFFFFD0]  }
0x190: {  	v3 =	vld [tilespmem:s17+$0xFFFFFFC0]  }
0x191: {  	v4 =	vld [tilespmem:s17+$0xFFFFFFE0]  }
0x192: {  	v5 =	vld [tilespmem:s17+$0x30];
	v6 =	vpop (erf)  }
0x193: {  	[tilespmem:s17+$0x40] =	vst v6;
	v7 =	vbroadcast v6, $0x0;
	v8 =	vbroadcast v6, $0x1;
	v9 =	vld [tilespmem:s17+$0x10]  }
0x194: {  	v10 =	vbroadcast v6, $0x2;
	v11 =	vbroadcast v6, $0x3;
	v12 =	vld [tilespmem:s17+$0x0]  }
0x195: {  	v3 =	vmul.f32 v7, v3;
	v2 =	vmul.f32 v8, v2;
	v7 =	vld [tilespmem:s17+$0x20]  }
0x196: {  	v1 =	vmul.f32 v1, v11;
	v4 =	vmul.f32 v10, v4  }
0x197: {  	v8 =	vbroadcast v6, $0x5;
	[tilespmem:s17+$0xFFFFFFC0] =	vst v3;
	v3 =	vbroadcast v6, $0x4  }
0x198: {  	[tilespmem:s17+$0xFFFFFFD0] =	vst v2;
	v2 =	vbroadcast v6, $0x6;
	v6 =	vbroadcast v6, $0x7  }
0x199: {  	[tilespmem:s17+$0xFFFFFFE0] =	vst v4;
	v3 =	vmul.f32 v12, v3;
	v4 =	vmul.f32 v9, v8  }
.Ltmp6:
0x19a: {  	[tilespmem:s17+$0xFFFFFFF0] =	vst v1;
	v1 =	vmul.f32 v7, v2;
	v2 =	vmul.f32 v5, v6;
	(pc) =	sbr.rel @p0 .LBB2_14-.Ltmp6, $4  }
0x19b: {  	[tilespmem:s17+$0x0] =	vst v3  }
0x19c: {  	[tilespmem:s17+$0x10] =	vst v4  }
0x19d: {  	s17 =	sadd.s32 $0x90, s17;
	[tilespmem:s19+$0x20] =	vst v1  }
0x19e: {  	s7 =	sshra.s32 s23, $0x2;
	s23 =	sadd.s32 $0x40, s23;
	v1 =	vld [tilespmem:s17+$0x40];
	[tilespmem:s19+$0x30] =	vst v2;
	s19 =	smov.u32 s17  }
0x19f: {  	v2 =	vld [tilespmem:s7+$0x8F80];
	_ =	sdelay $0x4  }
0x1a0: {  	v1 =	vadd.f32 v2, v1;
	_ =	sdelay $0x1  }
0x1a1: {  	v2 =	vmul.f32 $2.000000030e-01, v1;
	_ =	sdelay $0x1  }
0x1a2: {  	v1 =	vmax.f32 v1, v2  }
0x1a3: {  	v1 =	vmul.f32 $1.442695020e+00, v1;
	_ =	sdelay $0x1  }
0x1a4: {  	(erf) = vpow2.f32 v1;
	_ =	sdelay $0x6  }
0x1a5: {  	v2 =	vld [tilespmem:s17+$0xFFFFFFC0]  }
0x1a6: {  	v3 =	vld [tilespmem:s17+$0xFFFFFFD0]  }
0x1a7: {  	v4 =	vld [tilespmem:s17+$0xFFFFFFE0];
	v5 =	vpop (erf)  }
0x1a8: {  	v1 =	vld [tilespmem:s17+$0xFFFFFFF0];
	v7 =	vbroadcast v5, $0x0  }
0x1a9: {  	v10 =	vld [tilespmem:s17+$0x10];
	v8 =	vbroadcast v5, $0x1  }
0x1aa: {  	v9 =	vld [tilespmem:s17+$0x0];
	v11 =	vbroadcast v5, $0x2;
	v2 =	vmul.f32 v7, v2  }
0x1ab: {  	v60 =	vld [tilespmem:s17+$0x20];
	[tilespmem:s17+$0x40] =	vst v5;
	v59 =	vbroadcast v5, $0x3;
	v3 =	vmul.f32 v8, v3  }
0x1ac: {  	v6 =	vld [tilespmem:s17+$0x30];
	v61 =	vbroadcast v5, $0x5;
	v4 =	vmul.f32 v11, v4;
	[tilespmem:s17+$0xFFFFFFC0] =	vst v2  }
0x1ad: {  	v1 =	vmul.f32 v1, v59;
	v2 =	vbroadcast v5, $0x4;
	[tilespmem:s17+$0xFFFFFFD0] =	vst v3  }
0x1ae: {  	v63 =	vmul.f32 v10, v61;
	v3 =	vbroadcast v5, $0x6;
	[tilespmem:s17+$0xFFFFFFE0] =	vst v4  }
0x1af: {  	v62 =	vbroadcast v5, $0x7;
	[tilespmem:s17+$0xFFFFFFF0] =	vst v1;
	v2 =	vmul.f32 v9, v2  }
0x1b0: {  	[tilespmem:s17+$0x10] =	vst v63;
	v1 =	vmul.f32 v60, v3  }
0x1b1: {  	[tilespmem:s17+$0x0] =	vst v2;
	v2 =	vmul.f32 v6, v62  }
0x1b2: {  	[tilespmem:s19+$0x20] =	vst v1  }
0x1b3: {  	s24 =	simm.s32 $0x770;
	[tilespmem:s19+$0x30] =	vst v2  }
0x1b4: {  	[spmem:s2] =	stream.indirect.scatter.add.f32 [tilespmem:s16], [sflag:$0x8], $0x90, s24, s29, $0xb8;
	[tilespmem:$0x1F6A0] =	vst v63  }
0x1b5: {  	_ =	swait.ge [sflag:s31], $0x3F00  }
0x1b6: {  	[sflag:s31] =	ssyncset.done $0x0  }
0x1b7: {  	[sflag:s31] =	ssyncadd.s32 $0xFFFFC100  }
0x1b8: {  	_ =	swait.ge [sflag:s0], $0x700  }
0x1b9: {  	[sflag:s0] =	ssyncset.done $0x0  }
0x1ba: {  	[sflag:s0] =	ssyncadd.s32 $0xFFFFF900  }
0x1bb: {  	_ =	swait.ge [sflag:s8], $0x3F00  }
0x1bc: {  	[sflag:s8] =	ssyncset.done $0x0  }
0x1bd: {  	[sflag:s8] =	ssyncadd.s32 $0xFFFFC100  }
0x1be: {  	[tilespmem:s16], [sflag:$0x4] =	stream.indirect.gather [hbm4b:s5+s29], $0x90, s10, s29, $0xb8;
	[tilespmem:$0x1F6A0] =	vst v63  }
0x1bf: {  	s17 =	simm.s32 $0xAC0  }
0x1c0: {  	[tilespmem:s18], [sflag:$0x6] =	stream.indirect.gather [hbm4b:s1+s29], $0x10, s11, s29, $0xb8;
	[tilespmem:$0x1F6A0] =	vst v63  }
0x1c1: {  	s7 =	simm.s32 $0x0;
	s23 =	simm.s32 $0x40;
	s19 =	simm.s32 $0xAC0;
	v1 =	vld [tilespmem:s17+$0x40]  }
.LBB2_16:
0x1c2: {  	p0 =	sne.s32 s23, $0x1BC0;
	v2 =	vld [tilespmem:s7+$0x8880];
	_ =	sdelay $0x4  }
0x1c3: {  	v1 =	vadd.f32 v2, v1;
	_ =	sdelay $0x1  }
0x1c4: {  	v2 =	vmul.f32 $2.000000030e-01, v1;
	_ =	sdelay $0x1  }
0x1c5: {  	v1 =	vmax.f32 v1, v2  }
0x1c6: {  	v1 =	vmul.f32 $1.442695020e+00, v1;
	_ =	sdelay $0x1  }
0x1c7: {  	(erf) = vpow2.f32 v1;
	_ =	sdelay $0x4  }
0x1c8: {  	v1 =	vld [tilespmem:s17+$0xFFFFFFF0]  }
0x1c9: {  	v2 =	vld [tilespmem:s17+$0xFFFFFFD0]  }
0x1ca: {  	v3 =	vld [tilespmem:s17+$0xFFFFFFC0]  }
0x1cb: {  	v4 =	vld [tilespmem:s17+$0xFFFFFFE0]  }
0x1cc: {  	v5 =	vld [tilespmem:s17+$0x30];
	v6 =	vpop (erf)  }
0x1cd: {  	[tilespmem:s17+$0x40] =	vst v6;
	v7 =	vbroadcast v6, $0x0;
	v8 =	vbroadcast v6, $0x1;
	v9 =	vld [tilespmem:s17+$0x10]  }
0x1ce: {  	v10 =	vbroadcast v6, $0x2;
	v11 =	vbroadcast v6, $0x3;
	v12 =	vld [tilespmem:s17+$0x0]  }
0x1cf: {  	v3 =	vmul.f32 v7, v3;
	v2 =	vmul.f32 v8, v2;
	v7 =	vld [tilespmem:s17+$0x20]  }
0x1d0: {  	v1 =	vmul.f32 v1, v11;
	v4 =	vmul.f32 v10, v4  }
0x1d1: {  	v8 =	vbroadcast v6, $0x5;
	[tilespmem:s17+$0xFFFFFFC0] =	vst v3;
	v3 =	vbroadcast v6, $0x4  }
0x1d2: {  	[tilespmem:s17+$0xFFFFFFD0] =	vst v2;
	v2 =	vbroadcast v6, $0x6;
	v6 =	vbroadcast v6, $0x7  }
0x1d3: {  	[tilespmem:s17+$0xFFFFFFE0] =	vst v4;
	v3 =	vmul.f32 v12, v3;
	v4 =	vmul.f32 v9, v8  }
.Ltmp7:
0x1d4: {  	[tilespmem:s17+$0xFFFFFFF0] =	vst v1;
	v1 =	vmul.f32 v7, v2;
	v2 =	vmul.f32 v5, v6;
	(pc) =	sbr.rel @p0 .LBB2_16-.Ltmp7, $4  }
0x1d5: {  	[tilespmem:s17+$0x0] =	vst v3  }
0x1d6: {  	[tilespmem:s17+$0x10] =	vst v4  }
0x1d7: {  	s17 =	sadd.s32 $0x90, s17;
	[tilespmem:s19+$0x20] =	vst v1  }
0x1d8: {  	s7 =	sshra.s32 s23, $0x2;
	s23 =	sadd.s32 $0x40, s23;
	v1 =	vld [tilespmem:s17+$0x40];
	[tilespmem:s19+$0x30] =	vst v2;
	s19 =	smov.u32 s17  }
0x1d9: {  	v2 =	vld [tilespmem:s7+$0x8880];
	_ =	sdelay $0x4  }
0x1da: {  	v1 =	vadd.f32 v2, v1;
	_ =	sdelay $0x1  }
0x1db: {  	v2 =	vmul.f32 $2.000000030e-01, v1;
	_ =	sdelay $0x1  }
0x1dc: {  	v1 =	vmax.f32 v1, v2  }
0x1dd: {  	v1 =	vmul.f32 $1.442695020e+00, v1;
	_ =	sdelay $0x1  }
0x1de: {  	(erf) = vpow2.f32 v1;
	_ =	sdelay $0x6  }
0x1df: {  	v2 =	vld [tilespmem:s17+$0xFFFFFFC0]  }
0x1e0: {  	v3 =	vld [tilespmem:s17+$0xFFFFFFD0]  }
0x1e1: {  	v4 =	vld [tilespmem:s17+$0xFFFFFFE0];
	v5 =	vpop (erf)  }
0x1e2: {  	v1 =	vld [tilespmem:s17+$0xFFFFFFF0];
	v7 =	vbroadcast v5, $0x0  }
0x1e3: {  	v10 =	vld [tilespmem:s17+$0x10];
	v8 =	vbroadcast v5, $0x1  }
0x1e4: {  	v9 =	vld [tilespmem:s17+$0x0];
	v11 =	vbroadcast v5, $0x2;
	v2 =	vmul.f32 v7, v2  }
0x1e5: {  	v60 =	vld [tilespmem:s17+$0x20];
	[tilespmem:s17+$0x40] =	vst v5;
	v59 =	vbroadcast v5, $0x3;
	v3 =	vmul.f32 v8, v3  }
0x1e6: {  	v6 =	vld [tilespmem:s17+$0x30];
	v61 =	vbroadcast v5, $0x5;
	v4 =	vmul.f32 v11, v4;
	[tilespmem:s17+$0xFFFFFFC0] =	vst v2  }
0x1e7: {  	v1 =	vmul.f32 v1, v59;
	v2 =	vbroadcast v5, $0x4;
	[tilespmem:s17+$0xFFFFFFD0] =	vst v3  }
0x1e8: {  	v63 =	vmul.f32 v10, v61;
	v3 =	vbroadcast v5, $0x6;
	[tilespmem:s17+$0xFFFFFFE0] =	vst v4  }
0x1e9: {  	v62 =	vbroadcast v5, $0x7;
	[tilespmem:s17+$0xFFFFFFF0] =	vst v1;
	v2 =	vmul.f32 v9, v2  }
0x1ea: {  	[tilespmem:s17+$0x10] =	vst v63;
	v1 =	vmul.f32 v60, v3  }
0x1eb: {  	[tilespmem:s17+$0x0] =	vst v2;
	v2 =	vmul.f32 v6, v62  }
0x1ec: {  	[tilespmem:s19+$0x20] =	vst v1  }
0x1ed: {  	[tilespmem:s19+$0x30] =	vst v2  }
0x1ee: {  	[spmem:s2] =	stream.indirect.scatter.add.f32 [tilespmem:s25], [sflag:$0x7], $0x90, s3, s29, $0xb8;
	[tilespmem:$0x1F6A0] =	vst v63  }
0x1ef: {  	_ =	swait.ge [sflag:s20], $0x3F00  }
0x1f0: {  	[sflag:s20] =	ssyncset.done $0x0  }
0x1f1: {  	[sflag:s20] =	ssyncadd.s32 $0xFFFFC100  }
0x1f2: {  	_ =	swait.ge [sflag:s21], $0x700  }
0x1f3: {  	[sflag:s21] =	ssyncset.done $0x0  }
0x1f4: {  	[sflag:s21] =	ssyncadd.s32 $0xFFFFF900  }
0x1f5: {  	_ =	swait.ge [sflag:s22], $0x3F00  }
0x1f6: {  	[sflag:s22] =	ssyncset.done $0x0  }
0x1f7: {  	[sflag:s22] =	ssyncadd.s32 $0xFFFFC100  }
0x1f8: {  	_ =	swait.ge [sflag:s28], $0x540  }
0x1f9: {  	[sflag:s28] =	ssyncset.done $0x0  }
0x1fa: {  	s24 =	simm.s32 $0x0;
	[sflag:s28] =	ssyncadd.s32 $0xFFFFFAC0  }
0x1fb: {  	[tilespmem:s25], [sflag:$0x3] =	stream.indirect.gather [hbm4b:s5+s29], $0x90, s24, s29, $0xb8;
	[tilespmem:$0x1F6A0] =	vst v63  }
0x1fc: {  	s17 =	simm.s32 $0x49C0  }
0x1fd: {  	[tilespmem:s30], [sflag:$0x5] =	stream.indirect.gather [hbm4b:s1+s29], $0x10, s29, s29, $0xb8;
	[tilespmem:$0x1F6A0] =	vst v63  }
0x1fe: {  	s7 =	simm.s32 $0x0;
	s23 =	simm.s32 $0x40;
	s19 =	simm.s32 $0x49C0;
	v1 =	vld [tilespmem:s17+$0x40]  }
.LBB2_18:
0x1ff: {  	p0 =	sne.s32 s23, $0x1BC0;
	v2 =	vld [tilespmem:s7+$0x8F80];
	_ =	sdelay $0x4  }
0x200: {  	v1 =	vadd.f32 v2, v1;
	_ =	sdelay $0x1  }
0x201: {  	v2 =	vmul.f32 $2.000000030e-01, v1;
	_ =	sdelay $0x1  }
0x202: {  	v1 =	vmax.f32 v1, v2  }
0x203: {  	v1 =	vmul.f32 $1.442695020e+00, v1;
	_ =	sdelay $0x1  }
0x204: {  	(erf) = vpow2.f32 v1;
	_ =	sdelay $0x4  }
0x205: {  	v1 =	vld [tilespmem:s17+$0xFFFFFFF0]  }
0x206: {  	v2 =	vld [tilespmem:s17+$0xFFFFFFD0]  }
0x207: {  	v3 =	vld [tilespmem:s17+$0xFFFFFFC0]  }
0x208: {  	v4 =	vld [tilespmem:s17+$0xFFFFFFE0]  }
0x209: {  	v5 =	vld [tilespmem:s17+$0x30];
	v6 =	vpop (erf)  }
0x20a: {  	[tilespmem:s17+$0x40] =	vst v6;
	v7 =	vbroadcast v6, $0x0;
	v8 =	vbroadcast v6, $0x1;
	v9 =	vld [tilespmem:s17+$0x10]  }
0x20b: {  	v10 =	vbroadcast v6, $0x2;
	v11 =	vbroadcast v6, $0x3;
	v12 =	vld [tilespmem:s17+$0x0]  }
0x20c: {  	v3 =	vmul.f32 v7, v3;
	v2 =	vmul.f32 v8, v2;
	v7 =	vld [tilespmem:s17+$0x20]  }
0x20d: {  	v1 =	vmul.f32 v1, v11;
	v4 =	vmul.f32 v10, v4  }
0x20e: {  	v8 =	vbroadcast v6, $0x5;
	[tilespmem:s17+$0xFFFFFFC0] =	vst v3;
	v3 =	vbroadcast v6, $0x4  }
0x20f: {  	[tilespmem:s17+$0xFFFFFFD0] =	vst v2;
	v2 =	vbroadcast v6, $0x6;
	v6 =	vbroadcast v6, $0x7  }
0x210: {  	[tilespmem:s17+$0xFFFFFFE0] =	vst v4;
	v3 =	vmul.f32 v12, v3;
	v4 =	vmul.f32 v9, v8  }
.Ltmp8:
0x211: {  	[tilespmem:s17+$0xFFFFFFF0] =	vst v1;
	v1 =	vmul.f32 v7, v2;
	v2 =	vmul.f32 v5, v6;
	(pc) =	sbr.rel @p0 .LBB2_18-.Ltmp8, $4  }
0x212: {  	[tilespmem:s17+$0x0] =	vst v3  }
0x213: {  	[tilespmem:s17+$0x10] =	vst v4  }
0x214: {  	s17 =	sadd.s32 $0x90, s17;
	[tilespmem:s19+$0x20] =	vst v1  }
0x215: {  	s7 =	sshra.s32 s23, $0x2;
	s23 =	sadd.s32 $0x40, s23;
	v1 =	vld [tilespmem:s17+$0x40];
	[tilespmem:s19+$0x30] =	vst v2;
	s19 =	smov.u32 s17  }
0x216: {  	v2 =	vld [tilespmem:s7+$0x8F80];
	_ =	sdelay $0x4  }
0x217: {  	v1 =	vadd.f32 v2, v1;
	_ =	sdelay $0x1  }
0x218: {  	v2 =	vmul.f32 $2.000000030e-01, v1;
	_ =	sdelay $0x1  }
0x219: {  	v1 =	vmax.f32 v1, v2  }
0x21a: {  	v1 =	vmul.f32 $1.442695020e+00, v1;
	_ =	sdelay $0x1  }
0x21b: {  	(erf) = vpow2.f32 v1;
	_ =	sdelay $0x6  }
0x21c: {  	v2 =	vld [tilespmem:s17+$0xFFFFFFC0]  }
0x21d: {  	v3 =	vld [tilespmem:s17+$0xFFFFFFD0]  }
0x21e: {  	v4 =	vld [tilespmem:s17+$0xFFFFFFE0];
	v5 =	vpop (erf)  }
0x21f: {  	v1 =	vld [tilespmem:s17+$0xFFFFFFF0];
	v7 =	vbroadcast v5, $0x0  }
0x220: {  	v10 =	vld [tilespmem:s17+$0x10];
	v8 =	vbroadcast v5, $0x1  }
0x221: {  	v9 =	vld [tilespmem:s17+$0x0];
	v11 =	vbroadcast v5, $0x2;
	v2 =	vmul.f32 v7, v2  }
0x222: {  	v60 =	vld [tilespmem:s17+$0x20];
	[tilespmem:s17+$0x40] =	vst v5;
	v59 =	vbroadcast v5, $0x3;
	v3 =	vmul.f32 v8, v3  }
0x223: {  	v6 =	vld [tilespmem:s17+$0x30];
	v61 =	vbroadcast v5, $0x5;
	v4 =	vmul.f32 v11, v4;
	[tilespmem:s17+$0xFFFFFFC0] =	vst v2  }
0x224: {  	v1 =	vmul.f32 v1, v59;
	v2 =	vbroadcast v5, $0x4;
	[tilespmem:s17+$0xFFFFFFD0] =	vst v3  }
0x225: {  	v63 =	vmul.f32 v10, v61;
	v3 =	vbroadcast v5, $0x6;
	[tilespmem:s17+$0xFFFFFFE0] =	vst v4  }
0x226: {  	v62 =	vbroadcast v5, $0x7;
	[tilespmem:s17+$0xFFFFFFF0] =	vst v1;
	v2 =	vmul.f32 v9, v2  }
0x227: {  	[tilespmem:s17+$0x10] =	vst v63;
	v1 =	vmul.f32 v60, v3  }
0x228: {  	[tilespmem:s17+$0x0] =	vst v2;
	v2 =	vmul.f32 v6, v62  }
0x229: {  	[tilespmem:s19+$0x20] =	vst v1  }
0x22a: {  	s17 =	simm.s32 $0x1;
	[tilespmem:s19+$0x30] =	vst v2  }
0x22b: {  	[spmem:s2] =	stream.indirect.scatter.add.f32 [tilespmem:s16], [sflag:$0x8], $0x90, s13, s29, $0xb8;
	[tilespmem:$0x1F6A0] =	vst v63  }
.LBB2_20:
0x22c: {  	_ =	swait.ge [sflag:s31], $0x3F00  }
0x22d: {  	[sflag:s31] =	ssyncset.done $0x0  }
0x22e: {  	[sflag:s31] =	ssyncadd.s32 $0xFFFFC100  }
0x22f: {  	_ =	swait.ge [sflag:s0], $0x700  }
0x230: {  	s19 =	smul.u32 $0xA80, s17;
	[sflag:s0] =	ssyncset.done $0x0  }
0x231: {  	[sflag:s0] =	ssyncadd.s32 $0xFFFFF900  }
0x232: {  	s7 =	sadd.s32 s19, s14;
	_ =	swait.ge [sflag:s8], $0x3F00  }
0x233: {  	s7 =	sshrl.u32 s7, $0x3;
	[sflag:s8] =	ssyncset.done $0x0  }
0x234: {  	s9 =	simm.s32 $0x0;
	s7 =	sadd.s32 s6, s7;
	[sflag:s8] =	ssyncadd.s32 $0xFFFFC100  }
0x235: {  	[tilespmem:s4], [sflag:$0x2] =	stream.linear.gather [hbm4b:s7+s9], $0x540, $0x38;
	[tilespmem:$0x1F6A0] =	vst v63  }
0x236: {  	s23 =	simm.s32 $0x150  }
0x237: {  	[tilespmem:s16], [sflag:$0x4] =	stream.indirect.gather [hbm4b:s5+s29], $0x90, s23, s29, $0xb8;
	[tilespmem:$0x1F6A0] =	vst v63  }
0x238: {  	s24 =	simm.s32 $0x1C0;
	s23 =	simm.s32 $0xAC0  }
0x239: {  	[tilespmem:s18], [sflag:$0x6] =	stream.indirect.gather [hbm4b:s1+s29], $0x10, s24, s29, $0xb8;
	[tilespmem:$0x1F6A0] =	vst v63  }
0x23a: {  	s9 =	simm.s32 $0x0;
	s7 =	simm.s32 $0x40;
	s24 =	simm.s32 $0xAC0;
	v1 =	vld [tilespmem:s23+$0x40]  }
.LBB2_21:
0x23b: {  	p0 =	sne.s32 s7, $0x1BC0;
	v2 =	vld [tilespmem:s9+$0x8880];
	_ =	sdelay $0x4  }
0x23c: {  	v1 =	vadd.f32 v2, v1;
	_ =	sdelay $0x1  }
0x23d: {  	v2 =	vmul.f32 $2.000000030e-01, v1;
	_ =	sdelay $0x1  }
0x23e: {  	v1 =	vmax.f32 v1, v2  }
0x23f: {  	v1 =	vmul.f32 $1.442695020e+00, v1;
	_ =	sdelay $0x1  }
0x240: {  	(erf) = vpow2.f32 v1;
	_ =	sdelay $0x4  }
0x241: {  	v1 =	vld [tilespmem:s23+$0xFFFFFFF0]  }
0x242: {  	v2 =	vld [tilespmem:s23+$0xFFFFFFD0]  }
0x243: {  	v3 =	vld [tilespmem:s23+$0xFFFFFFC0]  }
0x244: {  	v4 =	vld [tilespmem:s23+$0xFFFFFFE0]  }
0x245: {  	v5 =	vld [tilespmem:s23+$0x30];
	v6 =	vpop (erf)  }
0x246: {  	[tilespmem:s23+$0x40] =	vst v6;
	v7 =	vbroadcast v6, $0x0;
	v8 =	vbroadcast v6, $0x1;
	v9 =	vld [tilespmem:s23+$0x10]  }
0x247: {  	v10 =	vbroadcast v6, $0x2;
	v11 =	vbroadcast v6, $0x3;
	v12 =	vld [tilespmem:s23+$0x0]  }
0x248: {  	v3 =	vmul.f32 v7, v3;
	v2 =	vmul.f32 v8, v2;
	v7 =	vld [tilespmem:s23+$0x20]  }
0x249: {  	v1 =	vmul.f32 v1, v11;
	v4 =	vmul.f32 v10, v4  }
0x24a: {  	v8 =	vbroadcast v6, $0x5;
	[tilespmem:s23+$0xFFFFFFC0] =	vst v3;
	v3 =	vbroadcast v6, $0x4  }
0x24b: {  	[tilespmem:s23+$0xFFFFFFD0] =	vst v2;
	v2 =	vbroadcast v6, $0x6;
	v6 =	vbroadcast v6, $0x7  }
0x24c: {  	[tilespmem:s23+$0xFFFFFFE0] =	vst v4;
	v3 =	vmul.f32 v12, v3;
	v4 =	vmul.f32 v9, v8  }
.Ltmp9:
0x24d: {  	[tilespmem:s23+$0xFFFFFFF0] =	vst v1;
	v1 =	vmul.f32 v7, v2;
	v2 =	vmul.f32 v5, v6;
	(pc) =	sbr.rel @p0 .LBB2_21-.Ltmp9, $4  }
0x24e: {  	[tilespmem:s23+$0x0] =	vst v3  }
0x24f: {  	[tilespmem:s23+$0x10] =	vst v4  }
0x250: {  	s23 =	sadd.s32 $0x90, s23;
	[tilespmem:s24+$0x20] =	vst v1  }
0x251: {  	s9 =	sshra.s32 s7, $0x2;
	s7 =	sadd.s32 $0x40, s7;
	v1 =	vld [tilespmem:s23+$0x40];
	[tilespmem:s24+$0x30] =	vst v2;
	s24 =	smov.u32 s23  }
0x252: {  	v2 =	vld [tilespmem:s9+$0x8880];
	_ =	sdelay $0x4  }
0x253: {  	v1 =	vadd.f32 v2, v1;
	_ =	sdelay $0x1  }
0x254: {  	v2 =	vmul.f32 $2.000000030e-01, v1;
	_ =	sdelay $0x1  }
0x255: {  	v1 =	vmax.f32 v1, v2  }
0x256: {  	v1 =	vmul.f32 $1.442695020e+00, v1;
	_ =	sdelay $0x1  }
0x257: {  	(erf) = vpow2.f32 v1;
	_ =	sdelay $0x6  }
0x258: {  	v2 =	vld [tilespmem:s23+$0xFFFFFFC0]  }
0x259: {  	v3 =	vld [tilespmem:s23+$0xFFFFFFD0]  }
0x25a: {  	v4 =	vld [tilespmem:s23+$0xFFFFFFE0];
	v5 =	vpop (erf)  }
0x25b: {  	v1 =	vld [tilespmem:s23+$0xFFFFFFF0];
	v7 =	vbroadcast v5, $0x0  }
0x25c: {  	v10 =	vld [tilespmem:s23+$0x10];
	v8 =	vbroadcast v5, $0x1  }
0x25d: {  	v9 =	vld [tilespmem:s23+$0x0];
	v11 =	vbroadcast v5, $0x2;
	v2 =	vmul.f32 v7, v2  }
0x25e: {  	v60 =	vld [tilespmem:s23+$0x20];
	[tilespmem:s23+$0x40] =	vst v5;
	v59 =	vbroadcast v5, $0x3;
	v3 =	vmul.f32 v8, v3  }
0x25f: {  	v6 =	vld [tilespmem:s23+$0x30];
	v61 =	vbroadcast v5, $0x5;
	v4 =	vmul.f32 v11, v4;
	[tilespmem:s23+$0xFFFFFFC0] =	vst v2  }
0x260: {  	v1 =	vmul.f32 v1, v59;
	v2 =	vbroadcast v5, $0x4;
	[tilespmem:s23+$0xFFFFFFD0] =	vst v3  }
0x261: {  	v63 =	vmul.f32 v10, v61;
	v3 =	vbroadcast v5, $0x6;
	[tilespmem:s23+$0xFFFFFFE0] =	vst v4  }
0x262: {  	v62 =	vbroadcast v5, $0x7;
	[tilespmem:s23+$0xFFFFFFF0] =	vst v1;
	v2 =	vmul.f32 v9, v2  }
0x263: {  	[tilespmem:s23+$0x10] =	vst v63;
	v1 =	vmul.f32 v60, v3  }
0x264: {  	[tilespmem:s23+$0x0] =	vst v2;
	v2 =	vmul.f32 v6, v62  }
0x265: {  	[tilespmem:s24+$0x20] =	vst v1  }
0x266: {  	s7 =	simm.s32 $0xE0;
	[tilespmem:s24+$0x30] =	vst v2  }
0x267: {  	[spmem:s2] =	stream.indirect.scatter.add.f32 [tilespmem:s25], [sflag:$0x7], $0x90, s7, s29, $0xb8;
	[tilespmem:$0x1F6A0] =	vst v63  }
0x268: {  	_ =	swait.ge [sflag:s20], $0x3F00  }
0x269: {  	[sflag:s20] =	ssyncset.done $0x0  }
0x26a: {  	[sflag:s20] =	ssyncadd.s32 $0xFFFFC100  }
0x26b: {  	_ =	swait.ge [sflag:s21], $0x700  }
0x26c: {  	[sflag:s21] =	ssyncset.done $0x0  }
0x26d: {  	[sflag:s21] =	ssyncadd.s32 $0xFFFFF900  }
0x26e: {  	_ =	swait.ge [sflag:s22], $0x3F00  }
0x26f: {  	[sflag:s22] =	ssyncset.done $0x0  }
0x270: {  	s23 =	simm.s32 $0x2A0;
	[sflag:s22] =	ssyncadd.s32 $0xFFFFC100  }
0x271: {  	[tilespmem:s25], [sflag:$0x3] =	stream.indirect.gather [hbm4b:s5+s29], $0x90, s23, s29, $0xb8;
	[tilespmem:$0x1F6A0] =	vst v63  }
0x272: {  	s24 =	simm.s32 $0x310;
	s23 =	simm.s32 $0x49C0  }
0x273: {  	[tilespmem:s30], [sflag:$0x5] =	stream.indirect.gather [hbm4b:s1+s29], $0x10, s24, s29, $0xb8;
	[tilespmem:$0x1F6A0] =	vst v63  }
0x274: {  	s9 =	simm.s32 $0x0;
	s7 =	simm.s32 $0x40;
	s24 =	simm.s32 $0x49C0;
	v1 =	vld [tilespmem:s23+$0x40]  }
.LBB2_23:
0x275: {  	p0 =	sne.s32 s7, $0x1BC0;
	v2 =	vld [tilespmem:s9+$0x8F80];
	_ =	sdelay $0x4  }
0x276: {  	v1 =	vadd.f32 v2, v1;
	_ =	sdelay $0x1  }
0x277: {  	v2 =	vmul.f32 $2.000000030e-01, v1;
	_ =	sdelay $0x1  }
0x278: {  	v1 =	vmax.f32 v1, v2  }
0x279: {  	v1 =	vmul.f32 $1.442695020e+00, v1;
	_ =	sdelay $0x1  }
0x27a: {  	(erf) = vpow2.f32 v1;
	_ =	sdelay $0x4  }
0x27b: {  	v1 =	vld [tilespmem:s23+$0xFFFFFFF0]  }
0x27c: {  	v2 =	vld [tilespmem:s23+$0xFFFFFFD0]  }
0x27d: {  	v3 =	vld [tilespmem:s23+$0xFFFFFFC0]  }
0x27e: {  	v4 =	vld [tilespmem:s23+$0xFFFFFFE0]  }
0x27f: {  	v5 =	vld [tilespmem:s23+$0x30];
	v6 =	vpop (erf)  }
0x280: {  	[tilespmem:s23+$0x40] =	vst v6;
	v7 =	vbroadcast v6, $0x0;
	v8 =	vbroadcast v6, $0x1;
	v9 =	vld [tilespmem:s23+$0x10]  }
0x281: {  	v10 =	vbroadcast v6, $0x2;
	v11 =	vbroadcast v6, $0x3;
	v12 =	vld [tilespmem:s23+$0x0]  }
0x282: {  	v3 =	vmul.f32 v7, v3;
	v2 =	vmul.f32 v8, v2;
	v7 =	vld [tilespmem:s23+$0x20]  }
0x283: {  	v1 =	vmul.f32 v1, v11;
	v4 =	vmul.f32 v10, v4  }
0x284: {  	v8 =	vbroadcast v6, $0x5;
	[tilespmem:s23+$0xFFFFFFC0] =	vst v3;
	v3 =	vbroadcast v6, $0x4  }
0x285: {  	[tilespmem:s23+$0xFFFFFFD0] =	vst v2;
	v2 =	vbroadcast v6, $0x6;
	v6 =	vbroadcast v6, $0x7  }
0x286: {  	[tilespmem:s23+$0xFFFFFFE0] =	vst v4;
	v3 =	vmul.f32 v12, v3;
	v4 =	vmul.f32 v9, v8  }
.Ltmp10:
0x287: {  	[tilespmem:s23+$0xFFFFFFF0] =	vst v1;
	v1 =	vmul.f32 v7, v2;
	v2 =	vmul.f32 v5, v6;
	(pc) =	sbr.rel @p0 .LBB2_23-.Ltmp10, $4  }
0x288: {  	[tilespmem:s23+$0x0] =	vst v3  }
0x289: {  	[tilespmem:s23+$0x10] =	vst v4  }
0x28a: {  	s23 =	sadd.s32 $0x90, s23;
	[tilespmem:s24+$0x20] =	vst v1  }
0x28b: {  	s9 =	sshra.s32 s7, $0x2;
	s7 =	sadd.s32 $0x40, s7;
	v1 =	vld [tilespmem:s23+$0x40];
	[tilespmem:s24+$0x30] =	vst v2;
	s24 =	smov.u32 s23  }
0x28c: {  	v2 =	vld [tilespmem:s9+$0x8F80];
	_ =	sdelay $0x4  }
0x28d: {  	v1 =	vadd.f32 v2, v1;
	_ =	sdelay $0x1  }
0x28e: {  	v2 =	vmul.f32 $2.000000030e-01, v1;
	_ =	sdelay $0x1  }
0x28f: {  	v1 =	vmax.f32 v1, v2  }
0x290: {  	v1 =	vmul.f32 $1.442695020e+00, v1;
	_ =	sdelay $0x1  }
0x291: {  	(erf) = vpow2.f32 v1;
	_ =	sdelay $0x6  }
0x292: {  	v2 =	vld [tilespmem:s23+$0xFFFFFFC0]  }
0x293: {  	v3 =	vld [tilespmem:s23+$0xFFFFFFD0]  }
0x294: {  	v4 =	vld [tilespmem:s23+$0xFFFFFFE0];
	v5 =	vpop (erf)  }
0x295: {  	v1 =	vld [tilespmem:s23+$0xFFFFFFF0];
	v7 =	vbroadcast v5, $0x0  }
0x296: {  	v10 =	vld [tilespmem:s23+$0x10];
	v8 =	vbroadcast v5, $0x1  }
0x297: {  	v9 =	vld [tilespmem:s23+$0x0];
	v11 =	vbroadcast v5, $0x2;
	v2 =	vmul.f32 v7, v2  }
0x298: {  	v60 =	vld [tilespmem:s23+$0x20];
	[tilespmem:s23+$0x40] =	vst v5;
	v59 =	vbroadcast v5, $0x3;
	v3 =	vmul.f32 v8, v3  }
0x299: {  	v6 =	vld [tilespmem:s23+$0x30];
	v61 =	vbroadcast v5, $0x5;
	v4 =	vmul.f32 v11, v4;
	[tilespmem:s23+$0xFFFFFFC0] =	vst v2  }
0x29a: {  	v1 =	vmul.f32 v1, v59;
	v2 =	vbroadcast v5, $0x4;
	[tilespmem:s23+$0xFFFFFFD0] =	vst v3  }
0x29b: {  	v63 =	vmul.f32 v10, v61;
	v3 =	vbroadcast v5, $0x6;
	[tilespmem:s23+$0xFFFFFFE0] =	vst v4  }
0x29c: {  	v62 =	vbroadcast v5, $0x7;
	[tilespmem:s23+$0xFFFFFFF0] =	vst v1;
	v2 =	vmul.f32 v9, v2  }
0x29d: {  	[tilespmem:s23+$0x10] =	vst v63;
	v1 =	vmul.f32 v60, v3  }
0x29e: {  	[tilespmem:s23+$0x0] =	vst v2;
	v2 =	vmul.f32 v6, v62  }
0x29f: {  	[tilespmem:s24+$0x20] =	vst v1  }
0x2a0: {  	s7 =	simm.s32 $0x230;
	[tilespmem:s24+$0x30] =	vst v2  }
0x2a1: {  	[spmem:s2] =	stream.indirect.scatter.add.f32 [tilespmem:s16], [sflag:$0x8], $0x90, s7, s29, $0xb8;
	[tilespmem:$0x1F6A0] =	vst v63  }
0x2a2: {  	_ =	swait.ge [sflag:s31], $0x3F00  }
0x2a3: {  	[sflag:s31] =	ssyncset.done $0x0  }
0x2a4: {  	[sflag:s31] =	ssyncadd.s32 $0xFFFFC100  }
0x2a5: {  	_ =	swait.ge [sflag:s0], $0x700  }
0x2a6: {  	[sflag:s0] =	ssyncset.done $0x0  }
0x2a7: {  	[sflag:s0] =	ssyncadd.s32 $0xFFFFF900  }
0x2a8: {  	_ =	swait.ge [sflag:s8], $0x3F00  }
0x2a9: {  	[sflag:s8] =	ssyncset.done $0x0  }
0x2aa: {  	s23 =	simm.s32 $0x3F0;
	[sflag:s8] =	ssyncadd.s32 $0xFFFFC100  }
0x2ab: {  	[tilespmem:s16], [sflag:$0x4] =	stream.indirect.gather [hbm4b:s5+s29], $0x90, s23, s29, $0xb8;
	[tilespmem:$0x1F6A0] =	vst v63  }
0x2ac: {  	s24 =	simm.s32 $0x460;
	s23 =	simm.s32 $0xAC0  }
0x2ad: {  	[tilespmem:s18], [sflag:$0x6] =	stream.indirect.gather [hbm4b:s1+s29], $0x10, s24, s29, $0xb8;
	[tilespmem:$0x1F6A0] =	vst v63  }
0x2ae: {  	s9 =	simm.s32 $0x0;
	s7 =	simm.s32 $0x40;
	s24 =	simm.s32 $0xAC0;
	v1 =	vld [tilespmem:s23+$0x40]  }
.LBB2_25:
0x2af: {  	p0 =	sne.s32 s7, $0x1BC0;
	v2 =	vld [tilespmem:s9+$0x8880];
	_ =	sdelay $0x4  }
0x2b0: {  	v1 =	vadd.f32 v2, v1;
	_ =	sdelay $0x1  }
0x2b1: {  	v2 =	vmul.f32 $2.000000030e-01, v1;
	_ =	sdelay $0x1  }
0x2b2: {  	v1 =	vmax.f32 v1, v2  }
0x2b3: {  	v1 =	vmul.f32 $1.442695020e+00, v1;
	_ =	sdelay $0x1  }
0x2b4: {  	(erf) = vpow2.f32 v1;
	_ =	sdelay $0x4  }
0x2b5: {  	v1 =	vld [tilespmem:s23+$0xFFFFFFF0]  }
0x2b6: {  	v2 =	vld [tilespmem:s23+$0xFFFFFFD0]  }
0x2b7: {  	v3 =	vld [tilespmem:s23+$0xFFFFFFC0]  }
0x2b8: {  	v4 =	vld [tilespmem:s23+$0xFFFFFFE0]  }
0x2b9: {  	v5 =	vld [tilespmem:s23+$0x30];
	v6 =	vpop (erf)  }
0x2ba: {  	[tilespmem:s23+$0x40] =	vst v6;
	v7 =	vbroadcast v6, $0x0;
	v8 =	vbroadcast v6, $0x1;
	v9 =	vld [tilespmem:s23+$0x10]  }
0x2bb: {  	v10 =	vbroadcast v6, $0x2;
	v11 =	vbroadcast v6, $0x3;
	v12 =	vld [tilespmem:s23+$0x0]  }
0x2bc: {  	v3 =	vmul.f32 v7, v3;
	v2 =	vmul.f32 v8, v2;
	v7 =	vld [tilespmem:s23+$0x20]  }
0x2bd: {  	v1 =	vmul.f32 v1, v11;
	v4 =	vmul.f32 v10, v4  }
0x2be: {  	v8 =	vbroadcast v6, $0x5;
	[tilespmem:s23+$0xFFFFFFC0] =	vst v3;
	v3 =	vbroadcast v6, $0x4  }
0x2bf: {  	[tilespmem:s23+$0xFFFFFFD0] =	vst v2;
	v2 =	vbroadcast v6, $0x6;
	v6 =	vbroadcast v6, $0x7  }
0x2c0: {  	[tilespmem:s23+$0xFFFFFFE0] =	vst v4;
	v3 =	vmul.f32 v12, v3;
	v4 =	vmul.f32 v9, v8  }
.Ltmp11:
0x2c1: {  	[tilespmem:s23+$0xFFFFFFF0] =	vst v1;
	v1 =	vmul.f32 v7, v2;
	v2 =	vmul.f32 v5, v6;
	(pc) =	sbr.rel @p0 .LBB2_25-.Ltmp11, $4  }
0x2c2: {  	[tilespmem:s23+$0x0] =	vst v3  }
0x2c3: {  	[tilespmem:s23+$0x10] =	vst v4  }
0x2c4: {  	s23 =	sadd.s32 $0x90, s23;
	[tilespmem:s24+$0x20] =	vst v1  }
0x2c5: {  	s9 =	sshra.s32 s7, $0x2;
	s7 =	sadd.s32 $0x40, s7;
	v1 =	vld [tilespmem:s23+$0x40];
	[tilespmem:s24+$0x30] =	vst v2;
	s24 =	smov.u32 s23  }
0x2c6: {  	v2 =	vld [tilespmem:s9+$0x8880];
	_ =	sdelay $0x4  }
0x2c7: {  	v1 =	vadd.f32 v2, v1;
	_ =	sdelay $0x1  }
0x2c8: {  	v2 =	vmul.f32 $2.000000030e-01, v1;
	_ =	sdelay $0x1  }
0x2c9: {  	v1 =	vmax.f32 v1, v2  }
0x2ca: {  	v1 =	vmul.f32 $1.442695020e+00, v1;
	_ =	sdelay $0x1  }
0x2cb: {  	(erf) = vpow2.f32 v1;
	_ =	sdelay $0x6  }
0x2cc: {  	v2 =	vld [tilespmem:s23+$0xFFFFFFC0]  }
0x2cd: {  	v3 =	vld [tilespmem:s23+$0xFFFFFFD0]  }
0x2ce: {  	v4 =	vld [tilespmem:s23+$0xFFFFFFE0];
	v5 =	vpop (erf)  }
0x2cf: {  	v1 =	vld [tilespmem:s23+$0xFFFFFFF0];
	v7 =	vbroadcast v5, $0x0  }
0x2d0: {  	v10 =	vld [tilespmem:s23+$0x10];
	v8 =	vbroadcast v5, $0x1  }
0x2d1: {  	v9 =	vld [tilespmem:s23+$0x0];
	v11 =	vbroadcast v5, $0x2;
	v2 =	vmul.f32 v7, v2  }
0x2d2: {  	v60 =	vld [tilespmem:s23+$0x20];
	[tilespmem:s23+$0x40] =	vst v5;
	v59 =	vbroadcast v5, $0x3;
	v3 =	vmul.f32 v8, v3  }
0x2d3: {  	v6 =	vld [tilespmem:s23+$0x30];
	v61 =	vbroadcast v5, $0x5;
	v4 =	vmul.f32 v11, v4;
	[tilespmem:s23+$0xFFFFFFC0] =	vst v2  }
0x2d4: {  	v1 =	vmul.f32 v1, v59;
	v2 =	vbroadcast v5, $0x4;
	[tilespmem:s23+$0xFFFFFFD0] =	vst v3  }
0x2d5: {  	v63 =	vmul.f32 v10, v61;
	v3 =	vbroadcast v5, $0x6;
	[tilespmem:s23+$0xFFFFFFE0] =	vst v4  }
0x2d6: {  	v62 =	vbroadcast v5, $0x7;
	[tilespmem:s23+$0xFFFFFFF0] =	vst v1;
	v2 =	vmul.f32 v9, v2  }
0x2d7: {  	[tilespmem:s23+$0x10] =	vst v63;
	v1 =	vmul.f32 v60, v3  }
0x2d8: {  	[tilespmem:s23+$0x0] =	vst v2;
	v2 =	vmul.f32 v6, v62  }
0x2d9: {  	[tilespmem:s24+$0x20] =	vst v1  }
0x2da: {  	s7 =	simm.s32 $0x380;
	[tilespmem:s24+$0x30] =	vst v2  }
0x2db: {  	[spmem:s2] =	stream.indirect.scatter.add.f32 [tilespmem:s25], [sflag:$0x7], $0x90, s7, s29, $0xb8;
	[tilespmem:$0x1F6A0] =	vst v63  }
0x2dc: {  	_ =	swait.ge [sflag:s20], $0x3F00  }
0x2dd: {  	[sflag:s20] =	ssyncset.done $0x0  }
0x2de: {  	[sflag:s20] =	ssyncadd.s32 $0xFFFFC100  }
0x2df: {  	_ =	swait.ge [sflag:s21], $0x700  }
0x2e0: {  	[sflag:s21] =	ssyncset.done $0x0  }
0x2e1: {  	[sflag:s21] =	ssyncadd.s32 $0xFFFFF900  }
0x2e2: {  	_ =	swait.ge [sflag:s22], $0x3F00  }
0x2e3: {  	[sflag:s22] =	ssyncset.done $0x0  }
0x2e4: {  	[sflag:s22] =	ssyncadd.s32 $0xFFFFC100  }
0x2e5: {  	_ =	swait.ge [sflag:s12], $0x540  }
0x2e6: {  	[sflag:s12] =	ssyncset.done $0x0  }
0x2e7: {  	[sflag:s12] =	ssyncadd.s32 $0xFFFFFAC0  }
0x2e8: {  	[tilespmem:s25], [sflag:$0x3] =	stream.indirect.gather [hbm4b:s5+s29], $0x90, s4, s29, $0xb8;
	[tilespmem:$0x1F6A0] =	vst v63  }
0x2e9: {  	s23 =	simm.s32 $0x49C0;
	s24 =	simm.s32 $0x5B0  }
0x2ea: {  	[tilespmem:s30], [sflag:$0x5] =	stream.indirect.gather [hbm4b:s1+s29], $0x10, s24, s29, $0xb8;
	[tilespmem:$0x1F6A0] =	vst v63  }
0x2eb: {  	s9 =	simm.s32 $0x0;
	s7 =	simm.s32 $0x40;
	s24 =	simm.s32 $0x49C0;
	v1 =	vld [tilespmem:s23+$0x40]  }
.LBB2_27:
0x2ec: {  	p0 =	sne.s32 s7, $0x1BC0;
	v2 =	vld [tilespmem:s9+$0x8F80];
	_ =	sdelay $0x4  }
0x2ed: {  	v1 =	vadd.f32 v2, v1;
	_ =	sdelay $0x1  }
0x2ee: {  	v2 =	vmul.f32 $2.000000030e-01, v1;
	_ =	sdelay $0x1  }
0x2ef: {  	v1 =	vmax.f32 v1, v2  }
0x2f0: {  	v1 =	vmul.f32 $1.442695020e+00, v1;
	_ =	sdelay $0x1  }
0x2f1: {  	(erf) = vpow2.f32 v1;
	_ =	sdelay $0x4  }
0x2f2: {  	v1 =	vld [tilespmem:s23+$0xFFFFFFF0]  }
0x2f3: {  	v2 =	vld [tilespmem:s23+$0xFFFFFFD0]  }
0x2f4: {  	v3 =	vld [tilespmem:s23+$0xFFFFFFC0]  }
0x2f5: {  	v4 =	vld [tilespmem:s23+$0xFFFFFFE0]  }
0x2f6: {  	v5 =	vld [tilespmem:s23+$0x30];
	v6 =	vpop (erf)  }
0x2f7: {  	[tilespmem:s23+$0x40] =	vst v6;
	v7 =	vbroadcast v6, $0x0;
	v8 =	vbroadcast v6, $0x1;
	v9 =	vld [tilespmem:s23+$0x10]  }
0x2f8: {  	v10 =	vbroadcast v6, $0x2;
	v11 =	vbroadcast v6, $0x3;
	v12 =	vld [tilespmem:s23+$0x0]  }
0x2f9: {  	v3 =	vmul.f32 v7, v3;
	v2 =	vmul.f32 v8, v2;
	v7 =	vld [tilespmem:s23+$0x20]  }
0x2fa: {  	v1 =	vmul.f32 v1, v11;
	v4 =	vmul.f32 v10, v4  }
0x2fb: {  	v8 =	vbroadcast v6, $0x5;
	[tilespmem:s23+$0xFFFFFFC0] =	vst v3;
	v3 =	vbroadcast v6, $0x4  }
0x2fc: {  	[tilespmem:s23+$0xFFFFFFD0] =	vst v2;
	v2 =	vbroadcast v6, $0x6;
	v6 =	vbroadcast v6, $0x7  }
0x2fd: {  	[tilespmem:s23+$0xFFFFFFE0] =	vst v4;
	v3 =	vmul.f32 v12, v3;
	v4 =	vmul.f32 v9, v8  }
.Ltmp12:
0x2fe: {  	[tilespmem:s23+$0xFFFFFFF0] =	vst v1;
	v1 =	vmul.f32 v7, v2;
	v2 =	vmul.f32 v5, v6;
	(pc) =	sbr.rel @p0 .LBB2_27-.Ltmp12, $4  }
0x2ff: {  	[tilespmem:s23+$0x0] =	vst v3  }
0x300: {  	[tilespmem:s23+$0x10] =	vst v4  }
0x301: {  	s23 =	sadd.s32 $0x90, s23;
	[tilespmem:s24+$0x20] =	vst v1  }
0x302: {  	s9 =	sshra.s32 s7, $0x2;
	s7 =	sadd.s32 $0x40, s7;
	v1 =	vld [tilespmem:s23+$0x40];
	[tilespmem:s24+$0x30] =	vst v2;
	s24 =	smov.u32 s23  }
0x303: {  	v2 =	vld [tilespmem:s9+$0x8F80];
	_ =	sdelay $0x4  }
0x304: {  	v1 =	vadd.f32 v2, v1;
	_ =	sdelay $0x1  }
0x305: {  	v2 =	vmul.f32 $2.000000030e-01, v1;
	_ =	sdelay $0x1  }
0x306: {  	v1 =	vmax.f32 v1, v2  }
0x307: {  	v1 =	vmul.f32 $1.442695020e+00, v1;
	_ =	sdelay $0x1  }
0x308: {  	(erf) = vpow2.f32 v1;
	_ =	sdelay $0x6  }
0x309: {  	v2 =	vld [tilespmem:s23+$0xFFFFFFC0]  }
0x30a: {  	v3 =	vld [tilespmem:s23+$0xFFFFFFD0]  }
0x30b: {  	v4 =	vld [tilespmem:s23+$0xFFFFFFE0];
	v5 =	vpop (erf)  }
0x30c: {  	v1 =	vld [tilespmem:s23+$0xFFFFFFF0];
	v7 =	vbroadcast v5, $0x0  }
0x30d: {  	v10 =	vld [tilespmem:s23+$0x10];
	v8 =	vbroadcast v5, $0x1  }
0x30e: {  	v9 =	vld [tilespmem:s23+$0x0];
	v11 =	vbroadcast v5, $0x2;
	v2 =	vmul.f32 v7, v2  }
0x30f: {  	v60 =	vld [tilespmem:s23+$0x20];
	[tilespmem:s23+$0x40] =	vst v5;
	v59 =	vbroadcast v5, $0x3;
	v3 =	vmul.f32 v8, v3  }
0x310: {  	v6 =	vld [tilespmem:s23+$0x30];
	v61 =	vbroadcast v5, $0x5;
	v4 =	vmul.f32 v11, v4;
	[tilespmem:s23+$0xFFFFFFC0] =	vst v2  }
0x311: {  	v1 =	vmul.f32 v1, v59;
	v2 =	vbroadcast v5, $0x4;
	[tilespmem:s23+$0xFFFFFFD0] =	vst v3  }
0x312: {  	v63 =	vmul.f32 v10, v61;
	v3 =	vbroadcast v5, $0x6;
	[tilespmem:s23+$0xFFFFFFE0] =	vst v4  }
0x313: {  	v62 =	vbroadcast v5, $0x7;
	[tilespmem:s23+$0xFFFFFFF0] =	vst v1;
	v2 =	vmul.f32 v9, v2  }
0x314: {  	[tilespmem:s23+$0x10] =	vst v63;
	v1 =	vmul.f32 v60, v3  }
0x315: {  	[tilespmem:s23+$0x0] =	vst v2;
	v2 =	vmul.f32 v6, v62  }
0x316: {  	[tilespmem:s24+$0x20] =	vst v1  }
0x317: {  	s7 =	simm.s32 $0x4D0;
	[tilespmem:s24+$0x30] =	vst v2  }
0x318: {  	[spmem:s2] =	stream.indirect.scatter.add.f32 [tilespmem:s16], [sflag:$0x8], $0x90, s7, s29, $0xb8;
	[tilespmem:$0x1F6A0] =	vst v63  }
0x319: {  	_ =	swait.ge [sflag:s31], $0x3F00  }
0x31a: {  	[sflag:s31] =	ssyncset.done $0x0  }
0x31b: {  	[sflag:s31] =	ssyncadd.s32 $0xFFFFC100  }
0x31c: {  	_ =	swait.ge [sflag:s0], $0x700  }
0x31d: {  	[sflag:s0] =	ssyncset.done $0x0  }
0x31e: {  	[sflag:s0] =	ssyncadd.s32 $0xFFFFF900  }
0x31f: {  	s9 =	sadd.s32 s19, s15;
	_ =	swait.ge [sflag:s8], $0x3F00  }
0x320: {  	s7 =	sshrl.u32 s9, $0x3;
	[sflag:s8] =	ssyncset.done $0x0  }
0x321: {  	s19 =	simm.s32 $0x0;
	s7 =	sadd.s32 s6, s7;
	[sflag:s8] =	ssyncadd.s32 $0xFFFFC100  }
0x322: {  	[tilespmem:s19], [sflag:$0x1] =	stream.linear.gather [hbm4b:s7+s19], $0x540, $0x38;
	[tilespmem:$0x1F6A0] =	vst v63  }
0x323: {  	s23 =	simm.s32 $0x690  }
0x324: {  	[tilespmem:s16], [sflag:$0x4] =	stream.indirect.gather [hbm4b:s5+s29], $0x90, s23, s29, $0xb8;
	[tilespmem:$0x1F6A0] =	vst v63  }
0x325: {  	s24 =	simm.s32 $0x700;
	s19 =	simm.s32 $0xAC0  }
0x326: {  	[tilespmem:s18], [sflag:$0x6] =	stream.indirect.gather [hbm4b:s1+s29], $0x10, s24, s29, $0xb8;
	[tilespmem:$0x1F6A0] =	vst v63  }
0x327: {  	s9 =	simm.s32 $0x0;
	s7 =	simm.s32 $0x40;
	s23 =	simm.s32 $0xAC0;
	v1 =	vld [tilespmem:s19+$0x40]  }
.LBB2_29:
0x328: {  	p0 =	sne.s32 s7, $0x1BC0;
	v2 =	vld [tilespmem:s9+$0x8880];
	_ =	sdelay $0x4  }
0x329: {  	v1 =	vadd.f32 v2, v1;
	_ =	sdelay $0x1  }
0x32a: {  	v2 =	vmul.f32 $2.000000030e-01, v1;
	_ =	sdelay $0x1  }
0x32b: {  	v1 =	vmax.f32 v1, v2  }
0x32c: {  	v1 =	vmul.f32 $1.442695020e+00, v1;
	_ =	sdelay $0x1  }
0x32d: {  	(erf) = vpow2.f32 v1;
	_ =	sdelay $0x4  }
0x32e: {  	v1 =	vld [tilespmem:s19+$0xFFFFFFF0]  }
0x32f: {  	v2 =	vld [tilespmem:s19+$0xFFFFFFD0]  }
0x330: {  	v3 =	vld [tilespmem:s19+$0xFFFFFFC0]  }
0x331: {  	v4 =	vld [tilespmem:s19+$0xFFFFFFE0]  }
0x332: {  	v5 =	vld [tilespmem:s19+$0x30];
	v6 =	vpop (erf)  }
0x333: {  	[tilespmem:s19+$0x40] =	vst v6;
	v7 =	vbroadcast v6, $0x0;
	v8 =	vbroadcast v6, $0x1;
	v9 =	vld [tilespmem:s19+$0x10]  }
0x334: {  	v10 =	vbroadcast v6, $0x2;
	v11 =	vbroadcast v6, $0x3;
	v12 =	vld [tilespmem:s19+$0x0]  }
0x335: {  	v3 =	vmul.f32 v7, v3;
	v2 =	vmul.f32 v8, v2;
	v7 =	vld [tilespmem:s19+$0x20]  }
0x336: {  	v1 =	vmul.f32 v1, v11;
	v4 =	vmul.f32 v10, v4  }
0x337: {  	v8 =	vbroadcast v6, $0x5;
	[tilespmem:s19+$0xFFFFFFC0] =	vst v3;
	v3 =	vbroadcast v6, $0x4  }
0x338: {  	[tilespmem:s19+$0xFFFFFFD0] =	vst v2;
	v2 =	vbroadcast v6, $0x6;
	v6 =	vbroadcast v6, $0x7  }
0x339: {  	[tilespmem:s19+$0xFFFFFFE0] =	vst v4;
	v3 =	vmul.f32 v12, v3;
	v4 =	vmul.f32 v9, v8  }
.Ltmp13:
0x33a: {  	[tilespmem:s19+$0xFFFFFFF0] =	vst v1;
	v1 =	vmul.f32 v7, v2;
	v2 =	vmul.f32 v5, v6;
	(pc) =	sbr.rel @p0 .LBB2_29-.Ltmp13, $4  }
0x33b: {  	[tilespmem:s19+$0x0] =	vst v3  }
0x33c: {  	[tilespmem:s19+$0x10] =	vst v4  }
0x33d: {  	s19 =	sadd.s32 $0x90, s19;
	[tilespmem:s23+$0x20] =	vst v1  }
0x33e: {  	s9 =	sshra.s32 s7, $0x2;
	s7 =	sadd.s32 $0x40, s7;
	v1 =	vld [tilespmem:s19+$0x40];
	[tilespmem:s23+$0x30] =	vst v2;
	s23 =	smov.u32 s19  }
0x33f: {  	v2 =	vld [tilespmem:s9+$0x8880];
	_ =	sdelay $0x4  }
0x340: {  	v1 =	vadd.f32 v2, v1;
	_ =	sdelay $0x1  }
0x341: {  	v2 =	vmul.f32 $2.000000030e-01, v1;
	_ =	sdelay $0x1  }
0x342: {  	v1 =	vmax.f32 v1, v2  }
0x343: {  	v1 =	vmul.f32 $1.442695020e+00, v1;
	_ =	sdelay $0x1  }
0x344: {  	(erf) = vpow2.f32 v1;
	_ =	sdelay $0x6  }
0x345: {  	v2 =	vld [tilespmem:s19+$0xFFFFFFC0]  }
0x346: {  	v3 =	vld [tilespmem:s19+$0xFFFFFFD0]  }
0x347: {  	v4 =	vld [tilespmem:s19+$0xFFFFFFE0];
	v5 =	vpop (erf)  }
0x348: {  	v1 =	vld [tilespmem:s19+$0xFFFFFFF0];
	v7 =	vbroadcast v5, $0x0  }
0x349: {  	v10 =	vld [tilespmem:s19+$0x10];
	v8 =	vbroadcast v5, $0x1  }
0x34a: {  	v9 =	vld [tilespmem:s19+$0x0];
	v11 =	vbroadcast v5, $0x2;
	v2 =	vmul.f32 v7, v2  }
0x34b: {  	v60 =	vld [tilespmem:s19+$0x20];
	[tilespmem:s19+$0x40] =	vst v5;
	v59 =	vbroadcast v5, $0x3;
	v3 =	vmul.f32 v8, v3  }
0x34c: {  	v6 =	vld [tilespmem:s19+$0x30];
	v61 =	vbroadcast v5, $0x5;
	v4 =	vmul.f32 v11, v4;
	[tilespmem:s19+$0xFFFFFFC0] =	vst v2  }
0x34d: {  	v1 =	vmul.f32 v1, v59;
	v2 =	vbroadcast v5, $0x4;
	[tilespmem:s19+$0xFFFFFFD0] =	vst v3  }
0x34e: {  	v63 =	vmul.f32 v10, v61;
	v3 =	vbroadcast v5, $0x6;
	[tilespmem:s19+$0xFFFFFFE0] =	vst v4  }
0x34f: {  	v62 =	vbroadcast v5, $0x7;
	[tilespmem:s19+$0xFFFFFFF0] =	vst v1;
	v2 =	vmul.f32 v9, v2  }
0x350: {  	[tilespmem:s19+$0x10] =	vst v63;
	v1 =	vmul.f32 v60, v3  }
0x351: {  	[tilespmem:s19+$0x0] =	vst v2;
	v2 =	vmul.f32 v6, v62  }
0x352: {  	[tilespmem:s23+$0x20] =	vst v1  }
0x353: {  	s7 =	simm.s32 $0x620;
	[tilespmem:s23+$0x30] =	vst v2  }
0x354: {  	[spmem:s2] =	stream.indirect.scatter.add.f32 [tilespmem:s25], [sflag:$0x7], $0x90, s7, s29, $0xb8;
	[tilespmem:$0x1F6A0] =	vst v63  }
0x355: {  	_ =	swait.ge [sflag:s20], $0x3F00  }
0x356: {  	[sflag:s20] =	ssyncset.done $0x0  }
0x357: {  	[sflag:s20] =	ssyncadd.s32 $0xFFFFC100  }
0x358: {  	_ =	swait.ge [sflag:s21], $0x700  }
0x359: {  	[sflag:s21] =	ssyncset.done $0x0  }
0x35a: {  	[sflag:s21] =	ssyncadd.s32 $0xFFFFF900  }
0x35b: {  	_ =	swait.ge [sflag:s22], $0x3F00  }
0x35c: {  	[sflag:s22] =	ssyncset.done $0x0  }
0x35d: {  	s23 =	simm.s32 $0x7E0;
	[sflag:s22] =	ssyncadd.s32 $0xFFFFC100  }
0x35e: {  	[tilespmem:s25], [sflag:$0x3] =	stream.indirect.gather [hbm4b:s5+s29], $0x90, s23, s29, $0xb8;
	[tilespmem:$0x1F6A0] =	vst v63  }
0x35f: {  	s24 =	simm.s32 $0x850;
	s19 =	simm.s32 $0x49C0  }
0x360: {  	[tilespmem:s30], [sflag:$0x5] =	stream.indirect.gather [hbm4b:s1+s29], $0x10, s24, s29, $0xb8;
	[tilespmem:$0x1F6A0] =	vst v63  }
0x361: {  	s9 =	simm.s32 $0x0;
	s7 =	simm.s32 $0x40;
	s23 =	simm.s32 $0x49C0;
	v1 =	vld [tilespmem:s19+$0x40]  }
.LBB2_31:
0x362: {  	p0 =	sne.s32 s7, $0x1BC0;
	v2 =	vld [tilespmem:s9+$0x8F80];
	_ =	sdelay $0x4  }
0x363: {  	v1 =	vadd.f32 v2, v1;
	_ =	sdelay $0x1  }
0x364: {  	v2 =	vmul.f32 $2.000000030e-01, v1;
	_ =	sdelay $0x1  }
0x365: {  	v1 =	vmax.f32 v1, v2  }
0x366: {  	v1 =	vmul.f32 $1.442695020e+00, v1;
	_ =	sdelay $0x1  }
0x367: {  	(erf) = vpow2.f32 v1;
	_ =	sdelay $0x4  }
0x368: {  	v1 =	vld [tilespmem:s19+$0xFFFFFFF0]  }
0x369: {  	v2 =	vld [tilespmem:s19+$0xFFFFFFD0]  }
0x36a: {  	v3 =	vld [tilespmem:s19+$0xFFFFFFC0]  }
0x36b: {  	v4 =	vld [tilespmem:s19+$0xFFFFFFE0]  }
0x36c: {  	v5 =	vld [tilespmem:s19+$0x30];
	v6 =	vpop (erf)  }
0x36d: {  	[tilespmem:s19+$0x40] =	vst v6;
	v7 =	vbroadcast v6, $0x0;
	v8 =	vbroadcast v6, $0x1;
	v9 =	vld [tilespmem:s19+$0x10]  }
0x36e: {  	v10 =	vbroadcast v6, $0x2;
	v11 =	vbroadcast v6, $0x3;
	v12 =	vld [tilespmem:s19+$0x0]  }
0x36f: {  	v3 =	vmul.f32 v7, v3;
	v2 =	vmul.f32 v8, v2;
	v7 =	vld [tilespmem:s19+$0x20]  }
0x370: {  	v1 =	vmul.f32 v1, v11;
	v4 =	vmul.f32 v10, v4  }
0x371: {  	v8 =	vbroadcast v6, $0x5;
	[tilespmem:s19+$0xFFFFFFC0] =	vst v3;
	v3 =	vbroadcast v6, $0x4  }
0x372: {  	[tilespmem:s19+$0xFFFFFFD0] =	vst v2;
	v2 =	vbroadcast v6, $0x6;
	v6 =	vbroadcast v6, $0x7  }
0x373: {  	[tilespmem:s19+$0xFFFFFFE0] =	vst v4;
	v3 =	vmul.f32 v12, v3;
	v4 =	vmul.f32 v9, v8  }
.Ltmp14:
0x374: {  	[tilespmem:s19+$0xFFFFFFF0] =	vst v1;
	v1 =	vmul.f32 v7, v2;
	v2 =	vmul.f32 v5, v6;
	(pc) =	sbr.rel @p0 .LBB2_31-.Ltmp14, $4  }
0x375: {  	[tilespmem:s19+$0x0] =	vst v3  }
0x376: {  	[tilespmem:s19+$0x10] =	vst v4  }
0x377: {  	s19 =	sadd.s32 $0x90, s19;
	[tilespmem:s23+$0x20] =	vst v1  }
0x378: {  	s9 =	sshra.s32 s7, $0x2;
	s7 =	sadd.s32 $0x40, s7;
	v1 =	vld [tilespmem:s19+$0x40];
	[tilespmem:s23+$0x30] =	vst v2;
	s23 =	smov.u32 s19  }
0x379: {  	v2 =	vld [tilespmem:s9+$0x8F80];
	_ =	sdelay $0x4  }
0x37a: {  	v1 =	vadd.f32 v2, v1;
	_ =	sdelay $0x1  }
0x37b: {  	v2 =	vmul.f32 $2.000000030e-01, v1;
	_ =	sdelay $0x1  }
0x37c: {  	v1 =	vmax.f32 v1, v2  }
0x37d: {  	v1 =	vmul.f32 $1.442695020e+00, v1;
	_ =	sdelay $0x1  }
0x37e: {  	(erf) = vpow2.f32 v1;
	_ =	sdelay $0x6  }
0x37f: {  	v2 =	vld [tilespmem:s19+$0xFFFFFFC0]  }
0x380: {  	v3 =	vld [tilespmem:s19+$0xFFFFFFD0]  }
0x381: {  	v4 =	vld [tilespmem:s19+$0xFFFFFFE0];
	v5 =	vpop (erf)  }
0x382: {  	v1 =	vld [tilespmem:s19+$0xFFFFFFF0];
	v7 =	vbroadcast v5, $0x0  }
0x383: {  	v10 =	vld [tilespmem:s19+$0x10];
	v8 =	vbroadcast v5, $0x1  }
0x384: {  	v9 =	vld [tilespmem:s19+$0x0];
	v11 =	vbroadcast v5, $0x2;
	v2 =	vmul.f32 v7, v2  }
0x385: {  	v60 =	vld [tilespmem:s19+$0x20];
	[tilespmem:s19+$0x40] =	vst v5;
	v59 =	vbroadcast v5, $0x3;
	v3 =	vmul.f32 v8, v3  }
0x386: {  	v6 =	vld [tilespmem:s19+$0x30];
	v61 =	vbroadcast v5, $0x5;
	v4 =	vmul.f32 v11, v4;
	[tilespmem:s19+$0xFFFFFFC0] =	vst v2  }
0x387: {  	v1 =	vmul.f32 v1, v59;
	v2 =	vbroadcast v5, $0x4;
	[tilespmem:s19+$0xFFFFFFD0] =	vst v3  }
0x388: {  	v63 =	vmul.f32 v10, v61;
	v3 =	vbroadcast v5, $0x6;
	[tilespmem:s19+$0xFFFFFFE0] =	vst v4  }
0x389: {  	v62 =	vbroadcast v5, $0x7;
	[tilespmem:s19+$0xFFFFFFF0] =	vst v1;
	v2 =	vmul.f32 v9, v2  }
0x38a: {  	[tilespmem:s19+$0x10] =	vst v63;
	v1 =	vmul.f32 v60, v3  }
0x38b: {  	[tilespmem:s19+$0x0] =	vst v2;
	v2 =	vmul.f32 v6, v62  }
0x38c: {  	[tilespmem:s23+$0x20] =	vst v1  }
0x38d: {  	s7 =	simm.s32 $0x770;
	[tilespmem:s23+$0x30] =	vst v2  }
0x38e: {  	[spmem:s2] =	stream.indirect.scatter.add.f32 [tilespmem:s16], [sflag:$0x8], $0x90, s7, s29, $0xb8;
	[tilespmem:$0x1F6A0] =	vst v63  }
0x38f: {  	_ =	swait.ge [sflag:s31], $0x3F00  }
0x390: {  	[sflag:s31] =	ssyncset.done $0x0  }
0x391: {  	[sflag:s31] =	ssyncadd.s32 $0xFFFFC100  }
0x392: {  	_ =	swait.ge [sflag:s0], $0x700  }
0x393: {  	[sflag:s0] =	ssyncset.done $0x0  }
0x394: {  	[sflag:s0] =	ssyncadd.s32 $0xFFFFF900  }
0x395: {  	_ =	swait.ge [sflag:s8], $0x3F00  }
0x396: {  	[sflag:s8] =	ssyncset.done $0x0  }
0x397: {  	[sflag:s8] =	ssyncadd.s32 $0xFFFFC100  }
0x398: {  	[tilespmem:s16], [sflag:$0x4] =	stream.indirect.gather [hbm4b:s5+s29], $0x90, s10, s29, $0xb8;
	[tilespmem:$0x1F6A0] =	vst v63  }
0x399: {  	s19 =	simm.s32 $0xAC0  }
0x39a: {  	[tilespmem:s18], [sflag:$0x6] =	stream.indirect.gather [hbm4b:s1+s29], $0x10, s11, s29, $0xb8;
	[tilespmem:$0x1F6A0] =	vst v63  }
0x39b: {  	s9 =	simm.s32 $0x0;
	s23 =	simm.s32 $0xAC0;
	s7 =	simm.s32 $0x40;
	v1 =	vld [tilespmem:s19+$0x40]  }
.LBB2_33:
0x39c: {  	p0 =	sne.s32 s7, $0x1BC0;
	v2 =	vld [tilespmem:s9+$0x8880];
	_ =	sdelay $0x4  }
0x39d: {  	v1 =	vadd.f32 v2, v1;
	_ =	sdelay $0x1  }
0x39e: {  	v2 =	vmul.f32 $2.000000030e-01, v1;
	_ =	sdelay $0x1  }
0x39f: {  	v1 =	vmax.f32 v1, v2  }
0x3a0: {  	v1 =	vmul.f32 $1.442695020e+00, v1;
	_ =	sdelay $0x1  }
0x3a1: {  	(erf) = vpow2.f32 v1;
	_ =	sdelay $0x4  }
0x3a2: {  	v1 =	vld [tilespmem:s19+$0xFFFFFFF0]  }
0x3a3: {  	v2 =	vld [tilespmem:s19+$0xFFFFFFD0]  }
0x3a4: {  	v3 =	vld [tilespmem:s19+$0xFFFFFFC0]  }
0x3a5: {  	v4 =	vld [tilespmem:s19+$0xFFFFFFE0]  }
0x3a6: {  	v5 =	vld [tilespmem:s19+$0x30];
	v6 =	vpop (erf)  }
0x3a7: {  	[tilespmem:s19+$0x40] =	vst v6;
	v7 =	vbroadcast v6, $0x0;
	v8 =	vbroadcast v6, $0x1;
	v9 =	vld [tilespmem:s19+$0x10]  }
0x3a8: {  	v10 =	vbroadcast v6, $0x2;
	v11 =	vbroadcast v6, $0x3;
	v12 =	vld [tilespmem:s19+$0x0]  }
0x3a9: {  	v3 =	vmul.f32 v7, v3;
	v2 =	vmul.f32 v8, v2;
	v7 =	vld [tilespmem:s19+$0x20]  }
0x3aa: {  	v1 =	vmul.f32 v1, v11;
	v4 =	vmul.f32 v10, v4  }
0x3ab: {  	v8 =	vbroadcast v6, $0x5;
	[tilespmem:s19+$0xFFFFFFC0] =	vst v3;
	v3 =	vbroadcast v6, $0x4  }
0x3ac: {  	[tilespmem:s19+$0xFFFFFFD0] =	vst v2;
	v2 =	vbroadcast v6, $0x6;
	v6 =	vbroadcast v6, $0x7  }
0x3ad: {  	[tilespmem:s19+$0xFFFFFFE0] =	vst v4;
	v3 =	vmul.f32 v12, v3;
	v4 =	vmul.f32 v9, v8  }
.Ltmp15:
0x3ae: {  	[tilespmem:s19+$0xFFFFFFF0] =	vst v1;
	v1 =	vmul.f32 v7, v2;
	v2 =	vmul.f32 v5, v6;
	(pc) =	sbr.rel @p0 .LBB2_33-.Ltmp15, $4  }
0x3af: {  	[tilespmem:s19+$0x0] =	vst v3  }
0x3b0: {  	[tilespmem:s19+$0x10] =	vst v4  }
0x3b1: {  	s19 =	sadd.s32 $0x90, s19;
	[tilespmem:s23+$0x20] =	vst v1  }
0x3b2: {  	s9 =	sshra.s32 s7, $0x2;
	s7 =	sadd.s32 $0x40, s7;
	v1 =	vld [tilespmem:s19+$0x40];
	[tilespmem:s23+$0x30] =	vst v2;
	s23 =	smov.u32 s19  }
0x3b3: {  	v2 =	vld [tilespmem:s9+$0x8880];
	_ =	sdelay $0x4  }
0x3b4: {  	v1 =	vadd.f32 v2, v1;
	_ =	sdelay $0x1  }
0x3b5: {  	v2 =	vmul.f32 $2.000000030e-01, v1;
	_ =	sdelay $0x1  }
0x3b6: {  	v1 =	vmax.f32 v1, v2  }
0x3b7: {  	v1 =	vmul.f32 $1.442695020e+00, v1;
	_ =	sdelay $0x1  }
0x3b8: {  	(erf) = vpow2.f32 v1;
	_ =	sdelay $0x6  }
0x3b9: {  	v2 =	vld [tilespmem:s19+$0xFFFFFFC0]  }
0x3ba: {  	v3 =	vld [tilespmem:s19+$0xFFFFFFD0]  }
0x3bb: {  	v4 =	vld [tilespmem:s19+$0xFFFFFFE0];
	v5 =	vpop (erf)  }
0x3bc: {  	v1 =	vld [tilespmem:s19+$0xFFFFFFF0];
	v7 =	vbroadcast v5, $0x0  }
0x3bd: {  	v10 =	vld [tilespmem:s19+$0x10];
	v8 =	vbroadcast v5, $0x1  }
0x3be: {  	v9 =	vld [tilespmem:s19+$0x0];
	v11 =	vbroadcast v5, $0x2;
	v2 =	vmul.f32 v7, v2  }
0x3bf: {  	v60 =	vld [tilespmem:s19+$0x20];
	[tilespmem:s19+$0x40] =	vst v5;
	v59 =	vbroadcast v5, $0x3;
	v3 =	vmul.f32 v8, v3  }
0x3c0: {  	v6 =	vld [tilespmem:s19+$0x30];
	v61 =	vbroadcast v5, $0x5;
	v4 =	vmul.f32 v11, v4;
	[tilespmem:s19+$0xFFFFFFC0] =	vst v2  }
0x3c1: {  	v1 =	vmul.f32 v1, v59;
	v2 =	vbroadcast v5, $0x4;
	[tilespmem:s19+$0xFFFFFFD0] =	vst v3  }
0x3c2: {  	v63 =	vmul.f32 v10, v61;
	v3 =	vbroadcast v5, $0x6;
	[tilespmem:s19+$0xFFFFFFE0] =	vst v4  }
0x3c3: {  	v62 =	vbroadcast v5, $0x7;
	[tilespmem:s19+$0xFFFFFFF0] =	vst v1;
	v2 =	vmul.f32 v9, v2  }
0x3c4: {  	[tilespmem:s19+$0x10] =	vst v63;
	v1 =	vmul.f32 v60, v3  }
0x3c5: {  	[tilespmem:s19+$0x0] =	vst v2;
	v2 =	vmul.f32 v6, v62  }
0x3c6: {  	[tilespmem:s23+$0x20] =	vst v1  }
0x3c7: {  	[tilespmem:s23+$0x30] =	vst v2  }
0x3c8: {  	[spmem:s2] =	stream.indirect.scatter.add.f32 [tilespmem:s25], [sflag:$0x7], $0x90, s3, s29, $0xb8;
	[tilespmem:$0x1F6A0] =	vst v63  }
0x3c9: {  	_ =	swait.ge [sflag:s20], $0x3F00  }
0x3ca: {  	[sflag:s20] =	ssyncset.done $0x0  }
0x3cb: {  	[sflag:s20] =	ssyncadd.s32 $0xFFFFC100  }
0x3cc: {  	_ =	swait.ge [sflag:s21], $0x700  }
0x3cd: {  	[sflag:s21] =	ssyncset.done $0x0  }
0x3ce: {  	[sflag:s21] =	ssyncadd.s32 $0xFFFFF900  }
0x3cf: {  	_ =	swait.ge [sflag:s22], $0x3F00  }
0x3d0: {  	[sflag:s22] =	ssyncset.done $0x0  }
0x3d1: {  	[sflag:s22] =	ssyncadd.s32 $0xFFFFC100  }
0x3d2: {  	_ =	swait.ge [sflag:s28], $0x540  }
0x3d3: {  	[sflag:s28] =	ssyncset.done $0x0  }
0x3d4: {  	s7 =	simm.s32 $0x0;
	[sflag:s28] =	ssyncadd.s32 $0xFFFFFAC0  }
0x3d5: {  	[tilespmem:s25], [sflag:$0x3] =	stream.indirect.gather [hbm4b:s5+s29], $0x90, s7, s29, $0xb8;
	[tilespmem:$0x1F6A0] =	vst v63  }
0x3d6: {  	s19 =	simm.s32 $0x49C0  }
0x3d7: {  	[tilespmem:s30], [sflag:$0x5] =	stream.indirect.gather [hbm4b:s1+s29], $0x10, s29, s29, $0xb8;
	[tilespmem:$0x1F6A0] =	vst v63  }
0x3d8: {  	s9 =	simm.s32 $0x0;
	s23 =	simm.s32 $0x49C0;
	s7 =	simm.s32 $0x40;
	v1 =	vld [tilespmem:s19+$0x40]  }
.LBB2_35:
0x3d9: {  	p0 =	sne.s32 s7, $0x1BC0;
	v2 =	vld [tilespmem:s9+$0x8F80];
	_ =	sdelay $0x4  }
0x3da: {  	v1 =	vadd.f32 v2, v1;
	_ =	sdelay $0x1  }
0x3db: {  	v2 =	vmul.f32 $2.000000030e-01, v1;
	_ =	sdelay $0x1  }
0x3dc: {  	v1 =	vmax.f32 v1, v2  }
0x3dd: {  	v1 =	vmul.f32 $1.442695020e+00, v1;
	_ =	sdelay $0x1  }
0x3de: {  	(erf) = vpow2.f32 v1;
	_ =	sdelay $0x4  }
0x3df: {  	v1 =	vld [tilespmem:s19+$0xFFFFFFF0]  }
0x3e0: {  	v2 =	vld [tilespmem:s19+$0xFFFFFFD0]  }
0x3e1: {  	v3 =	vld [tilespmem:s19+$0xFFFFFFC0]  }
0x3e2: {  	v4 =	vld [tilespmem:s19+$0xFFFFFFE0]  }
0x3e3: {  	v5 =	vld [tilespmem:s19+$0x30];
	v6 =	vpop (erf)  }
0x3e4: {  	[tilespmem:s19+$0x40] =	vst v6;
	v7 =	vbroadcast v6, $0x0;
	v8 =	vbroadcast v6, $0x1;
	v9 =	vld [tilespmem:s19+$0x10]  }
0x3e5: {  	v10 =	vbroadcast v6, $0x2;
	v11 =	vbroadcast v6, $0x3;
	v12 =	vld [tilespmem:s19+$0x0]  }
0x3e6: {  	v3 =	vmul.f32 v7, v3;
	v2 =	vmul.f32 v8, v2;
	v7 =	vld [tilespmem:s19+$0x20]  }
0x3e7: {  	v1 =	vmul.f32 v1, v11;
	v4 =	vmul.f32 v10, v4  }
0x3e8: {  	v8 =	vbroadcast v6, $0x5;
	[tilespmem:s19+$0xFFFFFFC0] =	vst v3;
	v3 =	vbroadcast v6, $0x4  }
0x3e9: {  	[tilespmem:s19+$0xFFFFFFD0] =	vst v2;
	v2 =	vbroadcast v6, $0x6;
	v6 =	vbroadcast v6, $0x7  }
0x3ea: {  	[tilespmem:s19+$0xFFFFFFE0] =	vst v4;
	v3 =	vmul.f32 v12, v3;
	v4 =	vmul.f32 v9, v8  }
.Ltmp16:
0x3eb: {  	[tilespmem:s19+$0xFFFFFFF0] =	vst v1;
	v1 =	vmul.f32 v7, v2;
	v2 =	vmul.f32 v5, v6;
	(pc) =	sbr.rel @p0 .LBB2_35-.Ltmp16, $4  }
0x3ec: {  	[tilespmem:s19+$0x0] =	vst v3  }
0x3ed: {  	[tilespmem:s19+$0x10] =	vst v4  }
0x3ee: {  	s19 =	sadd.s32 $0x90, s19;
	[tilespmem:s23+$0x20] =	vst v1  }
0x3ef: {  	s9 =	sshra.s32 s7, $0x2;
	s7 =	sadd.s32 $0x40, s7;
	v1 =	vld [tilespmem:s19+$0x40];
	[tilespmem:s23+$0x30] =	vst v2;
	s23 =	smov.u32 s19  }
0x3f0: {  	v2 =	vld [tilespmem:s9+$0x8F80];
	_ =	sdelay $0x4  }
0x3f1: {  	v1 =	vadd.f32 v2, v1;
	_ =	sdelay $0x1  }
0x3f2: {  	v2 =	vmul.f32 $2.000000030e-01, v1;
	_ =	sdelay $0x1  }
0x3f3: {  	v1 =	vmax.f32 v1, v2  }
0x3f4: {  	v1 =	vmul.f32 $1.442695020e+00, v1;
	_ =	sdelay $0x1  }
0x3f5: {  	(erf) = vpow2.f32 v1;
	_ =	sdelay $0x6  }
0x3f6: {  	v2 =	vld [tilespmem:s19+$0xFFFFFFC0]  }
0x3f7: {  	v3 =	vld [tilespmem:s19+$0xFFFFFFD0]  }
0x3f8: {  	v4 =	vld [tilespmem:s19+$0xFFFFFFE0];
	v5 =	vpop (erf)  }
0x3f9: {  	v1 =	vld [tilespmem:s19+$0xFFFFFFF0];
	v7 =	vbroadcast v5, $0x0  }
0x3fa: {  	v10 =	vld [tilespmem:s19+$0x10];
	v8 =	vbroadcast v5, $0x1  }
0x3fb: {  	v9 =	vld [tilespmem:s19+$0x0];
	v11 =	vbroadcast v5, $0x2;
	v2 =	vmul.f32 v7, v2  }
0x3fc: {  	v60 =	vld [tilespmem:s19+$0x20];
	[tilespmem:s19+$0x40] =	vst v5;
	v59 =	vbroadcast v5, $0x3;
	v3 =	vmul.f32 v8, v3  }
0x3fd: {  	v6 =	vld [tilespmem:s19+$0x30];
	v61 =	vbroadcast v5, $0x5;
	v4 =	vmul.f32 v11, v4;
	[tilespmem:s19+$0xFFFFFFC0] =	vst v2  }
0x3fe: {  	v1 =	vmul.f32 v1, v59;
	v2 =	vbroadcast v5, $0x4;
	[tilespmem:s19+$0xFFFFFFD0] =	vst v3  }
0x3ff: {  	s17 =	sadd.s32 $0x1, s17;
	v63 =	vmul.f32 v10, v61;
	v3 =	vbroadcast v5, $0x6;
	[tilespmem:s19+$0xFFFFFFE0] =	vst v4  }
0x400: {  	p0 =	sne.s32 s17, $0x17;
	v62 =	vbroadcast v5, $0x7;
	[tilespmem:s19+$0xFFFFFFF0] =	vst v1;
	v2 =	vmul.f32 v9, v2  }
.Ltmp17:
0x401: {  	[tilespmem:s19+$0x10] =	vst v63;
	v1 =	vmul.f32 v60, v3;
	(pc) =	sbr.rel @p0 .LBB2_20-.Ltmp17, $4  }
0x402: {  	[tilespmem:s19+$0x0] =	vst v2;
	v2 =	vmul.f32 v6, v62  }
0x403: {  	[tilespmem:s23+$0x20] =	vst v1  }
0x404: {  	[tilespmem:s23+$0x30] =	vst v2  }
0x405: {  	[spmem:s2] =	stream.indirect.scatter.add.f32 [tilespmem:s16], [sflag:$0x8], $0x90, s13, s29, $0xb8;
	[tilespmem:$0x1F6A0] =	vst v63  }
0x406: {  	_ =	swait.ge [sflag:s8], $0x3F00  }
0x407: {  	[sflag:s8] =	ssyncset.done $0x0  }
0x408: {  	[sflag:s8] =	ssyncadd.s32 $0xFFFFC100  }
0x409: {  	_ =	swait.ge [sflag:s31], $0x3F00  }
0x40a: {  	[sflag:s31] =	ssyncset.done $0x0  }
0x40b: {  	[sflag:s31] =	ssyncadd.s32 $0xFFFFC100  }
0x40c: {  	_ =	swait.ge [sflag:s0], $0x700  }
0x40d: {  	[sflag:s0] =	ssyncset.done $0x0  }
0x40e: {  	[sflag:s0] =	ssyncadd.s32 $0xFFFFF900  }
0x40f: {  	s7 =	stileid.u32;
	[bflag:$0x0] =	sbarrier.arrive $0xFFFF  }
0x410: {  	s7 =	sshll.u32 s7, $0x6;
	s19 =	rddreg [dreg:$0x5]  }
0x411: {  	s7 =	sor.u32 $0x1C09, s7;
	s17 =	rddreg [dreg:$0xe];
	s9 =	sshrl.u32 s19, $0x3  }
0x412: {  	[hbm:s17], [sflag:s7] =	dma.local [spmem:s9], $0x7E0  }
0x413: {  	_ =	swait.ge [sflag:s26], $0x7E0  }
0x414: {  	[sflag:s26] =	ssyncset.done $0x0;
	s23 =	rddreg [dreg:$0x6]  }
0x415: {  	s24 =	rddreg [dreg:$0xf];
	[sflag:s26] =	ssyncadd.s32 $0xFFFFF820;
	s17 =	sshrl.u32 s23, $0x3  }
0x416: {  	[hbm:s24], [sflag:s7] =	dma.local [spmem:s17], $0x7E0  }
0x417: {  	_ =	swait.ge [sflag:s26], $0x7E0  }
0x418: {  	[sflag:s26] =	ssyncset.done $0x0;
	s17 =	rddreg [dreg:$0x7]  }
0x419: {  	s24 =	rddreg [dreg:$0x10];
	[sflag:s26] =	ssyncadd.s32 $0xFFFFF820;
	s9 =	sshrl.u32 s17, $0x3  }
0x41a: {  	[hbm:s24], [sflag:s7] =	dma.local [spmem:s9], $0x7E0  }
0x41b: {  	_ =	swait.ge [sflag:s26], $0x7E0  }
0x41c: {  	[sflag:s26] =	ssyncset.done $0x0;
	s17 =	rddreg [dreg:$0x8]  }
0x41d: {  	s24 =	rddreg [dreg:$0x11];
	[sflag:s26] =	ssyncadd.s32 $0xFFFFF820;
	s9 =	sshrl.u32 s17, $0x3  }
0x41e: {  	[hbm:s24], [sflag:s7] =	dma.local [spmem:s9], $0x7E0  }
0x41f: {  	_ =	swait.ge [sflag:s26], $0x7E0  }
0x420: {  	[sflag:s26] =	ssyncset.done $0x0;
	s17 =	rddreg [dreg:$0x9]  }
0x421: {  	s24 =	rddreg [dreg:$0x12];
	[sflag:s26] =	ssyncadd.s32 $0xFFFFF820;
	s9 =	sshrl.u32 s17, $0x3  }
0x422: {  	[hbm:s24], [sflag:s7] =	dma.local [spmem:s9], $0x7E0  }
0x423: {  	_ =	swait.ge [sflag:s26], $0x7E0  }
0x424: {  	[sflag:s26] =	ssyncset.done $0x0;
	s17 =	rddreg [dreg:$0xa]  }
0x425: {  	s24 =	rddreg [dreg:$0x13];
	[sflag:s26] =	ssyncadd.s32 $0xFFFFF820;
	s9 =	sshrl.u32 s17, $0x3  }
0x426: {  	[hbm:s24], [sflag:s7] =	dma.local [spmem:s9], $0x4A4  }
0x427: {  	_ =	swait.ge [sflag:s26], $0x4A4  }
0x428: {  	s9 =	rddreg [dreg:$0x4]  }
0x429: {  	s24 =	rddreg [dreg:$0x14];
	s17 =	sadd.s32 $0x1, s9  }
0x42a: {  	p0 =	sne.s32 s17, s24  }
.Ltmp18:
0x42b: {  	_ = 	snop;
	(pc) =	sbr.rel @p0 .LBB2_1-.Ltmp18, $3  }
0x42c: {  	_ =	sdelay $0x1  }
0x42d: {  	[sflag:s26] =	ssyncset.done $0x0  }
0x42e: {  	[sflag:s26] =	ssyncadd.s32 $0xFFFFFB5C  }
0x42f: {  	_ =	sfence.sel $0x180000  }
0x430: {  	[bflag:$0x0] =	sbarrier.arrive $0xFFFF  }
0x431: {  	_ =	strace $0x90000047  }
0x432: {  	s0 =	stileid.u32;
	[bflag:$0x2] =	sbarrier.arrive $0xFFFF  }
0x433: {  	p0 =	sne.s32 s0, $0x0;
	s0 =	rddreg [dreg:$0x3]  }
0x434: {  	s0 =	sadd.s32 @!p0 $0x100000, s0  }
0x435: {  	[sflag:s0] =	ssyncadd.tile.s32 @!p0 $0x1;
	_ =	shalt  }
.Lfunc_end2:
_tile_overlayer_lowered:
.L_overlay_start_2:
0x436: {  	(tag) =	ssettag $0x2  }
0x437: {  	s0 =	rddreg [dreg:$0x0];
	s2 =	stileid.u32  }
0x438: {  	s1 =	rddreg [dreg:$0x1];
	p0 =	sne.s32 s2, $0x0  }
0x439: {  	s3 =	rddreg [dreg:$0x2];
	[bflag:$0x3] =	sbarrier.arrive $0xFFFF;
	s2 =	simm.s32 @!p0 $0x1C09  }
0x43a: {  	[timem:s3], [sflag:s2] =	dma.local @!p0 [hbm:s0], s1  }
0x43b: {  	s0 =	simm.s32 @!p0 $0x9  }
0x43c: {  	_ =	swait.ge @!p0 [sflag:s0], s1  }
0x43d: {  	s1 =	ssub.s32 @!p0 $0x0, s1;
	[sflag:s0] =	ssyncset.done @!p0 $0x0  }
0x43e: {  	[sflag:s0] =	ssyncadd.s32 @!p0 s1  }
0x43f: {  	[bflag:$0x3] =	sbarrier.arrive $0xFFFF  }
0x440: {  	_ =	shalt  }

</sc_bundles>
